<compile_context>
chip_gen: v7x
topology: tpu7x:2x2x1
jax: 0.10.2.dev20260603
libtpu: 0.0.44.dev20260713+nightly
codegen_flags: <defaults>
</compile_context>

<pallas_src>
import functools
import jax
import jax.numpy as jnp
from jax import lax
from jax.experimental import pallas as pl
from jax.experimental.pallas import tpu as pltpu
from jax.experimental.pallas import tpu_sc as plsc

N = 10000
E = 320000
D = 128
NC = 2
NS = 16
NW = NC * NS
EPW = E // NW
K = 50
NP_ = 2
CH = EPW // (K * NP_)
NPAD = 10240

_mesh = plsc.VectorSubcoreMesh(core_axis_name="c", subcore_axis_name="s")


@functools.partial(
    pl.kernel,
    out_type=jax.ShapeDtypeStruct((NC * NPAD,), jnp.float32),
    mesh=_mesh,
    scratch_types=[
        pltpu.VMEM((CH, K), jnp.int32),
        pltpu.VMEM((128,), jnp.float32),
        pltpu.VMEM((640,), jnp.float32),
        pltpu.VMEM_SHARED((NPAD,), jnp.float32),
        pltpu.SemaphoreType.DMA,
    ],
)
def _hist(dst3_hbm, out_hbm, dsts_v, ones_v, zer_v, hist_sh, sem):
    c = lax.axis_index("c")
    s = lax.axis_index("s")
    wid = s * NC + c
    for i in range(8):
        ones_v[pl.ds(i * 16, 16)] = jnp.ones((16,), jnp.float32)
    for i in range(640 // 16):
        zer_v[pl.ds(i * 16, 16)] = jnp.zeros((16,), jnp.float32)
    pltpu.sync_copy(zer_v, hist_sh.at[pl.ds(s * 640, 640)])
    plsc.subcore_barrier()
    ones_k = ones_v.at[pl.ds(0, K)]

    def grp(g, carry):
        for b in range(5):
            pltpu.async_copy(ones_k, hist_sh.at[dsts_v.at[5 * g + b]], sem, add=True)
        for b in range(5):
            pltpu.make_async_copy(ones_k, hist_sh.at[dsts_v.at[0]], sem).wait()
        return carry

    for p in range(NP_):
        pltpu.sync_copy(dst3_hbm.at[NP_ * wid + p], dsts_v)
        lax.fori_loop(0, CH // 5, grp, 0)
    plsc.subcore_barrier()
    pltpu.sync_copy(hist_sh.at[pl.ds(s * 640, 640)],
                    out_hbm.at[pl.ds(c * NPAD + s * 640, 640)])


@functools.partial(
    pl.kernel,
    out_type=jax.ShapeDtypeStruct((NC, NPAD, D), jnp.float32),
    mesh=_mesh,
    scratch_types=[
        pltpu.VMEM((CH, K), jnp.int32),
        pltpu.VMEM((CH, K), jnp.int32),
        pltpu.VMEM((K, D), jnp.float32),
        pltpu.VMEM((K, D), jnp.float32),
        pltpu.VMEM((K, D), jnp.float32),
        pltpu.VMEM_SHARED((NPAD, D), jnp.float32),
        pltpu.SemaphoreType.DMA,
        pltpu.SemaphoreType.DMA,
        pltpu.SemaphoreType.DMA,
        pltpu.SemaphoreType.DMA,
    ],
)
def _agg(y_hbm, src3_hbm, dst3_hbm, out_hbm, srcs_v, dsts_v, rows_a, rows_b,
         rows_c, acc_sh, sga, sgb, sgc, sout):
    c = lax.axis_index("c")
    s = lax.axis_index("s")
    wid = s * NC + c

    def zf(r, carry):
        for j in range(D // 16):
            rows_a[r, pl.ds(j * 16, 16)] = jnp.zeros((16,), jnp.float32)
        return carry

    lax.fori_loop(0, 80, zf, 0)
    zblk = rows_a.at[pl.ds(0, 80)]
    for k in range(8):
        pltpu.sync_copy(zblk, acc_sh.at[pl.ds(s * 640 + k * 80, 80)])
    plsc.subcore_barrier()

    def step(g, carry):
        i = 3 * g
        pltpu.make_async_copy(y_hbm.at[srcs_v.at[0]], rows_a, sga).wait()
        pltpu.sync_copy(rows_a, acc_sh.at[dsts_v.at[i]], add=True)
        pltpu.async_copy(y_hbm.at[srcs_v.at[i + 3]], rows_a, sga)
        pltpu.make_async_copy(y_hbm.at[srcs_v.at[0]], rows_b, sgb).wait()
        pltpu.sync_copy(rows_b, acc_sh.at[dsts_v.at[i + 1]], add=True)
        pltpu.async_copy(y_hbm.at[srcs_v.at[i + 4]], rows_b, sgb)
        pltpu.make_async_copy(y_hbm.at[srcs_v.at[0]], rows_c, sgc).wait()
        pltpu.sync_copy(rows_c, acc_sh.at[dsts_v.at[i + 2]], add=True)
        pltpu.async_copy(y_hbm.at[srcs_v.at[i + 5]], rows_c, sgc)
        return carry

    for p in range(NP_):
        pltpu.sync_copy(src3_hbm.at[NP_ * wid + p], srcs_v)
        pltpu.sync_copy(dst3_hbm.at[NP_ * wid + p], dsts_v)
        pltpu.async_copy(y_hbm.at[srcs_v.at[0]], rows_a, sga)
        pltpu.async_copy(y_hbm.at[srcs_v.at[1]], rows_b, sgb)
        pltpu.async_copy(y_hbm.at[srcs_v.at[2]], rows_c, sgc)
        lax.fori_loop(0, CH // 3 - 1, step, 0)
        pltpu.make_async_copy(y_hbm.at[srcs_v.at[0]], rows_a, sga).wait()
        pltpu.sync_copy(rows_a, acc_sh.at[dsts_v.at[CH - 4]], add=True)
        pltpu.async_copy(y_hbm.at[srcs_v.at[CH - 1]], rows_a, sga)
        pltpu.make_async_copy(y_hbm.at[srcs_v.at[0]], rows_b, sgb).wait()
        pltpu.sync_copy(rows_b, acc_sh.at[dsts_v.at[CH - 3]], add=True)
        pltpu.make_async_copy(y_hbm.at[srcs_v.at[0]], rows_c, sgc).wait()
        pltpu.sync_copy(rows_c, acc_sh.at[dsts_v.at[CH - 2]], add=True)
        pltpu.make_async_copy(y_hbm.at[srcs_v.at[0]], rows_a, sga).wait()
        pltpu.sync_copy(rows_a, acc_sh.at[dsts_v.at[CH - 1]], add=True)
    plsc.subcore_barrier()
    for k in range(5):
        off = s * 640 + k * 128
        pltpu.async_copy(acc_sh.at[pl.ds(off, 128)], out_hbm.at[c, pl.ds(off, 128)], sout)
    for k in range(5):
        off = s * 640 + k * 128
        pltpu.make_async_copy(acc_sh.at[pl.ds(off, 128)], out_hbm.at[c, pl.ds(off, 128)], sout).wait()


R = 2000
G = N // R


def _tc1_body(hist_ref, x_ref, w_ref, y_ref):
    dinv = lax.rsqrt(hist_ref[0] + hist_ref[1] + 1.0)
    y_ref[...] = dinv * jnp.dot(x_ref[...], w_ref[...], preferred_element_type=jnp.float32)


def _tc2_body(hist_ref, agg_ref, y1_ref, b1_ref, w2_ref, y2_ref):
    dinv = lax.rsqrt(hist_ref[0] + hist_ref[1] + 1.0)
    pre = agg_ref[0] + agg_ref[1] + y1_ref[...]
    h = jnp.maximum(dinv * pre + b1_ref[...], 0.0)
    y2_ref[...] = dinv * jnp.dot(h, w2_ref[...], preferred_element_type=jnp.float32)


def _tc3_body(hist_ref, agg_ref, y2_ref, b2_ref, out_ref):
    dinv = lax.rsqrt(hist_ref[0] + hist_ref[1] + 1.0)
    out_ref[...] = dinv * (agg_ref[0] + agg_ref[1] + y2_ref[...]) + b2_ref[...]


_hist_spec = pl.BlockSpec((2, R, 1), lambda i: (0, i, 0))
_row_spec = pl.BlockSpec((R, D), lambda i: (i, 0))
_agg_spec = pl.BlockSpec((2, R, D), lambda i: (0, i, 0))
_w_spec = pl.BlockSpec((D, D), lambda i: (0, 0))
_b_spec = pl.BlockSpec((1, D), lambda i: (0, 0))
_row_out = jax.ShapeDtypeStruct((N, D), jnp.float32)

_tc1 = pl.pallas_call(
    _tc1_body, grid=(G,),
    in_specs=[_hist_spec, _row_spec, _w_spec],
    out_specs=_row_spec, out_shape=_row_out,
)
_tc2 = pl.pallas_call(
    _tc2_body, grid=(G,),
    in_specs=[_hist_spec, _agg_spec, _row_spec, _b_spec, _w_spec],
    out_specs=_row_spec, out_shape=_row_out,
)
_tc3 = pl.pallas_call(
    _tc3_body, grid=(G,),
    in_specs=[_hist_spec, _agg_spec, _row_spec, _b_spec],
    out_specs=_row_spec, out_shape=_row_out,
)


@jax.jit
def _impl(x, edge_index, W1, b1, W2, b2):
    src3 = edge_index[0].reshape(NW * NP_, CH, K)
    dst3 = edge_index[1].reshape(NW * NP_, CH, K)
    histp = _hist(dst3)
    hist = histp.reshape(2, NPAD, 1)[:, :N]
    y1 = _tc1(hist, x, W1)
    agg1 = _agg(y1, src3, dst3)
    y2 = _tc2(hist, agg1, y1, b1.reshape(1, D), W2)
    agg2 = _agg(y2, src3, dst3)
    return _tc3(hist, agg2, y2, b2.reshape(1, D))


def kernel(x, edge_index, W1, b1, W2, b2):
    return _impl(x, edge_index, W1, b1, W2, b2)

# --- scband reference (transcript-rebuilt; emitter-appended) ---
"""Pipeline reference for scband-gcnlayer-14637248544872 (READ-ONLY COPY).

The authoritative reference and input builder live on the scoring server;
editing this copy changes nothing except your own understanding.
"""

import jax, jax.numpy as jnp
import numpy as np

N_NODES = 10000
N_EDGES = 320000
D = 128


def gcn_conv(x, edge_index, W, b, num_nodes):
    # GCNConv (PyG semantics): linear transform, add self-loops,
    # symmetric normalization D^{-1/2} (A + I) D^{-1/2}, scatter-add aggregation.
    xw = x @ W
    src = edge_index[0]
    dst = edge_index[1]
    loop = jnp.arange(num_nodes, dtype=src.dtype)
    src = jnp.concatenate([src, loop])
    dst = jnp.concatenate([dst, loop])
    deg = jax.ops.segment_sum(jnp.ones_like(dst, dtype=xw.dtype), dst, num_segments=num_nodes)
    dinv = jnp.where(deg > 0, deg ** -0.5, 0.0)
    norm = dinv[src] * dinv[dst]
    msgs = xw[src] * norm[:, None]
    out = jax.ops.segment_sum(msgs, dst, num_segments=num_nodes)
    return out + b


def setup_inputs(seed: int = 0) -> dict:
    key = jax.random.key(seed)
    k1, k2, k3, k4, k5, k6 = jax.random.split(key, 6)
    x = jax.random.normal(k1, (N_NODES, D), dtype=jnp.float32)
    edge_index = jax.random.randint(k2, (2, N_EDGES), 0, N_NODES, dtype=jnp.int32)
    W1 = jax.random.normal(k3, (D, D), dtype=jnp.float32) * (1.0 / np.sqrt(D))
    b1 = jnp.zeros((D,), dtype=jnp.float32)
    W2 = jax.random.normal(k4, (D, D), dtype=jnp.float32) * (1.0 / np.sqrt(D))
    b2 = jnp.zeros((D,), dtype=jnp.float32)
    return {"x": x, "edge_index": edge_index, "W1": W1, "b1": b1, "W2": W2, "b2": b2}


def reference(x, edge_index, W1, b1, W2, b2):
    h = jax.nn.relu(gcn_conv(x, edge_index, W1, b1, N_NODES))
    out = gcn_conv(h, edge_index, W2, b2, N_NODES)
    return out

if __name__ == "__main__":
    import jax
    _d = setup_inputs()
    print(jax.jit(kernel)(*tuple(_d.values())))

</pallas_src>

<mosaic_0001>
#map = affine_map<(d0, d1) -> (0, 0)>
#map1 = affine_map<(d0, d1) -> (0, 0, 0)>
module attributes {stable_mosaic.version = 14 : i64} {
  func.func @_agg(%arg0: i32, %arg1: i32, %arg2: memref<10000x128xf32, #tpu.memory_space<hbm>>, %arg3: memref<64x100x50xi32, #tpu.memory_space<hbm>>, %arg4: memref<64x100x50xi32, #tpu.memory_space<hbm>>, %arg5: memref<2x10240x128xf32, #tpu.memory_space<hbm>>, %arg6: memref<100x50xi32, #tpu.memory_space<vmem>>, %arg7: memref<100x50xi32, #tpu.memory_space<vmem>>, %arg8: memref<50x128xf32, #tpu.memory_space<vmem>>, %arg9: memref<50x128xf32, #tpu.memory_space<vmem>>, %arg10: memref<50x128xf32, #tpu.memory_space<vmem>>, %arg11: memref<10240x128xf32, #tpu.memory_space<vmem_shared>>, %arg12: memref<!tpu.dma_semaphore, #tpu.memory_space<semaphore_mem>>, %arg13: memref<!tpu.dma_semaphore, #tpu.memory_space<semaphore_mem>>, %arg14: memref<!tpu.dma_semaphore, #tpu.memory_space<semaphore_mem>>, %arg15: memref<!tpu.dma_semaphore, #tpu.memory_space<semaphore_mem>>) attributes {dimension_semantics = [#tpu.dimension_semantics<core_parallel>, #tpu.dimension_semantics<subcore_parallel>], iteration_bounds = array<i64: 2, 16>, scalar_prefetch = 0 : i64, scratch_operands = 10 : i64, tpu.core_type = #tpu.core_type<sc_vector_subcore>, window_params = [{transform_indices = #map}, {transform_indices = #map1}, {transform_indices = #map1}, {transform_indices = #map1}]} {
    %mul3A = arith.constant 2 : i32
    %mul3A_0 = arith.muli %arg1, %mul3A : i32
    %add3A = arith.addi %mul3A_0, %arg0 : i32
    %scan3A = arith.constant 0 : i32
    %scan3A_1 = arith.constant 0 : i32
    %scan3A_2 = arith.constant 80 : i32
    %scan3A_3 = arith.addi %scan3A_1, %scan3A_2 : i32
    %scan3A_4 = arith.constant 1 : i32
    scf.for %scan3A_274 = %scan3A_1 to %scan3A_3 step %scan3A_4  : i32 {
      %broadcast_in_dim3A = arith.constant 0.000000e+00 : f32
      %broadcast_in_dim3A_275 = vector.broadcast %broadcast_in_dim3A : f32 to vector<16xf32>
      %swap3A = arith.index_cast %scan3A_274 : i32 to index
      %swap3A_276 = arith.constant 0 : index
      %swap3A_277 = tpu.vector_load %arg8[%swap3A, %swap3A_276] {strides = array<i32>} : memref<50x128xf32, #tpu.memory_space<vmem>>, vector<1x16xf32>,
      %swap3A_278 = vector.shape_cast %swap3A_277 : vector<1x16xf32> to vector<16xf32>
      %swap3A_279 = vector.shape_cast %broadcast_in_dim3A_275 : vector<16xf32> to vector<1x16xf32>
      tpu.vector_store %arg8[%swap3A, %swap3A_276], %swap3A_279 {strides = array<i32>} : memref<50x128xf32, #tpu.memory_space<vmem>>, vector<1x16xf32>,
      %broadcast_in_dim3A_280 = arith.constant 0.000000e+00 : f32
      %broadcast_in_dim3A_281 = vector.broadcast %broadcast_in_dim3A_280 : f32 to vector<16xf32>
      %swap3A_282 = arith.index_cast %scan3A_274 : i32 to index
      %swap3A_283 = arith.constant 16 : index
      %swap3A_284 = tpu.vector_load %arg8[%swap3A_282, %swap3A_283] {strides = array<i32>} : memref<50x128xf32, #tpu.memory_space<vmem>>, vector<1x16xf32>,
      %swap3A_285 = vector.shape_cast %swap3A_284 : vector<1x16xf32> to vector<16xf32>
      %swap3A_286 = vector.shape_cast %broadcast_in_dim3A_281 : vector<16xf32> to vector<1x16xf32>
      tpu.vector_store %arg8[%swap3A_282, %swap3A_283], %swap3A_286 {strides = array<i32>} : memref<50x128xf32, #tpu.memory_space<vmem>>, vector<1x16xf32>,
      %broadcast_in_dim3A_287 = arith.constant 0.000000e+00 : f32
      %broadcast_in_dim3A_288 = vector.broadcast %broadcast_in_dim3A_287 : f32 to vector<16xf32>
      %swap3A_289 = arith.index_cast %scan3A_274 : i32 to index
      %swap3A_290 = arith.constant 32 : index
      %swap3A_291 = tpu.vector_load %arg8[%swap3A_289, %swap3A_290] {strides = array<i32>} : memref<50x128xf32, #tpu.memory_space<vmem>>, vector<1x16xf32>,
      %swap3A_292 = vector.shape_cast %swap3A_291 : vector<1x16xf32> to vector<16xf32>
      %swap3A_293 = vector.shape_cast %broadcast_in_dim3A_288 : vector<16xf32> to vector<1x16xf32>
      tpu.vector_store %arg8[%swap3A_289, %swap3A_290], %swap3A_293 {strides = array<i32>} : memref<50x128xf32, #tpu.memory_space<vmem>>, vector<1x16xf32>,
      %broadcast_in_dim3A_294 = arith.constant 0.000000e+00 : f32
      %broadcast_in_dim3A_295 = vector.broadcast %broadcast_in_dim3A_294 : f32 to vector<16xf32>
      %swap3A_296 = arith.index_cast %scan3A_274 : i32 to index
      %swap3A_297 = arith.constant 48 : index
      %swap3A_298 = tpu.vector_load %arg8[%swap3A_296, %swap3A_297] {strides = array<i32>} : memref<50x128xf32, #tpu.memory_space<vmem>>, vector<1x16xf32>,
      %swap3A_299 = vector.shape_cast %swap3A_298 : vector<1x16xf32> to vector<16xf32>
      %swap3A_300 = vector.shape_cast %broadcast_in_dim3A_295 : vector<16xf32> to vector<1x16xf32>
      tpu.vector_store %arg8[%swap3A_296, %swap3A_297], %swap3A_300 {strides = array<i32>} : memref<50x128xf32, #tpu.memory_space<vmem>>, vector<1x16xf32>,
      %broadcast_in_dim3A_301 = arith.constant 0.000000e+00 : f32
      %broadcast_in_dim3A_302 = vector.broadcast %broadcast_in_dim3A_301 : f32 to vector<16xf32>
      %swap3A_303 = arith.index_cast %scan3A_274 : i32 to index
      %swap3A_304 = arith.constant 64 : index
      %swap3A_305 = tpu.vector_load %arg8[%swap3A_303, %swap3A_304] {strides = array<i32>} : memref<50x128xf32, #tpu.memory_space<vmem>>, vector<1x16xf32>,
      %swap3A_306 = vector.shape_cast %swap3A_305 : vector<1x16xf32> to vector<16xf32>
      %swap3A_307 = vector.shape_cast %broadcast_in_dim3A_302 : vector<16xf32> to vector<1x16xf32>
      tpu.vector_store %arg8[%swap3A_303, %swap3A_304], %swap3A_307 {strides = array<i32>} : memref<50x128xf32, #tpu.memory_space<vmem>>, vector<1x16xf32>,
      %broadcast_in_dim3A_308 = arith.constant 0.000000e+00 : f32
      %broadcast_in_dim3A_309 = vector.broadcast %broadcast_in_dim3A_308 : f32 to vector<16xf32>
      %swap3A_310 = arith.index_cast %scan3A_274 : i32 to index
      %swap3A_311 = arith.constant 80 : index
      %swap3A_312 = tpu.vector_load %arg8[%swap3A_310, %swap3A_311] {strides = array<i32>} : memref<50x128xf32, #tpu.memory_space<vmem>>, vector<1x16xf32>,
      %swap3A_313 = vector.shape_cast %swap3A_312 : vector<1x16xf32> to vector<16xf32>
      %swap3A_314 = vector.shape_cast %broadcast_in_dim3A_309 : vector<16xf32> to vector<1x16xf32>
      tpu.vector_store %arg8[%swap3A_310, %swap3A_311], %swap3A_314 {strides = array<i32>} : memref<50x128xf32, #tpu.memory_space<vmem>>, vector<1x16xf32>,
      %broadcast_in_dim3A_315 = arith.constant 0.000000e+00 : f32
      %broadcast_in_dim3A_316 = vector.broadcast %broadcast_in_dim3A_315 : f32 to vector<16xf32>
      %swap3A_317 = arith.index_cast %scan3A_274 : i32 to index
      %swap3A_318 = arith.constant 96 : index
      %swap3A_319 = tpu.vector_load %arg8[%swap3A_317, %swap3A_318] {strides = array<i32>} : memref<50x128xf32, #tpu.memory_space<vmem>>, vector<1x16xf32>,
      %swap3A_320 = vector.shape_cast %swap3A_319 : vector<1x16xf32> to vector<16xf32>
      %swap3A_321 = vector.shape_cast %broadcast_in_dim3A_316 : vector<16xf32> to vector<1x16xf32>
      tpu.vector_store %arg8[%swap3A_317, %swap3A_318], %swap3A_321 {strides = array<i32>} : memref<50x128xf32, #tpu.memory_space<vmem>>, vector<1x16xf32>,
      %broadcast_in_dim3A_322 = arith.constant 0.000000e+00 : f32
      %broadcast_in_dim3A_323 = vector.broadcast %broadcast_in_dim3A_322 : f32 to vector<16xf32>
      %swap3A_324 = arith.index_cast %scan3A_274 : i32 to index
      %swap3A_325 = arith.constant 112 : index
      %swap3A_326 = tpu.vector_load %arg8[%swap3A_324, %swap3A_325] {strides = array<i32>} : memref<50x128xf32, #tpu.memory_space<vmem>>, vector<1x16xf32>,
      %swap3A_327 = vector.shape_cast %swap3A_326 : vector<1x16xf32> to vector<16xf32>
      %swap3A_328 = vector.shape_cast %broadcast_in_dim3A_323 : vector<16xf32> to vector<1x16xf32>
      tpu.vector_store %arg8[%swap3A_324, %swap3A_325], %swap3A_328 {strides = array<i32>} : memref<50x128xf32, #tpu.memory_space<vmem>>, vector<1x16xf32>,
    }
    %scan3A_5 = arith.constant 80 : i32
    %mul3A_6 = arith.constant 640 : i32
    %mul3A_7 = arith.muli %arg1, %mul3A_6 : i32
    %add3A_8 = arith.constant 0 : i32
    %add3A_9 = arith.addi %mul3A_7, %add3A_8 : i32
    "tpu.region"() ({
      %run_scoped3A_274 = tpu.sem_alloc : memref<!tpu.dma_semaphore, #tpu.memory_space<semaphore_mem>>
      %dma_start3A_275 = arith.constant 0 : i32
      %dma_start3A_276 = arith.constant 0 : i32
      %dma_start3A_277 = tpu.memref_slice %arg8[%dma_start3A_275, %dma_start3A_276] : memref<50x128xf32, #tpu.memory_space<vmem>> -> memref<80x128xf32, #tpu.memory_space<vmem>>
      %dma_start3A_278 = arith.constant 0 : i32
      %dma_start3A_279 = tpu.memref_slice %arg11[%add3A_9, %dma_start3A_278] : memref<10240x128xf32, #tpu.memory_space<vmem_shared>> -> memref<80x128xf32, #tpu.memory_space<vmem_shared>>
      %dma_start3A_280 = arith.constant 0 : i32
      %dma_start3A_281 = tpu.memref_slice %arg11[%add3A_9, %dma_start3A_280] : memref<10240x128xf32, #tpu.memory_space<vmem_shared>> -> memref<80x128xf32, #tpu.memory_space<vmem_shared>>
      %dma_start3A_282 = arith.constant 0 : i32
      %dma_start3A_283 = arith.constant 0 : i32
      %dma_start3A_284 = tpu.memref_slice %arg8[%dma_start3A_282, %dma_start3A_283] : memref<50x128xf32, #tpu.memory_space<vmem>> -> memref<80x128xf32, #tpu.memory_space<vmem>>
      tpu.enqueue_dma source(%dma_start3A_284 : memref<80x128xf32, #tpu.memory_space<vmem>>) target(%dma_start3A_281 : memref<80x128xf32, #tpu.memory_space<vmem_shared>>) target_semaphore(%run_scoped3A_274 : memref<!tpu.dma_semaphore, #tpu.memory_space<semaphore_mem>>)
      %dma_wait3A_285 = arith.constant 0 : i32
      %dma_wait3A_286 = arith.constant 0 : i32
      %dma_wait3A_287 = tpu.memref_slice %arg8[%dma_wait3A_285, %dma_wait3A_286] : memref<50x128xf32, #tpu.memory_space<vmem>> -> memref<80x128xf32, #tpu.memory_space<vmem>>
      %dma_wait3A_288 = arith.constant 0 : i32
      %dma_wait3A_289 = tpu.memref_slice %arg11[%add3A_9, %dma_wait3A_288] : memref<10240x128xf32, #tpu.memory_space<vmem_shared>> -> memref<80x128xf32, #tpu.memory_space<vmem_shared>>
      %dma_wait3A_290 = arith.constant 0 : i32
      %dma_wait3A_291 = tpu.memref_slice %arg11[%add3A_9, %dma_wait3A_290] : memref<10240x128xf32, #tpu.memory_space<vmem_shared>> -> memref<80x128xf32, #tpu.memory_space<vmem_shared>>
      %dma_wait3A_292 = arith.constant 0 : i32
      %dma_wait3A_293 = arith.constant 0 : i32
      %dma_wait3A_294 = tpu.memref_slice %arg8[%dma_wait3A_292, %dma_wait3A_293] : memref<50x128xf32, #tpu.memory_space<vmem>> -> memref<80x128xf32, #tpu.memory_space<vmem>>
      tpu.wait_dma2 semaphore(%run_scoped3A_274 : memref<!tpu.dma_semaphore, #tpu.memory_space<semaphore_mem>>) src(%dma_wait3A_294 : memref<80x128xf32, #tpu.memory_space<vmem>>) dst(%dma_wait3A_291 : memref<80x128xf32, #tpu.memory_space<vmem_shared>>)
      tpu.yield
    }) : () -> ()
    %mul3A_10 = arith.constant 640 : i32
    %mul3A_11 = arith.muli %arg1, %mul3A_10 : i32
    %add3A_12 = arith.constant 80 : i32
    %add3A_13 = arith.addi %mul3A_11, %add3A_12 : i32
    "tpu.region"() ({
      %run_scoped3A_274 = tpu.sem_alloc : memref<!tpu.dma_semaphore, #tpu.memory_space<semaphore_mem>>
      %dma_start3A_275 = arith.constant 0 : i32
      %dma_start3A_276 = arith.constant 0 : i32
      %dma_start3A_277 = tpu.memref_slice %arg8[%dma_start3A_275, %dma_start3A_276] : memref<50x128xf32, #tpu.memory_space<vmem>> -> memref<80x128xf32, #tpu.memory_space<vmem>>
      %dma_start3A_278 = arith.constant 0 : i32
      %dma_start3A_279 = tpu.memref_slice %arg11[%add3A_13, %dma_start3A_278] : memref<10240x128xf32, #tpu.memory_space<vmem_shared>> -> memref<80x128xf32, #tpu.memory_space<vmem_shared>>
      %dma_start3A_280 = arith.constant 0 : i32
      %dma_start3A_281 = tpu.memref_slice %arg11[%add3A_13, %dma_start3A_280] : memref<10240x128xf32, #tpu.memory_space<vmem_shared>> -> memref<80x128xf32, #tpu.memory_space<vmem_shared>>
      %dma_start3A_282 = arith.constant 0 : i32
      %dma_start3A_283 = arith.constant 0 : i32
      %dma_start3A_284 = tpu.memref_slice %arg8[%dma_start3A_282, %dma_start3A_283] : memref<50x128xf32, #tpu.memory_space<vmem>> -> memref<80x128xf32, #tpu.memory_space<vmem>>
      tpu.enqueue_dma source(%dma_start3A_284 : memref<80x128xf32, #tpu.memory_space<vmem>>) target(%dma_start3A_281 : memref<80x128xf32, #tpu.memory_space<vmem_shared>>) target_semaphore(%run_scoped3A_274 : memref<!tpu.dma_semaphore, #tpu.memory_space<semaphore_mem>>)
      %dma_wait3A_285 = arith.constant 0 : i32
      %dma_wait3A_286 = arith.constant 0 : i32
      %dma_wait3A_287 = tpu.memref_slice %arg8[%dma_wait3A_285, %dma_wait3A_286] : memref<50x128xf32, #tpu.memory_space<vmem>> -> memref<80x128xf32, #tpu.memory_space<vmem>>
      %dma_wait3A_288 = arith.constant 0 : i32
      %dma_wait3A_289 = tpu.memref_slice %arg11[%add3A_13, %dma_wait3A_288] : memref<10240x128xf32, #tpu.memory_space<vmem_shared>> -> memref<80x128xf32, #tpu.memory_space<vmem_shared>>
      %dma_wait3A_290 = arith.constant 0 : i32
      %dma_wait3A_291 = tpu.memref_slice %arg11[%add3A_13, %dma_wait3A_290] : memref<10240x128xf32, #tpu.memory_space<vmem_shared>> -> memref<80x128xf32, #tpu.memory_space<vmem_shared>>
      %dma_wait3A_292 = arith.constant 0 : i32
      %dma_wait3A_293 = arith.constant 0 : i32
      %dma_wait3A_294 = tpu.memref_slice %arg8[%dma_wait3A_292, %dma_wait3A_293] : memref<50x128xf32, #tpu.memory_space<vmem>> -> memref<80x128xf32, #tpu.memory_space<vmem>>
      tpu.wait_dma2 semaphore(%run_scoped3A_274 : memref<!tpu.dma_semaphore, #tpu.memory_space<semaphore_mem>>) src(%dma_wait3A_294 : memref<80x128xf32, #tpu.memory_space<vmem>>) dst(%dma_wait3A_291 : memref<80x128xf32, #tpu.memory_space<vmem_shared>>)
      tpu.yield
    }) : () -> ()
    %mul3A_14 = arith.constant 640 : i32
    %mul3A_15 = arith.muli %arg1, %mul3A_14 : i32
    %add3A_16 = arith.constant 160 : i32
    %add3A_17 = arith.addi %mul3A_15, %add3A_16 : i32
    "tpu.region"() ({
      %run_scoped3A_274 = tpu.sem_alloc : memref<!tpu.dma_semaphore, #tpu.memory_space<semaphore_mem>>
      %dma_start3A_275 = arith.constant 0 : i32
      %dma_start3A_276 = arith.constant 0 : i32
      %dma_start3A_277 = tpu.memref_slice %arg8[%dma_start3A_275, %dma_start3A_276] : memref<50x128xf32, #tpu.memory_space<vmem>> -> memref<80x128xf32, #tpu.memory_space<vmem>>
      %dma_start3A_278 = arith.constant 0 : i32
      %dma_start3A_279 = tpu.memref_slice %arg11[%add3A_17, %dma_start3A_278] : memref<10240x128xf32, #tpu.memory_space<vmem_shared>> -> memref<80x128xf32, #tpu.memory_space<vmem_shared>>
      %dma_start3A_280 = arith.constant 0 : i32
      %dma_start3A_281 = tpu.memref_slice %arg11[%add3A_17, %dma_start3A_280] : memref<10240x128xf32, #tpu.memory_space<vmem_shared>> -> memref<80x128xf32, #tpu.memory_space<vmem_shared>>
      %dma_start3A_282 = arith.constant 0 : i32
      %dma_start3A_283 = arith.constant 0 : i32
      %dma_start3A_284 = tpu.memref_slice %arg8[%dma_start3A_282, %dma_start3A_283] : memref<50x128xf32, #tpu.memory_space<vmem>> -> memref<80x128xf32, #tpu.memory_space<vmem>>
      tpu.enqueue_dma source(%dma_start3A_284 : memref<80x128xf32, #tpu.memory_space<vmem>>) target(%dma_start3A_281 : memref<80x128xf32, #tpu.memory_space<vmem_shared>>) target_semaphore(%run_scoped3A_274 : memref<!tpu.dma_semaphore, #tpu.memory_space<semaphore_mem>>)
      %dma_wait3A_285 = arith.constant 0 : i32
      %dma_wait3A_286 = arith.constant 0 : i32
      %dma_wait3A_287 = tpu.memref_slice %arg8[%dma_wait3A_285, %dma_wait3A_286] : memref<50x128xf32, #tpu.memory_space<vmem>> -> memref<80x128xf32, #tpu.memory_space<vmem>>
      %dma_wait3A_288 = arith.constant 0 : i32
      %dma_wait3A_289 = tpu.memref_slice %arg11[%add3A_17, %dma_wait3A_288] : memref<10240x128xf32, #tpu.memory_space<vmem_shared>> -> memref<80x128xf32, #tpu.memory_space<vmem_shared>>
      %dma_wait3A_290 = arith.constant 0 : i32
      %dma_wait3A_291 = tpu.memref_slice %arg11[%add3A_17, %dma_wait3A_290] : memref<10240x128xf32, #tpu.memory_space<vmem_shared>> -> memref<80x128xf32, #tpu.memory_space<vmem_shared>>
      %dma_wait3A_292 = arith.constant 0 : i32
      %dma_wait3A_293 = arith.constant 0 : i32
      %dma_wait3A_294 = tpu.memref_slice %arg8[%dma_wait3A_292, %dma_wait3A_293] : memref<50x128xf32, #tpu.memory_space<vmem>> -> memref<80x128xf32, #tpu.memory_space<vmem>>
      tpu.wait_dma2 semaphore(%run_scoped3A_274 : memref<!tpu.dma_semaphore, #tpu.memory_space<semaphore_mem>>) src(%dma_wait3A_294 : memref<80x128xf32, #tpu.memory_space<vmem>>) dst(%dma_wait3A_291 : memref<80x128xf32, #tpu.memory_space<vmem_shared>>)
      tpu.yield
    }) : () -> ()
    %mul3A_18 = arith.constant 640 : i32
    %mul3A_19 = arith.muli %arg1, %mul3A_18 : i32
    %add3A_20 = arith.constant 240 : i32
    %add3A_21 = arith.addi %mul3A_19, %add3A_20 : i32
    "tpu.region"() ({
      %run_scoped3A_274 = tpu.sem_alloc : memref<!tpu.dma_semaphore, #tpu.memory_space<semaphore_mem>>
      %dma_start3A_275 = arith.constant 0 : i32
      %dma_start3A_276 = arith.constant 0 : i32
      %dma_start3A_277 = tpu.memref_slice %arg8[%dma_start3A_275, %dma_start3A_276] : memref<50x128xf32, #tpu.memory_space<vmem>> -> memref<80x128xf32, #tpu.memory_space<vmem>>
      %dma_start3A_278 = arith.constant 0 : i32
      %dma_start3A_279 = tpu.memref_slice %arg11[%add3A_21, %dma_start3A_278] : memref<10240x128xf32, #tpu.memory_space<vmem_shared>> -> memref<80x128xf32, #tpu.memory_space<vmem_shared>>
      %dma_start3A_280 = arith.constant 0 : i32
      %dma_start3A_281 = tpu.memref_slice %arg11[%add3A_21, %dma_start3A_280] : memref<10240x128xf32, #tpu.memory_space<vmem_shared>> -> memref<80x128xf32, #tpu.memory_space<vmem_shared>>
      %dma_start3A_282 = arith.constant 0 : i32
      %dma_start3A_283 = arith.constant 0 : i32
      %dma_start3A_284 = tpu.memref_slice %arg8[%dma_start3A_282, %dma_start3A_283] : memref<50x128xf32, #tpu.memory_space<vmem>> -> memref<80x128xf32, #tpu.memory_space<vmem>>
      tpu.enqueue_dma source(%dma_start3A_284 : memref<80x128xf32, #tpu.memory_space<vmem>>) target(%dma_start3A_281 : memref<80x128xf32, #tpu.memory_space<vmem_shared>>) target_semaphore(%run_scoped3A_274 : memref<!tpu.dma_semaphore, #tpu.memory_space<semaphore_mem>>)
      %dma_wait3A_285 = arith.constant 0 : i32
      %dma_wait3A_286 = arith.constant 0 : i32
      %dma_wait3A_287 = tpu.memref_slice %arg8[%dma_wait3A_285, %dma_wait3A_286] : memref<50x128xf32, #tpu.memory_space<vmem>> -> memref<80x128xf32, #tpu.memory_space<vmem>>
      %dma_wait3A_288 = arith.constant 0 : i32
      %dma_wait3A_289 = tpu.memref_slice %arg11[%add3A_21, %dma_wait3A_288] : memref<10240x128xf32, #tpu.memory_space<vmem_shared>> -> memref<80x128xf32, #tpu.memory_space<vmem_shared>>
      %dma_wait3A_290 = arith.constant 0 : i32
      %dma_wait3A_291 = tpu.memref_slice %arg11[%add3A_21, %dma_wait3A_290] : memref<10240x128xf32, #tpu.memory_space<vmem_shared>> -> memref<80x128xf32, #tpu.memory_space<vmem_shared>>
      %dma_wait3A_292 = arith.constant 0 : i32
      %dma_wait3A_293 = arith.constant 0 : i32
      %dma_wait3A_294 = tpu.memref_slice %arg8[%dma_wait3A_292, %dma_wait3A_293] : memref<50x128xf32, #tpu.memory_space<vmem>> -> memref<80x128xf32, #tpu.memory_space<vmem>>
      tpu.wait_dma2 semaphore(%run_scoped3A_274 : memref<!tpu.dma_semaphore, #tpu.memory_space<semaphore_mem>>) src(%dma_wait3A_294 : memref<80x128xf32, #tpu.memory_space<vmem>>) dst(%dma_wait3A_291 : memref<80x128xf32, #tpu.memory_space<vmem_shared>>)
      tpu.yield
    }) : () -> ()
    %mul3A_22 = arith.constant 640 : i32
    %mul3A_23 = arith.muli %arg1, %mul3A_22 : i32
    %add3A_24 = arith.constant 320 : i32
    %add3A_25 = arith.addi %mul3A_23, %add3A_24 : i32
    "tpu.region"() ({
      %run_scoped3A_274 = tpu.sem_alloc : memref<!tpu.dma_semaphore, #tpu.memory_space<semaphore_mem>>
      %dma_start3A_275 = arith.constant 0 : i32
      %dma_start3A_276 = arith.constant 0 : i32
      %dma_start3A_277 = tpu.memref_slice %arg8[%dma_start3A_275, %dma_start3A_276] : memref<50x128xf32, #tpu.memory_space<vmem>> -> memref<80x128xf32, #tpu.memory_space<vmem>>
      %dma_start3A_278 = arith.constant 0 : i32
      %dma_start3A_279 = tpu.memref_slice %arg11[%add3A_25, %dma_start3A_278] : memref<10240x128xf32, #tpu.memory_space<vmem_shared>> -> memref<80x128xf32, #tpu.memory_space<vmem_shared>>
      %dma_start3A_280 = arith.constant 0 : i32
      %dma_start3A_281 = tpu.memref_slice %arg11[%add3A_25, %dma_start3A_280] : memref<10240x128xf32, #tpu.memory_space<vmem_shared>> -> memref<80x128xf32, #tpu.memory_space<vmem_shared>>
      %dma_start3A_282 = arith.constant 0 : i32
      %dma_start3A_283 = arith.constant 0 : i32
      %dma_start3A_284 = tpu.memref_slice %arg8[%dma_start3A_282, %dma_start3A_283] : memref<50x128xf32, #tpu.memory_space<vmem>> -> memref<80x128xf32, #tpu.memory_space<vmem>>
      tpu.enqueue_dma source(%dma_start3A_284 : memref<80x128xf32, #tpu.memory_space<vmem>>) target(%dma_start3A_281 : memref<80x128xf32, #tpu.memory_space<vmem_shared>>) target_semaphore(%run_scoped3A_274 : memref<!tpu.dma_semaphore, #tpu.memory_space<semaphore_mem>>)
      %dma_wait3A_285 = arith.constant 0 : i32
      %dma_wait3A_286 = arith.constant 0 : i32
      %dma_wait3A_287 = tpu.memref_slice %arg8[%dma_wait3A_285, %dma_wait3A_286] : memref<50x128xf32, #tpu.memory_space<vmem>> -> memref<80x128xf32, #tpu.memory_space<vmem>>
      %dma_wait3A_288 = arith.constant 0 : i32
      %dma_wait3A_289 = tpu.memref_slice %arg11[%add3A_25, %dma_wait3A_288] : memref<10240x128xf32, #tpu.memory_space<vmem_shared>> -> memref<80x128xf32, #tpu.memory_space<vmem_shared>>
      %dma_wait3A_290 = arith.constant 0 : i32
      %dma_wait3A_291 = tpu.memref_slice %arg11[%add3A_25, %dma_wait3A_290] : memref<10240x128xf32, #tpu.memory_space<vmem_shared>> -> memref<80x128xf32, #tpu.memory_space<vmem_shared>>
      %dma_wait3A_292 = arith.constant 0 : i32
      %dma_wait3A_293 = arith.constant 0 : i32
      %dma_wait3A_294 = tpu.memref_slice %arg8[%dma_wait3A_292, %dma_wait3A_293] : memref<50x128xf32, #tpu.memory_space<vmem>> -> memref<80x128xf32, #tpu.memory_space<vmem>>
      tpu.wait_dma2 semaphore(%run_scoped3A_274 : memref<!tpu.dma_semaphore, #tpu.memory_space<semaphore_mem>>) src(%dma_wait3A_294 : memref<80x128xf32, #tpu.memory_space<vmem>>) dst(%dma_wait3A_291 : memref<80x128xf32, #tpu.memory_space<vmem_shared>>)
      tpu.yield
    }) : () -> ()
    %mul3A_26 = arith.constant 640 : i32
    %mul3A_27 = arith.muli %arg1, %mul3A_26 : i32
    %add3A_28 = arith.constant 400 : i32
    %add3A_29 = arith.addi %mul3A_27, %add3A_28 : i32
    "tpu.region"() ({
      %run_scoped3A_274 = tpu.sem_alloc : memref<!tpu.dma_semaphore, #tpu.memory_space<semaphore_mem>>
      %dma_start3A_275 = arith.constant 0 : i32
      %dma_start3A_276 = arith.constant 0 : i32
      %dma_start3A_277 = tpu.memref_slice %arg8[%dma_start3A_275, %dma_start3A_276] : memref<50x128xf32, #tpu.memory_space<vmem>> -> memref<80x128xf32, #tpu.memory_space<vmem>>
      %dma_start3A_278 = arith.constant 0 : i32
      %dma_start3A_279 = tpu.memref_slice %arg11[%add3A_29, %dma_start3A_278] : memref<10240x128xf32, #tpu.memory_space<vmem_shared>> -> memref<80x128xf32, #tpu.memory_space<vmem_shared>>
      %dma_start3A_280 = arith.constant 0 : i32
      %dma_start3A_281 = tpu.memref_slice %arg11[%add3A_29, %dma_start3A_280] : memref<10240x128xf32, #tpu.memory_space<vmem_shared>> -> memref<80x128xf32, #tpu.memory_space<vmem_shared>>
      %dma_start3A_282 = arith.constant 0 : i32
      %dma_start3A_283 = arith.constant 0 : i32
      %dma_start3A_284 = tpu.memref_slice %arg8[%dma_start3A_282, %dma_start3A_283] : memref<50x128xf32, #tpu.memory_space<vmem>> -> memref<80x128xf32, #tpu.memory_space<vmem>>
      tpu.enqueue_dma source(%dma_start3A_284 : memref<80x128xf32, #tpu.memory_space<vmem>>) target(%dma_start3A_281 : memref<80x128xf32, #tpu.memory_space<vmem_shared>>) target_semaphore(%run_scoped3A_274 : memref<!tpu.dma_semaphore, #tpu.memory_space<semaphore_mem>>)
      %dma_wait3A_285 = arith.constant 0 : i32
      %dma_wait3A_286 = arith.constant 0 : i32
      %dma_wait3A_287 = tpu.memref_slice %arg8[%dma_wait3A_285, %dma_wait3A_286] : memref<50x128xf32, #tpu.memory_space<vmem>> -> memref<80x128xf32, #tpu.memory_space<vmem>>
      %dma_wait3A_288 = arith.constant 0 : i32
      %dma_wait3A_289 = tpu.memref_slice %arg11[%add3A_29, %dma_wait3A_288] : memref<10240x128xf32, #tpu.memory_space<vmem_shared>> -> memref<80x128xf32, #tpu.memory_space<vmem_shared>>
      %dma_wait3A_290 = arith.constant 0 : i32
      %dma_wait3A_291 = tpu.memref_slice %arg11[%add3A_29, %dma_wait3A_290] : memref<10240x128xf32, #tpu.memory_space<vmem_shared>> -> memref<80x128xf32, #tpu.memory_space<vmem_shared>>
      %dma_wait3A_292 = arith.constant 0 : i32
      %dma_wait3A_293 = arith.constant 0 : i32
      %dma_wait3A_294 = tpu.memref_slice %arg8[%dma_wait3A_292, %dma_wait3A_293] : memref<50x128xf32, #tpu.memory_space<vmem>> -> memref<80x128xf32, #tpu.memory_space<vmem>>
      tpu.wait_dma2 semaphore(%run_scoped3A_274 : memref<!tpu.dma_semaphore, #tpu.memory_space<semaphore_mem>>) src(%dma_wait3A_294 : memref<80x128xf32, #tpu.memory_space<vmem>>) dst(%dma_wait3A_291 : memref<80x128xf32, #tpu.memory_space<vmem_shared>>)
      tpu.yield
    }) : () -> ()
    %mul3A_30 = arith.constant 640 : i32
    %mul3A_31 = arith.muli %arg1, %mul3A_30 : i32
    %add3A_32 = arith.constant 480 : i32
    %add3A_33 = arith.addi %mul3A_31, %add3A_32 : i32
    "tpu.region"() ({
      %run_scoped3A_274 = tpu.sem_alloc : memref<!tpu.dma_semaphore, #tpu.memory_space<semaphore_mem>>
      %dma_start3A_275 = arith.constant 0 : i32
      %dma_start3A_276 = arith.constant 0 : i32
      %dma_start3A_277 = tpu.memref_slice %arg8[%dma_start3A_275, %dma_start3A_276] : memref<50x128xf32, #tpu.memory_space<vmem>> -> memref<80x128xf32, #tpu.memory_space<vmem>>
      %dma_start3A_278 = arith.constant 0 : i32
      %dma_start3A_279 = tpu.memref_slice %arg11[%add3A_33, %dma_start3A_278] : memref<10240x128xf32, #tpu.memory_space<vmem_shared>> -> memref<80x128xf32, #tpu.memory_space<vmem_shared>>
      %dma_start3A_280 = arith.constant 0 : i32
      %dma_start3A_281 = tpu.memref_slice %arg11[%add3A_33, %dma_start3A_280] : memref<10240x128xf32, #tpu.memory_space<vmem_shared>> -> memref<80x128xf32, #tpu.memory_space<vmem_shared>>
      %dma_start3A_282 = arith.constant 0 : i32
      %dma_start3A_283 = arith.constant 0 : i32
      %dma_start3A_284 = tpu.memref_slice %arg8[%dma_start3A_282, %dma_start3A_283] : memref<50x128xf32, #tpu.memory_space<vmem>> -> memref<80x128xf32, #tpu.memory_space<vmem>>
      tpu.enqueue_dma source(%dma_start3A_284 : memref<80x128xf32, #tpu.memory_space<vmem>>) target(%dma_start3A_281 : memref<80x128xf32, #tpu.memory_space<vmem_shared>>) target_semaphore(%run_scoped3A_274 : memref<!tpu.dma_semaphore, #tpu.memory_space<semaphore_mem>>)
      %dma_wait3A_285 = arith.constant 0 : i32
      %dma_wait3A_286 = arith.constant 0 : i32
      %dma_wait3A_287 = tpu.memref_slice %arg8[%dma_wait3A_285, %dma_wait3A_286] : memref<50x128xf32, #tpu.memory_space<vmem>> -> memref<80x128xf32, #tpu.memory_space<vmem>>
      %dma_wait3A_288 = arith.constant 0 : i32
      %dma_wait3A_289 = tpu.memref_slice %arg11[%add3A_33, %dma_wait3A_288] : memref<10240x128xf32, #tpu.memory_space<vmem_shared>> -> memref<80x128xf32, #tpu.memory_space<vmem_shared>>
      %dma_wait3A_290 = arith.constant 0 : i32
      %dma_wait3A_291 = tpu.memref_slice %arg11[%add3A_33, %dma_wait3A_290] : memref<10240x128xf32, #tpu.memory_space<vmem_shared>> -> memref<80x128xf32, #tpu.memory_space<vmem_shared>>
      %dma_wait3A_292 = arith.constant 0 : i32
      %dma_wait3A_293 = arith.constant 0 : i32
      %dma_wait3A_294 = tpu.memref_slice %arg8[%dma_wait3A_292, %dma_wait3A_293] : memref<50x128xf32, #tpu.memory_space<vmem>> -> memref<80x128xf32, #tpu.memory_space<vmem>>
      tpu.wait_dma2 semaphore(%run_scoped3A_274 : memref<!tpu.dma_semaphore, #tpu.memory_space<semaphore_mem>>) src(%dma_wait3A_294 : memref<80x128xf32, #tpu.memory_space<vmem>>) dst(%dma_wait3A_291 : memref<80x128xf32, #tpu.memory_space<vmem_shared>>)
      tpu.yield
    }) : () -> ()
    %mul3A_34 = arith.constant 640 : i32
    %mul3A_35 = arith.muli %arg1, %mul3A_34 : i32
    %add3A_36 = arith.constant 560 : i32
    %add3A_37 = arith.addi %mul3A_35, %add3A_36 : i32
    "tpu.region"() ({
      %run_scoped3A_274 = tpu.sem_alloc : memref<!tpu.dma_semaphore, #tpu.memory_space<semaphore_mem>>
      %dma_start3A_275 = arith.constant 0 : i32
      %dma_start3A_276 = arith.constant 0 : i32
      %dma_start3A_277 = tpu.memref_slice %arg8[%dma_start3A_275, %dma_start3A_276] : memref<50x128xf32, #tpu.memory_space<vmem>> -> memref<80x128xf32, #tpu.memory_space<vmem>>
      %dma_start3A_278 = arith.constant 0 : i32
      %dma_start3A_279 = tpu.memref_slice %arg11[%add3A_37, %dma_start3A_278] : memref<10240x128xf32, #tpu.memory_space<vmem_shared>> -> memref<80x128xf32, #tpu.memory_space<vmem_shared>>
      %dma_start3A_280 = arith.constant 0 : i32
      %dma_start3A_281 = tpu.memref_slice %arg11[%add3A_37, %dma_start3A_280] : memref<10240x128xf32, #tpu.memory_space<vmem_shared>> -> memref<80x128xf32, #tpu.memory_space<vmem_shared>>
      %dma_start3A_282 = arith.constant 0 : i32
      %dma_start3A_283 = arith.constant 0 : i32
      %dma_start3A_284 = tpu.memref_slice %arg8[%dma_start3A_282, %dma_start3A_283] : memref<50x128xf32, #tpu.memory_space<vmem>> -> memref<80x128xf32, #tpu.memory_space<vmem>>
      tpu.enqueue_dma source(%dma_start3A_284 : memref<80x128xf32, #tpu.memory_space<vmem>>) target(%dma_start3A_281 : memref<80x128xf32, #tpu.memory_space<vmem_shared>>) target_semaphore(%run_scoped3A_274 : memref<!tpu.dma_semaphore, #tpu.memory_space<semaphore_mem>>)
      %dma_wait3A_285 = arith.constant 0 : i32
      %dma_wait3A_286 = arith.constant 0 : i32
      %dma_wait3A_287 = tpu.memref_slice %arg8[%dma_wait3A_285, %dma_wait3A_286] : memref<50x128xf32, #tpu.memory_space<vmem>> -> memref<80x128xf32, #tpu.memory_space<vmem>>
      %dma_wait3A_288 = arith.constant 0 : i32
      %dma_wait3A_289 = tpu.memref_slice %arg11[%add3A_37, %dma_wait3A_288] : memref<10240x128xf32, #tpu.memory_space<vmem_shared>> -> memref<80x128xf32, #tpu.memory_space<vmem_shared>>
      %dma_wait3A_290 = arith.constant 0 : i32
      %dma_wait3A_291 = tpu.memref_slice %arg11[%add3A_37, %dma_wait3A_290] : memref<10240x128xf32, #tpu.memory_space<vmem_shared>> -> memref<80x128xf32, #tpu.memory_space<vmem_shared>>
      %dma_wait3A_292 = arith.constant 0 : i32
      %dma_wait3A_293 = arith.constant 0 : i32
      %dma_wait3A_294 = tpu.memref_slice %arg8[%dma_wait3A_292, %dma_wait3A_293] : memref<50x128xf32, #tpu.memory_space<vmem>> -> memref<80x128xf32, #tpu.memory_space<vmem>>
      tpu.wait_dma2 semaphore(%run_scoped3A_274 : memref<!tpu.dma_semaphore, #tpu.memory_space<semaphore_mem>>) src(%dma_wait3A_294 : memref<80x128xf32, #tpu.memory_space<vmem>>) dst(%dma_wait3A_291 : memref<80x128xf32, #tpu.memory_space<vmem_shared>>)
      tpu.yield
    }) : () -> ()
    %barrier3A = arith.constant 0 : index
    tpu.barrier barrier_id(%barrier3A)
    %mul3A_38 = arith.constant 2 : i32
    %mul3A_39 = arith.muli %mul3A_38, %add3A : i32
    %add3A_40 = arith.constant 0 : i32
    %add3A_41 = arith.addi %mul3A_39, %add3A_40 : i32
    "tpu.region"() ({
      %run_scoped3A_274 = tpu.sem_alloc : memref<!tpu.dma_semaphore, #tpu.memory_space<semaphore_mem>>
      %dma_start3A_275 = arith.constant 0 : i32
      %dma_start3A_276 = arith.constant 0 : i32
      %dma_start3A_277 = tpu.memref_slice %arg3[%add3A_41, %dma_start3A_275, %dma_start3A_276] : memref<64x100x50xi32, #tpu.memory_space<hbm>> -> memref<1x100x50xi32, #tpu.memory_space<hbm>>
      %dma_start3A_278 = tpu.memref_squeeze %dma_start3A_277 : memref<1x100x50xi32, #tpu.memory_space<hbm>> -> memref<100x50xi32, #tpu.memory_space<hbm>>
      %dma_start3A_279 = arith.constant 0 : i32
      %dma_start3A_280 = arith.constant 0 : i32
      %dma_start3A_281 = tpu.memref_slice %arg3[%add3A_41, %dma_start3A_279, %dma_start3A_280] : memref<64x100x50xi32, #tpu.memory_space<hbm>> -> memref<1x100x50xi32, #tpu.memory_space<hbm>>
      %dma_start3A_282 = tpu.memref_squeeze %dma_start3A_281 : memref<1x100x50xi32, #tpu.memory_space<hbm>> -> memref<100x50xi32, #tpu.memory_space<hbm>>
      tpu.enqueue_dma source(%dma_start3A_282 : memref<100x50xi32, #tpu.memory_space<hbm>>) target(%arg6 : memref<100x50xi32, #tpu.memory_space<vmem>>) target_semaphore(%run_scoped3A_274 : memref<!tpu.dma_semaphore, #tpu.memory_space<semaphore_mem>>)
      %dma_wait3A_283 = arith.constant 0 : i32
      %dma_wait3A_284 = arith.constant 0 : i32
      %dma_wait3A_285 = tpu.memref_slice %arg3[%add3A_41, %dma_wait3A_283, %dma_wait3A_284] : memref<64x100x50xi32, #tpu.memory_space<hbm>> -> memref<1x100x50xi32, #tpu.memory_space<hbm>>
      %dma_wait3A_286 = tpu.memref_squeeze %dma_wait3A_285 : memref<1x100x50xi32, #tpu.memory_space<hbm>> -> memref<100x50xi32, #tpu.memory_space<hbm>>
      %dma_wait3A_287 = arith.constant 0 : i32
      %dma_wait3A_288 = arith.constant 0 : i32
      %dma_wait3A_289 = tpu.memref_slice %arg3[%add3A_41, %dma_wait3A_287, %dma_wait3A_288] : memref<64x100x50xi32, #tpu.memory_space<hbm>> -> memref<1x100x50xi32, #tpu.memory_space<hbm>>
      %dma_wait3A_290 = tpu.memref_squeeze %dma_wait3A_289 : memref<1x100x50xi32, #tpu.memory_space<hbm>> -> memref<100x50xi32, #tpu.memory_space<hbm>>
      tpu.wait_dma2 semaphore(%run_scoped3A_274 : memref<!tpu.dma_semaphore, #tpu.memory_space<semaphore_mem>>) src(%dma_wait3A_290 : memref<100x50xi32, #tpu.memory_space<hbm>>) dst(%arg6 : memref<100x50xi32, #tpu.memory_space<vmem>>)
      tpu.yield
    }) : () -> ()
    %mul3A_42 = arith.constant 2 : i32
    %mul3A_43 = arith.muli %mul3A_42, %add3A : i32
    %add3A_44 = arith.constant 0 : i32
    %add3A_45 = arith.addi %mul3A_43, %add3A_44 : i32
    "tpu.region"() ({
      %run_scoped3A_274 = tpu.sem_alloc : memref<!tpu.dma_semaphore, #tpu.memory_space<semaphore_mem>>
      %dma_start3A_275 = arith.constant 0 : i32
      %dma_start3A_276 = arith.constant 0 : i32
      %dma_start3A_277 = tpu.memref_slice %arg4[%add3A_45, %dma_start3A_275, %dma_start3A_276] : memref<64x100x50xi32, #tpu.memory_space<hbm>> -> memref<1x100x50xi32, #tpu.memory_space<hbm>>
      %dma_start3A_278 = tpu.memref_squeeze %dma_start3A_277 : memref<1x100x50xi32, #tpu.memory_space<hbm>> -> memref<100x50xi32, #tpu.memory_space<hbm>>
      %dma_start3A_279 = arith.constant 0 : i32
      %dma_start3A_280 = arith.constant 0 : i32
      %dma_start3A_281 = tpu.memref_slice %arg4[%add3A_45, %dma_start3A_279, %dma_start3A_280] : memref<64x100x50xi32, #tpu.memory_space<hbm>> -> memref<1x100x50xi32, #tpu.memory_space<hbm>>
      %dma_start3A_282 = tpu.memref_squeeze %dma_start3A_281 : memref<1x100x50xi32, #tpu.memory_space<hbm>> -> memref<100x50xi32, #tpu.memory_space<hbm>>
      tpu.enqueue_dma source(%dma_start3A_282 : memref<100x50xi32, #tpu.memory_space<hbm>>) target(%arg7 : memref<100x50xi32, #tpu.memory_space<vmem>>) target_semaphore(%run_scoped3A_274 : memref<!tpu.dma_semaphore, #tpu.memory_space<semaphore_mem>>)
      %dma_wait3A_283 = arith.constant 0 : i32
      %dma_wait3A_284 = arith.constant 0 : i32
      %dma_wait3A_285 = tpu.memref_slice %arg4[%add3A_45, %dma_wait3A_283, %dma_wait3A_284] : memref<64x100x50xi32, #tpu.memory_space<hbm>> -> memref<1x100x50xi32, #tpu.memory_space<hbm>>
      %dma_wait3A_286 = tpu.memref_squeeze %dma_wait3A_285 : memref<1x100x50xi32, #tpu.memory_space<hbm>> -> memref<100x50xi32, #tpu.memory_space<hbm>>
      %dma_wait3A_287 = arith.constant 0 : i32
      %dma_wait3A_288 = arith.constant 0 : i32
      %dma_wait3A_289 = tpu.memref_slice %arg4[%add3A_45, %dma_wait3A_287, %dma_wait3A_288] : memref<64x100x50xi32, #tpu.memory_space<hbm>> -> memref<1x100x50xi32, #tpu.memory_space<hbm>>
      %dma_wait3A_290 = tpu.memref_squeeze %dma_wait3A_289 : memref<1x100x50xi32, #tpu.memory_space<hbm>> -> memref<100x50xi32, #tpu.memory_space<hbm>>
      tpu.wait_dma2 semaphore(%run_scoped3A_274 : memref<!tpu.dma_semaphore, #tpu.memory_space<semaphore_mem>>) src(%dma_wait3A_290 : memref<100x50xi32, #tpu.memory_space<hbm>>) dst(%arg7 : memref<100x50xi32, #tpu.memory_space<vmem>>)
      tpu.yield
    }) : () -> ()
    %dma_start3A = arith.constant 0 : i32
    %dma_start3A_46 = arith.constant 0 : i32
    %dma_start3A_47 = tpu.memref_slice %arg6[%dma_start3A, %dma_start3A_46] : memref<100x50xi32, #tpu.memory_space<vmem>> -> memref<1x50xi32, #tpu.memory_space<vmem>>
    %dma_start3A_48 = tpu.memref_squeeze %dma_start3A_47 : memref<1x50xi32, #tpu.memory_space<vmem>> -> memref<50xi32, #tpu.memory_space<vmem>>
    %dma_start3A_49 = arith.constant 0 : i32
    %dma_start3A_50 = arith.constant 0 : i32
    %dma_start3A_51 = tpu.memref_slice %arg2[%dma_start3A_49, %dma_start3A_50] : memref<10000x128xf32, #tpu.memory_space<hbm>> -> memref<10000x128xf32, #tpu.memory_space<hbm>>
    tpu.enqueue_indirect_dma source(%dma_start3A_51 : memref<10000x128xf32, #tpu.memory_space<hbm>>) target(%arg8 : memref<50x128xf32, #tpu.memory_space<vmem>>) offsets(%dma_start3A_48 : memref<50xi32, #tpu.memory_space<vmem>>) semaphore(%arg12 : memref<!tpu.dma_semaphore, #tpu.memory_space<semaphore_mem>>)
    %dma_start3A_52 = arith.constant 1 : i32
    %dma_start3A_53 = arith.constant 0 : i32
    %dma_start3A_54 = tpu.memref_slice %arg6[%dma_start3A_52, %dma_start3A_53] : memref<100x50xi32, #tpu.memory_space<vmem>> -> memref<1x50xi32, #tpu.memory_space<vmem>>
    %dma_start3A_55 = tpu.memref_squeeze %dma_start3A_54 : memref<1x50xi32, #tpu.memory_space<vmem>> -> memref<50xi32, #tpu.memory_space<vmem>>
    %dma_start3A_56 = arith.constant 0 : i32
    %dma_start3A_57 = arith.constant 0 : i32
    %dma_start3A_58 = tpu.memref_slice %arg2[%dma_start3A_56, %dma_start3A_57] : memref<10000x128xf32, #tpu.memory_space<hbm>> -> memref<10000x128xf32, #tpu.memory_space<hbm>>
    tpu.enqueue_indirect_dma source(%dma_start3A_58 : memref<10000x128xf32, #tpu.memory_space<hbm>>) target(%arg9 : memref<50x128xf32, #tpu.memory_space<vmem>>) offsets(%dma_start3A_55 : memref<50xi32, #tpu.memory_space<vmem>>) semaphore(%arg13 : memref<!tpu.dma_semaphore, #tpu.memory_space<semaphore_mem>>)
    %dma_start3A_59 = arith.constant 2 : i32
    %dma_start3A_60 = arith.constant 0 : i32
    %dma_start3A_61 = tpu.memref_slice %arg6[%dma_start3A_59, %dma_start3A_60] : memref<100x50xi32, #tpu.memory_space<vmem>> -> memref<1x50xi32, #tpu.memory_space<vmem>>
    %dma_start3A_62 = tpu.memref_squeeze %dma_start3A_61 : memref<1x50xi32, #tpu.memory_space<vmem>> -> memref<50xi32, #tpu.memory_space<vmem>>
    %dma_start3A_63 = arith.constant 0 : i32
    %dma_start3A_64 = arith.constant 0 : i32
    %dma_start3A_65 = tpu.memref_slice %arg2[%dma_start3A_63, %dma_start3A_64] : memref<10000x128xf32, #tpu.memory_space<hbm>> -> memref<10000x128xf32, #tpu.memory_space<hbm>>
    tpu.enqueue_indirect_dma source(%dma_start3A_65 : memref<10000x128xf32, #tpu.memory_space<hbm>>) target(%arg10 : memref<50x128xf32, #tpu.memory_space<vmem>>) offsets(%dma_start3A_62 : memref<50xi32, #tpu.memory_space<vmem>>) semaphore(%arg14 : memref<!tpu.dma_semaphore, #tpu.memory_space<semaphore_mem>>)
    %scan3A_66 = arith.constant 0 : i32
    %scan3A_67 = arith.constant 0 : i32
    %scan3A_68 = arith.constant 32 : i32
    %scan3A_69 = arith.addi %scan3A_67, %scan3A_68 : i32
    %scan3A_70 = arith.constant 1 : i32
    scf.for %scan3A_274 = %scan3A_67 to %scan3A_69 step %scan3A_70  : i32 {
      %mul3A_275 = arith.constant 3 : i32
      %mul3A_276 = arith.muli %mul3A_275, %scan3A_274 : i32
      %dma_wait3A_277 = arith.constant 0 : i32
      %dma_wait3A_278 = arith.constant 0 : i32
      %dma_wait3A_279 = tpu.memref_slice %arg6[%dma_wait3A_277, %dma_wait3A_278] : memref<100x50xi32, #tpu.memory_space<vmem>> -> memref<1x50xi32, #tpu.memory_space<vmem>>
      %dma_wait3A_280 = tpu.memref_squeeze %dma_wait3A_279 : memref<1x50xi32, #tpu.memory_space<vmem>> -> memref<50xi32, #tpu.memory_space<vmem>>
      %dma_wait3A_281 = arith.constant 0 : i32
      %dma_wait3A_282 = arith.constant 0 : i32
      %dma_wait3A_283 = tpu.memref_slice %arg2[%dma_wait3A_281, %dma_wait3A_282] : memref<10000x128xf32, #tpu.memory_space<hbm>> -> memref<10000x128xf32, #tpu.memory_space<hbm>>
      tpu.wait_indirect_dma semaphore(%arg12 : memref<!tpu.dma_semaphore, #tpu.memory_space<semaphore_mem>>) src(%dma_wait3A_283 : memref<10000x128xf32, #tpu.memory_space<hbm>>) dst(%arg8 : memref<50x128xf32, #tpu.memory_space<vmem>>)
      "tpu.region"() ({
        %run_scoped3A_326 = tpu.sem_alloc : memref<!tpu.dma_semaphore, #tpu.memory_space<semaphore_mem>>
        %dma_start3A_327 = arith.constant 0 : i32
        %dma_start3A_328 = tpu.memref_slice %arg7[%mul3A_276, %dma_start3A_327] : memref<100x50xi32, #tpu.memory_space<vmem>> -> memref<1x50xi32, #tpu.memory_space<vmem>>
        %dma_start3A_329 = tpu.memref_squeeze %dma_start3A_328 : memref<1x50xi32, #tpu.memory_space<vmem>> -> memref<50xi32, #tpu.memory_space<vmem>>
        %dma_start3A_330 = arith.constant 0 : i32
        %dma_start3A_331 = arith.constant 0 : i32
        %dma_start3A_332 = tpu.memref_slice %arg11[%dma_start3A_330, %dma_start3A_331] : memref<10240x128xf32, #tpu.memory_space<vmem_shared>> -> memref<10240x128xf32, #tpu.memory_space<vmem_shared>>
        tpu.enqueue_indirect_dma source(%arg8 : memref<50x128xf32, #tpu.memory_space<vmem>>) target(%dma_start3A_332 : memref<10240x128xf32, #tpu.memory_space<vmem_shared>>) offsets(%dma_start3A_329 : memref<50xi32, #tpu.memory_space<vmem>>) semaphore(%run_scoped3A_326 : memref<!tpu.dma_semaphore, #tpu.memory_space<semaphore_mem>>) {add = true}
        %dma_wait3A_333 = arith.constant 0 : i32
        %dma_wait3A_334 = tpu.memref_slice %arg7[%mul3A_276, %dma_wait3A_333] : memref<100x50xi32, #tpu.memory_space<vmem>> -> memref<1x50xi32, #tpu.memory_space<vmem>>
        %dma_wait3A_335 = tpu.memref_squeeze %dma_wait3A_334 : memref<1x50xi32, #tpu.memory_space<vmem>> -> memref<50xi32, #tpu.memory_space<vmem>>
        %dma_wait3A_336 = arith.constant 0 : i32
        %dma_wait3A_337 = arith.constant 0 : i32
        %dma_wait3A_338 = tpu.memref_slice %arg11[%dma_wait3A_336, %dma_wait3A_337] : memref<10240x128xf32, #tpu.memory_space<vmem_shared>> -> memref<10240x128xf32, #tpu.memory_space<vmem_shared>>
        tpu.wait_indirect_dma semaphore(%run_scoped3A_326 : memref<!tpu.dma_semaphore, #tpu.memory_space<semaphore_mem>>) src(%arg8 : memref<50x128xf32, #tpu.memory_space<vmem>>) dst(%dma_wait3A_338 : memref<10240x128xf32, #tpu.memory_space<vmem_shared>>)
        tpu.yield
      }) : () -> ()
      %add3A_284 = arith.constant 3 : i32
      %add3A_285 = arith.addi %mul3A_276, %add3A_284 : i32
      %dma_start3A_286 = arith.constant 0 : i32
      %dma_start3A_287 = tpu.memref_slice %arg6[%add3A_285, %dma_start3A_286] : memref<100x50xi32, #tpu.memory_space<vmem>> -> memref<1x50xi32, #tpu.memory_space<vmem>>
      %dma_start3A_288 = tpu.memref_squeeze %dma_start3A_287 : memref<1x50xi32, #tpu.memory_space<vmem>> -> memref<50xi32, #tpu.memory_space<vmem>>
      %dma_start3A_289 = arith.constant 0 : i32
      %dma_start3A_290 = arith.constant 0 : i32
      %dma_start3A_291 = tpu.memref_slice %arg2[%dma_start3A_289, %dma_start3A_290] : memref<10000x128xf32, #tpu.memory_space<hbm>> -> memref<10000x128xf32, #tpu.memory_space<hbm>>
      tpu.enqueue_indirect_dma source(%dma_start3A_291 : memref<10000x128xf32, #tpu.memory_space<hbm>>) target(%arg8 : memref<50x128xf32, #tpu.memory_space<vmem>>) offsets(%dma_start3A_288 : memref<50xi32, #tpu.memory_space<vmem>>) semaphore(%arg12 : memref<!tpu.dma_semaphore, #tpu.memory_space<semaphore_mem>>)
      %dma_wait3A_292 = arith.constant 0 : i32
      %dma_wait3A_293 = arith.constant 0 : i32
      %dma_wait3A_294 = tpu.memref_slice %arg6[%dma_wait3A_292, %dma_wait3A_293] : memref<100x50xi32, #tpu.memory_space<vmem>> -> memref<1x50xi32, #tpu.memory_space<vmem>>
      %dma_wait3A_295 = tpu.memref_squeeze %dma_wait3A_294 : memref<1x50xi32, #tpu.memory_space<vmem>> -> memref<50xi32, #tpu.memory_space<vmem>>
      %dma_wait3A_296 = arith.constant 0 : i32
      %dma_wait3A_297 = arith.constant 0 : i32
      %dma_wait3A_298 = tpu.memref_slice %arg2[%dma_wait3A_296, %dma_wait3A_297] : memref<10000x128xf32, #tpu.memory_space<hbm>> -> memref<10000x128xf32, #tpu.memory_space<hbm>>
      tpu.wait_indirect_dma semaphore(%arg13 : memref<!tpu.dma_semaphore, #tpu.memory_space<semaphore_mem>>) src(%dma_wait3A_298 : memref<10000x128xf32, #tpu.memory_space<hbm>>) dst(%arg9 : memref<50x128xf32, #tpu.memory_space<vmem>>)
      %add3A_299 = arith.constant 1 : i32
      %add3A_300 = arith.addi %mul3A_276, %add3A_299 : i32
      "tpu.region"() ({
        %run_scoped3A_326 = tpu.sem_alloc : memref<!tpu.dma_semaphore, #tpu.memory_space<semaphore_mem>>
        %dma_start3A_327 = arith.constant 0 : i32
        %dma_start3A_328 = tpu.memref_slice %arg7[%add3A_300, %dma_start3A_327] : memref<100x50xi32, #tpu.memory_space<vmem>> -> memref<1x50xi32, #tpu.memory_space<vmem>>
        %dma_start3A_329 = tpu.memref_squeeze %dma_start3A_328 : memref<1x50xi32, #tpu.memory_space<vmem>> -> memref<50xi32, #tpu.memory_space<vmem>>
        %dma_start3A_330 = arith.constant 0 : i32
        %dma_start3A_331 = arith.constant 0 : i32
        %dma_start3A_332 = tpu.memref_slice %arg11[%dma_start3A_330, %dma_start3A_331] : memref<10240x128xf32, #tpu.memory_space<vmem_shared>> -> memref<10240x128xf32, #tpu.memory_space<vmem_shared>>
        tpu.enqueue_indirect_dma source(%arg9 : memref<50x128xf32, #tpu.memory_space<vmem>>) target(%dma_start3A_332 : memref<10240x128xf32, #tpu.memory_space<vmem_shared>>) offsets(%dma_start3A_329 : memref<50xi32, #tpu.memory_space<vmem>>) semaphore(%run_scoped3A_326 : memref<!tpu.dma_semaphore, #tpu.memory_space<semaphore_mem>>) {add = true}
        %dma_wait3A_333 = arith.constant 0 : i32
        %dma_wait3A_334 = tpu.memref_slice %arg7[%add3A_300, %dma_wait3A_333] : memref<100x50xi32, #tpu.memory_space<vmem>> -> memref<1x50xi32, #tpu.memory_space<vmem>>
        %dma_wait3A_335 = tpu.memref_squeeze %dma_wait3A_334 : memref<1x50xi32, #tpu.memory_space<vmem>> -> memref<50xi32, #tpu.memory_space<vmem>>
        %dma_wait3A_336 = arith.constant 0 : i32
        %dma_wait3A_337 = arith.constant 0 : i32
        %dma_wait3A_338 = tpu.memref_slice %arg11[%dma_wait3A_336, %dma_wait3A_337] : memref<10240x128xf32, #tpu.memory_space<vmem_shared>> -> memref<10240x128xf32, #tpu.memory_space<vmem_shared>>
        tpu.wait_indirect_dma semaphore(%run_scoped3A_326 : memref<!tpu.dma_semaphore, #tpu.memory_space<semaphore_mem>>) src(%arg9 : memref<50x128xf32, #tpu.memory_space<vmem>>) dst(%dma_wait3A_338 : memref<10240x128xf32, #tpu.memory_space<vmem_shared>>)
        tpu.yield
      }) : () -> ()
      %add3A_301 = arith.constant 4 : i32
      %add3A_302 = arith.addi %mul3A_276, %add3A_301 : i32
      %dma_start3A_303 = arith.constant 0 : i32
      %dma_start3A_304 = tpu.memref_slice %arg6[%add3A_302, %dma_start3A_303] : memref<100x50xi32, #tpu.memory_space<vmem>> -> memref<1x50xi32, #tpu.memory_space<vmem>>
      %dma_start3A_305 = tpu.memref_squeeze %dma_start3A_304 : memref<1x50xi32, #tpu.memory_space<vmem>> -> memref<50xi32, #tpu.memory_space<vmem>>
      %dma_start3A_306 = arith.constant 0 : i32
      %dma_start3A_307 = arith.constant 0 : i32
      %dma_start3A_308 = tpu.memref_slice %arg2[%dma_start3A_306, %dma_start3A_307] : memref<10000x128xf32, #tpu.memory_space<hbm>> -> memref<10000x128xf32, #tpu.memory_space<hbm>>
      tpu.enqueue_indirect_dma source(%dma_start3A_308 : memref<10000x128xf32, #tpu.memory_space<hbm>>) target(%arg9 : memref<50x128xf32, #tpu.memory_space<vmem>>) offsets(%dma_start3A_305 : memref<50xi32, #tpu.memory_space<vmem>>) semaphore(%arg13 : memref<!tpu.dma_semaphore, #tpu.memory_space<semaphore_mem>>)
      %dma_wait3A_309 = arith.constant 0 : i32
      %dma_wait3A_310 = arith.constant 0 : i32
      %dma_wait3A_311 = tpu.memref_slice %arg6[%dma_wait3A_309, %dma_wait3A_310] : memref<100x50xi32, #tpu.memory_space<vmem>> -> memref<1x50xi32, #tpu.memory_space<vmem>>
      %dma_wait3A_312 = tpu.memref_squeeze %dma_wait3A_311 : memref<1x50xi32, #tpu.memory_space<vmem>> -> memref<50xi32, #tpu.memory_space<vmem>>
      %dma_wait3A_313 = arith.constant 0 : i32
      %dma_wait3A_314 = arith.constant 0 : i32
      %dma_wait3A_315 = tpu.memref_slice %arg2[%dma_wait3A_313, %dma_wait3A_314] : memref<10000x128xf32, #tpu.memory_space<hbm>> -> memref<10000x128xf32, #tpu.memory_space<hbm>>
      tpu.wait_indirect_dma semaphore(%arg14 : memref<!tpu.dma_semaphore, #tpu.memory_space<semaphore_mem>>) src(%dma_wait3A_315 : memref<10000x128xf32, #tpu.memory_space<hbm>>) dst(%arg10 : memref<50x128xf32, #tpu.memory_space<vmem>>)
      %add3A_316 = arith.constant 2 : i32
      %add3A_317 = arith.addi %mul3A_276, %add3A_316 : i32
      "tpu.region"() ({
        %run_scoped3A_326 = tpu.sem_alloc : memref<!tpu.dma_semaphore, #tpu.memory_space<semaphore_mem>>
        %dma_start3A_327 = arith.constant 0 : i32
        %dma_start3A_328 = tpu.memref_slice %arg7[%add3A_317, %dma_start3A_327] : memref<100x50xi32, #tpu.memory_space<vmem>> -> memref<1x50xi32, #tpu.memory_space<vmem>>
        %dma_start3A_329 = tpu.memref_squeeze %dma_start3A_328 : memref<1x50xi32, #tpu.memory_space<vmem>> -> memref<50xi32, #tpu.memory_space<vmem>>
        %dma_start3A_330 = arith.constant 0 : i32
        %dma_start3A_331 = arith.constant 0 : i32
        %dma_start3A_332 = tpu.memref_slice %arg11[%dma_start3A_330, %dma_start3A_331] : memref<10240x128xf32, #tpu.memory_space<vmem_shared>> -> memref<10240x128xf32, #tpu.memory_space<vmem_shared>>
        tpu.enqueue_indirect_dma source(%arg10 : memref<50x128xf32, #tpu.memory_space<vmem>>) target(%dma_start3A_332 : memref<10240x128xf32, #tpu.memory_space<vmem_shared>>) offsets(%dma_start3A_329 : memref<50xi32, #tpu.memory_space<vmem>>) semaphore(%run_scoped3A_326 : memref<!tpu.dma_semaphore, #tpu.memory_space<semaphore_mem>>) {add = true}
        %dma_wait3A_333 = arith.constant 0 : i32
        %dma_wait3A_334 = tpu.memref_slice %arg7[%add3A_317, %dma_wait3A_333] : memref<100x50xi32, #tpu.memory_space<vmem>> -> memref<1x50xi32, #tpu.memory_space<vmem>>
        %dma_wait3A_335 = tpu.memref_squeeze %dma_wait3A_334 : memref<1x50xi32, #tpu.memory_space<vmem>> -> memref<50xi32, #tpu.memory_space<vmem>>
        %dma_wait3A_336 = arith.constant 0 : i32
        %dma_wait3A_337 = arith.constant 0 : i32
        %dma_wait3A_338 = tpu.memref_slice %arg11[%dma_wait3A_336, %dma_wait3A_337] : memref<10240x128xf32, #tpu.memory_space<vmem_shared>> -> memref<10240x128xf32, #tpu.memory_space<vmem_shared>>
        tpu.wait_indirect_dma semaphore(%run_scoped3A_326 : memref<!tpu.dma_semaphore, #tpu.memory_space<semaphore_mem>>) src(%arg10 : memref<50x128xf32, #tpu.memory_space<vmem>>) dst(%dma_wait3A_338 : memref<10240x128xf32, #tpu.memory_space<vmem_shared>>)
        tpu.yield
      }) : () -> ()
      %add3A_318 = arith.constant 5 : i32
      %add3A_319 = arith.addi %mul3A_276, %add3A_318 : i32
      %dma_start3A_320 = arith.constant 0 : i32
      %dma_start3A_321 = tpu.memref_slice %arg6[%add3A_319, %dma_start3A_320] : memref<100x50xi32, #tpu.memory_space<vmem>> -> memref<1x50xi32, #tpu.memory_space<vmem>>
      %dma_start3A_322 = tpu.memref_squeeze %dma_start3A_321 : memref<1x50xi32, #tpu.memory_space<vmem>> -> memref<50xi32, #tpu.memory_space<vmem>>
      %dma_start3A_323 = arith.constant 0 : i32
      %dma_start3A_324 = arith.constant 0 : i32
      %dma_start3A_325 = tpu.memref_slice %arg2[%dma_start3A_323, %dma_start3A_324] : memref<10000x128xf32, #tpu.memory_space<hbm>> -> memref<10000x128xf32, #tpu.memory_space<hbm>>
      tpu.enqueue_indirect_dma source(%dma_start3A_325 : memref<10000x128xf32, #tpu.memory_space<hbm>>) target(%arg10 : memref<50x128xf32, #tpu.memory_space<vmem>>) offsets(%dma_start3A_322 : memref<50xi32, #tpu.memory_space<vmem>>) semaphore(%arg14 : memref<!tpu.dma_semaphore, #tpu.memory_space<semaphore_mem>>)
    }
    %scan3A_71 = arith.constant 32 : i32
    %dma_wait3A = arith.constant 0 : i32
    %dma_wait3A_72 = arith.constant 0 : i32
    %dma_wait3A_73 = tpu.memref_slice %arg6[%dma_wait3A, %dma_wait3A_72] : memref<100x50xi32, #tpu.memory_space<vmem>> -> memref<1x50xi32, #tpu.memory_space<vmem>>
    %dma_wait3A_74 = tpu.memref_squeeze %dma_wait3A_73 : memref<1x50xi32, #tpu.memory_space<vmem>> -> memref<50xi32, #tpu.memory_space<vmem>>
    %dma_wait3A_75 = arith.constant 0 : i32
    %dma_wait3A_76 = arith.constant 0 : i32
    %dma_wait3A_77 = tpu.memref_slice %arg2[%dma_wait3A_75, %dma_wait3A_76] : memref<10000x128xf32, #tpu.memory_space<hbm>> -> memref<10000x128xf32, #tpu.memory_space<hbm>>
    tpu.wait_indirect_dma semaphore(%arg12 : memref<!tpu.dma_semaphore, #tpu.memory_space<semaphore_mem>>) src(%dma_wait3A_77 : memref<10000x128xf32, #tpu.memory_space<hbm>>) dst(%arg8 : memref<50x128xf32, #tpu.memory_space<vmem>>)
    %run_scoped3A = arith.constant 96 : i32
    "tpu.region"() ({
      %run_scoped3A_274 = tpu.sem_alloc : memref<!tpu.dma_semaphore, #tpu.memory_space<semaphore_mem>>
      %dma_start3A_275 = arith.constant 0 : i32
      %dma_start3A_276 = tpu.memref_slice %arg7[%run_scoped3A, %dma_start3A_275] : memref<100x50xi32, #tpu.memory_space<vmem>> -> memref<1x50xi32, #tpu.memory_space<vmem>>
      %dma_start3A_277 = tpu.memref_squeeze %dma_start3A_276 : memref<1x50xi32, #tpu.memory_space<vmem>> -> memref<50xi32, #tpu.memory_space<vmem>>
      %dma_start3A_278 = arith.constant 0 : i32
      %dma_start3A_279 = arith.constant 0 : i32
      %dma_start3A_280 = tpu.memref_slice %arg11[%dma_start3A_278, %dma_start3A_279] : memref<10240x128xf32, #tpu.memory_space<vmem_shared>> -> memref<10240x128xf32, #tpu.memory_space<vmem_shared>>
      tpu.enqueue_indirect_dma source(%arg8 : memref<50x128xf32, #tpu.memory_space<vmem>>) target(%dma_start3A_280 : memref<10240x128xf32, #tpu.memory_space<vmem_shared>>) offsets(%dma_start3A_277 : memref<50xi32, #tpu.memory_space<vmem>>) semaphore(%run_scoped3A_274 : memref<!tpu.dma_semaphore, #tpu.memory_space<semaphore_mem>>) {add = true}
      %dma_wait3A_281 = arith.constant 0 : i32
      %dma_wait3A_282 = tpu.memref_slice %arg7[%run_scoped3A, %dma_wait3A_281] : memref<100x50xi32, #tpu.memory_space<vmem>> -> memref<1x50xi32, #tpu.memory_space<vmem>>
      %dma_wait3A_283 = tpu.memref_squeeze %dma_wait3A_282 : memref<1x50xi32, #tpu.memory_space<vmem>> -> memref<50xi32, #tpu.memory_space<vmem>>
      %dma_wait3A_284 = arith.constant 0 : i32
      %dma_wait3A_285 = arith.constant 0 : i32
      %dma_wait3A_286 = tpu.memref_slice %arg11[%dma_wait3A_284, %dma_wait3A_285] : memref<10240x128xf32, #tpu.memory_space<vmem_shared>> -> memref<10240x128xf32, #tpu.memory_space<vmem_shared>>
      tpu.wait_indirect_dma semaphore(%run_scoped3A_274 : memref<!tpu.dma_semaphore, #tpu.memory_space<semaphore_mem>>) src(%arg8 : memref<50x128xf32, #tpu.memory_space<vmem>>) dst(%dma_wait3A_286 : memref<10240x128xf32, #tpu.memory_space<vmem_shared>>)
      tpu.yield
    }) : () -> ()
    %dma_start3A_78 = arith.constant 99 : i32
    %dma_start3A_79 = arith.constant 0 : i32
    %dma_start3A_80 = tpu.memref_slice %arg6[%dma_start3A_78, %dma_start3A_79] : memref<100x50xi32, #tpu.memory_space<vmem>> -> memref<1x50xi32, #tpu.memory_space<vmem>>
    %dma_start3A_81 = tpu.memref_squeeze %dma_start3A_80 : memref<1x50xi32, #tpu.memory_space<vmem>> -> memref<50xi32, #tpu.memory_space<vmem>>
    %dma_start3A_82 = arith.constant 0 : i32
    %dma_start3A_83 = arith.constant 0 : i32
    %dma_start3A_84 = tpu.memref_slice %arg2[%dma_start3A_82, %dma_start3A_83] : memref<10000x128xf32, #tpu.memory_space<hbm>> -> memref<10000x128xf32, #tpu.memory_space<hbm>>
    tpu.enqueue_indirect_dma source(%dma_start3A_84 : memref<10000x128xf32, #tpu.memory_space<hbm>>) target(%arg8 : memref<50x128xf32, #tpu.memory_space<vmem>>) offsets(%dma_start3A_81 : memref<50xi32, #tpu.memory_space<vmem>>) semaphore(%arg12 : memref<!tpu.dma_semaphore, #tpu.memory_space<semaphore_mem>>)
    %dma_wait3A_85 = arith.constant 0 : i32
    %dma_wait3A_86 = arith.constant 0 : i32
    %dma_wait3A_87 = tpu.memref_slice %arg6[%dma_wait3A_85, %dma_wait3A_86] : memref<100x50xi32, #tpu.memory_space<vmem>> -> memref<1x50xi32, #tpu.memory_space<vmem>>
    %dma_wait3A_88 = tpu.memref_squeeze %dma_wait3A_87 : memref<1x50xi32, #tpu.memory_space<vmem>> -> memref<50xi32, #tpu.memory_space<vmem>>
    %dma_wait3A_89 = arith.constant 0 : i32
    %dma_wait3A_90 = arith.constant 0 : i32
    %dma_wait3A_91 = tpu.memref_slice %arg2[%dma_wait3A_89, %dma_wait3A_90] : memref<10000x128xf32, #tpu.memory_space<hbm>> -> memref<10000x128xf32, #tpu.memory_space<hbm>>
    tpu.wait_indirect_dma semaphore(%arg13 : memref<!tpu.dma_semaphore, #tpu.memory_space<semaphore_mem>>) src(%dma_wait3A_91 : memref<10000x128xf32, #tpu.memory_space<hbm>>) dst(%arg9 : memref<50x128xf32, #tpu.memory_space<vmem>>)
    %run_scoped3A_92 = arith.constant 97 : i32
    "tpu.region"() ({
      %run_scoped3A_274 = tpu.sem_alloc : memref<!tpu.dma_semaphore, #tpu.memory_space<semaphore_mem>>
      %dma_start3A_275 = arith.constant 0 : i32
      %dma_start3A_276 = tpu.memref_slice %arg7[%run_scoped3A_92, %dma_start3A_275] : memref<100x50xi32, #tpu.memory_space<vmem>> -> memref<1x50xi32, #tpu.memory_space<vmem>>
      %dma_start3A_277 = tpu.memref_squeeze %dma_start3A_276 : memref<1x50xi32, #tpu.memory_space<vmem>> -> memref<50xi32, #tpu.memory_space<vmem>>
      %dma_start3A_278 = arith.constant 0 : i32
      %dma_start3A_279 = arith.constant 0 : i32
      %dma_start3A_280 = tpu.memref_slice %arg11[%dma_start3A_278, %dma_start3A_279] : memref<10240x128xf32, #tpu.memory_space<vmem_shared>> -> memref<10240x128xf32, #tpu.memory_space<vmem_shared>>
      tpu.enqueue_indirect_dma source(%arg9 : memref<50x128xf32, #tpu.memory_space<vmem>>) target(%dma_start3A_280 : memref<10240x128xf32, #tpu.memory_space<vmem_shared>>) offsets(%dma_start3A_277 : memref<50xi32, #tpu.memory_space<vmem>>) semaphore(%run_scoped3A_274 : memref<!tpu.dma_semaphore, #tpu.memory_space<semaphore_mem>>) {add = true}
      %dma_wait3A_281 = arith.constant 0 : i32
      %dma_wait3A_282 = tpu.memref_slice %arg7[%run_scoped3A_92, %dma_wait3A_281] : memref<100x50xi32, #tpu.memory_space<vmem>> -> memref<1x50xi32, #tpu.memory_space<vmem>>
      %dma_wait3A_283 = tpu.memref_squeeze %dma_wait3A_282 : memref<1x50xi32, #tpu.memory_space<vmem>> -> memref<50xi32, #tpu.memory_space<vmem>>
      %dma_wait3A_284 = arith.constant 0 : i32
      %dma_wait3A_285 = arith.constant 0 : i32
      %dma_wait3A_286 = tpu.memref_slice %arg11[%dma_wait3A_284, %dma_wait3A_285] : memref<10240x128xf32, #tpu.memory_space<vmem_shared>> -> memref<10240x128xf32, #tpu.memory_space<vmem_shared>>
      tpu.wait_indirect_dma semaphore(%run_scoped3A_274 : memref<!tpu.dma_semaphore, #tpu.memory_space<semaphore_mem>>) src(%arg9 : memref<50x128xf32, #tpu.memory_space<vmem>>) dst(%dma_wait3A_286 : memref<10240x128xf32, #tpu.memory_space<vmem_shared>>)
      tpu.yield
    }) : () -> ()
    %dma_wait3A_93 = arith.constant 0 : i32
    %dma_wait3A_94 = arith.constant 0 : i32
    %dma_wait3A_95 = tpu.memref_slice %arg6[%dma_wait3A_93, %dma_wait3A_94] : memref<100x50xi32, #tpu.memory_space<vmem>> -> memref<1x50xi32, #tpu.memory_space<vmem>>
    %dma_wait3A_96 = tpu.memref_squeeze %dma_wait3A_95 : memref<1x50xi32, #tpu.memory_space<vmem>> -> memref<50xi32, #tpu.memory_space<vmem>>
    %dma_wait3A_97 = arith.constant 0 : i32
    %dma_wait3A_98 = arith.constant 0 : i32
    %dma_wait3A_99 = tpu.memref_slice %arg2[%dma_wait3A_97, %dma_wait3A_98] : memref<10000x128xf32, #tpu.memory_space<hbm>> -> memref<10000x128xf32, #tpu.memory_space<hbm>>
    tpu.wait_indirect_dma semaphore(%arg14 : memref<!tpu.dma_semaphore, #tpu.memory_space<semaphore_mem>>) src(%dma_wait3A_99 : memref<10000x128xf32, #tpu.memory_space<hbm>>) dst(%arg10 : memref<50x128xf32, #tpu.memory_space<vmem>>)
    %run_scoped3A_100 = arith.constant 98 : i32
    "tpu.region"() ({
      %run_scoped3A_274 = tpu.sem_alloc : memref<!tpu.dma_semaphore, #tpu.memory_space<semaphore_mem>>
      %dma_start3A_275 = arith.constant 0 : i32
      %dma_start3A_276 = tpu.memref_slice %arg7[%run_scoped3A_100, %dma_start3A_275] : memref<100x50xi32, #tpu.memory_space<vmem>> -> memref<1x50xi32, #tpu.memory_space<vmem>>
      %dma_start3A_277 = tpu.memref_squeeze %dma_start3A_276 : memref<1x50xi32, #tpu.memory_space<vmem>> -> memref<50xi32, #tpu.memory_space<vmem>>
      %dma_start3A_278 = arith.constant 0 : i32
      %dma_start3A_279 = arith.constant 0 : i32
      %dma_start3A_280 = tpu.memref_slice %arg11[%dma_start3A_278, %dma_start3A_279] : memref<10240x128xf32, #tpu.memory_space<vmem_shared>> -> memref<10240x128xf32, #tpu.memory_space<vmem_shared>>
      tpu.enqueue_indirect_dma source(%arg10 : memref<50x128xf32, #tpu.memory_space<vmem>>) target(%dma_start3A_280 : memref<10240x128xf32, #tpu.memory_space<vmem_shared>>) offsets(%dma_start3A_277 : memref<50xi32, #tpu.memory_space<vmem>>) semaphore(%run_scoped3A_274 : memref<!tpu.dma_semaphore, #tpu.memory_space<semaphore_mem>>) {add = true}
      %dma_wait3A_281 = arith.constant 0 : i32
      %dma_wait3A_282 = tpu.memref_slice %arg7[%run_scoped3A_100, %dma_wait3A_281] : memref<100x50xi32, #tpu.memory_space<vmem>> -> memref<1x50xi32, #tpu.memory_space<vmem>>
      %dma_wait3A_283 = tpu.memref_squeeze %dma_wait3A_282 : memref<1x50xi32, #tpu.memory_space<vmem>> -> memref<50xi32, #tpu.memory_space<vmem>>
      %dma_wait3A_284 = arith.constant 0 : i32
      %dma_wait3A_285 = arith.constant 0 : i32
      %dma_wait3A_286 = tpu.memref_slice %arg11[%dma_wait3A_284, %dma_wait3A_285] : memref<10240x128xf32, #tpu.memory_space<vmem_shared>> -> memref<10240x128xf32, #tpu.memory_space<vmem_shared>>
      tpu.wait_indirect_dma semaphore(%run_scoped3A_274 : memref<!tpu.dma_semaphore, #tpu.memory_space<semaphore_mem>>) src(%arg10 : memref<50x128xf32, #tpu.memory_space<vmem>>) dst(%dma_wait3A_286 : memref<10240x128xf32, #tpu.memory_space<vmem_shared>>)
      tpu.yield
    }) : () -> ()
    %dma_wait3A_101 = arith.constant 0 : i32
    %dma_wait3A_102 = arith.constant 0 : i32
    %dma_wait3A_103 = tpu.memref_slice %arg6[%dma_wait3A_101, %dma_wait3A_102] : memref<100x50xi32, #tpu.memory_space<vmem>> -> memref<1x50xi32, #tpu.memory_space<vmem>>
    %dma_wait3A_104 = tpu.memref_squeeze %dma_wait3A_103 : memref<1x50xi32, #tpu.memory_space<vmem>> -> memref<50xi32, #tpu.memory_space<vmem>>
    %dma_wait3A_105 = arith.constant 0 : i32
    %dma_wait3A_106 = arith.constant 0 : i32
    %dma_wait3A_107 = tpu.memref_slice %arg2[%dma_wait3A_105, %dma_wait3A_106] : memref<10000x128xf32, #tpu.memory_space<hbm>> -> memref<10000x128xf32, #tpu.memory_space<hbm>>
    tpu.wait_indirect_dma semaphore(%arg12 : memref<!tpu.dma_semaphore, #tpu.memory_space<semaphore_mem>>) src(%dma_wait3A_107 : memref<10000x128xf32, #tpu.memory_space<hbm>>) dst(%arg8 : memref<50x128xf32, #tpu.memory_space<vmem>>)
    %run_scoped3A_108 = arith.constant 99 : i32
    "tpu.region"() ({
      %run_scoped3A_274 = tpu.sem_alloc : memref<!tpu.dma_semaphore, #tpu.memory_space<semaphore_mem>>
      %dma_start3A_275 = arith.constant 0 : i32
      %dma_start3A_276 = tpu.memref_slice %arg7[%run_scoped3A_108, %dma_start3A_275] : memref<100x50xi32, #tpu.memory_space<vmem>> -> memref<1x50xi32, #tpu.memory_space<vmem>>
      %dma_start3A_277 = tpu.memref_squeeze %dma_start3A_276 : memref<1x50xi32, #tpu.memory_space<vmem>> -> memref<50xi32, #tpu.memory_space<vmem>>
      %dma_start3A_278 = arith.constant 0 : i32
      %dma_start3A_279 = arith.constant 0 : i32
      %dma_start3A_280 = tpu.memref_slice %arg11[%dma_start3A_278, %dma_start3A_279] : memref<10240x128xf32, #tpu.memory_space<vmem_shared>> -> memref<10240x128xf32, #tpu.memory_space<vmem_shared>>
      tpu.enqueue_indirect_dma source(%arg8 : memref<50x128xf32, #tpu.memory_space<vmem>>) target(%dma_start3A_280 : memref<10240x128xf32, #tpu.memory_space<vmem_shared>>) offsets(%dma_start3A_277 : memref<50xi32, #tpu.memory_space<vmem>>) semaphore(%run_scoped3A_274 : memref<!tpu.dma_semaphore, #tpu.memory_space<semaphore_mem>>) {add = true}
      %dma_wait3A_281 = arith.constant 0 : i32
      %dma_wait3A_282 = tpu.memref_slice %arg7[%run_scoped3A_108, %dma_wait3A_281] : memref<100x50xi32, #tpu.memory_space<vmem>> -> memref<1x50xi32, #tpu.memory_space<vmem>>
      %dma_wait3A_283 = tpu.memref_squeeze %dma_wait3A_282 : memref<1x50xi32, #tpu.memory_space<vmem>> -> memref<50xi32, #tpu.memory_space<vmem>>
      %dma_wait3A_284 = arith.constant 0 : i32
      %dma_wait3A_285 = arith.constant 0 : i32
      %dma_wait3A_286 = tpu.memref_slice %arg11[%dma_wait3A_284, %dma_wait3A_285] : memref<10240x128xf32, #tpu.memory_space<vmem_shared>> -> memref<10240x128xf32, #tpu.memory_space<vmem_shared>>
      tpu.wait_indirect_dma semaphore(%run_scoped3A_274 : memref<!tpu.dma_semaphore, #tpu.memory_space<semaphore_mem>>) src(%arg8 : memref<50x128xf32, #tpu.memory_space<vmem>>) dst(%dma_wait3A_286 : memref<10240x128xf32, #tpu.memory_space<vmem_shared>>)
      tpu.yield
    }) : () -> ()
    %mul3A_109 = arith.constant 2 : i32
    %mul3A_110 = arith.muli %mul3A_109, %add3A : i32
    %add3A_111 = arith.constant 1 : i32
    %add3A_112 = arith.addi %mul3A_110, %add3A_111 : i32
    "tpu.region"() ({
      %run_scoped3A_274 = tpu.sem_alloc : memref<!tpu.dma_semaphore, #tpu.memory_space<semaphore_mem>>
      %dma_start3A_275 = arith.constant 0 : i32
      %dma_start3A_276 = arith.constant 0 : i32
      %dma_start3A_277 = tpu.memref_slice %arg3[%add3A_112, %dma_start3A_275, %dma_start3A_276] : memref<64x100x50xi32, #tpu.memory_space<hbm>> -> memref<1x100x50xi32, #tpu.memory_space<hbm>>
      %dma_start3A_278 = tpu.memref_squeeze %dma_start3A_277 : memref<1x100x50xi32, #tpu.memory_space<hbm>> -> memref<100x50xi32, #tpu.memory_space<hbm>>
      %dma_start3A_279 = arith.constant 0 : i32
      %dma_start3A_280 = arith.constant 0 : i32
      %dma_start3A_281 = tpu.memref_slice %arg3[%add3A_112, %dma_start3A_279, %dma_start3A_280] : memref<64x100x50xi32, #tpu.memory_space<hbm>> -> memref<1x100x50xi32, #tpu.memory_space<hbm>>
      %dma_start3A_282 = tpu.memref_squeeze %dma_start3A_281 : memref<1x100x50xi32, #tpu.memory_space<hbm>> -> memref<100x50xi32, #tpu.memory_space<hbm>>
      tpu.enqueue_dma source(%dma_start3A_282 : memref<100x50xi32, #tpu.memory_space<hbm>>) target(%arg6 : memref<100x50xi32, #tpu.memory_space<vmem>>) target_semaphore(%run_scoped3A_274 : memref<!tpu.dma_semaphore, #tpu.memory_space<semaphore_mem>>)
      %dma_wait3A_283 = arith.constant 0 : i32
      %dma_wait3A_284 = arith.constant 0 : i32
      %dma_wait3A_285 = tpu.memref_slice %arg3[%add3A_112, %dma_wait3A_283, %dma_wait3A_284] : memref<64x100x50xi32, #tpu.memory_space<hbm>> -> memref<1x100x50xi32, #tpu.memory_space<hbm>>
      %dma_wait3A_286 = tpu.memref_squeeze %dma_wait3A_285 : memref<1x100x50xi32, #tpu.memory_space<hbm>> -> memref<100x50xi32, #tpu.memory_space<hbm>>
      %dma_wait3A_287 = arith.constant 0 : i32
      %dma_wait3A_288 = arith.constant 0 : i32
      %dma_wait3A_289 = tpu.memref_slice %arg3[%add3A_112, %dma_wait3A_287, %dma_wait3A_288] : memref<64x100x50xi32, #tpu.memory_space<hbm>> -> memref<1x100x50xi32, #tpu.memory_space<hbm>>
      %dma_wait3A_290 = tpu.memref_squeeze %dma_wait3A_289 : memref<1x100x50xi32, #tpu.memory_space<hbm>> -> memref<100x50xi32, #tpu.memory_space<hbm>>
      tpu.wait_dma2 semaphore(%run_scoped3A_274 : memref<!tpu.dma_semaphore, #tpu.memory_space<semaphore_mem>>) src(%dma_wait3A_290 : memref<100x50xi32, #tpu.memory_space<hbm>>) dst(%arg6 : memref<100x50xi32, #tpu.memory_space<vmem>>)
      tpu.yield
    }) : () -> ()
    %mul3A_113 = arith.constant 2 : i32
    %mul3A_114 = arith.muli %mul3A_113, %add3A : i32
    %add3A_115 = arith.constant 1 : i32
    %add3A_116 = arith.addi %mul3A_114, %add3A_115 : i32
    "tpu.region"() ({
      %run_scoped3A_274 = tpu.sem_alloc : memref<!tpu.dma_semaphore, #tpu.memory_space<semaphore_mem>>
      %dma_start3A_275 = arith.constant 0 : i32
      %dma_start3A_276 = arith.constant 0 : i32
      %dma_start3A_277 = tpu.memref_slice %arg4[%add3A_116, %dma_start3A_275, %dma_start3A_276] : memref<64x100x50xi32, #tpu.memory_space<hbm>> -> memref<1x100x50xi32, #tpu.memory_space<hbm>>
      %dma_start3A_278 = tpu.memref_squeeze %dma_start3A_277 : memref<1x100x50xi32, #tpu.memory_space<hbm>> -> memref<100x50xi32, #tpu.memory_space<hbm>>
      %dma_start3A_279 = arith.constant 0 : i32
      %dma_start3A_280 = arith.constant 0 : i32
      %dma_start3A_281 = tpu.memref_slice %arg4[%add3A_116, %dma_start3A_279, %dma_start3A_280] : memref<64x100x50xi32, #tpu.memory_space<hbm>> -> memref<1x100x50xi32, #tpu.memory_space<hbm>>
      %dma_start3A_282 = tpu.memref_squeeze %dma_start3A_281 : memref<1x100x50xi32, #tpu.memory_space<hbm>> -> memref<100x50xi32, #tpu.memory_space<hbm>>
      tpu.enqueue_dma source(%dma_start3A_282 : memref<100x50xi32, #tpu.memory_space<hbm>>) target(%arg7 : memref<100x50xi32, #tpu.memory_space<vmem>>) target_semaphore(%run_scoped3A_274 : memref<!tpu.dma_semaphore, #tpu.memory_space<semaphore_mem>>)
      %dma_wait3A_283 = arith.constant 0 : i32
      %dma_wait3A_284 = arith.constant 0 : i32
      %dma_wait3A_285 = tpu.memref_slice %arg4[%add3A_116, %dma_wait3A_283, %dma_wait3A_284] : memref<64x100x50xi32, #tpu.memory_space<hbm>> -> memref<1x100x50xi32, #tpu.memory_space<hbm>>
      %dma_wait3A_286 = tpu.memref_squeeze %dma_wait3A_285 : memref<1x100x50xi32, #tpu.memory_space<hbm>> -> memref<100x50xi32, #tpu.memory_space<hbm>>
      %dma_wait3A_287 = arith.constant 0 : i32
      %dma_wait3A_288 = arith.constant 0 : i32
      %dma_wait3A_289 = tpu.memref_slice %arg4[%add3A_116, %dma_wait3A_287, %dma_wait3A_288] : memref<64x100x50xi32, #tpu.memory_space<hbm>> -> memref<1x100x50xi32, #tpu.memory_space<hbm>>
      %dma_wait3A_290 = tpu.memref_squeeze %dma_wait3A_289 : memref<1x100x50xi32, #tpu.memory_space<hbm>> -> memref<100x50xi32, #tpu.memory_space<hbm>>
      tpu.wait_dma2 semaphore(%run_scoped3A_274 : memref<!tpu.dma_semaphore, #tpu.memory_space<semaphore_mem>>) src(%dma_wait3A_290 : memref<100x50xi32, #tpu.memory_space<hbm>>) dst(%arg7 : memref<100x50xi32, #tpu.memory_space<vmem>>)
      tpu.yield
    }) : () -> ()
    %dma_start3A_117 = arith.constant 0 : i32
    %dma_start3A_118 = arith.constant 0 : i32
    %dma_start3A_119 = tpu.memref_slice %arg6[%dma_start3A_117, %dma_start3A_118] : memref<100x50xi32, #tpu.memory_space<vmem>> -> memref<1x50xi32, #tpu.memory_space<vmem>>
    %dma_start3A_120 = tpu.memref_squeeze %dma_start3A_119 : memref<1x50xi32, #tpu.memory_space<vmem>> -> memref<50xi32, #tpu.memory_space<vmem>>
    %dma_start3A_121 = arith.constant 0 : i32
    %dma_start3A_122 = arith.constant 0 : i32
    %dma_start3A_123 = tpu.memref_slice %arg2[%dma_start3A_121, %dma_start3A_122] : memref<10000x128xf32, #tpu.memory_space<hbm>> -> memref<10000x128xf32, #tpu.memory_space<hbm>>
    tpu.enqueue_indirect_dma source(%dma_start3A_123 : memref<10000x128xf32, #tpu.memory_space<hbm>>) target(%arg8 : memref<50x128xf32, #tpu.memory_space<vmem>>) offsets(%dma_start3A_120 : memref<50xi32, #tpu.memory_space<vmem>>) semaphore(%arg12 : memref<!tpu.dma_semaphore, #tpu.memory_space<semaphore_mem>>)
    %dma_start3A_124 = arith.constant 1 : i32
    %dma_start3A_125 = arith.constant 0 : i32
    %dma_start3A_126 = tpu.memref_slice %arg6[%dma_start3A_124, %dma_start3A_125] : memref<100x50xi32, #tpu.memory_space<vmem>> -> memref<1x50xi32, #tpu.memory_space<vmem>>
    %dma_start3A_127 = tpu.memref_squeeze %dma_start3A_126 : memref<1x50xi32, #tpu.memory_space<vmem>> -> memref<50xi32, #tpu.memory_space<vmem>>
    %dma_start3A_128 = arith.constant 0 : i32
    %dma_start3A_129 = arith.constant 0 : i32
    %dma_start3A_130 = tpu.memref_slice %arg2[%dma_start3A_128, %dma_start3A_129] : memref<10000x128xf32, #tpu.memory_space<hbm>> -> memref<10000x128xf32, #tpu.memory_space<hbm>>
    tpu.enqueue_indirect_dma source(%dma_start3A_130 : memref<10000x128xf32, #tpu.memory_space<hbm>>) target(%arg9 : memref<50x128xf32, #tpu.memory_space<vmem>>) offsets(%dma_start3A_127 : memref<50xi32, #tpu.memory_space<vmem>>) semaphore(%arg13 : memref<!tpu.dma_semaphore, #tpu.memory_space<semaphore_mem>>)
    %dma_start3A_131 = arith.constant 2 : i32
    %dma_start3A_132 = arith.constant 0 : i32
    %dma_start3A_133 = tpu.memref_slice %arg6[%dma_start3A_131, %dma_start3A_132] : memref<100x50xi32, #tpu.memory_space<vmem>> -> memref<1x50xi32, #tpu.memory_space<vmem>>
    %dma_start3A_134 = tpu.memref_squeeze %dma_start3A_133 : memref<1x50xi32, #tpu.memory_space<vmem>> -> memref<50xi32, #tpu.memory_space<vmem>>
    %dma_start3A_135 = arith.constant 0 : i32
    %dma_start3A_136 = arith.constant 0 : i32
    %dma_start3A_137 = tpu.memref_slice %arg2[%dma_start3A_135, %dma_start3A_136] : memref<10000x128xf32, #tpu.memory_space<hbm>> -> memref<10000x128xf32, #tpu.memory_space<hbm>>
    tpu.enqueue_indirect_dma source(%dma_start3A_137 : memref<10000x128xf32, #tpu.memory_space<hbm>>) target(%arg10 : memref<50x128xf32, #tpu.memory_space<vmem>>) offsets(%dma_start3A_134 : memref<50xi32, #tpu.memory_space<vmem>>) semaphore(%arg14 : memref<!tpu.dma_semaphore, #tpu.memory_space<semaphore_mem>>)
    %scan3A_138 = arith.constant 0 : i32
    %scan3A_139 = arith.constant 0 : i32
    %scan3A_140 = arith.constant 32 : i32
    %scan3A_141 = arith.addi %scan3A_139, %scan3A_140 : i32
    %scan3A_142 = arith.constant 1 : i32
    scf.for %scan3A_274 = %scan3A_139 to %scan3A_141 step %scan3A_142  : i32 {
      %mul3A_275 = arith.constant 3 : i32
      %mul3A_276 = arith.muli %mul3A_275, %scan3A_274 : i32
      %dma_wait3A_277 = arith.constant 0 : i32
      %dma_wait3A_278 = arith.constant 0 : i32
      %dma_wait3A_279 = tpu.memref_slice %arg6[%dma_wait3A_277, %dma_wait3A_278] : memref<100x50xi32, #tpu.memory_space<vmem>> -> memref<1x50xi32, #tpu.memory_space<vmem>>
      %dma_wait3A_280 = tpu.memref_squeeze %dma_wait3A_279 : memref<1x50xi32, #tpu.memory_space<vmem>> -> memref<50xi32, #tpu.memory_space<vmem>>
      %dma_wait3A_281 = arith.constant 0 : i32
      %dma_wait3A_282 = arith.constant 0 : i32
      %dma_wait3A_283 = tpu.memref_slice %arg2[%dma_wait3A_281, %dma_wait3A_282] : memref<10000x128xf32, #tpu.memory_space<hbm>> -> memref<10000x128xf32, #tpu.memory_space<hbm>>
      tpu.wait_indirect_dma semaphore(%arg12 : memref<!tpu.dma_semaphore, #tpu.memory_space<semaphore_mem>>) src(%dma_wait3A_283 : memref<10000x128xf32, #tpu.memory_space<hbm>>) dst(%arg8 : memref<50x128xf32, #tpu.memory_space<vmem>>)
      "tpu.region"() ({
        %run_scoped3A_326 = tpu.sem_alloc : memref<!tpu.dma_semaphore, #tpu.memory_space<semaphore_mem>>
        %dma_start3A_327 = arith.constant 0 : i32
        %dma_start3A_328 = tpu.memref_slice %arg7[%mul3A_276, %dma_start3A_327] : memref<100x50xi32, #tpu.memory_space<vmem>> -> memref<1x50xi32, #tpu.memory_space<vmem>>
        %dma_start3A_329 = tpu.memref_squeeze %dma_start3A_328 : memref<1x50xi32, #tpu.memory_space<vmem>> -> memref<50xi32, #tpu.memory_space<vmem>>
        %dma_start3A_330 = arith.constant 0 : i32
        %dma_start3A_331 = arith.constant 0 : i32
        %dma_start3A_332 = tpu.memref_slice %arg11[%dma_start3A_330, %dma_start3A_331] : memref<10240x128xf32, #tpu.memory_space<vmem_shared>> -> memref<10240x128xf32, #tpu.memory_space<vmem_shared>>
        tpu.enqueue_indirect_dma source(%arg8 : memref<50x128xf32, #tpu.memory_space<vmem>>) target(%dma_start3A_332 : memref<10240x128xf32, #tpu.memory_space<vmem_shared>>) offsets(%dma_start3A_329 : memref<50xi32, #tpu.memory_space<vmem>>) semaphore(%run_scoped3A_326 : memref<!tpu.dma_semaphore, #tpu.memory_space<semaphore_mem>>) {add = true}
        %dma_wait3A_333 = arith.constant 0 : i32
        %dma_wait3A_334 = tpu.memref_slice %arg7[%mul3A_276, %dma_wait3A_333] : memref<100x50xi32, #tpu.memory_space<vmem>> -> memref<1x50xi32, #tpu.memory_space<vmem>>
        %dma_wait3A_335 = tpu.memref_squeeze %dma_wait3A_334 : memref<1x50xi32, #tpu.memory_space<vmem>> -> memref<50xi32, #tpu.memory_space<vmem>>
        %dma_wait3A_336 = arith.constant 0 : i32
        %dma_wait3A_337 = arith.constant 0 : i32
        %dma_wait3A_338 = tpu.memref_slice %arg11[%dma_wait3A_336, %dma_wait3A_337] : memref<10240x128xf32, #tpu.memory_space<vmem_shared>> -> memref<10240x128xf32, #tpu.memory_space<vmem_shared>>
        tpu.wait_indirect_dma semaphore(%run_scoped3A_326 : memref<!tpu.dma_semaphore, #tpu.memory_space<semaphore_mem>>) src(%arg8 : memref<50x128xf32, #tpu.memory_space<vmem>>) dst(%dma_wait3A_338 : memref<10240x128xf32, #tpu.memory_space<vmem_shared>>)
        tpu.yield
      }) : () -> ()
      %add3A_284 = arith.constant 3 : i32
      %add3A_285 = arith.addi %mul3A_276, %add3A_284 : i32
      %dma_start3A_286 = arith.constant 0 : i32
      %dma_start3A_287 = tpu.memref_slice %arg6[%add3A_285, %dma_start3A_286] : memref<100x50xi32, #tpu.memory_space<vmem>> -> memref<1x50xi32, #tpu.memory_space<vmem>>
      %dma_start3A_288 = tpu.memref_squeeze %dma_start3A_287 : memref<1x50xi32, #tpu.memory_space<vmem>> -> memref<50xi32, #tpu.memory_space<vmem>>
      %dma_start3A_289 = arith.constant 0 : i32
      %dma_start3A_290 = arith.constant 0 : i32
      %dma_start3A_291 = tpu.memref_slice %arg2[%dma_start3A_289, %dma_start3A_290] : memref<10000x128xf32, #tpu.memory_space<hbm>> -> memref<10000x128xf32, #tpu.memory_space<hbm>>
      tpu.enqueue_indirect_dma source(%dma_start3A_291 : memref<10000x128xf32, #tpu.memory_space<hbm>>) target(%arg8 : memref<50x128xf32, #tpu.memory_space<vmem>>) offsets(%dma_start3A_288 : memref<50xi32, #tpu.memory_space<vmem>>) semaphore(%arg12 : memref<!tpu.dma_semaphore, #tpu.memory_space<semaphore_mem>>)
      %dma_wait3A_292 = arith.constant 0 : i32
      %dma_wait3A_293 = arith.constant 0 : i32
      %dma_wait3A_294 = tpu.memref_slice %arg6[%dma_wait3A_292, %dma_wait3A_293] : memref<100x50xi32, #tpu.memory_space<vmem>> -> memref<1x50xi32, #tpu.memory_space<vmem>>
      %dma_wait3A_295 = tpu.memref_squeeze %dma_wait3A_294 : memref<1x50xi32, #tpu.memory_space<vmem>> -> memref<50xi32, #tpu.memory_space<vmem>>
      %dma_wait3A_296 = arith.constant 0 : i32
      %dma_wait3A_297 = arith.constant 0 : i32
      %dma_wait3A_298 = tpu.memref_slice %arg2[%dma_wait3A_296, %dma_wait3A_297] : memref<10000x128xf32, #tpu.memory_space<hbm>> -> memref<10000x128xf32, #tpu.memory_space<hbm>>
      tpu.wait_indirect_dma semaphore(%arg13 : memref<!tpu.dma_semaphore, #tpu.memory_space<semaphore_mem>>) src(%dma_wait3A_298 : memref<10000x128xf32, #tpu.memory_space<hbm>>) dst(%arg9 : memref<50x128xf32, #tpu.memory_space<vmem>>)
      %add3A_299 = arith.constant 1 : i32
      %add3A_300 = arith.addi %mul3A_276, %add3A_299 : i32
      "tpu.region"() ({
        %run_scoped3A_326 = tpu.sem_alloc : memref<!tpu.dma_semaphore, #tpu.memory_space<semaphore_mem>>
        %dma_start3A_327 = arith.constant 0 : i32
        %dma_start3A_328 = tpu.memref_slice %arg7[%add3A_300, %dma_start3A_327] : memref<100x50xi32, #tpu.memory_space<vmem>> -> memref<1x50xi32, #tpu.memory_space<vmem>>
        %dma_start3A_329 = tpu.memref_squeeze %dma_start3A_328 : memref<1x50xi32, #tpu.memory_space<vmem>> -> memref<50xi32, #tpu.memory_space<vmem>>
        %dma_start3A_330 = arith.constant 0 : i32
        %dma_start3A_331 = arith.constant 0 : i32
        %dma_start3A_332 = tpu.memref_slice %arg11[%dma_start3A_330, %dma_start3A_331] : memref<10240x128xf32, #tpu.memory_space<vmem_shared>> -> memref<10240x128xf32, #tpu.memory_space<vmem_shared>>
        tpu.enqueue_indirect_dma source(%arg9 : memref<50x128xf32, #tpu.memory_space<vmem>>) target(%dma_start3A_332 : memref<10240x128xf32, #tpu.memory_space<vmem_shared>>) offsets(%dma_start3A_329 : memref<50xi32, #tpu.memory_space<vmem>>) semaphore(%run_scoped3A_326 : memref<!tpu.dma_semaphore, #tpu.memory_space<semaphore_mem>>) {add = true}
        %dma_wait3A_333 = arith.constant 0 : i32
        %dma_wait3A_334 = tpu.memref_slice %arg7[%add3A_300, %dma_wait3A_333] : memref<100x50xi32, #tpu.memory_space<vmem>> -> memref<1x50xi32, #tpu.memory_space<vmem>>
        %dma_wait3A_335 = tpu.memref_squeeze %dma_wait3A_334 : memref<1x50xi32, #tpu.memory_space<vmem>> -> memref<50xi32, #tpu.memory_space<vmem>>
        %dma_wait3A_336 = arith.constant 0 : i32
        %dma_wait3A_337 = arith.constant 0 : i32
        %dma_wait3A_338 = tpu.memref_slice %arg11[%dma_wait3A_336, %dma_wait3A_337] : memref<10240x128xf32, #tpu.memory_space<vmem_shared>> -> memref<10240x128xf32, #tpu.memory_space<vmem_shared>>
        tpu.wait_indirect_dma semaphore(%run_scoped3A_326 : memref<!tpu.dma_semaphore, #tpu.memory_space<semaphore_mem>>) src(%arg9 : memref<50x128xf32, #tpu.memory_space<vmem>>) dst(%dma_wait3A_338 : memref<10240x128xf32, #tpu.memory_space<vmem_shared>>)
        tpu.yield
      }) : () -> ()
      %add3A_301 = arith.constant 4 : i32
      %add3A_302 = arith.addi %mul3A_276, %add3A_301 : i32
      %dma_start3A_303 = arith.constant 0 : i32
      %dma_start3A_304 = tpu.memref_slice %arg6[%add3A_302, %dma_start3A_303] : memref<100x50xi32, #tpu.memory_space<vmem>> -> memref<1x50xi32, #tpu.memory_space<vmem>>
      %dma_start3A_305 = tpu.memref_squeeze %dma_start3A_304 : memref<1x50xi32, #tpu.memory_space<vmem>> -> memref<50xi32, #tpu.memory_space<vmem>>
      %dma_start3A_306 = arith.constant 0 : i32
      %dma_start3A_307 = arith.constant 0 : i32
      %dma_start3A_308 = tpu.memref_slice %arg2[%dma_start3A_306, %dma_start3A_307] : memref<10000x128xf32, #tpu.memory_space<hbm>> -> memref<10000x128xf32, #tpu.memory_space<hbm>>
      tpu.enqueue_indirect_dma source(%dma_start3A_308 : memref<10000x128xf32, #tpu.memory_space<hbm>>) target(%arg9 : memref<50x128xf32, #tpu.memory_space<vmem>>) offsets(%dma_start3A_305 : memref<50xi32, #tpu.memory_space<vmem>>) semaphore(%arg13 : memref<!tpu.dma_semaphore, #tpu.memory_space<semaphore_mem>>)
      %dma_wait3A_309 = arith.constant 0 : i32
      %dma_wait3A_310 = arith.constant 0 : i32
      %dma_wait3A_311 = tpu.memref_slice %arg6[%dma_wait3A_309, %dma_wait3A_310] : memref<100x50xi32, #tpu.memory_space<vmem>> -> memref<1x50xi32, #tpu.memory_space<vmem>>
      %dma_wait3A_312 = tpu.memref_squeeze %dma_wait3A_311 : memref<1x50xi32, #tpu.memory_space<vmem>> -> memref<50xi32, #tpu.memory_space<vmem>>
      %dma_wait3A_313 = arith.constant 0 : i32
      %dma_wait3A_314 = arith.constant 0 : i32
      %dma_wait3A_315 = tpu.memref_slice %arg2[%dma_wait3A_313, %dma_wait3A_314] : memref<10000x128xf32, #tpu.memory_space<hbm>> -> memref<10000x128xf32, #tpu.memory_space<hbm>>
      tpu.wait_indirect_dma semaphore(%arg14 : memref<!tpu.dma_semaphore, #tpu.memory_space<semaphore_mem>>) src(%dma_wait3A_315 : memref<10000x128xf32, #tpu.memory_space<hbm>>) dst(%arg10 : memref<50x128xf32, #tpu.memory_space<vmem>>)
      %add3A_316 = arith.constant 2 : i32
      %add3A_317 = arith.addi %mul3A_276, %add3A_316 : i32
      "tpu.region"() ({
        %run_scoped3A_326 = tpu.sem_alloc : memref<!tpu.dma_semaphore, #tpu.memory_space<semaphore_mem>>
        %dma_start3A_327 = arith.constant 0 : i32
        %dma_start3A_328 = tpu.memref_slice %arg7[%add3A_317, %dma_start3A_327] : memref<100x50xi32, #tpu.memory_space<vmem>> -> memref<1x50xi32, #tpu.memory_space<vmem>>
        %dma_start3A_329 = tpu.memref_squeeze %dma_start3A_328 : memref<1x50xi32, #tpu.memory_space<vmem>> -> memref<50xi32, #tpu.memory_space<vmem>>
        %dma_start3A_330 = arith.constant 0 : i32
        %dma_start3A_331 = arith.constant 0 : i32
        %dma_start3A_332 = tpu.memref_slice %arg11[%dma_start3A_330, %dma_start3A_331] : memref<10240x128xf32, #tpu.memory_space<vmem_shared>> -> memref<10240x128xf32, #tpu.memory_space<vmem_shared>>
        tpu.enqueue_indirect_dma source(%arg10 : memref<50x128xf32, #tpu.memory_space<vmem>>) target(%dma_start3A_332 : memref<10240x128xf32, #tpu.memory_space<vmem_shared>>) offsets(%dma_start3A_329 : memref<50xi32, #tpu.memory_space<vmem>>) semaphore(%run_scoped3A_326 : memref<!tpu.dma_semaphore, #tpu.memory_space<semaphore_mem>>) {add = true}
        %dma_wait3A_333 = arith.constant 0 : i32
        %dma_wait3A_334 = tpu.memref_slice %arg7[%add3A_317, %dma_wait3A_333] : memref<100x50xi32, #tpu.memory_space<vmem>> -> memref<1x50xi32, #tpu.memory_space<vmem>>
        %dma_wait3A_335 = tpu.memref_squeeze %dma_wait3A_334 : memref<1x50xi32, #tpu.memory_space<vmem>> -> memref<50xi32, #tpu.memory_space<vmem>>
        %dma_wait3A_336 = arith.constant 0 : i32
        %dma_wait3A_337 = arith.constant 0 : i32
        %dma_wait3A_338 = tpu.memref_slice %arg11[%dma_wait3A_336, %dma_wait3A_337] : memref<10240x128xf32, #tpu.memory_space<vmem_shared>> -> memref<10240x128xf32, #tpu.memory_space<vmem_shared>>
        tpu.wait_indirect_dma semaphore(%run_scoped3A_326 : memref<!tpu.dma_semaphore, #tpu.memory_space<semaphore_mem>>) src(%arg10 : memref<50x128xf32, #tpu.memory_space<vmem>>) dst(%dma_wait3A_338 : memref<10240x128xf32, #tpu.memory_space<vmem_shared>>)
        tpu.yield
      }) : () -> ()
      %add3A_318 = arith.constant 5 : i32
      %add3A_319 = arith.addi %mul3A_276, %add3A_318 : i32
      %dma_start3A_320 = arith.constant 0 : i32
      %dma_start3A_321 = tpu.memref_slice %arg6[%add3A_319, %dma_start3A_320] : memref<100x50xi32, #tpu.memory_space<vmem>> -> memref<1x50xi32, #tpu.memory_space<vmem>>
      %dma_start3A_322 = tpu.memref_squeeze %dma_start3A_321 : memref<1x50xi32, #tpu.memory_space<vmem>> -> memref<50xi32, #tpu.memory_space<vmem>>
      %dma_start3A_323 = arith.constant 0 : i32
      %dma_start3A_324 = arith.constant 0 : i32
      %dma_start3A_325 = tpu.memref_slice %arg2[%dma_start3A_323, %dma_start3A_324] : memref<10000x128xf32, #tpu.memory_space<hbm>> -> memref<10000x128xf32, #tpu.memory_space<hbm>>
      tpu.enqueue_indirect_dma source(%dma_start3A_325 : memref<10000x128xf32, #tpu.memory_space<hbm>>) target(%arg10 : memref<50x128xf32, #tpu.memory_space<vmem>>) offsets(%dma_start3A_322 : memref<50xi32, #tpu.memory_space<vmem>>) semaphore(%arg14 : memref<!tpu.dma_semaphore, #tpu.memory_space<semaphore_mem>>)
    }
    %scan3A_143 = arith.constant 32 : i32
    %dma_wait3A_144 = arith.constant 0 : i32
    %dma_wait3A_145 = arith.constant 0 : i32
    %dma_wait3A_146 = tpu.memref_slice %arg6[%dma_wait3A_144, %dma_wait3A_145] : memref<100x50xi32, #tpu.memory_space<vmem>> -> memref<1x50xi32, #tpu.memory_space<vmem>>
    %dma_wait3A_147 = tpu.memref_squeeze %dma_wait3A_146 : memref<1x50xi32, #tpu.memory_space<vmem>> -> memref<50xi32, #tpu.memory_space<vmem>>
    %dma_wait3A_148 = arith.constant 0 : i32
    %dma_wait3A_149 = arith.constant 0 : i32
    %dma_wait3A_150 = tpu.memref_slice %arg2[%dma_wait3A_148, %dma_wait3A_149] : memref<10000x128xf32, #tpu.memory_space<hbm>> -> memref<10000x128xf32, #tpu.memory_space<hbm>>
    tpu.wait_indirect_dma semaphore(%arg12 : memref<!tpu.dma_semaphore, #tpu.memory_space<semaphore_mem>>) src(%dma_wait3A_150 : memref<10000x128xf32, #tpu.memory_space<hbm>>) dst(%arg8 : memref<50x128xf32, #tpu.memory_space<vmem>>)
    %run_scoped3A_151 = arith.constant 96 : i32
    "tpu.region"() ({
      %run_scoped3A_274 = tpu.sem_alloc : memref<!tpu.dma_semaphore, #tpu.memory_space<semaphore_mem>>
      %dma_start3A_275 = arith.constant 0 : i32
      %dma_start3A_276 = tpu.memref_slice %arg7[%run_scoped3A_151, %dma_start3A_275] : memref<100x50xi32, #tpu.memory_space<vmem>> -> memref<1x50xi32, #tpu.memory_space<vmem>>
      %dma_start3A_277 = tpu.memref_squeeze %dma_start3A_276 : memref<1x50xi32, #tpu.memory_space<vmem>> -> memref<50xi32, #tpu.memory_space<vmem>>
      %dma_start3A_278 = arith.constant 0 : i32
      %dma_start3A_279 = arith.constant 0 : i32
      %dma_start3A_280 = tpu.memref_slice %arg11[%dma_start3A_278, %dma_start3A_279] : memref<10240x128xf32, #tpu.memory_space<vmem_shared>> -> memref<10240x128xf32, #tpu.memory_space<vmem_shared>>
      tpu.enqueue_indirect_dma source(%arg8 : memref<50x128xf32, #tpu.memory_space<vmem>>) target(%dma_start3A_280 : memref<10240x128xf32, #tpu.memory_space<vmem_shared>>) offsets(%dma_start3A_277 : memref<50xi32, #tpu.memory_space<vmem>>) semaphore(%run_scoped3A_274 : memref<!tpu.dma_semaphore, #tpu.memory_space<semaphore_mem>>) {add = true}
      %dma_wait3A_281 = arith.constant 0 : i32
      %dma_wait3A_282 = tpu.memref_slice %arg7[%run_scoped3A_151, %dma_wait3A_281] : memref<100x50xi32, #tpu.memory_space<vmem>> -> memref<1x50xi32, #tpu.memory_space<vmem>>
      %dma_wait3A_283 = tpu.memref_squeeze %dma_wait3A_282 : memref<1x50xi32, #tpu.memory_space<vmem>> -> memref<50xi32, #tpu.memory_space<vmem>>
      %dma_wait3A_284 = arith.constant 0 : i32
      %dma_wait3A_285 = arith.constant 0 : i32
      %dma_wait3A_286 = tpu.memref_slice %arg11[%dma_wait3A_284, %dma_wait3A_285] : memref<10240x128xf32, #tpu.memory_space<vmem_shared>> -> memref<10240x128xf32, #tpu.memory_space<vmem_shared>>
      tpu.wait_indirect_dma semaphore(%run_scoped3A_274 : memref<!tpu.dma_semaphore, #tpu.memory_space<semaphore_mem>>) src(%arg8 : memref<50x128xf32, #tpu.memory_space<vmem>>) dst(%dma_wait3A_286 : memref<10240x128xf32, #tpu.memory_space<vmem_shared>>)
      tpu.yield
    }) : () -> ()
    %dma_start3A_152 = arith.constant 99 : i32
    %dma_start3A_153 = arith.constant 0 : i32
    %dma_start3A_154 = tpu.memref_slice %arg6[%dma_start3A_152, %dma_start3A_153] : memref<100x50xi32, #tpu.memory_space<vmem>> -> memref<1x50xi32, #tpu.memory_space<vmem>>
    %dma_start3A_155 = tpu.memref_squeeze %dma_start3A_154 : memref<1x50xi32, #tpu.memory_space<vmem>> -> memref<50xi32, #tpu.memory_space<vmem>>
    %dma_start3A_156 = arith.constant 0 : i32
    %dma_start3A_157 = arith.constant 0 : i32
    %dma_start3A_158 = tpu.memref_slice %arg2[%dma_start3A_156, %dma_start3A_157] : memref<10000x128xf32, #tpu.memory_space<hbm>> -> memref<10000x128xf32, #tpu.memory_space<hbm>>
    tpu.enqueue_indirect_dma source(%dma_start3A_158 : memref<10000x128xf32, #tpu.memory_space<hbm>>) target(%arg8 : memref<50x128xf32, #tpu.memory_space<vmem>>) offsets(%dma_start3A_155 : memref<50xi32, #tpu.memory_space<vmem>>) semaphore(%arg12 : memref<!tpu.dma_semaphore, #tpu.memory_space<semaphore_mem>>)
    %dma_wait3A_159 = arith.constant 0 : i32
    %dma_wait3A_160 = arith.constant 0 : i32
    %dma_wait3A_161 = tpu.memref_slice %arg6[%dma_wait3A_159, %dma_wait3A_160] : memref<100x50xi32, #tpu.memory_space<vmem>> -> memref<1x50xi32, #tpu.memory_space<vmem>>
    %dma_wait3A_162 = tpu.memref_squeeze %dma_wait3A_161 : memref<1x50xi32, #tpu.memory_space<vmem>> -> memref<50xi32, #tpu.memory_space<vmem>>
    %dma_wait3A_163 = arith.constant 0 : i32
    %dma_wait3A_164 = arith.constant 0 : i32
    %dma_wait3A_165 = tpu.memref_slice %arg2[%dma_wait3A_163, %dma_wait3A_164] : memref<10000x128xf32, #tpu.memory_space<hbm>> -> memref<10000x128xf32, #tpu.memory_space<hbm>>
    tpu.wait_indirect_dma semaphore(%arg13 : memref<!tpu.dma_semaphore, #tpu.memory_space<semaphore_mem>>) src(%dma_wait3A_165 : memref<10000x128xf32, #tpu.memory_space<hbm>>) dst(%arg9 : memref<50x128xf32, #tpu.memory_space<vmem>>)
    %run_scoped3A_166 = arith.constant 97 : i32
    "tpu.region"() ({
      %run_scoped3A_274 = tpu.sem_alloc : memref<!tpu.dma_semaphore, #tpu.memory_space<semaphore_mem>>
      %dma_start3A_275 = arith.constant 0 : i32
      %dma_start3A_276 = tpu.memref_slice %arg7[%run_scoped3A_166, %dma_start3A_275] : memref<100x50xi32, #tpu.memory_space<vmem>> -> memref<1x50xi32, #tpu.memory_space<vmem>>
      %dma_start3A_277 = tpu.memref_squeeze %dma_start3A_276 : memref<1x50xi32, #tpu.memory_space<vmem>> -> memref<50xi32, #tpu.memory_space<vmem>>
      %dma_start3A_278 = arith.constant 0 : i32
      %dma_start3A_279 = arith.constant 0 : i32
      %dma_start3A_280 = tpu.memref_slice %arg11[%dma_start3A_278, %dma_start3A_279] : memref<10240x128xf32, #tpu.memory_space<vmem_shared>> -> memref<10240x128xf32, #tpu.memory_space<vmem_shared>>
      tpu.enqueue_indirect_dma source(%arg9 : memref<50x128xf32, #tpu.memory_space<vmem>>) target(%dma_start3A_280 : memref<10240x128xf32, #tpu.memory_space<vmem_shared>>) offsets(%dma_start3A_277 : memref<50xi32, #tpu.memory_space<vmem>>) semaphore(%run_scoped3A_274 : memref<!tpu.dma_semaphore, #tpu.memory_space<semaphore_mem>>) {add = true}
      %dma_wait3A_281 = arith.constant 0 : i32
      %dma_wait3A_282 = tpu.memref_slice %arg7[%run_scoped3A_166, %dma_wait3A_281] : memref<100x50xi32, #tpu.memory_space<vmem>> -> memref<1x50xi32, #tpu.memory_space<vmem>>
      %dma_wait3A_283 = tpu.memref_squeeze %dma_wait3A_282 : memref<1x50xi32, #tpu.memory_space<vmem>> -> memref<50xi32, #tpu.memory_space<vmem>>
      %dma_wait3A_284 = arith.constant 0 : i32
      %dma_wait3A_285 = arith.constant 0 : i32
      %dma_wait3A_286 = tpu.memref_slice %arg11[%dma_wait3A_284, %dma_wait3A_285] : memref<10240x128xf32, #tpu.memory_space<vmem_shared>> -> memref<10240x128xf32, #tpu.memory_space<vmem_shared>>
      tpu.wait_indirect_dma semaphore(%run_scoped3A_274 : memref<!tpu.dma_semaphore, #tpu.memory_space<semaphore_mem>>) src(%arg9 : memref<50x128xf32, #tpu.memory_space<vmem>>) dst(%dma_wait3A_286 : memref<10240x128xf32, #tpu.memory_space<vmem_shared>>)
      tpu.yield
    }) : () -> ()
    %dma_wait3A_167 = arith.constant 0 : i32
    %dma_wait3A_168 = arith.constant 0 : i32
    %dma_wait3A_169 = tpu.memref_slice %arg6[%dma_wait3A_167, %dma_wait3A_168] : memref<100x50xi32, #tpu.memory_space<vmem>> -> memref<1x50xi32, #tpu.memory_space<vmem>>
    %dma_wait3A_170 = tpu.memref_squeeze %dma_wait3A_169 : memref<1x50xi32, #tpu.memory_space<vmem>> -> memref<50xi32, #tpu.memory_space<vmem>>
    %dma_wait3A_171 = arith.constant 0 : i32
    %dma_wait3A_172 = arith.constant 0 : i32
    %dma_wait3A_173 = tpu.memref_slice %arg2[%dma_wait3A_171, %dma_wait3A_172] : memref<10000x128xf32, #tpu.memory_space<hbm>> -> memref<10000x128xf32, #tpu.memory_space<hbm>>
    tpu.wait_indirect_dma semaphore(%arg14 : memref<!tpu.dma_semaphore, #tpu.memory_space<semaphore_mem>>) src(%dma_wait3A_173 : memref<10000x128xf32, #tpu.memory_space<hbm>>) dst(%arg10 : memref<50x128xf32, #tpu.memory_space<vmem>>)
    %run_scoped3A_174 = arith.constant 98 : i32
    "tpu.region"() ({
      %run_scoped3A_274 = tpu.sem_alloc : memref<!tpu.dma_semaphore, #tpu.memory_space<semaphore_mem>>
      %dma_start3A_275 = arith.constant 0 : i32
      %dma_start3A_276 = tpu.memref_slice %arg7[%run_scoped3A_174, %dma_start3A_275] : memref<100x50xi32, #tpu.memory_space<vmem>> -> memref<1x50xi32, #tpu.memory_space<vmem>>
      %dma_start3A_277 = tpu.memref_squeeze %dma_start3A_276 : memref<1x50xi32, #tpu.memory_space<vmem>> -> memref<50xi32, #tpu.memory_space<vmem>>
      %dma_start3A_278 = arith.constant 0 : i32
      %dma_start3A_279 = arith.constant 0 : i32
      %dma_start3A_280 = tpu.memref_slice %arg11[%dma_start3A_278, %dma_start3A_279] : memref<10240x128xf32, #tpu.memory_space<vmem_shared>> -> memref<10240x128xf32, #tpu.memory_space<vmem_shared>>
      tpu.enqueue_indirect_dma source(%arg10 : memref<50x128xf32, #tpu.memory_space<vmem>>) target(%dma_start3A_280 : memref<10240x128xf32, #tpu.memory_space<vmem_shared>>) offsets(%dma_start3A_277 : memref<50xi32, #tpu.memory_space<vmem>>) semaphore(%run_scoped3A_274 : memref<!tpu.dma_semaphore, #tpu.memory_space<semaphore_mem>>) {add = true}
      %dma_wait3A_281 = arith.constant 0 : i32
      %dma_wait3A_282 = tpu.memref_slice %arg7[%run_scoped3A_174, %dma_wait3A_281] : memref<100x50xi32, #tpu.memory_space<vmem>> -> memref<1x50xi32, #tpu.memory_space<vmem>>
      %dma_wait3A_283 = tpu.memref_squeeze %dma_wait3A_282 : memref<1x50xi32, #tpu.memory_space<vmem>> -> memref<50xi32, #tpu.memory_space<vmem>>
      %dma_wait3A_284 = arith.constant 0 : i32
      %dma_wait3A_285 = arith.constant 0 : i32
      %dma_wait3A_286 = tpu.memref_slice %arg11[%dma_wait3A_284, %dma_wait3A_285] : memref<10240x128xf32, #tpu.memory_space<vmem_shared>> -> memref<10240x128xf32, #tpu.memory_space<vmem_shared>>
      tpu.wait_indirect_dma semaphore(%run_scoped3A_274 : memref<!tpu.dma_semaphore, #tpu.memory_space<semaphore_mem>>) src(%arg10 : memref<50x128xf32, #tpu.memory_space<vmem>>) dst(%dma_wait3A_286 : memref<10240x128xf32, #tpu.memory_space<vmem_shared>>)
      tpu.yield
    }) : () -> ()
    %dma_wait3A_175 = arith.constant 0 : i32
    %dma_wait3A_176 = arith.constant 0 : i32
    %dma_wait3A_177 = tpu.memref_slice %arg6[%dma_wait3A_175, %dma_wait3A_176] : memref<100x50xi32, #tpu.memory_space<vmem>> -> memref<1x50xi32, #tpu.memory_space<vmem>>
    %dma_wait3A_178 = tpu.memref_squeeze %dma_wait3A_177 : memref<1x50xi32, #tpu.memory_space<vmem>> -> memref<50xi32, #tpu.memory_space<vmem>>
    %dma_wait3A_179 = arith.constant 0 : i32
    %dma_wait3A_180 = arith.constant 0 : i32
    %dma_wait3A_181 = tpu.memref_slice %arg2[%dma_wait3A_179, %dma_wait3A_180] : memref<10000x128xf32, #tpu.memory_space<hbm>> -> memref<10000x128xf32, #tpu.memory_space<hbm>>
    tpu.wait_indirect_dma semaphore(%arg12 : memref<!tpu.dma_semaphore, #tpu.memory_space<semaphore_mem>>) src(%dma_wait3A_181 : memref<10000x128xf32, #tpu.memory_space<hbm>>) dst(%arg8 : memref<50x128xf32, #tpu.memory_space<vmem>>)
    %run_scoped3A_182 = arith.constant 99 : i32
    "tpu.region"() ({
      %run_scoped3A_274 = tpu.sem_alloc : memref<!tpu.dma_semaphore, #tpu.memory_space<semaphore_mem>>
      %dma_start3A_275 = arith.constant 0 : i32
      %dma_start3A_276 = tpu.memref_slice %arg7[%run_scoped3A_182, %dma_start3A_275] : memref<100x50xi32, #tpu.memory_space<vmem>> -> memref<1x50xi32, #tpu.memory_space<vmem>>
      %dma_start3A_277 = tpu.memref_squeeze %dma_start3A_276 : memref<1x50xi32, #tpu.memory_space<vmem>> -> memref<50xi32, #tpu.memory_space<vmem>>
      %dma_start3A_278 = arith.constant 0 : i32
      %dma_start3A_279 = arith.constant 0 : i32
      %dma_start3A_280 = tpu.memref_slice %arg11[%dma_start3A_278, %dma_start3A_279] : memref<10240x128xf32, #tpu.memory_space<vmem_shared>> -> memref<10240x128xf32, #tpu.memory_space<vmem_shared>>
      tpu.enqueue_indirect_dma source(%arg8 : memref<50x128xf32, #tpu.memory_space<vmem>>) target(%dma_start3A_280 : memref<10240x128xf32, #tpu.memory_space<vmem_shared>>) offsets(%dma_start3A_277 : memref<50xi32, #tpu.memory_space<vmem>>) semaphore(%run_scoped3A_274 : memref<!tpu.dma_semaphore, #tpu.memory_space<semaphore_mem>>) {add = true}
      %dma_wait3A_281 = arith.constant 0 : i32
      %dma_wait3A_282 = tpu.memref_slice %arg7[%run_scoped3A_182, %dma_wait3A_281] : memref<100x50xi32, #tpu.memory_space<vmem>> -> memref<1x50xi32, #tpu.memory_space<vmem>>
      %dma_wait3A_283 = tpu.memref_squeeze %dma_wait3A_282 : memref<1x50xi32, #tpu.memory_space<vmem>> -> memref<50xi32, #tpu.memory_space<vmem>>
      %dma_wait3A_284 = arith.constant 0 : i32
      %dma_wait3A_285 = arith.constant 0 : i32
      %dma_wait3A_286 = tpu.memref_slice %arg11[%dma_wait3A_284, %dma_wait3A_285] : memref<10240x128xf32, #tpu.memory_space<vmem_shared>> -> memref<10240x128xf32, #tpu.memory_space<vmem_shared>>
      tpu.wait_indirect_dma semaphore(%run_scoped3A_274 : memref<!tpu.dma_semaphore, #tpu.memory_space<semaphore_mem>>) src(%arg8 : memref<50x128xf32, #tpu.memory_space<vmem>>) dst(%dma_wait3A_286 : memref<10240x128xf32, #tpu.memory_space<vmem_shared>>)
      tpu.yield
    }) : () -> ()
    %barrier3A_183 = arith.constant 0 : index
    tpu.barrier barrier_id(%barrier3A_183)
    %mul3A_184 = arith.constant 640 : i32
    %mul3A_185 = arith.muli %arg1, %mul3A_184 : i32
    %add3A_186 = arith.constant 0 : i32
    %add3A_187 = arith.addi %mul3A_185, %add3A_186 : i32
    %dma_start3A_188 = arith.constant 0 : i32
    %dma_start3A_189 = tpu.memref_slice %arg5[%arg0, %add3A_187, %dma_start3A_188] : memref<2x10240x128xf32, #tpu.memory_space<hbm>> -> memref<1x128x128xf32, #tpu.memory_space<hbm>>
    %dma_start3A_190 = tpu.memref_squeeze %dma_start3A_189 : memref<1x128x128xf32, #tpu.memory_space<hbm>> -> memref<128x128xf32, #tpu.memory_space<hbm>>
    %dma_start3A_191 = arith.constant 0 : i32
    %dma_start3A_192 = tpu.memref_slice %arg11[%add3A_187, %dma_start3A_191] : memref<10240x128xf32, #tpu.memory_space<vmem_shared>> -> memref<128x128xf32, #tpu.memory_space<vmem_shared>>
    tpu.enqueue_dma source(%dma_start3A_192 : memref<128x128xf32, #tpu.memory_space<vmem_shared>>) target(%dma_start3A_190 : memref<128x128xf32, #tpu.memory_space<hbm>>) target_semaphore(%arg15 : memref<!tpu.dma_semaphore, #tpu.memory_space<semaphore_mem>>)
    %mul3A_193 = arith.constant 640 : i32
    %mul3A_194 = arith.muli %arg1, %mul3A_193 : i32
    %add3A_195 = arith.constant 128 : i32
    %add3A_196 = arith.addi %mul3A_194, %add3A_195 : i32
    %dma_start3A_197 = arith.constant 0 : i32
    %dma_start3A_198 = tpu.memref_slice %arg5[%arg0, %add3A_196, %dma_start3A_197] : memref<2x10240x128xf32, #tpu.memory_space<hbm>> -> memref<1x128x128xf32, #tpu.memory_space<hbm>>
    %dma_start3A_199 = tpu.memref_squeeze %dma_start3A_198 : memref<1x128x128xf32, #tpu.memory_space<hbm>> -> memref<128x128xf32, #tpu.memory_space<hbm>>
    %dma_start3A_200 = arith.constant 0 : i32
    %dma_start3A_201 = tpu.memref_slice %arg11[%add3A_196, %dma_start3A_200] : memref<10240x128xf32, #tpu.memory_space<vmem_shared>> -> memref<128x128xf32, #tpu.memory_space<vmem_shared>>
    tpu.enqueue_dma source(%dma_start3A_201 : memref<128x128xf32, #tpu.memory_space<vmem_shared>>) target(%dma_start3A_199 : memref<128x128xf32, #tpu.memory_space<hbm>>) target_semaphore(%arg15 : memref<!tpu.dma_semaphore, #tpu.memory_space<semaphore_mem>>)
    %mul3A_202 = arith.constant 640 : i32
    %mul3A_203 = arith.muli %arg1, %mul3A_202 : i32
    %add3A_204 = arith.constant 256 : i32
    %add3A_205 = arith.addi %mul3A_203, %add3A_204 : i32
    %dma_start3A_206 = arith.constant 0 : i32
    %dma_start3A_207 = tpu.memref_slice %arg5[%arg0, %add3A_205, %dma_start3A_206] : memref<2x10240x128xf32, #tpu.memory_space<hbm>> -> memref<1x128x128xf32, #tpu.memory_space<hbm>>
    %dma_start3A_208 = tpu.memref_squeeze %dma_start3A_207 : memref<1x128x128xf32, #tpu.memory_space<hbm>> -> memref<128x128xf32, #tpu.memory_space<hbm>>
    %dma_start3A_209 = arith.constant 0 : i32
    %dma_start3A_210 = tpu.memref_slice %arg11[%add3A_205, %dma_start3A_209] : memref<10240x128xf32, #tpu.memory_space<vmem_shared>> -> memref<128x128xf32, #tpu.memory_space<vmem_shared>>
    tpu.enqueue_dma source(%dma_start3A_210 : memref<128x128xf32, #tpu.memory_space<vmem_shared>>) target(%dma_start3A_208 : memref<128x128xf32, #tpu.memory_space<hbm>>) target_semaphore(%arg15 : memref<!tpu.dma_semaphore, #tpu.memory_space<semaphore_mem>>)
    %mul3A_211 = arith.constant 640 : i32
    %mul3A_212 = arith.muli %arg1, %mul3A_211 : i32
    %add3A_213 = arith.constant 384 : i32
    %add3A_214 = arith.addi %mul3A_212, %add3A_213 : i32
    %dma_start3A_215 = arith.constant 0 : i32
    %dma_start3A_216 = tpu.memref_slice %arg5[%arg0, %add3A_214, %dma_start3A_215] : memref<2x10240x128xf32, #tpu.memory_space<hbm>> -> memref<1x128x128xf32, #tpu.memory_space<hbm>>
    %dma_start3A_217 = tpu.memref_squeeze %dma_start3A_216 : memref<1x128x128xf32, #tpu.memory_space<hbm>> -> memref<128x128xf32, #tpu.memory_space<hbm>>
    %dma_start3A_218 = arith.constant 0 : i32
    %dma_start3A_219 = tpu.memref_slice %arg11[%add3A_214, %dma_start3A_218] : memref<10240x128xf32, #tpu.memory_space<vmem_shared>> -> memref<128x128xf32, #tpu.memory_space<vmem_shared>>
    tpu.enqueue_dma source(%dma_start3A_219 : memref<128x128xf32, #tpu.memory_space<vmem_shared>>) target(%dma_start3A_217 : memref<128x128xf32, #tpu.memory_space<hbm>>) target_semaphore(%arg15 : memref<!tpu.dma_semaphore, #tpu.memory_space<semaphore_mem>>)
    %mul3A_220 = arith.constant 640 : i32
    %mul3A_221 = arith.muli %arg1, %mul3A_220 : i32
    %add3A_222 = arith.constant 512 : i32
    %add3A_223 = arith.addi %mul3A_221, %add3A_222 : i32
    %dma_start3A_224 = arith.constant 0 : i32
    %dma_start3A_225 = tpu.memref_slice %arg5[%arg0, %add3A_223, %dma_start3A_224] : memref<2x10240x128xf32, #tpu.memory_space<hbm>> -> memref<1x128x128xf32, #tpu.memory_space<hbm>>
    %dma_start3A_226 = tpu.memref_squeeze %dma_start3A_225 : memref<1x128x128xf32, #tpu.memory_space<hbm>> -> memref<128x128xf32, #tpu.memory_space<hbm>>
    %dma_start3A_227 = arith.constant 0 : i32
    %dma_start3A_228 = tpu.memref_slice %arg11[%add3A_223, %dma_start3A_227] : memref<10240x128xf32, #tpu.memory_space<vmem_shared>> -> memref<128x128xf32, #tpu.memory_space<vmem_shared>>
    tpu.enqueue_dma source(%dma_start3A_228 : memref<128x128xf32, #tpu.memory_space<vmem_shared>>) target(%dma_start3A_226 : memref<128x128xf32, #tpu.memory_space<hbm>>) target_semaphore(%arg15 : memref<!tpu.dma_semaphore, #tpu.memory_space<semaphore_mem>>)
    %mul3A_229 = arith.constant 640 : i32
    %mul3A_230 = arith.muli %arg1, %mul3A_229 : i32
    %add3A_231 = arith.constant 0 : i32
    %add3A_232 = arith.addi %mul3A_230, %add3A_231 : i32
    %dma_wait3A_233 = arith.constant 0 : i32
    %dma_wait3A_234 = tpu.memref_slice %arg5[%arg0, %add3A_232, %dma_wait3A_233] : memref<2x10240x128xf32, #tpu.memory_space<hbm>> -> memref<1x128x128xf32, #tpu.memory_space<hbm>>
    %dma_wait3A_235 = tpu.memref_squeeze %dma_wait3A_234 : memref<1x128x128xf32, #tpu.memory_space<hbm>> -> memref<128x128xf32, #tpu.memory_space<hbm>>
    %dma_wait3A_236 = arith.constant 0 : i32
    %dma_wait3A_237 = tpu.memref_slice %arg11[%add3A_232, %dma_wait3A_236] : memref<10240x128xf32, #tpu.memory_space<vmem_shared>> -> memref<128x128xf32, #tpu.memory_space<vmem_shared>>
    tpu.wait_dma2 semaphore(%arg15 : memref<!tpu.dma_semaphore, #tpu.memory_space<semaphore_mem>>) src(%dma_wait3A_237 : memref<128x128xf32, #tpu.memory_space<vmem_shared>>) dst(%dma_wait3A_235 : memref<128x128xf32, #tpu.memory_space<hbm>>)
    %mul3A_238 = arith.constant 640 : i32
    %mul3A_239 = arith.muli %arg1, %mul3A_238 : i32
    %add3A_240 = arith.constant 128 : i32
    %add3A_241 = arith.addi %mul3A_239, %add3A_240 : i32
    %dma_wait3A_242 = arith.constant 0 : i32
    %dma_wait3A_243 = tpu.memref_slice %arg5[%arg0, %add3A_241, %dma_wait3A_242] : memref<2x10240x128xf32, #tpu.memory_space<hbm>> -> memref<1x128x128xf32, #tpu.memory_space<hbm>>
    %dma_wait3A_244 = tpu.memref_squeeze %dma_wait3A_243 : memref<1x128x128xf32, #tpu.memory_space<hbm>> -> memref<128x128xf32, #tpu.memory_space<hbm>>
    %dma_wait3A_245 = arith.constant 0 : i32
    %dma_wait3A_246 = tpu.memref_slice %arg11[%add3A_241, %dma_wait3A_245] : memref<10240x128xf32, #tpu.memory_space<vmem_shared>> -> memref<128x128xf32, #tpu.memory_space<vmem_shared>>
    tpu.wait_dma2 semaphore(%arg15 : memref<!tpu.dma_semaphore, #tpu.memory_space<semaphore_mem>>) src(%dma_wait3A_246 : memref<128x128xf32, #tpu.memory_space<vmem_shared>>) dst(%dma_wait3A_244 : memref<128x128xf32, #tpu.memory_space<hbm>>)
    %mul3A_247 = arith.constant 640 : i32
    %mul3A_248 = arith.muli %arg1, %mul3A_247 : i32
    %add3A_249 = arith.constant 256 : i32
    %add3A_250 = arith.addi %mul3A_248, %add3A_249 : i32
    %dma_wait3A_251 = arith.constant 0 : i32
    %dma_wait3A_252 = tpu.memref_slice %arg5[%arg0, %add3A_250, %dma_wait3A_251] : memref<2x10240x128xf32, #tpu.memory_space<hbm>> -> memref<1x128x128xf32, #tpu.memory_space<hbm>>
    %dma_wait3A_253 = tpu.memref_squeeze %dma_wait3A_252 : memref<1x128x128xf32, #tpu.memory_space<hbm>> -> memref<128x128xf32, #tpu.memory_space<hbm>>
    %dma_wait3A_254 = arith.constant 0 : i32
    %dma_wait3A_255 = tpu.memref_slice %arg11[%add3A_250, %dma_wait3A_254] : memref<10240x128xf32, #tpu.memory_space<vmem_shared>> -> memref<128x128xf32, #tpu.memory_space<vmem_shared>>
    tpu.wait_dma2 semaphore(%arg15 : memref<!tpu.dma_semaphore, #tpu.memory_space<semaphore_mem>>) src(%dma_wait3A_255 : memref<128x128xf32, #tpu.memory_space<vmem_shared>>) dst(%dma_wait3A_253 : memref<128x128xf32, #tpu.memory_space<hbm>>)
    %mul3A_256 = arith.constant 640 : i32
    %mul3A_257 = arith.muli %arg1, %mul3A_256 : i32
    %add3A_258 = arith.constant 384 : i32
    %add3A_259 = arith.addi %mul3A_257, %add3A_258 : i32
    %dma_wait3A_260 = arith.constant 0 : i32
    %dma_wait3A_261 = tpu.memref_slice %arg5[%arg0, %add3A_259, %dma_wait3A_260] : memref<2x10240x128xf32, #tpu.memory_space<hbm>> -> memref<1x128x128xf32, #tpu.memory_space<hbm>>
    %dma_wait3A_262 = tpu.memref_squeeze %dma_wait3A_261 : memref<1x128x128xf32, #tpu.memory_space<hbm>> -> memref<128x128xf32, #tpu.memory_space<hbm>>
    %dma_wait3A_263 = arith.constant 0 : i32
    %dma_wait3A_264 = tpu.memref_slice %arg11[%add3A_259, %dma_wait3A_263] : memref<10240x128xf32, #tpu.memory_space<vmem_shared>> -> memref<128x128xf32, #tpu.memory_space<vmem_shared>>
    tpu.wait_dma2 semaphore(%arg15 : memref<!tpu.dma_semaphore, #tpu.memory_space<semaphore_mem>>) src(%dma_wait3A_264 : memref<128x128xf32, #tpu.memory_space<vmem_shared>>) dst(%dma_wait3A_262 : memref<128x128xf32, #tpu.memory_space<hbm>>)
    %mul3A_265 = arith.constant 640 : i32
    %mul3A_266 = arith.muli %arg1, %mul3A_265 : i32
    %add3A_267 = arith.constant 512 : i32
    %add3A_268 = arith.addi %mul3A_266, %add3A_267 : i32
    %dma_wait3A_269 = arith.constant 0 : i32
    %dma_wait3A_270 = tpu.memref_slice %arg5[%arg0, %add3A_268, %dma_wait3A_269] : memref<2x10240x128xf32, #tpu.memory_space<hbm>> -> memref<1x128x128xf32, #tpu.memory_space<hbm>>
    %dma_wait3A_271 = tpu.memref_squeeze %dma_wait3A_270 : memref<1x128x128xf32, #tpu.memory_space<hbm>> -> memref<128x128xf32, #tpu.memory_space<hbm>>
    %dma_wait3A_272 = arith.constant 0 : i32
    %dma_wait3A_273 = tpu.memref_slice %arg11[%add3A_268, %dma_wait3A_272] : memref<10240x128xf32, #tpu.memory_space<vmem_shared>> -> memref<128x128xf32, #tpu.memory_space<vmem_shared>>
    tpu.wait_dma2 semaphore(%arg15 : memref<!tpu.dma_semaphore, #tpu.memory_space<semaphore_mem>>) src(%dma_wait3A_273 : memref<128x128xf32, #tpu.memory_space<vmem_shared>>) dst(%dma_wait3A_271 : memref<128x128xf32, #tpu.memory_space<hbm>>)
    return
  }
}

#map = affine_map<(d0, d1) -> (0, 0, 0)>
#map1 = affine_map<(d0, d1) -> (0)>
module attributes {stable_mosaic.version = 14 : i64} {
  func.func @_hist(%arg0: i32, %arg1: i32, %arg2: memref<64x100x50xi32, #tpu.memory_space<hbm>>, %arg3: memref<20480xf32, #tpu.memory_space<hbm>>, %arg4: memref<100x50xi32, #tpu.memory_space<vmem>>, %arg5: memref<128xf32, #tpu.memory_space<vmem>>, %arg6: memref<640xf32, #tpu.memory_space<vmem>>, %arg7: memref<10240xf32, #tpu.memory_space<vmem_shared>>, %arg8: memref<!tpu.dma_semaphore, #tpu.memory_space<semaphore_mem>>) attributes {dimension_semantics = [#tpu.dimension_semantics<core_parallel>, #tpu.dimension_semantics<subcore_parallel>], iteration_bounds = array<i64: 2, 16>, scalar_prefetch = 0 : i64, scratch_operands = 5 : i64, tpu.core_type = #tpu.core_type<sc_vector_subcore>, window_params = [{transform_indices = #map}, {transform_indices = #map1}]} {
    %mul3A = arith.constant 2 : i32
    %mul3A_0 = arith.muli %arg1, %mul3A : i32
    %add3A = arith.addi %mul3A_0, %arg0 : i32
    %broadcast_in_dim3A = arith.constant 1.000000e+00 : f32
    %broadcast_in_dim3A_1 = vector.broadcast %broadcast_in_dim3A : f32 to vector<16xf32>
    %swap3A = arith.constant 0 : index
    %swap3A_2 = tpu.vector_load %arg5[%swap3A] {strides = array<i32>} : memref<128xf32, #tpu.memory_space<vmem>>, vector<16xf32>,
    %swap3A_3 = vector.shape_cast %swap3A_2 : vector<16xf32> to vector<16xf32>
    %swap3A_4 = vector.shape_cast %broadcast_in_dim3A_1 : vector<16xf32> to vector<16xf32>
    tpu.vector_store %arg5[%swap3A], %swap3A_4 {strides = array<i32>} : memref<128xf32, #tpu.memory_space<vmem>>, vector<16xf32>,
    %broadcast_in_dim3A_5 = arith.constant 1.000000e+00 : f32
    %broadcast_in_dim3A_6 = vector.broadcast %broadcast_in_dim3A_5 : f32 to vector<16xf32>
    %swap3A_7 = arith.constant 16 : index
    %swap3A_8 = tpu.vector_load %arg5[%swap3A_7] {strides = array<i32>} : memref<128xf32, #tpu.memory_space<vmem>>, vector<16xf32>,
    %swap3A_9 = vector.shape_cast %swap3A_8 : vector<16xf32> to vector<16xf32>
    %swap3A_10 = vector.shape_cast %broadcast_in_dim3A_6 : vector<16xf32> to vector<16xf32>
    tpu.vector_store %arg5[%swap3A_7], %swap3A_10 {strides = array<i32>} : memref<128xf32, #tpu.memory_space<vmem>>, vector<16xf32>,
    %broadcast_in_dim3A_11 = arith.constant 1.000000e+00 : f32
    %broadcast_in_dim3A_12 = vector.broadcast %broadcast_in_dim3A_11 : f32 to vector<16xf32>
    %swap3A_13 = arith.constant 32 : index
    %swap3A_14 = tpu.vector_load %arg5[%swap3A_13] {strides = array<i32>} : memref<128xf32, #tpu.memory_space<vmem>>, vector<16xf32>,
    %swap3A_15 = vector.shape_cast %swap3A_14 : vector<16xf32> to vector<16xf32>
    %swap3A_16 = vector.shape_cast %broadcast_in_dim3A_12 : vector<16xf32> to vector<16xf32>
    tpu.vector_store %arg5[%swap3A_13], %swap3A_16 {strides = array<i32>} : memref<128xf32, #tpu.memory_space<vmem>>, vector<16xf32>,
    %broadcast_in_dim3A_17 = arith.constant 1.000000e+00 : f32
    %broadcast_in_dim3A_18 = vector.broadcast %broadcast_in_dim3A_17 : f32 to vector<16xf32>
    %swap3A_19 = arith.constant 48 : index
    %swap3A_20 = tpu.vector_load %arg5[%swap3A_19] {strides = array<i32>} : memref<128xf32, #tpu.memory_space<vmem>>, vector<16xf32>,
    %swap3A_21 = vector.shape_cast %swap3A_20 : vector<16xf32> to vector<16xf32>
    %swap3A_22 = vector.shape_cast %broadcast_in_dim3A_18 : vector<16xf32> to vector<16xf32>
    tpu.vector_store %arg5[%swap3A_19], %swap3A_22 {strides = array<i32>} : memref<128xf32, #tpu.memory_space<vmem>>, vector<16xf32>,
    %broadcast_in_dim3A_23 = arith.constant 1.000000e+00 : f32
    %broadcast_in_dim3A_24 = vector.broadcast %broadcast_in_dim3A_23 : f32 to vector<16xf32>
    %swap3A_25 = arith.constant 64 : index
    %swap3A_26 = tpu.vector_load %arg5[%swap3A_25] {strides = array<i32>} : memref<128xf32, #tpu.memory_space<vmem>>, vector<16xf32>,
    %swap3A_27 = vector.shape_cast %swap3A_26 : vector<16xf32> to vector<16xf32>
    %swap3A_28 = vector.shape_cast %broadcast_in_dim3A_24 : vector<16xf32> to vector<16xf32>
    tpu.vector_store %arg5[%swap3A_25], %swap3A_28 {strides = array<i32>} : memref<128xf32, #tpu.memory_space<vmem>>, vector<16xf32>,
    %broadcast_in_dim3A_29 = arith.constant 1.000000e+00 : f32
    %broadcast_in_dim3A_30 = vector.broadcast %broadcast_in_dim3A_29 : f32 to vector<16xf32>
    %swap3A_31 = arith.constant 80 : index
    %swap3A_32 = tpu.vector_load %arg5[%swap3A_31] {strides = array<i32>} : memref<128xf32, #tpu.memory_space<vmem>>, vector<16xf32>,
    %swap3A_33 = vector.shape_cast %swap3A_32 : vector<16xf32> to vector<16xf32>
    %swap3A_34 = vector.shape_cast %broadcast_in_dim3A_30 : vector<16xf32> to vector<16xf32>
    tpu.vector_store %arg5[%swap3A_31], %swap3A_34 {strides = array<i32>} : memref<128xf32, #tpu.memory_space<vmem>>, vector<16xf32>,
    %broadcast_in_dim3A_35 = arith.constant 1.000000e+00 : f32
    %broadcast_in_dim3A_36 = vector.broadcast %broadcast_in_dim3A_35 : f32 to vector<16xf32>
    %swap3A_37 = arith.constant 96 : index
    %swap3A_38 = tpu.vector_load %arg5[%swap3A_37] {strides = array<i32>} : memref<128xf32, #tpu.memory_space<vmem>>, vector<16xf32>,
    %swap3A_39 = vector.shape_cast %swap3A_38 : vector<16xf32> to vector<16xf32>
    %swap3A_40 = vector.shape_cast %broadcast_in_dim3A_36 : vector<16xf32> to vector<16xf32>
    tpu.vector_store %arg5[%swap3A_37], %swap3A_40 {strides = array<i32>} : memref<128xf32, #tpu.memory_space<vmem>>, vector<16xf32>,
    %broadcast_in_dim3A_41 = arith.constant 1.000000e+00 : f32
    %broadcast_in_dim3A_42 = vector.broadcast %broadcast_in_dim3A_41 : f32 to vector<16xf32>
    %swap3A_43 = arith.constant 112 : index
    %swap3A_44 = tpu.vector_load %arg5[%swap3A_43] {strides = array<i32>} : memref<128xf32, #tpu.memory_space<vmem>>, vector<16xf32>,
    %swap3A_45 = vector.shape_cast %swap3A_44 : vector<16xf32> to vector<16xf32>
    %swap3A_46 = vector.shape_cast %broadcast_in_dim3A_42 : vector<16xf32> to vector<16xf32>
    tpu.vector_store %arg5[%swap3A_43], %swap3A_46 {strides = array<i32>} : memref<128xf32, #tpu.memory_space<vmem>>, vector<16xf32>,
    %broadcast_in_dim3A_47 = arith.constant 0.000000e+00 : f32
    %broadcast_in_dim3A_48 = vector.broadcast %broadcast_in_dim3A_47 : f32 to vector<16xf32>
    %swap3A_49 = arith.constant 0 : index
    %swap3A_50 = tpu.vector_load %arg6[%swap3A_49] {strides = array<i32>} : memref<640xf32, #tpu.memory_space<vmem>>, vector<16xf32>,
    %swap3A_51 = vector.shape_cast %swap3A_50 : vector<16xf32> to vector<16xf32>
    %swap3A_52 = vector.shape_cast %broadcast_in_dim3A_48 : vector<16xf32> to vector<16xf32>
    tpu.vector_store %arg6[%swap3A_49], %swap3A_52 {strides = array<i32>} : memref<640xf32, #tpu.memory_space<vmem>>, vector<16xf32>,
    %broadcast_in_dim3A_53 = arith.constant 0.000000e+00 : f32
    %broadcast_in_dim3A_54 = vector.broadcast %broadcast_in_dim3A_53 : f32 to vector<16xf32>
    %swap3A_55 = arith.constant 16 : index
    %swap3A_56 = tpu.vector_load %arg6[%swap3A_55] {strides = array<i32>} : memref<640xf32, #tpu.memory_space<vmem>>, vector<16xf32>,
    %swap3A_57 = vector.shape_cast %swap3A_56 : vector<16xf32> to vector<16xf32>
    %swap3A_58 = vector.shape_cast %broadcast_in_dim3A_54 : vector<16xf32> to vector<16xf32>
    tpu.vector_store %arg6[%swap3A_55], %swap3A_58 {strides = array<i32>} : memref<640xf32, #tpu.memory_space<vmem>>, vector<16xf32>,
    %broadcast_in_dim3A_59 = arith.constant 0.000000e+00 : f32
    %broadcast_in_dim3A_60 = vector.broadcast %broadcast_in_dim3A_59 : f32 to vector<16xf32>
    %swap3A_61 = arith.constant 32 : index
    %swap3A_62 = tpu.vector_load %arg6[%swap3A_61] {strides = array<i32>} : memref<640xf32, #tpu.memory_space<vmem>>, vector<16xf32>,
    %swap3A_63 = vector.shape_cast %swap3A_62 : vector<16xf32> to vector<16xf32>
    %swap3A_64 = vector.shape_cast %broadcast_in_dim3A_60 : vector<16xf32> to vector<16xf32>
    tpu.vector_store %arg6[%swap3A_61], %swap3A_64 {strides = array<i32>} : memref<640xf32, #tpu.memory_space<vmem>>, vector<16xf32>,
    %broadcast_in_dim3A_65 = arith.constant 0.000000e+00 : f32
    %broadcast_in_dim3A_66 = vector.broadcast %broadcast_in_dim3A_65 : f32 to vector<16xf32>
    %swap3A_67 = arith.constant 48 : index
    %swap3A_68 = tpu.vector_load %arg6[%swap3A_67] {strides = array<i32>} : memref<640xf32, #tpu.memory_space<vmem>>, vector<16xf32>,
    %swap3A_69 = vector.shape_cast %swap3A_68 : vector<16xf32> to vector<16xf32>
    %swap3A_70 = vector.shape_cast %broadcast_in_dim3A_66 : vector<16xf32> to vector<16xf32>
    tpu.vector_store %arg6[%swap3A_67], %swap3A_70 {strides = array<i32>} : memref<640xf32, #tpu.memory_space<vmem>>, vector<16xf32>,
    %broadcast_in_dim3A_71 = arith.constant 0.000000e+00 : f32
    %broadcast_in_dim3A_72 = vector.broadcast %broadcast_in_dim3A_71 : f32 to vector<16xf32>
    %swap3A_73 = arith.constant 64 : index
    %swap3A_74 = tpu.vector_load %arg6[%swap3A_73] {strides = array<i32>} : memref<640xf32, #tpu.memory_space<vmem>>, vector<16xf32>,
    %swap3A_75 = vector.shape_cast %swap3A_74 : vector<16xf32> to vector<16xf32>
    %swap3A_76 = vector.shape_cast %broadcast_in_dim3A_72 : vector<16xf32> to vector<16xf32>
    tpu.vector_store %arg6[%swap3A_73], %swap3A_76 {strides = array<i32>} : memref<640xf32, #tpu.memory_space<vmem>>, vector<16xf32>,
    %broadcast_in_dim3A_77 = arith.constant 0.000000e+00 : f32
    %broadcast_in_dim3A_78 = vector.broadcast %broadcast_in_dim3A_77 : f32 to vector<16xf32>
    %swap3A_79 = arith.constant 80 : index
    %swap3A_80 = tpu.vector_load %arg6[%swap3A_79] {strides = array<i32>} : memref<640xf32, #tpu.memory_space<vmem>>, vector<16xf32>,
    %swap3A_81 = vector.shape_cast %swap3A_80 : vector<16xf32> to vector<16xf32>
    %swap3A_82 = vector.shape_cast %broadcast_in_dim3A_78 : vector<16xf32> to vector<16xf32>
    tpu.vector_store %arg6[%swap3A_79], %swap3A_82 {strides = array<i32>} : memref<640xf32, #tpu.memory_space<vmem>>, vector<16xf32>,
    %broadcast_in_dim3A_83 = arith.constant 0.000000e+00 : f32
    %broadcast_in_dim3A_84 = vector.broadcast %broadcast_in_dim3A_83 : f32 to vector<16xf32>
    %swap3A_85 = arith.constant 96 : index
    %swap3A_86 = tpu.vector_load %arg6[%swap3A_85] {strides = array<i32>} : memref<640xf32, #tpu.memory_space<vmem>>, vector<16xf32>,
    %swap3A_87 = vector.shape_cast %swap3A_86 : vector<16xf32> to vector<16xf32>
    %swap3A_88 = vector.shape_cast %broadcast_in_dim3A_84 : vector<16xf32> to vector<16xf32>
    tpu.vector_store %arg6[%swap3A_85], %swap3A_88 {strides = array<i32>} : memref<640xf32, #tpu.memory_space<vmem>>, vector<16xf32>,
    %broadcast_in_dim3A_89 = arith.constant 0.000000e+00 : f32
    %broadcast_in_dim3A_90 = vector.broadcast %broadcast_in_dim3A_89 : f32 to vector<16xf32>
    %swap3A_91 = arith.constant 112 : index
    %swap3A_92 = tpu.vector_load %arg6[%swap3A_91] {strides = array<i32>} : memref<640xf32, #tpu.memory_space<vmem>>, vector<16xf32>,
    %swap3A_93 = vector.shape_cast %swap3A_92 : vector<16xf32> to vector<16xf32>
    %swap3A_94 = vector.shape_cast %broadcast_in_dim3A_90 : vector<16xf32> to vector<16xf32>
    tpu.vector_store %arg6[%swap3A_91], %swap3A_94 {strides = array<i32>} : memref<640xf32, #tpu.memory_space<vmem>>, vector<16xf32>,
    %broadcast_in_dim3A_95 = arith.constant 0.000000e+00 : f32
    %broadcast_in_dim3A_96 = vector.broadcast %broadcast_in_dim3A_95 : f32 to vector<16xf32>
    %swap3A_97 = arith.constant 128 : index
    %swap3A_98 = tpu.vector_load %arg6[%swap3A_97] {strides = array<i32>} : memref<640xf32, #tpu.memory_space<vmem>>, vector<16xf32>,
    %swap3A_99 = vector.shape_cast %swap3A_98 : vector<16xf32> to vector<16xf32>
    %swap3A_100 = vector.shape_cast %broadcast_in_dim3A_96 : vector<16xf32> to vector<16xf32>
    tpu.vector_store %arg6[%swap3A_97], %swap3A_100 {strides = array<i32>} : memref<640xf32, #tpu.memory_space<vmem>>, vector<16xf32>,
    %broadcast_in_dim3A_101 = arith.constant 0.000000e+00 : f32
    %broadcast_in_dim3A_102 = vector.broadcast %broadcast_in_dim3A_101 : f32 to vector<16xf32>
    %swap3A_103 = arith.constant 144 : index
    %swap3A_104 = tpu.vector_load %arg6[%swap3A_103] {strides = array<i32>} : memref<640xf32, #tpu.memory_space<vmem>>, vector<16xf32>,
    %swap3A_105 = vector.shape_cast %swap3A_104 : vector<16xf32> to vector<16xf32>
    %swap3A_106 = vector.shape_cast %broadcast_in_dim3A_102 : vector<16xf32> to vector<16xf32>
    tpu.vector_store %arg6[%swap3A_103], %swap3A_106 {strides = array<i32>} : memref<640xf32, #tpu.memory_space<vmem>>, vector<16xf32>,
    %broadcast_in_dim3A_107 = arith.constant 0.000000e+00 : f32
    %broadcast_in_dim3A_108 = vector.broadcast %broadcast_in_dim3A_107 : f32 to vector<16xf32>
    %swap3A_109 = arith.constant 160 : index
    %swap3A_110 = tpu.vector_load %arg6[%swap3A_109] {strides = array<i32>} : memref<640xf32, #tpu.memory_space<vmem>>, vector<16xf32>,
    %swap3A_111 = vector.shape_cast %swap3A_110 : vector<16xf32> to vector<16xf32>
    %swap3A_112 = vector.shape_cast %broadcast_in_dim3A_108 : vector<16xf32> to vector<16xf32>
    tpu.vector_store %arg6[%swap3A_109], %swap3A_112 {strides = array<i32>} : memref<640xf32, #tpu.memory_space<vmem>>, vector<16xf32>,
    %broadcast_in_dim3A_113 = arith.constant 0.000000e+00 : f32
    %broadcast_in_dim3A_114 = vector.broadcast %broadcast_in_dim3A_113 : f32 to vector<16xf32>
    %swap3A_115 = arith.constant 176 : index
    %swap3A_116 = tpu.vector_load %arg6[%swap3A_115] {strides = array<i32>} : memref<640xf32, #tpu.memory_space<vmem>>, vector<16xf32>,
    %swap3A_117 = vector.shape_cast %swap3A_116 : vector<16xf32> to vector<16xf32>
    %swap3A_118 = vector.shape_cast %broadcast_in_dim3A_114 : vector<16xf32> to vector<16xf32>
    tpu.vector_store %arg6[%swap3A_115], %swap3A_118 {strides = array<i32>} : memref<640xf32, #tpu.memory_space<vmem>>, vector<16xf32>,
    %broadcast_in_dim3A_119 = arith.constant 0.000000e+00 : f32
    %broadcast_in_dim3A_120 = vector.broadcast %broadcast_in_dim3A_119 : f32 to vector<16xf32>
    %swap3A_121 = arith.constant 192 : index
    %swap3A_122 = tpu.vector_load %arg6[%swap3A_121] {strides = array<i32>} : memref<640xf32, #tpu.memory_space<vmem>>, vector<16xf32>,
    %swap3A_123 = vector.shape_cast %swap3A_122 : vector<16xf32> to vector<16xf32>
    %swap3A_124 = vector.shape_cast %broadcast_in_dim3A_120 : vector<16xf32> to vector<16xf32>
    tpu.vector_store %arg6[%swap3A_121], %swap3A_124 {strides = array<i32>} : memref<640xf32, #tpu.memory_space<vmem>>, vector<16xf32>,
    %broadcast_in_dim3A_125 = arith.constant 0.000000e+00 : f32
    %broadcast_in_dim3A_126 = vector.broadcast %broadcast_in_dim3A_125 : f32 to vector<16xf32>
    %swap3A_127 = arith.constant 208 : index
    %swap3A_128 = tpu.vector_load %arg6[%swap3A_127] {strides = array<i32>} : memref<640xf32, #tpu.memory_space<vmem>>, vector<16xf32>,
    %swap3A_129 = vector.shape_cast %swap3A_128 : vector<16xf32> to vector<16xf32>
    %swap3A_130 = vector.shape_cast %broadcast_in_dim3A_126 : vector<16xf32> to vector<16xf32>
    tpu.vector_store %arg6[%swap3A_127], %swap3A_130 {strides = array<i32>} : memref<640xf32, #tpu.memory_space<vmem>>, vector<16xf32>,
    %broadcast_in_dim3A_131 = arith.constant 0.000000e+00 : f32
    %broadcast_in_dim3A_132 = vector.broadcast %broadcast_in_dim3A_131 : f32 to vector<16xf32>
    %swap3A_133 = arith.constant 224 : index
    %swap3A_134 = tpu.vector_load %arg6[%swap3A_133] {strides = array<i32>} : memref<640xf32, #tpu.memory_space<vmem>>, vector<16xf32>,
    %swap3A_135 = vector.shape_cast %swap3A_134 : vector<16xf32> to vector<16xf32>
    %swap3A_136 = vector.shape_cast %broadcast_in_dim3A_132 : vector<16xf32> to vector<16xf32>
    tpu.vector_store %arg6[%swap3A_133], %swap3A_136 {strides = array<i32>} : memref<640xf32, #tpu.memory_space<vmem>>, vector<16xf32>,
    %broadcast_in_dim3A_137 = arith.constant 0.000000e+00 : f32
    %broadcast_in_dim3A_138 = vector.broadcast %broadcast_in_dim3A_137 : f32 to vector<16xf32>
    %swap3A_139 = arith.constant 240 : index
    %swap3A_140 = tpu.vector_load %arg6[%swap3A_139] {strides = array<i32>} : memref<640xf32, #tpu.memory_space<vmem>>, vector<16xf32>,
    %swap3A_141 = vector.shape_cast %swap3A_140 : vector<16xf32> to vector<16xf32>
    %swap3A_142 = vector.shape_cast %broadcast_in_dim3A_138 : vector<16xf32> to vector<16xf32>
    tpu.vector_store %arg6[%swap3A_139], %swap3A_142 {strides = array<i32>} : memref<640xf32, #tpu.memory_space<vmem>>, vector<16xf32>,
    %broadcast_in_dim3A_143 = arith.constant 0.000000e+00 : f32
    %broadcast_in_dim3A_144 = vector.broadcast %broadcast_in_dim3A_143 : f32 to vector<16xf32>
    %swap3A_145 = arith.constant 256 : index
    %swap3A_146 = tpu.vector_load %arg6[%swap3A_145] {strides = array<i32>} : memref<640xf32, #tpu.memory_space<vmem>>, vector<16xf32>,
    %swap3A_147 = vector.shape_cast %swap3A_146 : vector<16xf32> to vector<16xf32>
    %swap3A_148 = vector.shape_cast %broadcast_in_dim3A_144 : vector<16xf32> to vector<16xf32>
    tpu.vector_store %arg6[%swap3A_145], %swap3A_148 {strides = array<i32>} : memref<640xf32, #tpu.memory_space<vmem>>, vector<16xf32>,
    %broadcast_in_dim3A_149 = arith.constant 0.000000e+00 : f32
    %broadcast_in_dim3A_150 = vector.broadcast %broadcast_in_dim3A_149 : f32 to vector<16xf32>
    %swap3A_151 = arith.constant 272 : index
    %swap3A_152 = tpu.vector_load %arg6[%swap3A_151] {strides = array<i32>} : memref<640xf32, #tpu.memory_space<vmem>>, vector<16xf32>,
    %swap3A_153 = vector.shape_cast %swap3A_152 : vector<16xf32> to vector<16xf32>
    %swap3A_154 = vector.shape_cast %broadcast_in_dim3A_150 : vector<16xf32> to vector<16xf32>
    tpu.vector_store %arg6[%swap3A_151], %swap3A_154 {strides = array<i32>} : memref<640xf32, #tpu.memory_space<vmem>>, vector<16xf32>,
    %broadcast_in_dim3A_155 = arith.constant 0.000000e+00 : f32
    %broadcast_in_dim3A_156 = vector.broadcast %broadcast_in_dim3A_155 : f32 to vector<16xf32>
    %swap3A_157 = arith.constant 288 : index
    %swap3A_158 = tpu.vector_load %arg6[%swap3A_157] {strides = array<i32>} : memref<640xf32, #tpu.memory_space<vmem>>, vector<16xf32>,
    %swap3A_159 = vector.shape_cast %swap3A_158 : vector<16xf32> to vector<16xf32>
    %swap3A_160 = vector.shape_cast %broadcast_in_dim3A_156 : vector<16xf32> to vector<16xf32>
    tpu.vector_store %arg6[%swap3A_157], %swap3A_160 {strides = array<i32>} : memref<640xf32, #tpu.memory_space<vmem>>, vector<16xf32>,
    %broadcast_in_dim3A_161 = arith.constant 0.000000e+00 : f32
    %broadcast_in_dim3A_162 = vector.broadcast %broadcast_in_dim3A_161 : f32 to vector<16xf32>
    %swap3A_163 = arith.constant 304 : index
    %swap3A_164 = tpu.vector_load %arg6[%swap3A_163] {strides = array<i32>} : memref<640xf32, #tpu.memory_space<vmem>>, vector<16xf32>,
    %swap3A_165 = vector.shape_cast %swap3A_164 : vector<16xf32> to vector<16xf32>
    %swap3A_166 = vector.shape_cast %broadcast_in_dim3A_162 : vector<16xf32> to vector<16xf32>
    tpu.vector_store %arg6[%swap3A_163], %swap3A_166 {strides = array<i32>} : memref<640xf32, #tpu.memory_space<vmem>>, vector<16xf32>,
    %broadcast_in_dim3A_167 = arith.constant 0.000000e+00 : f32
    %broadcast_in_dim3A_168 = vector.broadcast %broadcast_in_dim3A_167 : f32 to vector<16xf32>
    %swap3A_169 = arith.constant 320 : index
    %swap3A_170 = tpu.vector_load %arg6[%swap3A_169] {strides = array<i32>} : memref<640xf32, #tpu.memory_space<vmem>>, vector<16xf32>,
    %swap3A_171 = vector.shape_cast %swap3A_170 : vector<16xf32> to vector<16xf32>
    %swap3A_172 = vector.shape_cast %broadcast_in_dim3A_168 : vector<16xf32> to vector<16xf32>
    tpu.vector_store %arg6[%swap3A_169], %swap3A_172 {strides = array<i32>} : memref<640xf32, #tpu.memory_space<vmem>>, vector<16xf32>,
    %broadcast_in_dim3A_173 = arith.constant 0.000000e+00 : f32
    %broadcast_in_dim3A_174 = vector.broadcast %broadcast_in_dim3A_173 : f32 to vector<16xf32>
    %swap3A_175 = arith.constant 336 : index
    %swap3A_176 = tpu.vector_load %arg6[%swap3A_175] {strides = array<i32>} : memref<640xf32, #tpu.memory_space<vmem>>, vector<16xf32>,
    %swap3A_177 = vector.shape_cast %swap3A_176 : vector<16xf32> to vector<16xf32>
    %swap3A_178 = vector.shape_cast %broadcast_in_dim3A_174 : vector<16xf32> to vector<16xf32>
    tpu.vector_store %arg6[%swap3A_175], %swap3A_178 {strides = array<i32>} : memref<640xf32, #tpu.memory_space<vmem>>, vector<16xf32>,
    %broadcast_in_dim3A_179 = arith.constant 0.000000e+00 : f32
    %broadcast_in_dim3A_180 = vector.broadcast %broadcast_in_dim3A_179 : f32 to vector<16xf32>
    %swap3A_181 = arith.constant 352 : index
    %swap3A_182 = tpu.vector_load %arg6[%swap3A_181] {strides = array<i32>} : memref<640xf32, #tpu.memory_space<vmem>>, vector<16xf32>,
    %swap3A_183 = vector.shape_cast %swap3A_182 : vector<16xf32> to vector<16xf32>
    %swap3A_184 = vector.shape_cast %broadcast_in_dim3A_180 : vector<16xf32> to vector<16xf32>
    tpu.vector_store %arg6[%swap3A_181], %swap3A_184 {strides = array<i32>} : memref<640xf32, #tpu.memory_space<vmem>>, vector<16xf32>,
    %broadcast_in_dim3A_185 = arith.constant 0.000000e+00 : f32
    %broadcast_in_dim3A_186 = vector.broadcast %broadcast_in_dim3A_185 : f32 to vector<16xf32>
    %swap3A_187 = arith.constant 368 : index
    %swap3A_188 = tpu.vector_load %arg6[%swap3A_187] {strides = array<i32>} : memref<640xf32, #tpu.memory_space<vmem>>, vector<16xf32>,
    %swap3A_189 = vector.shape_cast %swap3A_188 : vector<16xf32> to vector<16xf32>
    %swap3A_190 = vector.shape_cast %broadcast_in_dim3A_186 : vector<16xf32> to vector<16xf32>
    tpu.vector_store %arg6[%swap3A_187], %swap3A_190 {strides = array<i32>} : memref<640xf32, #tpu.memory_space<vmem>>, vector<16xf32>,
    %broadcast_in_dim3A_191 = arith.constant 0.000000e+00 : f32
    %broadcast_in_dim3A_192 = vector.broadcast %broadcast_in_dim3A_191 : f32 to vector<16xf32>
    %swap3A_193 = arith.constant 384 : index
    %swap3A_194 = tpu.vector_load %arg6[%swap3A_193] {strides = array<i32>} : memref<640xf32, #tpu.memory_space<vmem>>, vector<16xf32>,
    %swap3A_195 = vector.shape_cast %swap3A_194 : vector<16xf32> to vector<16xf32>
    %swap3A_196 = vector.shape_cast %broadcast_in_dim3A_192 : vector<16xf32> to vector<16xf32>
    tpu.vector_store %arg6[%swap3A_193], %swap3A_196 {strides = array<i32>} : memref<640xf32, #tpu.memory_space<vmem>>, vector<16xf32>,
    %broadcast_in_dim3A_197 = arith.constant 0.000000e+00 : f32
    %broadcast_in_dim3A_198 = vector.broadcast %broadcast_in_dim3A_197 : f32 to vector<16xf32>
    %swap3A_199 = arith.constant 400 : index
    %swap3A_200 = tpu.vector_load %arg6[%swap3A_199] {strides = array<i32>} : memref<640xf32, #tpu.memory_space<vmem>>, vector<16xf32>,
    %swap3A_201 = vector.shape_cast %swap3A_200 : vector<16xf32> to vector<16xf32>
    %swap3A_202 = vector.shape_cast %broadcast_in_dim3A_198 : vector<16xf32> to vector<16xf32>
    tpu.vector_store %arg6[%swap3A_199], %swap3A_202 {strides = array<i32>} : memref<640xf32, #tpu.memory_space<vmem>>, vector<16xf32>,
    %broadcast_in_dim3A_203 = arith.constant 0.000000e+00 : f32
    %broadcast_in_dim3A_204 = vector.broadcast %broadcast_in_dim3A_203 : f32 to vector<16xf32>
    %swap3A_205 = arith.constant 416 : index
    %swap3A_206 = tpu.vector_load %arg6[%swap3A_205] {strides = array<i32>} : memref<640xf32, #tpu.memory_space<vmem>>, vector<16xf32>,
    %swap3A_207 = vector.shape_cast %swap3A_206 : vector<16xf32> to vector<16xf32>
    %swap3A_208 = vector.shape_cast %broadcast_in_dim3A_204 : vector<16xf32> to vector<16xf32>
    tpu.vector_store %arg6[%swap3A_205], %swap3A_208 {strides = array<i32>} : memref<640xf32, #tpu.memory_space<vmem>>, vector<16xf32>,
    %broadcast_in_dim3A_209 = arith.constant 0.000000e+00 : f32
    %broadcast_in_dim3A_210 = vector.broadcast %broadcast_in_dim3A_209 : f32 to vector<16xf32>
    %swap3A_211 = arith.constant 432 : index
    %swap3A_212 = tpu.vector_load %arg6[%swap3A_211] {strides = array<i32>} : memref<640xf32, #tpu.memory_space<vmem>>, vector<16xf32>,
    %swap3A_213 = vector.shape_cast %swap3A_212 : vector<16xf32> to vector<16xf32>
    %swap3A_214 = vector.shape_cast %broadcast_in_dim3A_210 : vector<16xf32> to vector<16xf32>
    tpu.vector_store %arg6[%swap3A_211], %swap3A_214 {strides = array<i32>} : memref<640xf32, #tpu.memory_space<vmem>>, vector<16xf32>,
    %broadcast_in_dim3A_215 = arith.constant 0.000000e+00 : f32
    %broadcast_in_dim3A_216 = vector.broadcast %broadcast_in_dim3A_215 : f32 to vector<16xf32>
    %swap3A_217 = arith.constant 448 : index
    %swap3A_218 = tpu.vector_load %arg6[%swap3A_217] {strides = array<i32>} : memref<640xf32, #tpu.memory_space<vmem>>, vector<16xf32>,
    %swap3A_219 = vector.shape_cast %swap3A_218 : vector<16xf32> to vector<16xf32>
    %swap3A_220 = vector.shape_cast %broadcast_in_dim3A_216 : vector<16xf32> to vector<16xf32>
    tpu.vector_store %arg6[%swap3A_217], %swap3A_220 {strides = array<i32>} : memref<640xf32, #tpu.memory_space<vmem>>, vector<16xf32>,
    %broadcast_in_dim3A_221 = arith.constant 0.000000e+00 : f32
    %broadcast_in_dim3A_222 = vector.broadcast %broadcast_in_dim3A_221 : f32 to vector<16xf32>
    %swap3A_223 = arith.constant 464 : index
    %swap3A_224 = tpu.vector_load %arg6[%swap3A_223] {strides = array<i32>} : memref<640xf32, #tpu.memory_space<vmem>>, vector<16xf32>,
    %swap3A_225 = vector.shape_cast %swap3A_224 : vector<16xf32> to vector<16xf32>
    %swap3A_226 = vector.shape_cast %broadcast_in_dim3A_222 : vector<16xf32> to vector<16xf32>
    tpu.vector_store %arg6[%swap3A_223], %swap3A_226 {strides = array<i32>} : memref<640xf32, #tpu.memory_space<vmem>>, vector<16xf32>,
    %broadcast_in_dim3A_227 = arith.constant 0.000000e+00 : f32
    %broadcast_in_dim3A_228 = vector.broadcast %broadcast_in_dim3A_227 : f32 to vector<16xf32>
    %swap3A_229 = arith.constant 480 : index
    %swap3A_230 = tpu.vector_load %arg6[%swap3A_229] {strides = array<i32>} : memref<640xf32, #tpu.memory_space<vmem>>, vector<16xf32>,
    %swap3A_231 = vector.shape_cast %swap3A_230 : vector<16xf32> to vector<16xf32>
    %swap3A_232 = vector.shape_cast %broadcast_in_dim3A_228 : vector<16xf32> to vector<16xf32>
    tpu.vector_store %arg6[%swap3A_229], %swap3A_232 {strides = array<i32>} : memref<640xf32, #tpu.memory_space<vmem>>, vector<16xf32>,
    %broadcast_in_dim3A_233 = arith.constant 0.000000e+00 : f32
    %broadcast_in_dim3A_234 = vector.broadcast %broadcast_in_dim3A_233 : f32 to vector<16xf32>
    %swap3A_235 = arith.constant 496 : index
    %swap3A_236 = tpu.vector_load %arg6[%swap3A_235] {strides = array<i32>} : memref<640xf32, #tpu.memory_space<vmem>>, vector<16xf32>,
    %swap3A_237 = vector.shape_cast %swap3A_236 : vector<16xf32> to vector<16xf32>
    %swap3A_238 = vector.shape_cast %broadcast_in_dim3A_234 : vector<16xf32> to vector<16xf32>
    tpu.vector_store %arg6[%swap3A_235], %swap3A_238 {strides = array<i32>} : memref<640xf32, #tpu.memory_space<vmem>>, vector<16xf32>,
    %broadcast_in_dim3A_239 = arith.constant 0.000000e+00 : f32
    %broadcast_in_dim3A_240 = vector.broadcast %broadcast_in_dim3A_239 : f32 to vector<16xf32>
    %swap3A_241 = arith.constant 512 : index
    %swap3A_242 = tpu.vector_load %arg6[%swap3A_241] {strides = array<i32>} : memref<640xf32, #tpu.memory_space<vmem>>, vector<16xf32>,
    %swap3A_243 = vector.shape_cast %swap3A_242 : vector<16xf32> to vector<16xf32>
    %swap3A_244 = vector.shape_cast %broadcast_in_dim3A_240 : vector<16xf32> to vector<16xf32>
    tpu.vector_store %arg6[%swap3A_241], %swap3A_244 {strides = array<i32>} : memref<640xf32, #tpu.memory_space<vmem>>, vector<16xf32>,
    %broadcast_in_dim3A_245 = arith.constant 0.000000e+00 : f32
    %broadcast_in_dim3A_246 = vector.broadcast %broadcast_in_dim3A_245 : f32 to vector<16xf32>
    %swap3A_247 = arith.constant 528 : index
    %swap3A_248 = tpu.vector_load %arg6[%swap3A_247] {strides = array<i32>} : memref<640xf32, #tpu.memory_space<vmem>>, vector<16xf32>,
    %swap3A_249 = vector.shape_cast %swap3A_248 : vector<16xf32> to vector<16xf32>
    %swap3A_250 = vector.shape_cast %broadcast_in_dim3A_246 : vector<16xf32> to vector<16xf32>
    tpu.vector_store %arg6[%swap3A_247], %swap3A_250 {strides = array<i32>} : memref<640xf32, #tpu.memory_space<vmem>>, vector<16xf32>,
    %broadcast_in_dim3A_251 = arith.constant 0.000000e+00 : f32
    %broadcast_in_dim3A_252 = vector.broadcast %broadcast_in_dim3A_251 : f32 to vector<16xf32>
    %swap3A_253 = arith.constant 544 : index
    %swap3A_254 = tpu.vector_load %arg6[%swap3A_253] {strides = array<i32>} : memref<640xf32, #tpu.memory_space<vmem>>, vector<16xf32>,
    %swap3A_255 = vector.shape_cast %swap3A_254 : vector<16xf32> to vector<16xf32>
    %swap3A_256 = vector.shape_cast %broadcast_in_dim3A_252 : vector<16xf32> to vector<16xf32>
    tpu.vector_store %arg6[%swap3A_253], %swap3A_256 {strides = array<i32>} : memref<640xf32, #tpu.memory_space<vmem>>, vector<16xf32>,
    %broadcast_in_dim3A_257 = arith.constant 0.000000e+00 : f32
    %broadcast_in_dim3A_258 = vector.broadcast %broadcast_in_dim3A_257 : f32 to vector<16xf32>
    %swap3A_259 = arith.constant 560 : index
    %swap3A_260 = tpu.vector_load %arg6[%swap3A_259] {strides = array<i32>} : memref<640xf32, #tpu.memory_space<vmem>>, vector<16xf32>,
    %swap3A_261 = vector.shape_cast %swap3A_260 : vector<16xf32> to vector<16xf32>
    %swap3A_262 = vector.shape_cast %broadcast_in_dim3A_258 : vector<16xf32> to vector<16xf32>
    tpu.vector_store %arg6[%swap3A_259], %swap3A_262 {strides = array<i32>} : memref<640xf32, #tpu.memory_space<vmem>>, vector<16xf32>,
    %broadcast_in_dim3A_263 = arith.constant 0.000000e+00 : f32
    %broadcast_in_dim3A_264 = vector.broadcast %broadcast_in_dim3A_263 : f32 to vector<16xf32>
    %swap3A_265 = arith.constant 576 : index
    %swap3A_266 = tpu.vector_load %arg6[%swap3A_265] {strides = array<i32>} : memref<640xf32, #tpu.memory_space<vmem>>, vector<16xf32>,
    %swap3A_267 = vector.shape_cast %swap3A_266 : vector<16xf32> to vector<16xf32>
    %swap3A_268 = vector.shape_cast %broadcast_in_dim3A_264 : vector<16xf32> to vector<16xf32>
    tpu.vector_store %arg6[%swap3A_265], %swap3A_268 {strides = array<i32>} : memref<640xf32, #tpu.memory_space<vmem>>, vector<16xf32>,
    %broadcast_in_dim3A_269 = arith.constant 0.000000e+00 : f32
    %broadcast_in_dim3A_270 = vector.broadcast %broadcast_in_dim3A_269 : f32 to vector<16xf32>
    %swap3A_271 = arith.constant 592 : index
    %swap3A_272 = tpu.vector_load %arg6[%swap3A_271] {strides = array<i32>} : memref<640xf32, #tpu.memory_space<vmem>>, vector<16xf32>,
    %swap3A_273 = vector.shape_cast %swap3A_272 : vector<16xf32> to vector<16xf32>
    %swap3A_274 = vector.shape_cast %broadcast_in_dim3A_270 : vector<16xf32> to vector<16xf32>
    tpu.vector_store %arg6[%swap3A_271], %swap3A_274 {strides = array<i32>} : memref<640xf32, #tpu.memory_space<vmem>>, vector<16xf32>,
    %broadcast_in_dim3A_275 = arith.constant 0.000000e+00 : f32
    %broadcast_in_dim3A_276 = vector.broadcast %broadcast_in_dim3A_275 : f32 to vector<16xf32>
    %swap3A_277 = arith.constant 608 : index
    %swap3A_278 = tpu.vector_load %arg6[%swap3A_277] {strides = array<i32>} : memref<640xf32, #tpu.memory_space<vmem>>, vector<16xf32>,
    %swap3A_279 = vector.shape_cast %swap3A_278 : vector<16xf32> to vector<16xf32>
    %swap3A_280 = vector.shape_cast %broadcast_in_dim3A_276 : vector<16xf32> to vector<16xf32>
    tpu.vector_store %arg6[%swap3A_277], %swap3A_280 {strides = array<i32>} : memref<640xf32, #tpu.memory_space<vmem>>, vector<16xf32>,
    %broadcast_in_dim3A_281 = arith.constant 0.000000e+00 : f32
    %broadcast_in_dim3A_282 = vector.broadcast %broadcast_in_dim3A_281 : f32 to vector<16xf32>
    %swap3A_283 = arith.constant 624 : index
    %swap3A_284 = tpu.vector_load %arg6[%swap3A_283] {strides = array<i32>} : memref<640xf32, #tpu.memory_space<vmem>>, vector<16xf32>,
    %swap3A_285 = vector.shape_cast %swap3A_284 : vector<16xf32> to vector<16xf32>
    %swap3A_286 = vector.shape_cast %broadcast_in_dim3A_282 : vector<16xf32> to vector<16xf32>
    tpu.vector_store %arg6[%swap3A_283], %swap3A_286 {strides = array<i32>} : memref<640xf32, #tpu.memory_space<vmem>>, vector<16xf32>,
    %mul3A_287 = arith.constant 640 : i32
    %mul3A_288 = arith.muli %arg1, %mul3A_287 : i32
    "tpu.region"() ({
      %run_scoped3A = tpu.sem_alloc : memref<!tpu.dma_semaphore, #tpu.memory_space<semaphore_mem>>
      %dma_start3A = tpu.memref_slice %arg7[%mul3A_288] : memref<10240xf32, #tpu.memory_space<vmem_shared>> -> memref<640xf32, #tpu.memory_space<vmem_shared>>
      %dma_start3A_316 = tpu.memref_slice %arg7[%mul3A_288] : memref<10240xf32, #tpu.memory_space<vmem_shared>> -> memref<640xf32, #tpu.memory_space<vmem_shared>>
      tpu.enqueue_dma source(%arg6 : memref<640xf32, #tpu.memory_space<vmem>>) target(%dma_start3A_316 : memref<640xf32, #tpu.memory_space<vmem_shared>>) target_semaphore(%run_scoped3A : memref<!tpu.dma_semaphore, #tpu.memory_space<semaphore_mem>>)
      %dma_wait3A = tpu.memref_slice %arg7[%mul3A_288] : memref<10240xf32, #tpu.memory_space<vmem_shared>> -> memref<640xf32, #tpu.memory_space<vmem_shared>>
      %dma_wait3A_317 = tpu.memref_slice %arg7[%mul3A_288] : memref<10240xf32, #tpu.memory_space<vmem_shared>> -> memref<640xf32, #tpu.memory_space<vmem_shared>>
      tpu.wait_dma2 semaphore(%run_scoped3A : memref<!tpu.dma_semaphore, #tpu.memory_space<semaphore_mem>>) src(%arg6 : memref<640xf32, #tpu.memory_space<vmem>>) dst(%dma_wait3A_317 : memref<640xf32, #tpu.memory_space<vmem_shared>>)
      tpu.yield
    }) : () -> ()
    %barrier3A = arith.constant 0 : index
    tpu.barrier barrier_id(%barrier3A)
    %mul3A_289 = arith.constant 2 : i32
    %mul3A_290 = arith.muli %mul3A_289, %add3A : i32
    %add3A_291 = arith.constant 0 : i32
    %add3A_292 = arith.addi %mul3A_290, %add3A_291 : i32
    "tpu.region"() ({
      %run_scoped3A = tpu.sem_alloc : memref<!tpu.dma_semaphore, #tpu.memory_space<semaphore_mem>>
      %dma_start3A = arith.constant 0 : i32
      %dma_start3A_316 = arith.constant 0 : i32
      %dma_start3A_317 = tpu.memref_slice %arg2[%add3A_292, %dma_start3A, %dma_start3A_316] : memref<64x100x50xi32, #tpu.memory_space<hbm>> -> memref<1x100x50xi32, #tpu.memory_space<hbm>>
      %dma_start3A_318 = tpu.memref_squeeze %dma_start3A_317 : memref<1x100x50xi32, #tpu.memory_space<hbm>> -> memref<100x50xi32, #tpu.memory_space<hbm>>
      %dma_start3A_319 = arith.constant 0 : i32
      %dma_start3A_320 = arith.constant 0 : i32
      %dma_start3A_321 = tpu.memref_slice %arg2[%add3A_292, %dma_start3A_319, %dma_start3A_320] : memref<64x100x50xi32, #tpu.memory_space<hbm>> -> memref<1x100x50xi32, #tpu.memory_space<hbm>>
      %dma_start3A_322 = tpu.memref_squeeze %dma_start3A_321 : memref<1x100x50xi32, #tpu.memory_space<hbm>> -> memref<100x50xi32, #tpu.memory_space<hbm>>
      tpu.enqueue_dma source(%dma_start3A_322 : memref<100x50xi32, #tpu.memory_space<hbm>>) target(%arg4 : memref<100x50xi32, #tpu.memory_space<vmem>>) target_semaphore(%run_scoped3A : memref<!tpu.dma_semaphore, #tpu.memory_space<semaphore_mem>>)
      %dma_wait3A = arith.constant 0 : i32
      %dma_wait3A_323 = arith.constant 0 : i32
      %dma_wait3A_324 = tpu.memref_slice %arg2[%add3A_292, %dma_wait3A, %dma_wait3A_323] : memref<64x100x50xi32, #tpu.memory_space<hbm>> -> memref<1x100x50xi32, #tpu.memory_space<hbm>>
      %dma_wait3A_325 = tpu.memref_squeeze %dma_wait3A_324 : memref<1x100x50xi32, #tpu.memory_space<hbm>> -> memref<100x50xi32, #tpu.memory_space<hbm>>
      %dma_wait3A_326 = arith.constant 0 : i32
      %dma_wait3A_327 = arith.constant 0 : i32
      %dma_wait3A_328 = tpu.memref_slice %arg2[%add3A_292, %dma_wait3A_326, %dma_wait3A_327] : memref<64x100x50xi32, #tpu.memory_space<hbm>> -> memref<1x100x50xi32, #tpu.memory_space<hbm>>
      %dma_wait3A_329 = tpu.memref_squeeze %dma_wait3A_328 : memref<1x100x50xi32, #tpu.memory_space<hbm>> -> memref<100x50xi32, #tpu.memory_space<hbm>>
      tpu.wait_dma2 semaphore(%run_scoped3A : memref<!tpu.dma_semaphore, #tpu.memory_space<semaphore_mem>>) src(%dma_wait3A_329 : memref<100x50xi32, #tpu.memory_space<hbm>>) dst(%arg4 : memref<100x50xi32, #tpu.memory_space<vmem>>)
      tpu.yield
    }) : () -> ()
    %scan3A = arith.constant 0 : i32
    %scan3A_293 = arith.constant 0 : i32
    %scan3A_294 = arith.constant 20 : i32
    %scan3A_295 = arith.addi %scan3A_293, %scan3A_294 : i32
    %scan3A_296 = arith.constant 1 : i32
    scf.for %scan3A_316 = %scan3A_293 to %scan3A_295 step %scan3A_296  : i32 {
      %mul3A_317 = arith.constant 5 : i32
      %mul3A_318 = arith.muli %mul3A_317, %scan3A_316 : i32
      %add3A_319 = arith.constant 0 : i32
      %add3A_320 = arith.addi %mul3A_318, %add3A_319 : i32
      %dma_start3A = arith.constant 0 : i32
      %dma_start3A_321 = tpu.memref_slice %arg5[%dma_start3A] : memref<128xf32, #tpu.memory_space<vmem>> -> memref<50xf32, #tpu.memory_space<vmem>>
      %dma_start3A_322 = arith.constant 0 : i32
      %dma_start3A_323 = tpu.memref_slice %arg4[%add3A_320, %dma_start3A_322] : memref<100x50xi32, #tpu.memory_space<vmem>> -> memref<1x50xi32, #tpu.memory_space<vmem>>
      %dma_start3A_324 = tpu.memref_squeeze %dma_start3A_323 : memref<1x50xi32, #tpu.memory_space<vmem>> -> memref<50xi32, #tpu.memory_space<vmem>>
      %dma_start3A_325 = arith.constant 0 : i32
      %dma_start3A_326 = tpu.memref_slice %arg7[%dma_start3A_325] : memref<10240xf32, #tpu.memory_space<vmem_shared>> -> memref<10240xf32, #tpu.memory_space<vmem_shared>>
      tpu.enqueue_indirect_dma source(%dma_start3A_321 : memref<50xf32, #tpu.memory_space<vmem>>) target(%dma_start3A_326 : memref<10240xf32, #tpu.memory_space<vmem_shared>>) offsets(%dma_start3A_324 : memref<50xi32, #tpu.memory_space<vmem>>) semaphore(%arg8 : memref<!tpu.dma_semaphore, #tpu.memory_space<semaphore_mem>>) {add = true}
      %mul3A_327 = arith.constant 5 : i32
      %mul3A_328 = arith.muli %mul3A_327, %scan3A_316 : i32
      %add3A_329 = arith.constant 1 : i32
      %add3A_330 = arith.addi %mul3A_328, %add3A_329 : i32
      %dma_start3A_331 = arith.constant 0 : i32
      %dma_start3A_332 = tpu.memref_slice %arg5[%dma_start3A_331] : memref<128xf32, #tpu.memory_space<vmem>> -> memref<50xf32, #tpu.memory_space<vmem>>
      %dma_start3A_333 = arith.constant 0 : i32
      %dma_start3A_334 = tpu.memref_slice %arg4[%add3A_330, %dma_start3A_333] : memref<100x50xi32, #tpu.memory_space<vmem>> -> memref<1x50xi32, #tpu.memory_space<vmem>>
      %dma_start3A_335 = tpu.memref_squeeze %dma_start3A_334 : memref<1x50xi32, #tpu.memory_space<vmem>> -> memref<50xi32, #tpu.memory_space<vmem>>
      %dma_start3A_336 = arith.constant 0 : i32
      %dma_start3A_337 = tpu.memref_slice %arg7[%dma_start3A_336] : memref<10240xf32, #tpu.memory_space<vmem_shared>> -> memref<10240xf32, #tpu.memory_space<vmem_shared>>
      tpu.enqueue_indirect_dma source(%dma_start3A_332 : memref<50xf32, #tpu.memory_space<vmem>>) target(%dma_start3A_337 : memref<10240xf32, #tpu.memory_space<vmem_shared>>) offsets(%dma_start3A_335 : memref<50xi32, #tpu.memory_space<vmem>>) semaphore(%arg8 : memref<!tpu.dma_semaphore, #tpu.memory_space<semaphore_mem>>) {add = true}
      %mul3A_338 = arith.constant 5 : i32
      %mul3A_339 = arith.muli %mul3A_338, %scan3A_316 : i32
      %add3A_340 = arith.constant 2 : i32
      %add3A_341 = arith.addi %mul3A_339, %add3A_340 : i32
      %dma_start3A_342 = arith.constant 0 : i32
      %dma_start3A_343 = tpu.memref_slice %arg5[%dma_start3A_342] : memref<128xf32, #tpu.memory_space<vmem>> -> memref<50xf32, #tpu.memory_space<vmem>>
      %dma_start3A_344 = arith.constant 0 : i32
      %dma_start3A_345 = tpu.memref_slice %arg4[%add3A_341, %dma_start3A_344] : memref<100x50xi32, #tpu.memory_space<vmem>> -> memref<1x50xi32, #tpu.memory_space<vmem>>
      %dma_start3A_346 = tpu.memref_squeeze %dma_start3A_345 : memref<1x50xi32, #tpu.memory_space<vmem>> -> memref<50xi32, #tpu.memory_space<vmem>>
      %dma_start3A_347 = arith.constant 0 : i32
      %dma_start3A_348 = tpu.memref_slice %arg7[%dma_start3A_347] : memref<10240xf32, #tpu.memory_space<vmem_shared>> -> memref<10240xf32, #tpu.memory_space<vmem_shared>>
      tpu.enqueue_indirect_dma source(%dma_start3A_343 : memref<50xf32, #tpu.memory_space<vmem>>) target(%dma_start3A_348 : memref<10240xf32, #tpu.memory_space<vmem_shared>>) offsets(%dma_start3A_346 : memref<50xi32, #tpu.memory_space<vmem>>) semaphore(%arg8 : memref<!tpu.dma_semaphore, #tpu.memory_space<semaphore_mem>>) {add = true}
      %mul3A_349 = arith.constant 5 : i32
      %mul3A_350 = arith.muli %mul3A_349, %scan3A_316 : i32
      %add3A_351 = arith.constant 3 : i32
      %add3A_352 = arith.addi %mul3A_350, %add3A_351 : i32
      %dma_start3A_353 = arith.constant 0 : i32
      %dma_start3A_354 = tpu.memref_slice %arg5[%dma_start3A_353] : memref<128xf32, #tpu.memory_space<vmem>> -> memref<50xf32, #tpu.memory_space<vmem>>
      %dma_start3A_355 = arith.constant 0 : i32
      %dma_start3A_356 = tpu.memref_slice %arg4[%add3A_352, %dma_start3A_355] : memref<100x50xi32, #tpu.memory_space<vmem>> -> memref<1x50xi32, #tpu.memory_space<vmem>>
      %dma_start3A_357 = tpu.memref_squeeze %dma_start3A_356 : memref<1x50xi32, #tpu.memory_space<vmem>> -> memref<50xi32, #tpu.memory_space<vmem>>
      %dma_start3A_358 = arith.constant 0 : i32
      %dma_start3A_359 = tpu.memref_slice %arg7[%dma_start3A_358] : memref<10240xf32, #tpu.memory_space<vmem_shared>> -> memref<10240xf32, #tpu.memory_space<vmem_shared>>
      tpu.enqueue_indirect_dma source(%dma_start3A_354 : memref<50xf32, #tpu.memory_space<vmem>>) target(%dma_start3A_359 : memref<10240xf32, #tpu.memory_space<vmem_shared>>) offsets(%dma_start3A_357 : memref<50xi32, #tpu.memory_space<vmem>>) semaphore(%arg8 : memref<!tpu.dma_semaphore, #tpu.memory_space<semaphore_mem>>) {add = true}
      %mul3A_360 = arith.constant 5 : i32
      %mul3A_361 = arith.muli %mul3A_360, %scan3A_316 : i32
      %add3A_362 = arith.constant 4 : i32
      %add3A_363 = arith.addi %mul3A_361, %add3A_362 : i32
      %dma_start3A_364 = arith.constant 0 : i32
      %dma_start3A_365 = tpu.memref_slice %arg5[%dma_start3A_364] : memref<128xf32, #tpu.memory_space<vmem>> -> memref<50xf32, #tpu.memory_space<vmem>>
      %dma_start3A_366 = arith.constant 0 : i32
      %dma_start3A_367 = tpu.memref_slice %arg4[%add3A_363, %dma_start3A_366] : memref<100x50xi32, #tpu.memory_space<vmem>> -> memref<1x50xi32, #tpu.memory_space<vmem>>
      %dma_start3A_368 = tpu.memref_squeeze %dma_start3A_367 : memref<1x50xi32, #tpu.memory_space<vmem>> -> memref<50xi32, #tpu.memory_space<vmem>>
      %dma_start3A_369 = arith.constant 0 : i32
      %dma_start3A_370 = tpu.memref_slice %arg7[%dma_start3A_369] : memref<10240xf32, #tpu.memory_space<vmem_shared>> -> memref<10240xf32, #tpu.memory_space<vmem_shared>>
      tpu.enqueue_indirect_dma source(%dma_start3A_365 : memref<50xf32, #tpu.memory_space<vmem>>) target(%dma_start3A_370 : memref<10240xf32, #tpu.memory_space<vmem_shared>>) offsets(%dma_start3A_368 : memref<50xi32, #tpu.memory_space<vmem>>) semaphore(%arg8 : memref<!tpu.dma_semaphore, #tpu.memory_space<semaphore_mem>>) {add = true}
      %dma_wait3A = arith.constant 0 : i32
      %dma_wait3A_371 = arith.constant 0 : i32
      %dma_wait3A_372 = tpu.memref_slice %arg5[%dma_wait3A_371] : memref<128xf32, #tpu.memory_space<vmem>> -> memref<50xf32, #tpu.memory_space<vmem>>
      %dma_wait3A_373 = arith.constant 0 : i32
      %dma_wait3A_374 = tpu.memref_slice %arg4[%dma_wait3A, %dma_wait3A_373] : memref<100x50xi32, #tpu.memory_space<vmem>> -> memref<1x50xi32, #tpu.memory_space<vmem>>
      %dma_wait3A_375 = tpu.memref_squeeze %dma_wait3A_374 : memref<1x50xi32, #tpu.memory_space<vmem>> -> memref<50xi32, #tpu.memory_space<vmem>>
      %dma_wait3A_376 = arith.constant 0 : i32
      %dma_wait3A_377 = tpu.memref_slice %arg7[%dma_wait3A_376] : memref<10240xf32, #tpu.memory_space<vmem_shared>> -> memref<10240xf32, #tpu.memory_space<vmem_shared>>
      tpu.wait_indirect_dma semaphore(%arg8 : memref<!tpu.dma_semaphore, #tpu.memory_space<semaphore_mem>>) src(%dma_wait3A_372 : memref<50xf32, #tpu.memory_space<vmem>>) dst(%dma_wait3A_377 : memref<10240xf32, #tpu.memory_space<vmem_shared>>)
      %dma_wait3A_378 = arith.constant 0 : i32
      %dma_wait3A_379 = arith.constant 0 : i32
      %dma_wait3A_380 = tpu.memref_slice %arg5[%dma_wait3A_379] : memref<128xf32, #tpu.memory_space<vmem>> -> memref<50xf32, #tpu.memory_space<vmem>>
      %dma_wait3A_381 = arith.constant 0 : i32
      %dma_wait3A_382 = tpu.memref_slice %arg4[%dma_wait3A_378, %dma_wait3A_381] : memref<100x50xi32, #tpu.memory_space<vmem>> -> memref<1x50xi32, #tpu.memory_space<vmem>>
      %dma_wait3A_383 = tpu.memref_squeeze %dma_wait3A_382 : memref<1x50xi32, #tpu.memory_space<vmem>> -> memref<50xi32, #tpu.memory_space<vmem>>
      %dma_wait3A_384 = arith.constant 0 : i32
      %dma_wait3A_385 = tpu.memref_slice %arg7[%dma_wait3A_384] : memref<10240xf32, #tpu.memory_space<vmem_shared>> -> memref<10240xf32, #tpu.memory_space<vmem_shared>>
      tpu.wait_indirect_dma semaphore(%arg8 : memref<!tpu.dma_semaphore, #tpu.memory_space<semaphore_mem>>) src(%dma_wait3A_380 : memref<50xf32, #tpu.memory_space<vmem>>) dst(%dma_wait3A_385 : memref<10240xf32, #tpu.memory_space<vmem_shared>>)
      %dma_wait3A_386 = arith.constant 0 : i32
      %dma_wait3A_387 = arith.constant 0 : i32
      %dma_wait3A_388 = tpu.memref_slice %arg5[%dma_wait3A_387] : memref<128xf32, #tpu.memory_space<vmem>> -> memref<50xf32, #tpu.memory_space<vmem>>
      %dma_wait3A_389 = arith.constant 0 : i32
      %dma_wait3A_390 = tpu.memref_slice %arg4[%dma_wait3A_386, %dma_wait3A_389] : memref<100x50xi32, #tpu.memory_space<vmem>> -> memref<1x50xi32, #tpu.memory_space<vmem>>
      %dma_wait3A_391 = tpu.memref_squeeze %dma_wait3A_390 : memref<1x50xi32, #tpu.memory_space<vmem>> -> memref<50xi32, #tpu.memory_space<vmem>>
      %dma_wait3A_392 = arith.constant 0 : i32
      %dma_wait3A_393 = tpu.memref_slice %arg7[%dma_wait3A_392] : memref<10240xf32, #tpu.memory_space<vmem_shared>> -> memref<10240xf32, #tpu.memory_space<vmem_shared>>
      tpu.wait_indirect_dma semaphore(%arg8 : memref<!tpu.dma_semaphore, #tpu.memory_space<semaphore_mem>>) src(%dma_wait3A_388 : memref<50xf32, #tpu.memory_space<vmem>>) dst(%dma_wait3A_393 : memref<10240xf32, #tpu.memory_space<vmem_shared>>)
      %dma_wait3A_394 = arith.constant 0 : i32
      %dma_wait3A_395 = arith.constant 0 : i32
      %dma_wait3A_396 = tpu.memref_slice %arg5[%dma_wait3A_395] : memref<128xf32, #tpu.memory_space<vmem>> -> memref<50xf32, #tpu.memory_space<vmem>>
      %dma_wait3A_397 = arith.constant 0 : i32
      %dma_wait3A_398 = tpu.memref_slice %arg4[%dma_wait3A_394, %dma_wait3A_397] : memref<100x50xi32, #tpu.memory_space<vmem>> -> memref<1x50xi32, #tpu.memory_space<vmem>>
      %dma_wait3A_399 = tpu.memref_squeeze %dma_wait3A_398 : memref<1x50xi32, #tpu.memory_space<vmem>> -> memref<50xi32, #tpu.memory_space<vmem>>
      %dma_wait3A_400 = arith.constant 0 : i32
      %dma_wait3A_401 = tpu.memref_slice %arg7[%dma_wait3A_400] : memref<10240xf32, #tpu.memory_space<vmem_shared>> -> memref<10240xf32, #tpu.memory_space<vmem_shared>>
      tpu.wait_indirect_dma semaphore(%arg8 : memref<!tpu.dma_semaphore, #tpu.memory_space<semaphore_mem>>) src(%dma_wait3A_396 : memref<50xf32, #tpu.memory_space<vmem>>) dst(%dma_wait3A_401 : memref<10240xf32, #tpu.memory_space<vmem_shared>>)
      %dma_wait3A_402 = arith.constant 0 : i32
      %dma_wait3A_403 = arith.constant 0 : i32
      %dma_wait3A_404 = tpu.memref_slice %arg5[%dma_wait3A_403] : memref<128xf32, #tpu.memory_space<vmem>> -> memref<50xf32, #tpu.memory_space<vmem>>
      %dma_wait3A_405 = arith.constant 0 : i32
      %dma_wait3A_406 = tpu.memref_slice %arg4[%dma_wait3A_402, %dma_wait3A_405] : memref<100x50xi32, #tpu.memory_space<vmem>> -> memref<1x50xi32, #tpu.memory_space<vmem>>
      %dma_wait3A_407 = tpu.memref_squeeze %dma_wait3A_406 : memref<1x50xi32, #tpu.memory_space<vmem>> -> memref<50xi32, #tpu.memory_space<vmem>>
      %dma_wait3A_408 = arith.constant 0 : i32
      %dma_wait3A_409 = tpu.memref_slice %arg7[%dma_wait3A_408] : memref<10240xf32, #tpu.memory_space<vmem_shared>> -> memref<10240xf32, #tpu.memory_space<vmem_shared>>
      tpu.wait_indirect_dma semaphore(%arg8 : memref<!tpu.dma_semaphore, #tpu.memory_space<semaphore_mem>>) src(%dma_wait3A_404 : memref<50xf32, #tpu.memory_space<vmem>>) dst(%dma_wait3A_409 : memref<10240xf32, #tpu.memory_space<vmem_shared>>)
    }
    %scan3A_297 = arith.constant 20 : i32
    %mul3A_298 = arith.constant 2 : i32
    %mul3A_299 = arith.muli %mul3A_298, %add3A : i32
    %add3A_300 = arith.constant 1 : i32
    %add3A_301 = arith.addi %mul3A_299, %add3A_300 : i32
    "tpu.region"() ({
      %run_scoped3A = tpu.sem_alloc : memref<!tpu.dma_semaphore, #tpu.memory_space<semaphore_mem>>
      %dma_start3A = arith.constant 0 : i32
      %dma_start3A_316 = arith.constant 0 : i32
      %dma_start3A_317 = tpu.memref_slice %arg2[%add3A_301, %dma_start3A, %dma_start3A_316] : memref<64x100x50xi32, #tpu.memory_space<hbm>> -> memref<1x100x50xi32, #tpu.memory_space<hbm>>
      %dma_start3A_318 = tpu.memref_squeeze %dma_start3A_317 : memref<1x100x50xi32, #tpu.memory_space<hbm>> -> memref<100x50xi32, #tpu.memory_space<hbm>>
      %dma_start3A_319 = arith.constant 0 : i32
      %dma_start3A_320 = arith.constant 0 : i32
      %dma_start3A_321 = tpu.memref_slice %arg2[%add3A_301, %dma_start3A_319, %dma_start3A_320] : memref<64x100x50xi32, #tpu.memory_space<hbm>> -> memref<1x100x50xi32, #tpu.memory_space<hbm>>
      %dma_start3A_322 = tpu.memref_squeeze %dma_start3A_321 : memref<1x100x50xi32, #tpu.memory_space<hbm>> -> memref<100x50xi32, #tpu.memory_space<hbm>>
      tpu.enqueue_dma source(%dma_start3A_322 : memref<100x50xi32, #tpu.memory_space<hbm>>) target(%arg4 : memref<100x50xi32, #tpu.memory_space<vmem>>) target_semaphore(%run_scoped3A : memref<!tpu.dma_semaphore, #tpu.memory_space<semaphore_mem>>)
      %dma_wait3A = arith.constant 0 : i32
      %dma_wait3A_323 = arith.constant 0 : i32
      %dma_wait3A_324 = tpu.memref_slice %arg2[%add3A_301, %dma_wait3A, %dma_wait3A_323] : memref<64x100x50xi32, #tpu.memory_space<hbm>> -> memref<1x100x50xi32, #tpu.memory_space<hbm>>
      %dma_wait3A_325 = tpu.memref_squeeze %dma_wait3A_324 : memref<1x100x50xi32, #tpu.memory_space<hbm>> -> memref<100x50xi32, #tpu.memory_space<hbm>>
      %dma_wait3A_326 = arith.constant 0 : i32
      %dma_wait3A_327 = arith.constant 0 : i32
      %dma_wait3A_328 = tpu.memref_slice %arg2[%add3A_301, %dma_wait3A_326, %dma_wait3A_327] : memref<64x100x50xi32, #tpu.memory_space<hbm>> -> memref<1x100x50xi32, #tpu.memory_space<hbm>>
      %dma_wait3A_329 = tpu.memref_squeeze %dma_wait3A_328 : memref<1x100x50xi32, #tpu.memory_space<hbm>> -> memref<100x50xi32, #tpu.memory_space<hbm>>
      tpu.wait_dma2 semaphore(%run_scoped3A : memref<!tpu.dma_semaphore, #tpu.memory_space<semaphore_mem>>) src(%dma_wait3A_329 : memref<100x50xi32, #tpu.memory_space<hbm>>) dst(%arg4 : memref<100x50xi32, #tpu.memory_space<vmem>>)
      tpu.yield
    }) : () -> ()
    %scan3A_302 = arith.constant 0 : i32
    %scan3A_303 = arith.constant 0 : i32
    %scan3A_304 = arith.constant 20 : i32
    %scan3A_305 = arith.addi %scan3A_303, %scan3A_304 : i32
    %scan3A_306 = arith.constant 1 : i32
    scf.for %scan3A_316 = %scan3A_303 to %scan3A_305 step %scan3A_306  : i32 {
      %mul3A_317 = arith.constant 5 : i32
      %mul3A_318 = arith.muli %mul3A_317, %scan3A_316 : i32
      %add3A_319 = arith.constant 0 : i32
      %add3A_320 = arith.addi %mul3A_318, %add3A_319 : i32
      %dma_start3A = arith.constant 0 : i32
      %dma_start3A_321 = tpu.memref_slice %arg5[%dma_start3A] : memref<128xf32, #tpu.memory_space<vmem>> -> memref<50xf32, #tpu.memory_space<vmem>>
      %dma_start3A_322 = arith.constant 0 : i32
      %dma_start3A_323 = tpu.memref_slice %arg4[%add3A_320, %dma_start3A_322] : memref<100x50xi32, #tpu.memory_space<vmem>> -> memref<1x50xi32, #tpu.memory_space<vmem>>
      %dma_start3A_324 = tpu.memref_squeeze %dma_start3A_323 : memref<1x50xi32, #tpu.memory_space<vmem>> -> memref<50xi32, #tpu.memory_space<vmem>>
      %dma_start3A_325 = arith.constant 0 : i32
      %dma_start3A_326 = tpu.memref_slice %arg7[%dma_start3A_325] : memref<10240xf32, #tpu.memory_space<vmem_shared>> -> memref<10240xf32, #tpu.memory_space<vmem_shared>>
      tpu.enqueue_indirect_dma source(%dma_start3A_321 : memref<50xf32, #tpu.memory_space<vmem>>) target(%dma_start3A_326 : memref<10240xf32, #tpu.memory_space<vmem_shared>>) offsets(%dma_start3A_324 : memref<50xi32, #tpu.memory_space<vmem>>) semaphore(%arg8 : memref<!tpu.dma_semaphore, #tpu.memory_space<semaphore_mem>>) {add = true}
      %mul3A_327 = arith.constant 5 : i32
      %mul3A_328 = arith.muli %mul3A_327, %scan3A_316 : i32
      %add3A_329 = arith.constant 1 : i32
      %add3A_330 = arith.addi %mul3A_328, %add3A_329 : i32
      %dma_start3A_331 = arith.constant 0 : i32
      %dma_start3A_332 = tpu.memref_slice %arg5[%dma_start3A_331] : memref<128xf32, #tpu.memory_space<vmem>> -> memref<50xf32, #tpu.memory_space<vmem>>
      %dma_start3A_333 = arith.constant 0 : i32
      %dma_start3A_334 = tpu.memref_slice %arg4[%add3A_330, %dma_start3A_333] : memref<100x50xi32, #tpu.memory_space<vmem>> -> memref<1x50xi32, #tpu.memory_space<vmem>>
      %dma_start3A_335 = tpu.memref_squeeze %dma_start3A_334 : memref<1x50xi32, #tpu.memory_space<vmem>> -> memref<50xi32, #tpu.memory_space<vmem>>
      %dma_start3A_336 = arith.constant 0 : i32
      %dma_start3A_337 = tpu.memref_slice %arg7[%dma_start3A_336] : memref<10240xf32, #tpu.memory_space<vmem_shared>> -> memref<10240xf32, #tpu.memory_space<vmem_shared>>
      tpu.enqueue_indirect_dma source(%dma_start3A_332 : memref<50xf32, #tpu.memory_space<vmem>>) target(%dma_start3A_337 : memref<10240xf32, #tpu.memory_space<vmem_shared>>) offsets(%dma_start3A_335 : memref<50xi32, #tpu.memory_space<vmem>>) semaphore(%arg8 : memref<!tpu.dma_semaphore, #tpu.memory_space<semaphore_mem>>) {add = true}
      %mul3A_338 = arith.constant 5 : i32
      %mul3A_339 = arith.muli %mul3A_338, %scan3A_316 : i32
      %add3A_340 = arith.constant 2 : i32
      %add3A_341 = arith.addi %mul3A_339, %add3A_340 : i32
      %dma_start3A_342 = arith.constant 0 : i32
      %dma_start3A_343 = tpu.memref_slice %arg5[%dma_start3A_342] : memref<128xf32, #tpu.memory_space<vmem>> -> memref<50xf32, #tpu.memory_space<vmem>>
      %dma_start3A_344 = arith.constant 0 : i32
      %dma_start3A_345 = tpu.memref_slice %arg4[%add3A_341, %dma_start3A_344] : memref<100x50xi32, #tpu.memory_space<vmem>> -> memref<1x50xi32, #tpu.memory_space<vmem>>
      %dma_start3A_346 = tpu.memref_squeeze %dma_start3A_345 : memref<1x50xi32, #tpu.memory_space<vmem>> -> memref<50xi32, #tpu.memory_space<vmem>>
      %dma_start3A_347 = arith.constant 0 : i32
      %dma_start3A_348 = tpu.memref_slice %arg7[%dma_start3A_347] : memref<10240xf32, #tpu.memory_space<vmem_shared>> -> memref<10240xf32, #tpu.memory_space<vmem_shared>>
      tpu.enqueue_indirect_dma source(%dma_start3A_343 : memref<50xf32, #tpu.memory_space<vmem>>) target(%dma_start3A_348 : memref<10240xf32, #tpu.memory_space<vmem_shared>>) offsets(%dma_start3A_346 : memref<50xi32, #tpu.memory_space<vmem>>) semaphore(%arg8 : memref<!tpu.dma_semaphore, #tpu.memory_space<semaphore_mem>>) {add = true}
      %mul3A_349 = arith.constant 5 : i32
      %mul3A_350 = arith.muli %mul3A_349, %scan3A_316 : i32
      %add3A_351 = arith.constant 3 : i32
      %add3A_352 = arith.addi %mul3A_350, %add3A_351 : i32
      %dma_start3A_353 = arith.constant 0 : i32
      %dma_start3A_354 = tpu.memref_slice %arg5[%dma_start3A_353] : memref<128xf32, #tpu.memory_space<vmem>> -> memref<50xf32, #tpu.memory_space<vmem>>
      %dma_start3A_355 = arith.constant 0 : i32
      %dma_start3A_356 = tpu.memref_slice %arg4[%add3A_352, %dma_start3A_355] : memref<100x50xi32, #tpu.memory_space<vmem>> -> memref<1x50xi32, #tpu.memory_space<vmem>>
      %dma_start3A_357 = tpu.memref_squeeze %dma_start3A_356 : memref<1x50xi32, #tpu.memory_space<vmem>> -> memref<50xi32, #tpu.memory_space<vmem>>
      %dma_start3A_358 = arith.constant 0 : i32
      %dma_start3A_359 = tpu.memref_slice %arg7[%dma_start3A_358] : memref<10240xf32, #tpu.memory_space<vmem_shared>> -> memref<10240xf32, #tpu.memory_space<vmem_shared>>
      tpu.enqueue_indirect_dma source(%dma_start3A_354 : memref<50xf32, #tpu.memory_space<vmem>>) target(%dma_start3A_359 : memref<10240xf32, #tpu.memory_space<vmem_shared>>) offsets(%dma_start3A_357 : memref<50xi32, #tpu.memory_space<vmem>>) semaphore(%arg8 : memref<!tpu.dma_semaphore, #tpu.memory_space<semaphore_mem>>) {add = true}
      %mul3A_360 = arith.constant 5 : i32
      %mul3A_361 = arith.muli %mul3A_360, %scan3A_316 : i32
      %add3A_362 = arith.constant 4 : i32
      %add3A_363 = arith.addi %mul3A_361, %add3A_362 : i32
      %dma_start3A_364 = arith.constant 0 : i32
      %dma_start3A_365 = tpu.memref_slice %arg5[%dma_start3A_364] : memref<128xf32, #tpu.memory_space<vmem>> -> memref<50xf32, #tpu.memory_space<vmem>>
      %dma_start3A_366 = arith.constant 0 : i32
      %dma_start3A_367 = tpu.memref_slice %arg4[%add3A_363, %dma_start3A_366] : memref<100x50xi32, #tpu.memory_space<vmem>> -> memref<1x50xi32, #tpu.memory_space<vmem>>
      %dma_start3A_368 = tpu.memref_squeeze %dma_start3A_367 : memref<1x50xi32, #tpu.memory_space<vmem>> -> memref<50xi32, #tpu.memory_space<vmem>>
      %dma_start3A_369 = arith.constant 0 : i32
      %dma_start3A_370 = tpu.memref_slice %arg7[%dma_start3A_369] : memref<10240xf32, #tpu.memory_space<vmem_shared>> -> memref<10240xf32, #tpu.memory_space<vmem_shared>>
      tpu.enqueue_indirect_dma source(%dma_start3A_365 : memref<50xf32, #tpu.memory_space<vmem>>) target(%dma_start3A_370 : memref<10240xf32, #tpu.memory_space<vmem_shared>>) offsets(%dma_start3A_368 : memref<50xi32, #tpu.memory_space<vmem>>) semaphore(%arg8 : memref<!tpu.dma_semaphore, #tpu.memory_space<semaphore_mem>>) {add = true}
      %dma_wait3A = arith.constant 0 : i32
      %dma_wait3A_371 = arith.constant 0 : i32
      %dma_wait3A_372 = tpu.memref_slice %arg5[%dma_wait3A_371] : memref<128xf32, #tpu.memory_space<vmem>> -> memref<50xf32, #tpu.memory_space<vmem>>
      %dma_wait3A_373 = arith.constant 0 : i32
      %dma_wait3A_374 = tpu.memref_slice %arg4[%dma_wait3A, %dma_wait3A_373] : memref<100x50xi32, #tpu.memory_space<vmem>> -> memref<1x50xi32, #tpu.memory_space<vmem>>
      %dma_wait3A_375 = tpu.memref_squeeze %dma_wait3A_374 : memref<1x50xi32, #tpu.memory_space<vmem>> -> memref<50xi32, #tpu.memory_space<vmem>>
      %dma_wait3A_376 = arith.constant 0 : i32
      %dma_wait3A_377 = tpu.memref_slice %arg7[%dma_wait3A_376] : memref<10240xf32, #tpu.memory_space<vmem_shared>> -> memref<10240xf32, #tpu.memory_space<vmem_shared>>
      tpu.wait_indirect_dma semaphore(%arg8 : memref<!tpu.dma_semaphore, #tpu.memory_space<semaphore_mem>>) src(%dma_wait3A_372 : memref<50xf32, #tpu.memory_space<vmem>>) dst(%dma_wait3A_377 : memref<10240xf32, #tpu.memory_space<vmem_shared>>)
      %dma_wait3A_378 = arith.constant 0 : i32
      %dma_wait3A_379 = arith.constant 0 : i32
      %dma_wait3A_380 = tpu.memref_slice %arg5[%dma_wait3A_379] : memref<128xf32, #tpu.memory_space<vmem>> -> memref<50xf32, #tpu.memory_space<vmem>>
      %dma_wait3A_381 = arith.constant 0 : i32
      %dma_wait3A_382 = tpu.memref_slice %arg4[%dma_wait3A_378, %dma_wait3A_381] : memref<100x50xi32, #tpu.memory_space<vmem>> -> memref<1x50xi32, #tpu.memory_space<vmem>>
      %dma_wait3A_383 = tpu.memref_squeeze %dma_wait3A_382 : memref<1x50xi32, #tpu.memory_space<vmem>> -> memref<50xi32, #tpu.memory_space<vmem>>
      %dma_wait3A_384 = arith.constant 0 : i32
      %dma_wait3A_385 = tpu.memref_slice %arg7[%dma_wait3A_384] : memref<10240xf32, #tpu.memory_space<vmem_shared>> -> memref<10240xf32, #tpu.memory_space<vmem_shared>>
      tpu.wait_indirect_dma semaphore(%arg8 : memref<!tpu.dma_semaphore, #tpu.memory_space<semaphore_mem>>) src(%dma_wait3A_380 : memref<50xf32, #tpu.memory_space<vmem>>) dst(%dma_wait3A_385 : memref<10240xf32, #tpu.memory_space<vmem_shared>>)
      %dma_wait3A_386 = arith.constant 0 : i32
      %dma_wait3A_387 = arith.constant 0 : i32
      %dma_wait3A_388 = tpu.memref_slice %arg5[%dma_wait3A_387] : memref<128xf32, #tpu.memory_space<vmem>> -> memref<50xf32, #tpu.memory_space<vmem>>
      %dma_wait3A_389 = arith.constant 0 : i32
      %dma_wait3A_390 = tpu.memref_slice %arg4[%dma_wait3A_386, %dma_wait3A_389] : memref<100x50xi32, #tpu.memory_space<vmem>> -> memref<1x50xi32, #tpu.memory_space<vmem>>
      %dma_wait3A_391 = tpu.memref_squeeze %dma_wait3A_390 : memref<1x50xi32, #tpu.memory_space<vmem>> -> memref<50xi32, #tpu.memory_space<vmem>>
      %dma_wait3A_392 = arith.constant 0 : i32
      %dma_wait3A_393 = tpu.memref_slice %arg7[%dma_wait3A_392] : memref<10240xf32, #tpu.memory_space<vmem_shared>> -> memref<10240xf32, #tpu.memory_space<vmem_shared>>
      tpu.wait_indirect_dma semaphore(%arg8 : memref<!tpu.dma_semaphore, #tpu.memory_space<semaphore_mem>>) src(%dma_wait3A_388 : memref<50xf32, #tpu.memory_space<vmem>>) dst(%dma_wait3A_393 : memref<10240xf32, #tpu.memory_space<vmem_shared>>)
      %dma_wait3A_394 = arith.constant 0 : i32
      %dma_wait3A_395 = arith.constant 0 : i32
      %dma_wait3A_396 = tpu.memref_slice %arg5[%dma_wait3A_395] : memref<128xf32, #tpu.memory_space<vmem>> -> memref<50xf32, #tpu.memory_space<vmem>>
      %dma_wait3A_397 = arith.constant 0 : i32
      %dma_wait3A_398 = tpu.memref_slice %arg4[%dma_wait3A_394, %dma_wait3A_397] : memref<100x50xi32, #tpu.memory_space<vmem>> -> memref<1x50xi32, #tpu.memory_space<vmem>>
      %dma_wait3A_399 = tpu.memref_squeeze %dma_wait3A_398 : memref<1x50xi32, #tpu.memory_space<vmem>> -> memref<50xi32, #tpu.memory_space<vmem>>
      %dma_wait3A_400 = arith.constant 0 : i32
      %dma_wait3A_401 = tpu.memref_slice %arg7[%dma_wait3A_400] : memref<10240xf32, #tpu.memory_space<vmem_shared>> -> memref<10240xf32, #tpu.memory_space<vmem_shared>>
      tpu.wait_indirect_dma semaphore(%arg8 : memref<!tpu.dma_semaphore, #tpu.memory_space<semaphore_mem>>) src(%dma_wait3A_396 : memref<50xf32, #tpu.memory_space<vmem>>) dst(%dma_wait3A_401 : memref<10240xf32, #tpu.memory_space<vmem_shared>>)
      %dma_wait3A_402 = arith.constant 0 : i32
      %dma_wait3A_403 = arith.constant 0 : i32
      %dma_wait3A_404 = tpu.memref_slice %arg5[%dma_wait3A_403] : memref<128xf32, #tpu.memory_space<vmem>> -> memref<50xf32, #tpu.memory_space<vmem>>
      %dma_wait3A_405 = arith.constant 0 : i32
      %dma_wait3A_406 = tpu.memref_slice %arg4[%dma_wait3A_402, %dma_wait3A_405] : memref<100x50xi32, #tpu.memory_space<vmem>> -> memref<1x50xi32, #tpu.memory_space<vmem>>
      %dma_wait3A_407 = tpu.memref_squeeze %dma_wait3A_406 : memref<1x50xi32, #tpu.memory_space<vmem>> -> memref<50xi32, #tpu.memory_space<vmem>>
      %dma_wait3A_408 = arith.constant 0 : i32
      %dma_wait3A_409 = tpu.memref_slice %arg7[%dma_wait3A_408] : memref<10240xf32, #tpu.memory_space<vmem_shared>> -> memref<10240xf32, #tpu.memory_space<vmem_shared>>
      tpu.wait_indirect_dma semaphore(%arg8 : memref<!tpu.dma_semaphore, #tpu.memory_space<semaphore_mem>>) src(%dma_wait3A_404 : memref<50xf32, #tpu.memory_space<vmem>>) dst(%dma_wait3A_409 : memref<10240xf32, #tpu.memory_space<vmem_shared>>)
    }
    %scan3A_307 = arith.constant 20 : i32
    %barrier3A_308 = arith.constant 0 : index
    tpu.barrier barrier_id(%barrier3A_308)
    %mul3A_309 = arith.constant 640 : i32
    %mul3A_310 = arith.muli %arg1, %mul3A_309 : i32
    %mul3A_311 = arith.constant 10240 : i32
    %mul3A_312 = arith.muli %arg0, %mul3A_311 : i32
    %mul3A_313 = arith.constant 640 : i32
    %mul3A_314 = arith.muli %arg1, %mul3A_313 : i32
    %add3A_315 = arith.addi %mul3A_312, %mul3A_314 : i32
    "tpu.region"() ({
      %run_scoped3A = tpu.sem_alloc : memref<!tpu.dma_semaphore, #tpu.memory_space<semaphore_mem>>
      %dma_start3A = tpu.memref_slice %arg3[%add3A_315] : memref<20480xf32, #tpu.memory_space<hbm>> -> memref<640xf32, #tpu.memory_space<hbm>>
      %dma_start3A_316 = tpu.memref_slice %arg7[%mul3A_310] : memref<10240xf32, #tpu.memory_space<vmem_shared>> -> memref<640xf32, #tpu.memory_space<vmem_shared>>
      tpu.enqueue_dma source(%dma_start3A_316 : memref<640xf32, #tpu.memory_space<vmem_shared>>) target(%dma_start3A : memref<640xf32, #tpu.memory_space<hbm>>) target_semaphore(%run_scoped3A : memref<!tpu.dma_semaphore, #tpu.memory_space<semaphore_mem>>)
      %dma_wait3A = tpu.memref_slice %arg3[%add3A_315] : memref<20480xf32, #tpu.memory_space<hbm>> -> memref<640xf32, #tpu.memory_space<hbm>>
      %dma_wait3A_317 = tpu.memref_slice %arg7[%mul3A_310] : memref<10240xf32, #tpu.memory_space<vmem_shared>> -> memref<640xf32, #tpu.memory_space<vmem_shared>>
      tpu.wait_dma2 semaphore(%run_scoped3A : memref<!tpu.dma_semaphore, #tpu.memory_space<semaphore_mem>>) src(%dma_wait3A_317 : memref<640xf32, #tpu.memory_space<vmem_shared>>) dst(%dma_wait3A : memref<640xf32, #tpu.memory_space<hbm>>)
      tpu.yield
    }) : () -> ()
    return
  }
}

#map = affine_map<(d0, d1) -> (0, 0)>
#map1 = affine_map<(d0, d1) -> (0, 0, 0)>
module attributes {stable_mosaic.version = 14 : i64} {
  func.func @_agg(%arg0: i32, %arg1: i32, %arg2: memref<10000x128xf32, #tpu.memory_space<hbm>>, %arg3: memref<64x100x50xi32, #tpu.memory_space<hbm>>, %arg4: memref<64x100x50xi32, #tpu.memory_space<hbm>>, %arg5: memref<2x10240x128xf32, #tpu.memory_space<hbm>>, %arg6: memref<100x50xi32, #tpu.memory_space<vmem>>, %arg7: memref<100x50xi32, #tpu.memory_space<vmem>>, %arg8: memref<50x128xf32, #tpu.memory_space<vmem>>, %arg9: memref<50x128xf32, #tpu.memory_space<vmem>>, %arg10: memref<50x128xf32, #tpu.memory_space<vmem>>, %arg11: memref<10240x128xf32, #tpu.memory_space<vmem_shared>>, %arg12: memref<!tpu.dma_semaphore, #tpu.memory_space<semaphore_mem>>, %arg13: memref<!tpu.dma_semaphore, #tpu.memory_space<semaphore_mem>>, %arg14: memref<!tpu.dma_semaphore, #tpu.memory_space<semaphore_mem>>, %arg15: memref<!tpu.dma_semaphore, #tpu.memory_space<semaphore_mem>>) attributes {dimension_semantics = [#tpu.dimension_semantics<core_parallel>, #tpu.dimension_semantics<subcore_parallel>], iteration_bounds = array<i64: 2, 16>, scalar_prefetch = 0 : i64, scratch_operands = 10 : i64, tpu.core_type = #tpu.core_type<sc_vector_subcore>, window_params = [{transform_indices = #map}, {transform_indices = #map1}, {transform_indices = #map1}, {transform_indices = #map1}]} {
    %mul3A = arith.constant 2 : i32
    %mul3A_0 = arith.muli %arg1, %mul3A : i32
    %add3A = arith.addi %mul3A_0, %arg0 : i32
    %scan3A = arith.constant 0 : i32
    %scan3A_1 = arith.constant 0 : i32
    %scan3A_2 = arith.constant 80 : i32
    %scan3A_3 = arith.addi %scan3A_1, %scan3A_2 : i32
    %scan3A_4 = arith.constant 1 : i32
    scf.for %scan3A_274 = %scan3A_1 to %scan3A_3 step %scan3A_4  : i32 {
      %broadcast_in_dim3A = arith.constant 0.000000e+00 : f32
      %broadcast_in_dim3A_275 = vector.broadcast %broadcast_in_dim3A : f32 to vector<16xf32>
      %swap3A = arith.index_cast %scan3A_274 : i32 to index
      %swap3A_276 = arith.constant 0 : index
      %swap3A_277 = tpu.vector_load %arg8[%swap3A, %swap3A_276] {strides = array<i32>} : memref<50x128xf32, #tpu.memory_space<vmem>>, vector<1x16xf32>,
      %swap3A_278 = vector.shape_cast %swap3A_277 : vector<1x16xf32> to vector<16xf32>
      %swap3A_279 = vector.shape_cast %broadcast_in_dim3A_275 : vector<16xf32> to vector<1x16xf32>
      tpu.vector_store %arg8[%swap3A, %swap3A_276], %swap3A_279 {strides = array<i32>} : memref<50x128xf32, #tpu.memory_space<vmem>>, vector<1x16xf32>,
      %broadcast_in_dim3A_280 = arith.constant 0.000000e+00 : f32
      %broadcast_in_dim3A_281 = vector.broadcast %broadcast_in_dim3A_280 : f32 to vector<16xf32>
      %swap3A_282 = arith.index_cast %scan3A_274 : i32 to index
      %swap3A_283 = arith.constant 16 : index
      %swap3A_284 = tpu.vector_load %arg8[%swap3A_282, %swap3A_283] {strides = array<i32>} : memref<50x128xf32, #tpu.memory_space<vmem>>, vector<1x16xf32>,
      %swap3A_285 = vector.shape_cast %swap3A_284 : vector<1x16xf32> to vector<16xf32>
      %swap3A_286 = vector.shape_cast %broadcast_in_dim3A_281 : vector<16xf32> to vector<1x16xf32>
      tpu.vector_store %arg8[%swap3A_282, %swap3A_283], %swap3A_286 {strides = array<i32>} : memref<50x128xf32, #tpu.memory_space<vmem>>, vector<1x16xf32>,
      %broadcast_in_dim3A_287 = arith.constant 0.000000e+00 : f32
      %broadcast_in_dim3A_288 = vector.broadcast %broadcast_in_dim3A_287 : f32 to vector<16xf32>
      %swap3A_289 = arith.index_cast %scan3A_274 : i32 to index
      %swap3A_290 = arith.constant 32 : index
      %swap3A_291 = tpu.vector_load %arg8[%swap3A_289, %swap3A_290] {strides = array<i32>} : memref<50x128xf32, #tpu.memory_space<vmem>>, vector<1x16xf32>,
      %swap3A_292 = vector.shape_cast %swap3A_291 : vector<1x16xf32> to vector<16xf32>
      %swap3A_293 = vector.shape_cast %broadcast_in_dim3A_288 : vector<16xf32> to vector<1x16xf32>
      tpu.vector_store %arg8[%swap3A_289, %swap3A_290], %swap3A_293 {strides = array<i32>} : memref<50x128xf32, #tpu.memory_space<vmem>>, vector<1x16xf32>,
      %broadcast_in_dim3A_294 = arith.constant 0.000000e+00 : f32
      %broadcast_in_dim3A_295 = vector.broadcast %broadcast_in_dim3A_294 : f32 to vector<16xf32>
      %swap3A_296 = arith.index_cast %scan3A_274 : i32 to index
      %swap3A_297 = arith.constant 48 : index
      %swap3A_298 = tpu.vector_load %arg8[%swap3A_296, %swap3A_297] {strides = array<i32>} : memref<50x128xf32, #tpu.memory_space<vmem>>, vector<1x16xf32>,
      %swap3A_299 = vector.shape_cast %swap3A_298 : vector<1x16xf32> to vector<16xf32>
      %swap3A_300 = vector.shape_cast %broadcast_in_dim3A_295 : vector<16xf32> to vector<1x16xf32>
      tpu.vector_store %arg8[%swap3A_296, %swap3A_297], %swap3A_300 {strides = array<i32>} : memref<50x128xf32, #tpu.memory_space<vmem>>, vector<1x16xf32>,
      %broadcast_in_dim3A_301 = arith.constant 0.000000e+00 : f32
      %broadcast_in_dim3A_302 = vector.broadcast %broadcast_in_dim3A_301 : f32 to vector<16xf32>
      %swap3A_303 = arith.index_cast %scan3A_274 : i32 to index
      %swap3A_304 = arith.constant 64 : index
      %swap3A_305 = tpu.vector_load %arg8[%swap3A_303, %swap3A_304] {strides = array<i32>} : memref<50x128xf32, #tpu.memory_space<vmem>>, vector<1x16xf32>,
      %swap3A_306 = vector.shape_cast %swap3A_305 : vector<1x16xf32> to vector<16xf32>
      %swap3A_307 = vector.shape_cast %broadcast_in_dim3A_302 : vector<16xf32> to vector<1x16xf32>
      tpu.vector_store %arg8[%swap3A_303, %swap3A_304], %swap3A_307 {strides = array<i32>} : memref<50x128xf32, #tpu.memory_space<vmem>>, vector<1x16xf32>,
      %broadcast_in_dim3A_308 = arith.constant 0.000000e+00 : f32
      %broadcast_in_dim3A_309 = vector.broadcast %broadcast_in_dim3A_308 : f32 to vector<16xf32>
      %swap3A_310 = arith.index_cast %scan3A_274 : i32 to index
      %swap3A_311 = arith.constant 80 : index
      %swap3A_312 = tpu.vector_load %arg8[%swap3A_310, %swap3A_311] {strides = array<i32>} : memref<50x128xf32, #tpu.memory_space<vmem>>, vector<1x16xf32>,
      %swap3A_313 = vector.shape_cast %swap3A_312 : vector<1x16xf32> to vector<16xf32>
      %swap3A_314 = vector.shape_cast %broadcast_in_dim3A_309 : vector<16xf32> to vector<1x16xf32>
      tpu.vector_store %arg8[%swap3A_310, %swap3A_311], %swap3A_314 {strides = array<i32>} : memref<50x128xf32, #tpu.memory_space<vmem>>, vector<1x16xf32>,
      %broadcast_in_dim3A_315 = arith.constant 0.000000e+00 : f32
      %broadcast_in_dim3A_316 = vector.broadcast %broadcast_in_dim3A_315 : f32 to vector<16xf32>
      %swap3A_317 = arith.index_cast %scan3A_274 : i32 to index
      %swap3A_318 = arith.constant 96 : index
      %swap3A_319 = tpu.vector_load %arg8[%swap3A_317, %swap3A_318] {strides = array<i32>} : memref<50x128xf32, #tpu.memory_space<vmem>>, vector<1x16xf32>,
      %swap3A_320 = vector.shape_cast %swap3A_319 : vector<1x16xf32> to vector<16xf32>
      %swap3A_321 = vector.shape_cast %broadcast_in_dim3A_316 : vector<16xf32> to vector<1x16xf32>
      tpu.vector_store %arg8[%swap3A_317, %swap3A_318], %swap3A_321 {strides = array<i32>} : memref<50x128xf32, #tpu.memory_space<vmem>>, vector<1x16xf32>,
      %broadcast_in_dim3A_322 = arith.constant 0.000000e+00 : f32
      %broadcast_in_dim3A_323 = vector.broadcast %broadcast_in_dim3A_322 : f32 to vector<16xf32>
      %swap3A_324 = arith.index_cast %scan3A_274 : i32 to index
      %swap3A_325 = arith.constant 112 : index
      %swap3A_326 = tpu.vector_load %arg8[%swap3A_324, %swap3A_325] {strides = array<i32>} : memref<50x128xf32, #tpu.memory_space<vmem>>, vector<1x16xf32>,
      %swap3A_327 = vector.shape_cast %swap3A_326 : vector<1x16xf32> to vector<16xf32>
      %swap3A_328 = vector.shape_cast %broadcast_in_dim3A_323 : vector<16xf32> to vector<1x16xf32>
      tpu.vector_store %arg8[%swap3A_324, %swap3A_325], %swap3A_328 {strides = array<i32>} : memref<50x128xf32, #tpu.memory_space<vmem>>, vector<1x16xf32>,
    }
    %scan3A_5 = arith.constant 80 : i32
    %mul3A_6 = arith.constant 640 : i32
    %mul3A_7 = arith.muli %arg1, %mul3A_6 : i32
    %add3A_8 = arith.constant 0 : i32
    %add3A_9 = arith.addi %mul3A_7, %add3A_8 : i32
    "tpu.region"() ({
      %run_scoped3A_274 = tpu.sem_alloc : memref<!tpu.dma_semaphore, #tpu.memory_space<semaphore_mem>>
      %dma_start3A_275 = arith.constant 0 : i32
      %dma_start3A_276 = arith.constant 0 : i32
      %dma_start3A_277 = tpu.memref_slice %arg8[%dma_start3A_275, %dma_start3A_276] : memref<50x128xf32, #tpu.memory_space<vmem>> -> memref<80x128xf32, #tpu.memory_space<vmem>>
      %dma_start3A_278 = arith.constant 0 : i32
      %dma_start3A_279 = tpu.memref_slice %arg11[%add3A_9, %dma_start3A_278] : memref<10240x128xf32, #tpu.memory_space<vmem_shared>> -> memref<80x128xf32, #tpu.memory_space<vmem_shared>>
      %dma_start3A_280 = arith.constant 0 : i32
      %dma_start3A_281 = tpu.memref_slice %arg11[%add3A_9, %dma_start3A_280] : memref<10240x128xf32, #tpu.memory_space<vmem_shared>> -> memref<80x128xf32, #tpu.memory_space<vmem_shared>>
      %dma_start3A_282 = arith.constant 0 : i32
      %dma_start3A_283 = arith.constant 0 : i32
      %dma_start3A_284 = tpu.memref_slice %arg8[%dma_start3A_282, %dma_start3A_283] : memref<50x128xf32, #tpu.memory_space<vmem>> -> memref<80x128xf32, #tpu.memory_space<vmem>>
      tpu.enqueue_dma source(%dma_start3A_284 : memref<80x128xf32, #tpu.memory_space<vmem>>) target(%dma_start3A_281 : memref<80x128xf32, #tpu.memory_space<vmem_shared>>) target_semaphore(%run_scoped3A_274 : memref<!tpu.dma_semaphore, #tpu.memory_space<semaphore_mem>>)
      %dma_wait3A_285 = arith.constant 0 : i32
      %dma_wait3A_286 = arith.constant 0 : i32
      %dma_wait3A_287 = tpu.memref_slice %arg8[%dma_wait3A_285, %dma_wait3A_286] : memref<50x128xf32, #tpu.memory_space<vmem>> -> memref<80x128xf32, #tpu.memory_space<vmem>>
      %dma_wait3A_288 = arith.constant 0 : i32
      %dma_wait3A_289 = tpu.memref_slice %arg11[%add3A_9, %dma_wait3A_288] : memref<10240x128xf32, #tpu.memory_space<vmem_shared>> -> memref<80x128xf32, #tpu.memory_space<vmem_shared>>
      %dma_wait3A_290 = arith.constant 0 : i32
      %dma_wait3A_291 = tpu.memref_slice %arg11[%add3A_9, %dma_wait3A_290] : memref<10240x128xf32, #tpu.memory_space<vmem_shared>> -> memref<80x128xf32, #tpu.memory_space<vmem_shared>>
      %dma_wait3A_292 = arith.constant 0 : i32
      %dma_wait3A_293 = arith.constant 0 : i32
      %dma_wait3A_294 = tpu.memref_slice %arg8[%dma_wait3A_292, %dma_wait3A_293] : memref<50x128xf32, #tpu.memory_space<vmem>> -> memref<80x128xf32, #tpu.memory_space<vmem>>
      tpu.wait_dma2 semaphore(%run_scoped3A_274 : memref<!tpu.dma_semaphore, #tpu.memory_space<semaphore_mem>>) src(%dma_wait3A_294 : memref<80x128xf32, #tpu.memory_space<vmem>>) dst(%dma_wait3A_291 : memref<80x128xf32, #tpu.memory_space<vmem_shared>>)
      tpu.yield
    }) : () -> ()
    %mul3A_10 = arith.constant 640 : i32
    %mul3A_11 = arith.muli %arg1, %mul3A_10 : i32
    %add3A_12 = arith.constant 80 : i32
    %add3A_13 = arith.addi %mul3A_11, %add3A_12 : i32
    "tpu.region"() ({
      %run_scoped3A_274 = tpu.sem_alloc : memref<!tpu.dma_semaphore, #tpu.memory_space<semaphore_mem>>
      %dma_start3A_275 = arith.constant 0 : i32
      %dma_start3A_276 = arith.constant 0 : i32
      %dma_start3A_277 = tpu.memref_slice %arg8[%dma_start3A_275, %dma_start3A_276] : memref<50x128xf32, #tpu.memory_space<vmem>> -> memref<80x128xf32, #tpu.memory_space<vmem>>
      %dma_start3A_278 = arith.constant 0 : i32
      %dma_start3A_279 = tpu.memref_slice %arg11[%add3A_13, %dma_start3A_278] : memref<10240x128xf32, #tpu.memory_space<vmem_shared>> -> memref<80x128xf32, #tpu.memory_space<vmem_shared>>
      %dma_start3A_280 = arith.constant 0 : i32
      %dma_start3A_281 = tpu.memref_slice %arg11[%add3A_13, %dma_start3A_280] : memref<10240x128xf32, #tpu.memory_space<vmem_shared>> -> memref<80x128xf32, #tpu.memory_space<vmem_shared>>
      %dma_start3A_282 = arith.constant 0 : i32
      %dma_start3A_283 = arith.constant 0 : i32
      %dma_start3A_284 = tpu.memref_slice %arg8[%dma_start3A_282, %dma_start3A_283] : memref<50x128xf32, #tpu.memory_space<vmem>> -> memref<80x128xf32, #tpu.memory_space<vmem>>
      tpu.enqueue_dma source(%dma_start3A_284 : memref<80x128xf32, #tpu.memory_space<vmem>>) target(%dma_start3A_281 : memref<80x128xf32, #tpu.memory_space<vmem_shared>>) target_semaphore(%run_scoped3A_274 : memref<!tpu.dma_semaphore, #tpu.memory_space<semaphore_mem>>)
      %dma_wait3A_285 = arith.constant 0 : i32
      %dma_wait3A_286 = arith.constant 0 : i32
      %dma_wait3A_287 = tpu.memref_slice %arg8[%dma_wait3A_285, %dma_wait3A_286] : memref<50x128xf32, #tpu.memory_space<vmem>> -> memref<80x128xf32, #tpu.memory_space<vmem>>
      %dma_wait3A_288 = arith.constant 0 : i32
      %dma_wait3A_289 = tpu.memref_slice %arg11[%add3A_13, %dma_wait3A_288] : memref<10240x128xf32, #tpu.memory_space<vmem_shared>> -> memref<80x128xf32, #tpu.memory_space<vmem_shared>>
      %dma_wait3A_290 = arith.constant 0 : i32
      %dma_wait3A_291 = tpu.memref_slice %arg11[%add3A_13, %dma_wait3A_290] : memref<10240x128xf32, #tpu.memory_space<vmem_shared>> -> memref<80x128xf32, #tpu.memory_space<vmem_shared>>
      %dma_wait3A_292 = arith.constant 0 : i32
      %dma_wait3A_293 = arith.constant 0 : i32
      %dma_wait3A_294 = tpu.memref_slice %arg8[%dma_wait3A_292, %dma_wait3A_293] : memref<50x128xf32, #tpu.memory_space<vmem>> -> memref<80x128xf32, #tpu.memory_space<vmem>>
      tpu.wait_dma2 semaphore(%run_scoped3A_274 : memref<!tpu.dma_semaphore, #tpu.memory_space<semaphore_mem>>) src(%dma_wait3A_294 : memref<80x128xf32, #tpu.memory_space<vmem>>) dst(%dma_wait3A_291 : memref<80x128xf32, #tpu.memory_space<vmem_shared>>)
      tpu.yield
    }) : () -> ()
    %mul3A_14 = arith.constant 640 : i32
    %mul3A_15 = arith.muli %arg1, %mul3A_14 : i32
    %add3A_16 = arith.constant 160 : i32
    %add3A_17 = arith.addi %mul3A_15, %add3A_16 : i32
    "tpu.region"() ({
      %run_scoped3A_274 = tpu.sem_alloc : memref<!tpu.dma_semaphore, #tpu.memory_space<semaphore_mem>>
      %dma_start3A_275 = arith.constant 0 : i32
      %dma_start3A_276 = arith.constant 0 : i32
      %dma_start3A_277 = tpu.memref_slice %arg8[%dma_start3A_275, %dma_start3A_276] : memref<50x128xf32, #tpu.memory_space<vmem>> -> memref<80x128xf32, #tpu.memory_space<vmem>>
      %dma_start3A_278 = arith.constant 0 : i32
      %dma_start3A_279 = tpu.memref_slice %arg11[%add3A_17, %dma_start3A_278] : memref<10240x128xf32, #tpu.memory_space<vmem_shared>> -> memref<80x128xf32, #tpu.memory_space<vmem_shared>>
      %dma_start3A_280 = arith.constant 0 : i32
      %dma_start3A_281 = tpu.memref_slice %arg11[%add3A_17, %dma_start3A_280] : memref<10240x128xf32, #tpu.memory_space<vmem_shared>> -> memref<80x128xf32, #tpu.memory_space<vmem_shared>>
      %dma_start3A_282 = arith.constant 0 : i32
      %dma_start3A_283 = arith.constant 0 : i32
      %dma_start3A_284 = tpu.memref_slice %arg8[%dma_start3A_282, %dma_start3A_283] : memref<50x128xf32, #tpu.memory_space<vmem>> -> memref<80x128xf32, #tpu.memory_space<vmem>>
      tpu.enqueue_dma source(%dma_start3A_284 : memref<80x128xf32, #tpu.memory_space<vmem>>) target(%dma_start3A_281 : memref<80x128xf32, #tpu.memory_space<vmem_shared>>) target_semaphore(%run_scoped3A_274 : memref<!tpu.dma_semaphore, #tpu.memory_space<semaphore_mem>>)
      %dma_wait3A_285 = arith.constant 0 : i32
      %dma_wait3A_286 = arith.constant 0 : i32
      %dma_wait3A_287 = tpu.memref_slice %arg8[%dma_wait3A_285, %dma_wait3A_286] : memref<50x128xf32, #tpu.memory_space<vmem>> -> memref<80x128xf32, #tpu.memory_space<vmem>>
      %dma_wait3A_288 = arith.constant 0 : i32
      %dma_wait3A_289 = tpu.memref_slice %arg11[%add3A_17, %dma_wait3A_288] : memref<10240x128xf32, #tpu.memory_space<vmem_shared>> -> memref<80x128xf32, #tpu.memory_space<vmem_shared>>
      %dma_wait3A_290 = arith.constant 0 : i32
      %dma_wait3A_291 = tpu.memref_slice %arg11[%add3A_17, %dma_wait3A_290] : memref<10240x128xf32, #tpu.memory_space<vmem_shared>> -> memref<80x128xf32, #tpu.memory_space<vmem_shared>>
      %dma_wait3A_292 = arith.constant 0 : i32
      %dma_wait3A_293 = arith.constant 0 : i32
      %dma_wait3A_294 = tpu.memref_slice %arg8[%dma_wait3A_292, %dma_wait3A_293] : memref<50x128xf32, #tpu.memory_space<vmem>> -> memref<80x128xf32, #tpu.memory_space<vmem>>
      tpu.wait_dma2 semaphore(%run_scoped3A_274 : memref<!tpu.dma_semaphore, #tpu.memory_space<semaphore_mem>>) src(%dma_wait3A_294 : memref<80x128xf32, #tpu.memory_space<vmem>>) dst(%dma_wait3A_291 : memref<80x128xf32, #tpu.memory_space<vmem_shared>>)
      tpu.yield
    }) : () -> ()
    %mul3A_18 = arith.constant 640 : i32
    %mul3A_19 = arith.muli %arg1, %mul3A_18 : i32
    %add3A_20 = arith.constant 240 : i32
    %add3A_21 = arith.addi %mul3A_19, %add3A_20 : i32
    "tpu.region"() ({
      %run_scoped3A_274 = tpu.sem_alloc : memref<!tpu.dma_semaphore, #tpu.memory_space<semaphore_mem>>
      %dma_start3A_275 = arith.constant 0 : i32
      %dma_start3A_276 = arith.constant 0 : i32
      %dma_start3A_277 = tpu.memref_slice %arg8[%dma_start3A_275, %dma_start3A_276] : memref<50x128xf32, #tpu.memory_space<vmem>> -> memref<80x128xf32, #tpu.memory_space<vmem>>
      %dma_start3A_278 = arith.constant 0 : i32
      %dma_start3A_279 = tpu.memref_slice %arg11[%add3A_21, %dma_start3A_278] : memref<10240x128xf32, #tpu.memory_space<vmem_shared>> -> memref<80x128xf32, #tpu.memory_space<vmem_shared>>
      %dma_start3A_280 = arith.constant 0 : i32
      %dma_start3A_281 = tpu.memref_slice %arg11[%add3A_21, %dma_start3A_280] : memref<10240x128xf32, #tpu.memory_space<vmem_shared>> -> memref<80x128xf32, #tpu.memory_space<vmem_shared>>
      %dma_start3A_282 = arith.constant 0 : i32
      %dma_start3A_283 = arith.constant 0 : i32
      %dma_start3A_284 = tpu.memref_slice %arg8[%dma_start3A_282, %dma_start3A_283] : memref<50x128xf32, #tpu.memory_space<vmem>> -> memref<80x128xf32, #tpu.memory_space<vmem>>
      tpu.enqueue_dma source(%dma_start3A_284 : memref<80x128xf32, #tpu.memory_space<vmem>>) target(%dma_start3A_281 : memref<80x128xf32, #tpu.memory_space<vmem_shared>>) target_semaphore(%run_scoped3A_274 : memref<!tpu.dma_semaphore, #tpu.memory_space<semaphore_mem>>)
      %dma_wait3A_285 = arith.constant 0 : i32
      %dma_wait3A_286 = arith.constant 0 : i32
      %dma_wait3A_287 = tpu.memref_slice %arg8[%dma_wait3A_285, %dma_wait3A_286] : memref<50x128xf32, #tpu.memory_space<vmem>> -> memref<80x128xf32, #tpu.memory_space<vmem>>
      %dma_wait3A_288 = arith.constant 0 : i32
      %dma_wait3A_289 = tpu.memref_slice %arg11[%add3A_21, %dma_wait3A_288] : memref<10240x128xf32, #tpu.memory_space<vmem_shared>> -> memref<80x128xf32, #tpu.memory_space<vmem_shared>>
      %dma_wait3A_290 = arith.constant 0 : i32
      %dma_wait3A_291 = tpu.memref_slice %arg11[%add3A_21, %dma_wait3A_290] : memref<10240x128xf32, #tpu.memory_space<vmem_shared>> -> memref<80x128xf32, #tpu.memory_space<vmem_shared>>
      %dma_wait3A_292 = arith.constant 0 : i32
      %dma_wait3A_293 = arith.constant 0 : i32
      %dma_wait3A_294 = tpu.memref_slice %arg8[%dma_wait3A_292, %dma_wait3A_293] : memref<50x128xf32, #tpu.memory_space<vmem>> -> memref<80x128xf32, #tpu.memory_space<vmem>>
      tpu.wait_dma2 semaphore(%run_scoped3A_274 : memref<!tpu.dma_semaphore, #tpu.memory_space<semaphore_mem>>) src(%dma_wait3A_294 : memref<80x128xf32, #tpu.memory_space<vmem>>) dst(%dma_wait3A_291 : memref<80x128xf32, #tpu.memory_space<vmem_shared>>)
      tpu.yield
    }) : () -> ()
    %mul3A_22 = arith.constant 640 : i32
    %mul3A_23 = arith.muli %arg1, %mul3A_22 : i32
    %add3A_24 = arith.constant 320 : i32
    %add3A_25 = arith.addi %mul3A_23, %add3A_24 : i32
    "tpu.region"() ({
      %run_scoped3A_274 = tpu.sem_alloc : memref<!tpu.dma_semaphore, #tpu.memory_space<semaphore_mem>>
      %dma_start3A_275 = arith.constant 0 : i32
      %dma_start3A_276 = arith.constant 0 : i32
      %dma_start3A_277 = tpu.memref_slice %arg8[%dma_start3A_275, %dma_start3A_276] : memref<50x128xf32, #tpu.memory_space<vmem>> -> memref<80x128xf32, #tpu.memory_space<vmem>>
      %dma_start3A_278 = arith.constant 0 : i32
      %dma_start3A_279 = tpu.memref_slice %arg11[%add3A_25, %dma_start3A_278] : memref<10240x128xf32, #tpu.memory_space<vmem_shared>> -> memref<80x128xf32, #tpu.memory_space<vmem_shared>>
      %dma_start3A_280 = arith.constant 0 : i32
      %dma_start3A_281 = tpu.memref_slice %arg11[%add3A_25, %dma_start3A_280] : memref<10240x128xf32, #tpu.memory_space<vmem_shared>> -> memref<80x128xf32, #tpu.memory_space<vmem_shared>>
      %dma_start3A_282 = arith.constant 0 : i32
      %dma_start3A_283 = arith.constant 0 : i32
      %dma_start3A_284 = tpu.memref_slice %arg8[%dma_start3A_282, %dma_start3A_283] : memref<50x128xf32, #tpu.memory_space<vmem>> -> memref<80x128xf32, #tpu.memory_space<vmem>>
      tpu.enqueue_dma source(%dma_start3A_284 : memref<80x128xf32, #tpu.memory_space<vmem>>) target(%dma_start3A_281 : memref<80x128xf32, #tpu.memory_space<vmem_shared>>) target_semaphore(%run_scoped3A_274 : memref<!tpu.dma_semaphore, #tpu.memory_space<semaphore_mem>>)
      %dma_wait3A_285 = arith.constant 0 : i32
      %dma_wait3A_286 = arith.constant 0 : i32
      %dma_wait3A_287 = tpu.memref_slice %arg8[%dma_wait3A_285, %dma_wait3A_286] : memref<50x128xf32, #tpu.memory_space<vmem>> -> memref<80x128xf32, #tpu.memory_space<vmem>>
      %dma_wait3A_288 = arith.constant 0 : i32
      %dma_wait3A_289 = tpu.memref_slice %arg11[%add3A_25, %dma_wait3A_288] : memref<10240x128xf32, #tpu.memory_space<vmem_shared>> -> memref<80x128xf32, #tpu.memory_space<vmem_shared>>
      %dma_wait3A_290 = arith.constant 0 : i32
      %dma_wait3A_291 = tpu.memref_slice %arg11[%add3A_25, %dma_wait3A_290] : memref<10240x128xf32, #tpu.memory_space<vmem_shared>> -> memref<80x128xf32, #tpu.memory_space<vmem_shared>>
      %dma_wait3A_292 = arith.constant 0 : i32
      %dma_wait3A_293 = arith.constant 0 : i32
      %dma_wait3A_294 = tpu.memref_slice %arg8[%dma_wait3A_292, %dma_wait3A_293] : memref<50x128xf32, #tpu.memory_space<vmem>> -> memref<80x128xf32, #tpu.memory_space<vmem>>
      tpu.wait_dma2 semaphore(%run_scoped3A_274 : memref<!tpu.dma_semaphore, #tpu.memory_space<semaphore_mem>>) src(%dma_wait3A_294 : memref<80x128xf32, #tpu.memory_space<vmem>>) dst(%dma_wait3A_291 : memref<80x128xf32, #tpu.memory_space<vmem_shared>>)
      tpu.yield
    }) : () -> ()
    %mul3A_26 = arith.constant 640 : i32
    %mul3A_27 = arith.muli %arg1, %mul3A_26 : i32
    %add3A_28 = arith.constant 400 : i32
    %add3A_29 = arith.addi %mul3A_27, %add3A_28 : i32
    "tpu.region"() ({
      %run_scoped3A_274 = tpu.sem_alloc : memref<!tpu.dma_semaphore, #tpu.memory_space<semaphore_mem>>
      %dma_start3A_275 = arith.constant 0 : i32
      %dma_start3A_276 = arith.constant 0 : i32
      %dma_start3A_277 = tpu.memref_slice %arg8[%dma_start3A_275, %dma_start3A_276] : memref<50x128xf32, #tpu.memory_space<vmem>> -> memref<80x128xf32, #tpu.memory_space<vmem>>
      %dma_start3A_278 = arith.constant 0 : i32
      %dma_start3A_279 = tpu.memref_slice %arg11[%add3A_29, %dma_start3A_278] : memref<10240x128xf32, #tpu.memory_space<vmem_shared>> -> memref<80x128xf32, #tpu.memory_space<vmem_shared>>
      %dma_start3A_280 = arith.constant 0 : i32
      %dma_start3A_281 = tpu.memref_slice %arg11[%add3A_29, %dma_start3A_280] : memref<10240x128xf32, #tpu.memory_space<vmem_shared>> -> memref<80x128xf32, #tpu.memory_space<vmem_shared>>
      %dma_start3A_282 = arith.constant 0 : i32
      %dma_start3A_283 = arith.constant 0 : i32
      %dma_start3A_284 = tpu.memref_slice %arg8[%dma_start3A_282, %dma_start3A_283] : memref<50x128xf32, #tpu.memory_space<vmem>> -> memref<80x128xf32, #tpu.memory_space<vmem>>
      tpu.enqueue_dma source(%dma_start3A_284 : memref<80x128xf32, #tpu.memory_space<vmem>>) target(%dma_start3A_281 : memref<80x128xf32, #tpu.memory_space<vmem_shared>>) target_semaphore(%run_scoped3A_274 : memref<!tpu.dma_semaphore, #tpu.memory_space<semaphore_mem>>)
      %dma_wait3A_285 = arith.constant 0 : i32
      %dma_wait3A_286 = arith.constant 0 : i32
      %dma_wait3A_287 = tpu.memref_slice %arg8[%dma_wait3A_285, %dma_wait3A_286] : memref<50x128xf32, #tpu.memory_space<vmem>> -> memref<80x128xf32, #tpu.memory_space<vmem>>
      %dma_wait3A_288 = arith.constant 0 : i32
      %dma_wait3A_289 = tpu.memref_slice %arg11[%add3A_29, %dma_wait3A_288] : memref<10240x128xf32, #tpu.memory_space<vmem_shared>> -> memref<80x128xf32, #tpu.memory_space<vmem_shared>>
      %dma_wait3A_290 = arith.constant 0 : i32
      %dma_wait3A_291 = tpu.memref_slice %arg11[%add3A_29, %dma_wait3A_290] : memref<10240x128xf32, #tpu.memory_space<vmem_shared>> -> memref<80x128xf32, #tpu.memory_space<vmem_shared>>
      %dma_wait3A_292 = arith.constant 0 : i32
      %dma_wait3A_293 = arith.constant 0 : i32
      %dma_wait3A_294 = tpu.memref_slice %arg8[%dma_wait3A_292, %dma_wait3A_293] : memref<50x128xf32, #tpu.memory_space<vmem>> -> memref<80x128xf32, #tpu.memory_space<vmem>>
      tpu.wait_dma2 semaphore(%run_scoped3A_274 : memref<!tpu.dma_semaphore, #tpu.memory_space<semaphore_mem>>) src(%dma_wait3A_294 : memref<80x128xf32, #tpu.memory_space<vmem>>) dst(%dma_wait3A_291 : memref<80x128xf32, #tpu.memory_space<vmem_shared>>)
      tpu.yield
    }) : () -> ()
    %mul3A_30 = arith.constant 640 : i32
    %mul3A_31 = arith.muli %arg1, %mul3A_30 : i32
    %add3A_32 = arith.constant 480 : i32
    %add3A_33 = arith.addi %mul3A_31, %add3A_32 : i32
    "tpu.region"() ({
      %run_scoped3A_274 = tpu.sem_alloc : memref<!tpu.dma_semaphore, #tpu.memory_space<semaphore_mem>>
      %dma_start3A_275 = arith.constant 0 : i32
      %dma_start3A_276 = arith.constant 0 : i32
      %dma_start3A_277 = tpu.memref_slice %arg8[%dma_start3A_275, %dma_start3A_276] : memref<50x128xf32, #tpu.memory_space<vmem>> -> memref<80x128xf32, #tpu.memory_space<vmem>>
      %dma_start3A_278 = arith.constant 0 : i32
      %dma_start3A_279 = tpu.memref_slice %arg11[%add3A_33, %dma_start3A_278] : memref<10240x128xf32, #tpu.memory_space<vmem_shared>> -> memref<80x128xf32, #tpu.memory_space<vmem_shared>>
      %dma_start3A_280 = arith.constant 0 : i32
      %dma_start3A_281 = tpu.memref_slice %arg11[%add3A_33, %dma_start3A_280] : memref<10240x128xf32, #tpu.memory_space<vmem_shared>> -> memref<80x128xf32, #tpu.memory_space<vmem_shared>>
      %dma_start3A_282 = arith.constant 0 : i32
      %dma_start3A_283 = arith.constant 0 : i32
      %dma_start3A_284 = tpu.memref_slice %arg8[%dma_start3A_282, %dma_start3A_283] : memref<50x128xf32, #tpu.memory_space<vmem>> -> memref<80x128xf32, #tpu.memory_space<vmem>>
      tpu.enqueue_dma source(%dma_start3A_284 : memref<80x128xf32, #tpu.memory_space<vmem>>) target(%dma_start3A_281 : memref<80x128xf32, #tpu.memory_space<vmem_shared>>) target_semaphore(%run_scoped3A_274 : memref<!tpu.dma_semaphore, #tpu.memory_space<semaphore_mem>>)
      %dma_wait3A_285 = arith.constant 0 : i32
      %dma_wait3A_286 = arith.constant 0 : i32
      %dma_wait3A_287 = tpu.memref_slice %arg8[%dma_wait3A_285, %dma_wait3A_286] : memref<50x128xf32, #tpu.memory_space<vmem>> -> memref<80x128xf32, #tpu.memory_space<vmem>>
      %dma_wait3A_288 = arith.constant 0 : i32
      %dma_wait3A_289 = tpu.memref_slice %arg11[%add3A_33, %dma_wait3A_288] : memref<10240x128xf32, #tpu.memory_space<vmem_shared>> -> memref<80x128xf32, #tpu.memory_space<vmem_shared>>
      %dma_wait3A_290 = arith.constant 0 : i32
      %dma_wait3A_291 = tpu.memref_slice %arg11[%add3A_33, %dma_wait3A_290] : memref<10240x128xf32, #tpu.memory_space<vmem_shared>> -> memref<80x128xf32, #tpu.memory_space<vmem_shared>>
      %dma_wait3A_292 = arith.constant 0 : i32
      %dma_wait3A_293 = arith.constant 0 : i32
      %dma_wait3A_294 = tpu.memref_slice %arg8[%dma_wait3A_292, %dma_wait3A_293] : memref<50x128xf32, #tpu.memory_space<vmem>> -> memref<80x128xf32, #tpu.memory_space<vmem>>
      tpu.wait_dma2 semaphore(%run_scoped3A_274 : memref<!tpu.dma_semaphore, #tpu.memory_space<semaphore_mem>>) src(%dma_wait3A_294 : memref<80x128xf32, #tpu.memory_space<vmem>>) dst(%dma_wait3A_291 : memref<80x128xf32, #tpu.memory_space<vmem_shared>>)
      tpu.yield
    }) : () -> ()
    %mul3A_34 = arith.constant 640 : i32
    %mul3A_35 = arith.muli %arg1, %mul3A_34 : i32
    %add3A_36 = arith.constant 560 : i32
    %add3A_37 = arith.addi %mul3A_35, %add3A_36 : i32
    "tpu.region"() ({
      %run_scoped3A_274 = tpu.sem_alloc : memref<!tpu.dma_semaphore, #tpu.memory_space<semaphore_mem>>
      %dma_start3A_275 = arith.constant 0 : i32
      %dma_start3A_276 = arith.constant 0 : i32
      %dma_start3A_277 = tpu.memref_slice %arg8[%dma_start3A_275, %dma_start3A_276] : memref<50x128xf32, #tpu.memory_space<vmem>> -> memref<80x128xf32, #tpu.memory_space<vmem>>
      %dma_start3A_278 = arith.constant 0 : i32
      %dma_start3A_279 = tpu.memref_slice %arg11[%add3A_37, %dma_start3A_278] : memref<10240x128xf32, #tpu.memory_space<vmem_shared>> -> memref<80x128xf32, #tpu.memory_space<vmem_shared>>
      %dma_start3A_280 = arith.constant 0 : i32
      %dma_start3A_281 = tpu.memref_slice %arg11[%add3A_37, %dma_start3A_280] : memref<10240x128xf32, #tpu.memory_space<vmem_shared>> -> memref<80x128xf32, #tpu.memory_space<vmem_shared>>
      %dma_start3A_282 = arith.constant 0 : i32
      %dma_start3A_283 = arith.constant 0 : i32
      %dma_start3A_284 = tpu.memref_slice %arg8[%dma_start3A_282, %dma_start3A_283] : memref<50x128xf32, #tpu.memory_space<vmem>> -> memref<80x128xf32, #tpu.memory_space<vmem>>
      tpu.enqueue_dma source(%dma_start3A_284 : memref<80x128xf32, #tpu.memory_space<vmem>>) target(%dma_start3A_281 : memref<80x128xf32, #tpu.memory_space<vmem_shared>>) target_semaphore(%run_scoped3A_274 : memref<!tpu.dma_semaphore, #tpu.memory_space<semaphore_mem>>)
      %dma_wait3A_285 = arith.constant 0 : i32
      %dma_wait3A_286 = arith.constant 0 : i32
      %dma_wait3A_287 = tpu.memref_slice %arg8[%dma_wait3A_285, %dma_wait3A_286] : memref<50x128xf32, #tpu.memory_space<vmem>> -> memref<80x128xf32, #tpu.memory_space<vmem>>
      %dma_wait3A_288 = arith.constant 0 : i32
      %dma_wait3A_289 = tpu.memref_slice %arg11[%add3A_37, %dma_wait3A_288] : memref<10240x128xf32, #tpu.memory_space<vmem_shared>> -> memref<80x128xf32, #tpu.memory_space<vmem_shared>>
      %dma_wait3A_290 = arith.constant 0 : i32
      %dma_wait3A_291 = tpu.memref_slice %arg11[%add3A_37, %dma_wait3A_290] : memref<10240x128xf32, #tpu.memory_space<vmem_shared>> -> memref<80x128xf32, #tpu.memory_space<vmem_shared>>
      %dma_wait3A_292 = arith.constant 0 : i32
      %dma_wait3A_293 = arith.constant 0 : i32
      %dma_wait3A_294 = tpu.memref_slice %arg8[%dma_wait3A_292, %dma_wait3A_293] : memref<50x128xf32, #tpu.memory_space<vmem>> -> memref<80x128xf32, #tpu.memory_space<vmem>>
      tpu.wait_dma2 semaphore(%run_scoped3A_274 : memref<!tpu.dma_semaphore, #tpu.memory_space<semaphore_mem>>) src(%dma_wait3A_294 : memref<80x128xf32, #tpu.memory_space<vmem>>) dst(%dma_wait3A_291 : memref<80x128xf32, #tpu.memory_space<vmem_shared>>)
      tpu.yield
    }) : () -> ()
    %barrier3A = arith.constant 0 : index
    tpu.barrier barrier_id(%barrier3A)
    %mul3A_38 = arith.constant 2 : i32
    %mul3A_39 = arith.muli %mul3A_38, %add3A : i32
    %add3A_40 = arith.constant 0 : i32
    %add3A_41 = arith.addi %mul3A_39, %add3A_40 : i32
    "tpu.region"() ({
      %run_scoped3A_274 = tpu.sem_alloc : memref<!tpu.dma_semaphore, #tpu.memory_space<semaphore_mem>>
      %dma_start3A_275 = arith.constant 0 : i32
      %dma_start3A_276 = arith.constant 0 : i32
      %dma_start3A_277 = tpu.memref_slice %arg3[%add3A_41, %dma_start3A_275, %dma_start3A_276] : memref<64x100x50xi32, #tpu.memory_space<hbm>> -> memref<1x100x50xi32, #tpu.memory_space<hbm>>
      %dma_start3A_278 = tpu.memref_squeeze %dma_start3A_277 : memref<1x100x50xi32, #tpu.memory_space<hbm>> -> memref<100x50xi32, #tpu.memory_space<hbm>>
      %dma_start3A_279 = arith.constant 0 : i32
      %dma_start3A_280 = arith.constant 0 : i32
      %dma_start3A_281 = tpu.memref_slice %arg3[%add3A_41, %dma_start3A_279, %dma_start3A_280] : memref<64x100x50xi32, #tpu.memory_space<hbm>> -> memref<1x100x50xi32, #tpu.memory_space<hbm>>
      %dma_start3A_282 = tpu.memref_squeeze %dma_start3A_281 : memref<1x100x50xi32, #tpu.memory_space<hbm>> -> memref<100x50xi32, #tpu.memory_space<hbm>>
      tpu.enqueue_dma source(%dma_start3A_282 : memref<100x50xi32, #tpu.memory_space<hbm>>) target(%arg6 : memref<100x50xi32, #tpu.memory_space<vmem>>) target_semaphore(%run_scoped3A_274 : memref<!tpu.dma_semaphore, #tpu.memory_space<semaphore_mem>>)
      %dma_wait3A_283 = arith.constant 0 : i32
      %dma_wait3A_284 = arith.constant 0 : i32
      %dma_wait3A_285 = tpu.memref_slice %arg3[%add3A_41, %dma_wait3A_283, %dma_wait3A_284] : memref<64x100x50xi32, #tpu.memory_space<hbm>> -> memref<1x100x50xi32, #tpu.memory_space<hbm>>
      %dma_wait3A_286 = tpu.memref_squeeze %dma_wait3A_285 : memref<1x100x50xi32, #tpu.memory_space<hbm>> -> memref<100x50xi32, #tpu.memory_space<hbm>>
      %dma_wait3A_287 = arith.constant 0 : i32
      %dma_wait3A_288 = arith.constant 0 : i32
      %dma_wait3A_289 = tpu.memref_slice %arg3[%add3A_41, %dma_wait3A_287, %dma_wait3A_288] : memref<64x100x50xi32, #tpu.memory_space<hbm>> -> memref<1x100x50xi32, #tpu.memory_space<hbm>>
      %dma_wait3A_290 = tpu.memref_squeeze %dma_wait3A_289 : memref<1x100x50xi32, #tpu.memory_space<hbm>> -> memref<100x50xi32, #tpu.memory_space<hbm>>
      tpu.wait_dma2 semaphore(%run_scoped3A_274 : memref<!tpu.dma_semaphore, #tpu.memory_space<semaphore_mem>>) src(%dma_wait3A_290 : memref<100x50xi32, #tpu.memory_space<hbm>>) dst(%arg6 : memref<100x50xi32, #tpu.memory_space<vmem>>)
      tpu.yield
    }) : () -> ()
    %mul3A_42 = arith.constant 2 : i32
    %mul3A_43 = arith.muli %mul3A_42, %add3A : i32
    %add3A_44 = arith.constant 0 : i32
    %add3A_45 = arith.addi %mul3A_43, %add3A_44 : i32
    "tpu.region"() ({
      %run_scoped3A_274 = tpu.sem_alloc : memref<!tpu.dma_semaphore, #tpu.memory_space<semaphore_mem>>
      %dma_start3A_275 = arith.constant 0 : i32
      %dma_start3A_276 = arith.constant 0 : i32
      %dma_start3A_277 = tpu.memref_slice %arg4[%add3A_45, %dma_start3A_275, %dma_start3A_276] : memref<64x100x50xi32, #tpu.memory_space<hbm>> -> memref<1x100x50xi32, #tpu.memory_space<hbm>>
      %dma_start3A_278 = tpu.memref_squeeze %dma_start3A_277 : memref<1x100x50xi32, #tpu.memory_space<hbm>> -> memref<100x50xi32, #tpu.memory_space<hbm>>
      %dma_start3A_279 = arith.constant 0 : i32
      %dma_start3A_280 = arith.constant 0 : i32
      %dma_start3A_281 = tpu.memref_slice %arg4[%add3A_45, %dma_start3A_279, %dma_start3A_280] : memref<64x100x50xi32, #tpu.memory_space<hbm>> -> memref<1x100x50xi32, #tpu.memory_space<hbm>>
      %dma_start3A_282 = tpu.memref_squeeze %dma_start3A_281 : memref<1x100x50xi32, #tpu.memory_space<hbm>> -> memref<100x50xi32, #tpu.memory_space<hbm>>
      tpu.enqueue_dma source(%dma_start3A_282 : memref<100x50xi32, #tpu.memory_space<hbm>>) target(%arg7 : memref<100x50xi32, #tpu.memory_space<vmem>>) target_semaphore(%run_scoped3A_274 : memref<!tpu.dma_semaphore, #tpu.memory_space<semaphore_mem>>)
      %dma_wait3A_283 = arith.constant 0 : i32
      %dma_wait3A_284 = arith.constant 0 : i32
      %dma_wait3A_285 = tpu.memref_slice %arg4[%add3A_45, %dma_wait3A_283, %dma_wait3A_284] : memref<64x100x50xi32, #tpu.memory_space<hbm>> -> memref<1x100x50xi32, #tpu.memory_space<hbm>>
      %dma_wait3A_286 = tpu.memref_squeeze %dma_wait3A_285 : memref<1x100x50xi32, #tpu.memory_space<hbm>> -> memref<100x50xi32, #tpu.memory_space<hbm>>
      %dma_wait3A_287 = arith.constant 0 : i32
      %dma_wait3A_288 = arith.constant 0 : i32
      %dma_wait3A_289 = tpu.memref_slice %arg4[%add3A_45, %dma_wait3A_287, %dma_wait3A_288] : memref<64x100x50xi32, #tpu.memory_space<hbm>> -> memref<1x100x50xi32, #tpu.memory_space<hbm>>
      %dma_wait3A_290 = tpu.memref_squeeze %dma_wait3A_289 : memref<1x100x50xi32, #tpu.memory_space<hbm>> -> memref<100x50xi32, #tpu.memory_space<hbm>>
      tpu.wait_dma2 semaphore(%run_scoped3A_274 : memref<!tpu.dma_semaphore, #tpu.memory_space<semaphore_mem>>) src(%dma_wait3A_290 : memref<100x50xi32, #tpu.memory_space<hbm>>) dst(%arg7 : memref<100x50xi32, #tpu.memory_space<vmem>>)
      tpu.yield
    }) : () -> ()
    %dma_start3A = arith.constant 0 : i32
    %dma_start3A_46 = arith.constant 0 : i32
    %dma_start3A_47 = tpu.memref_slice %arg6[%dma_start3A, %dma_start3A_46] : memref<100x50xi32, #tpu.memory_space<vmem>> -> memref<1x50xi32, #tpu.memory_space<vmem>>
    %dma_start3A_48 = tpu.memref_squeeze %dma_start3A_47 : memref<1x50xi32, #tpu.memory_space<vmem>> -> memref<50xi32, #tpu.memory_space<vmem>>
    %dma_start3A_49 = arith.constant 0 : i32
    %dma_start3A_50 = arith.constant 0 : i32
    %dma_start3A_51 = tpu.memref_slice %arg2[%dma_start3A_49, %dma_start3A_50] : memref<10000x128xf32, #tpu.memory_space<hbm>> -> memref<10000x128xf32, #tpu.memory_space<hbm>>
    tpu.enqueue_indirect_dma source(%dma_start3A_51 : memref<10000x128xf32, #tpu.memory_space<hbm>>) target(%arg8 : memref<50x128xf32, #tpu.memory_space<vmem>>) offsets(%dma_start3A_48 : memref<50xi32, #tpu.memory_space<vmem>>) semaphore(%arg12 : memref<!tpu.dma_semaphore, #tpu.memory_space<semaphore_mem>>)
    %dma_start3A_52 = arith.constant 1 : i32
    %dma_start3A_53 = arith.constant 0 : i32
    %dma_start3A_54 = tpu.memref_slice %arg6[%dma_start3A_52, %dma_start3A_53] : memref<100x50xi32, #tpu.memory_space<vmem>> -> memref<1x50xi32, #tpu.memory_space<vmem>>
    %dma_start3A_55 = tpu.memref_squeeze %dma_start3A_54 : memref<1x50xi32, #tpu.memory_space<vmem>> -> memref<50xi32, #tpu.memory_space<vmem>>
    %dma_start3A_56 = arith.constant 0 : i32
    %dma_start3A_57 = arith.constant 0 : i32
    %dma_start3A_58 = tpu.memref_slice %arg2[%dma_start3A_56, %dma_start3A_57] : memref<10000x128xf32, #tpu.memory_space<hbm>> -> memref<10000x128xf32, #tpu.memory_space<hbm>>
    tpu.enqueue_indirect_dma source(%dma_start3A_58 : memref<10000x128xf32, #tpu.memory_space<hbm>>) target(%arg9 : memref<50x128xf32, #tpu.memory_space<vmem>>) offsets(%dma_start3A_55 : memref<50xi32, #tpu.memory_space<vmem>>) semaphore(%arg13 : memref<!tpu.dma_semaphore, #tpu.memory_space<semaphore_mem>>)
    %dma_start3A_59 = arith.constant 2 : i32
    %dma_start3A_60 = arith.constant 0 : i32
    %dma_start3A_61 = tpu.memref_slice %arg6[%dma_start3A_59, %dma_start3A_60] : memref<100x50xi32, #tpu.memory_space<vmem>> -> memref<1x50xi32, #tpu.memory_space<vmem>>
    %dma_start3A_62 = tpu.memref_squeeze %dma_start3A_61 : memref<1x50xi32, #tpu.memory_space<vmem>> -> memref<50xi32, #tpu.memory_space<vmem>>
    %dma_start3A_63 = arith.constant 0 : i32
    %dma_start3A_64 = arith.constant 0 : i32
    %dma_start3A_65 = tpu.memref_slice %arg2[%dma_start3A_63, %dma_start3A_64] : memref<10000x128xf32, #tpu.memory_space<hbm>> -> memref<10000x128xf32, #tpu.memory_space<hbm>>
    tpu.enqueue_indirect_dma source(%dma_start3A_65 : memref<10000x128xf32, #tpu.memory_space<hbm>>) target(%arg10 : memref<50x128xf32, #tpu.memory_space<vmem>>) offsets(%dma_start3A_62 : memref<50xi32, #tpu.memory_space<vmem>>) semaphore(%arg14 : memref<!tpu.dma_semaphore, #tpu.memory_space<semaphore_mem>>)
    %scan3A_66 = arith.constant 0 : i32
    %scan3A_67 = arith.constant 0 : i32
    %scan3A_68 = arith.constant 32 : i32
    %scan3A_69 = arith.addi %scan3A_67, %scan3A_68 : i32
    %scan3A_70 = arith.constant 1 : i32
    scf.for %scan3A_274 = %scan3A_67 to %scan3A_69 step %scan3A_70  : i32 {
      %mul3A_275 = arith.constant 3 : i32
      %mul3A_276 = arith.muli %mul3A_275, %scan3A_274 : i32
      %dma_wait3A_277 = arith.constant 0 : i32
      %dma_wait3A_278 = arith.constant 0 : i32
      %dma_wait3A_279 = tpu.memref_slice %arg6[%dma_wait3A_277, %dma_wait3A_278] : memref<100x50xi32, #tpu.memory_space<vmem>> -> memref<1x50xi32, #tpu.memory_space<vmem>>
      %dma_wait3A_280 = tpu.memref_squeeze %dma_wait3A_279 : memref<1x50xi32, #tpu.memory_space<vmem>> -> memref<50xi32, #tpu.memory_space<vmem>>
      %dma_wait3A_281 = arith.constant 0 : i32
      %dma_wait3A_282 = arith.constant 0 : i32
      %dma_wait3A_283 = tpu.memref_slice %arg2[%dma_wait3A_281, %dma_wait3A_282] : memref<10000x128xf32, #tpu.memory_space<hbm>> -> memref<10000x128xf32, #tpu.memory_space<hbm>>
      tpu.wait_indirect_dma semaphore(%arg12 : memref<!tpu.dma_semaphore, #tpu.memory_space<semaphore_mem>>) src(%dma_wait3A_283 : memref<10000x128xf32, #tpu.memory_space<hbm>>) dst(%arg8 : memref<50x128xf32, #tpu.memory_space<vmem>>)
      "tpu.region"() ({
        %run_scoped3A_326 = tpu.sem_alloc : memref<!tpu.dma_semaphore, #tpu.memory_space<semaphore_mem>>
        %dma_start3A_327 = arith.constant 0 : i32
        %dma_start3A_328 = tpu.memref_slice %arg7[%mul3A_276, %dma_start3A_327] : memref<100x50xi32, #tpu.memory_space<vmem>> -> memref<1x50xi32, #tpu.memory_space<vmem>>
        %dma_start3A_329 = tpu.memref_squeeze %dma_start3A_328 : memref<1x50xi32, #tpu.memory_space<vmem>> -> memref<50xi32, #tpu.memory_space<vmem>>
        %dma_start3A_330 = arith.constant 0 : i32
        %dma_start3A_331 = arith.constant 0 : i32
        %dma_start3A_332 = tpu.memref_slice %arg11[%dma_start3A_330, %dma_start3A_331] : memref<10240x128xf32, #tpu.memory_space<vmem_shared>> -> memref<10240x128xf32, #tpu.memory_space<vmem_shared>>
        tpu.enqueue_indirect_dma source(%arg8 : memref<50x128xf32, #tpu.memory_space<vmem>>) target(%dma_start3A_332 : memref<10240x128xf32, #tpu.memory_space<vmem_shared>>) offsets(%dma_start3A_329 : memref<50xi32, #tpu.memory_space<vmem>>) semaphore(%run_scoped3A_326 : memref<!tpu.dma_semaphore, #tpu.memory_space<semaphore_mem>>) {add = true}
        %dma_wait3A_333 = arith.constant 0 : i32
        %dma_wait3A_334 = tpu.memref_slice %arg7[%mul3A_276, %dma_wait3A_333] : memref<100x50xi32, #tpu.memory_space<vmem>> -> memref<1x50xi32, #tpu.memory_space<vmem>>
        %dma_wait3A_335 = tpu.memref_squeeze %dma_wait3A_334 : memref<1x50xi32, #tpu.memory_space<vmem>> -> memref<50xi32, #tpu.memory_space<vmem>>
        %dma_wait3A_336 = arith.constant 0 : i32
        %dma_wait3A_337 = arith.constant 0 : i32
        %dma_wait3A_338 = tpu.memref_slice %arg11[%dma_wait3A_336, %dma_wait3A_337] : memref<10240x128xf32, #tpu.memory_space<vmem_shared>> -> memref<10240x128xf32, #tpu.memory_space<vmem_shared>>
        tpu.wait_indirect_dma semaphore(%run_scoped3A_326 : memref<!tpu.dma_semaphore, #tpu.memory_space<semaphore_mem>>) src(%arg8 : memref<50x128xf32, #tpu.memory_space<vmem>>) dst(%dma_wait3A_338 : memref<10240x128xf32, #tpu.memory_space<vmem_shared>>)
        tpu.yield
      }) : () -> ()
      %add3A_284 = arith.constant 3 : i32
      %add3A_285 = arith.addi %mul3A_276, %add3A_284 : i32
      %dma_start3A_286 = arith.constant 0 : i32
      %dma_start3A_287 = tpu.memref_slice %arg6[%add3A_285, %dma_start3A_286] : memref<100x50xi32, #tpu.memory_space<vmem>> -> memref<1x50xi32, #tpu.memory_space<vmem>>
      %dma_start3A_288 = tpu.memref_squeeze %dma_start3A_287 : memref<1x50xi32, #tpu.memory_space<vmem>> -> memref<50xi32, #tpu.memory_space<vmem>>
      %dma_start3A_289 = arith.constant 0 : i32
      %dma_start3A_290 = arith.constant 0 : i32
      %dma_start3A_291 = tpu.memref_slice %arg2[%dma_start3A_289, %dma_start3A_290] : memref<10000x128xf32, #tpu.memory_space<hbm>> -> memref<10000x128xf32, #tpu.memory_space<hbm>>
      tpu.enqueue_indirect_dma source(%dma_start3A_291 : memref<10000x128xf32, #tpu.memory_space<hbm>>) target(%arg8 : memref<50x128xf32, #tpu.memory_space<vmem>>) offsets(%dma_start3A_288 : memref<50xi32, #tpu.memory_space<vmem>>) semaphore(%arg12 : memref<!tpu.dma_semaphore, #tpu.memory_space<semaphore_mem>>)
      %dma_wait3A_292 = arith.constant 0 : i32
      %dma_wait3A_293 = arith.constant 0 : i32
      %dma_wait3A_294 = tpu.memref_slice %arg6[%dma_wait3A_292, %dma_wait3A_293] : memref<100x50xi32, #tpu.memory_space<vmem>> -> memref<1x50xi32, #tpu.memory_space<vmem>>
      %dma_wait3A_295 = tpu.memref_squeeze %dma_wait3A_294 : memref<1x50xi32, #tpu.memory_space<vmem>> -> memref<50xi32, #tpu.memory_space<vmem>>
      %dma_wait3A_296 = arith.constant 0 : i32
      %dma_wait3A_297 = arith.constant 0 : i32
      %dma_wait3A_298 = tpu.memref_slice %arg2[%dma_wait3A_296, %dma_wait3A_297] : memref<10000x128xf32, #tpu.memory_space<hbm>> -> memref<10000x128xf32, #tpu.memory_space<hbm>>
      tpu.wait_indirect_dma semaphore(%arg13 : memref<!tpu.dma_semaphore, #tpu.memory_space<semaphore_mem>>) src(%dma_wait3A_298 : memref<10000x128xf32, #tpu.memory_space<hbm>>) dst(%arg9 : memref<50x128xf32, #tpu.memory_space<vmem>>)
      %add3A_299 = arith.constant 1 : i32
      %add3A_300 = arith.addi %mul3A_276, %add3A_299 : i32
      "tpu.region"() ({
        %run_scoped3A_326 = tpu.sem_alloc : memref<!tpu.dma_semaphore, #tpu.memory_space<semaphore_mem>>
        %dma_start3A_327 = arith.constant 0 : i32
        %dma_start3A_328 = tpu.memref_slice %arg7[%add3A_300, %dma_start3A_327] : memref<100x50xi32, #tpu.memory_space<vmem>> -> memref<1x50xi32, #tpu.memory_space<vmem>>
        %dma_start3A_329 = tpu.memref_squeeze %dma_start3A_328 : memref<1x50xi32, #tpu.memory_space<vmem>> -> memref<50xi32, #tpu.memory_space<vmem>>
        %dma_start3A_330 = arith.constant 0 : i32
        %dma_start3A_331 = arith.constant 0 : i32
        %dma_start3A_332 = tpu.memref_slice %arg11[%dma_start3A_330, %dma_start3A_331] : memref<10240x128xf32, #tpu.memory_space<vmem_shared>> -> memref<10240x128xf32, #tpu.memory_space<vmem_shared>>
        tpu.enqueue_indirect_dma source(%arg9 : memref<50x128xf32, #tpu.memory_space<vmem>>) target(%dma_start3A_332 : memref<10240x128xf32, #tpu.memory_space<vmem_shared>>) offsets(%dma_start3A_329 : memref<50xi32, #tpu.memory_space<vmem>>) semaphore(%run_scoped3A_326 : memref<!tpu.dma_semaphore, #tpu.memory_space<semaphore_mem>>) {add = true}
        %dma_wait3A_333 = arith.constant 0 : i32
        %dma_wait3A_334 = tpu.memref_slice %arg7[%add3A_300, %dma_wait3A_333] : memref<100x50xi32, #tpu.memory_space<vmem>> -> memref<1x50xi32, #tpu.memory_space<vmem>>
        %dma_wait3A_335 = tpu.memref_squeeze %dma_wait3A_334 : memref<1x50xi32, #tpu.memory_space<vmem>> -> memref<50xi32, #tpu.memory_space<vmem>>
        %dma_wait3A_336 = arith.constant 0 : i32
        %dma_wait3A_337 = arith.constant 0 : i32
        %dma_wait3A_338 = tpu.memref_slice %arg11[%dma_wait3A_336, %dma_wait3A_337] : memref<10240x128xf32, #tpu.memory_space<vmem_shared>> -> memref<10240x128xf32, #tpu.memory_space<vmem_shared>>
        tpu.wait_indirect_dma semaphore(%run_scoped3A_326 : memref<!tpu.dma_semaphore, #tpu.memory_space<semaphore_mem>>) src(%arg9 : memref<50x128xf32, #tpu.memory_space<vmem>>) dst(%dma_wait3A_338 : memref<10240x128xf32, #tpu.memory_space<vmem_shared>>)
        tpu.yield
      }) : () -> ()
      %add3A_301 = arith.constant 4 : i32
      %add3A_302 = arith.addi %mul3A_276, %add3A_301 : i32
      %dma_start3A_303 = arith.constant 0 : i32
      %dma_start3A_304 = tpu.memref_slice %arg6[%add3A_302, %dma_start3A_303] : memref<100x50xi32, #tpu.memory_space<vmem>> -> memref<1x50xi32, #tpu.memory_space<vmem>>
      %dma_start3A_305 = tpu.memref_squeeze %dma_start3A_304 : memref<1x50xi32, #tpu.memory_space<vmem>> -> memref<50xi32, #tpu.memory_space<vmem>>
      %dma_start3A_306 = arith.constant 0 : i32
      %dma_start3A_307 = arith.constant 0 : i32
      %dma_start3A_308 = tpu.memref_slice %arg2[%dma_start3A_306, %dma_start3A_307] : memref<10000x128xf32, #tpu.memory_space<hbm>> -> memref<10000x128xf32, #tpu.memory_space<hbm>>
      tpu.enqueue_indirect_dma source(%dma_start3A_308 : memref<10000x128xf32, #tpu.memory_space<hbm>>) target(%arg9 : memref<50x128xf32, #tpu.memory_space<vmem>>) offsets(%dma_start3A_305 : memref<50xi32, #tpu.memory_space<vmem>>) semaphore(%arg13 : memref<!tpu.dma_semaphore, #tpu.memory_space<semaphore_mem>>)
      %dma_wait3A_309 = arith.constant 0 : i32
      %dma_wait3A_310 = arith.constant 0 : i32
      %dma_wait3A_311 = tpu.memref_slice %arg6[%dma_wait3A_309, %dma_wait3A_310] : memref<100x50xi32, #tpu.memory_space<vmem>> -> memref<1x50xi32, #tpu.memory_space<vmem>>
      %dma_wait3A_312 = tpu.memref_squeeze %dma_wait3A_311 : memref<1x50xi32, #tpu.memory_space<vmem>> -> memref<50xi32, #tpu.memory_space<vmem>>
      %dma_wait3A_313 = arith.constant 0 : i32
      %dma_wait3A_314 = arith.constant 0 : i32
      %dma_wait3A_315 = tpu.memref_slice %arg2[%dma_wait3A_313, %dma_wait3A_314] : memref<10000x128xf32, #tpu.memory_space<hbm>> -> memref<10000x128xf32, #tpu.memory_space<hbm>>
      tpu.wait_indirect_dma semaphore(%arg14 : memref<!tpu.dma_semaphore, #tpu.memory_space<semaphore_mem>>) src(%dma_wait3A_315 : memref<10000x128xf32, #tpu.memory_space<hbm>>) dst(%arg10 : memref<50x128xf32, #tpu.memory_space<vmem>>)
      %add3A_316 = arith.constant 2 : i32
      %add3A_317 = arith.addi %mul3A_276, %add3A_316 : i32
      "tpu.region"() ({
        %run_scoped3A_326 = tpu.sem_alloc : memref<!tpu.dma_semaphore, #tpu.memory_space<semaphore_mem>>
        %dma_start3A_327 = arith.constant 0 : i32
        %dma_start3A_328 = tpu.memref_slice %arg7[%add3A_317, %dma_start3A_327] : memref<100x50xi32, #tpu.memory_space<vmem>> -> memref<1x50xi32, #tpu.memory_space<vmem>>
        %dma_start3A_329 = tpu.memref_squeeze %dma_start3A_328 : memref<1x50xi32, #tpu.memory_space<vmem>> -> memref<50xi32, #tpu.memory_space<vmem>>
        %dma_start3A_330 = arith.constant 0 : i32
        %dma_start3A_331 = arith.constant 0 : i32
        %dma_start3A_332 = tpu.memref_slice %arg11[%dma_start3A_330, %dma_start3A_331] : memref<10240x128xf32, #tpu.memory_space<vmem_shared>> -> memref<10240x128xf32, #tpu.memory_space<vmem_shared>>
        tpu.enqueue_indirect_dma source(%arg10 : memref<50x128xf32, #tpu.memory_space<vmem>>) target(%dma_start3A_332 : memref<10240x128xf32, #tpu.memory_space<vmem_shared>>) offsets(%dma_start3A_329 : memref<50xi32, #tpu.memory_space<vmem>>) semaphore(%run_scoped3A_326 : memref<!tpu.dma_semaphore, #tpu.memory_space<semaphore_mem>>) {add = true}
        %dma_wait3A_333 = arith.constant 0 : i32
        %dma_wait3A_334 = tpu.memref_slice %arg7[%add3A_317, %dma_wait3A_333] : memref<100x50xi32, #tpu.memory_space<vmem>> -> memref<1x50xi32, #tpu.memory_space<vmem>>
        %dma_wait3A_335 = tpu.memref_squeeze %dma_wait3A_334 : memref<1x50xi32, #tpu.memory_space<vmem>> -> memref<50xi32, #tpu.memory_space<vmem>>
        %dma_wait3A_336 = arith.constant 0 : i32
        %dma_wait3A_337 = arith.constant 0 : i32
        %dma_wait3A_338 = tpu.memref_slice %arg11[%dma_wait3A_336, %dma_wait3A_337] : memref<10240x128xf32, #tpu.memory_space<vmem_shared>> -> memref<10240x128xf32, #tpu.memory_space<vmem_shared>>
        tpu.wait_indirect_dma semaphore(%run_scoped3A_326 : memref<!tpu.dma_semaphore, #tpu.memory_space<semaphore_mem>>) src(%arg10 : memref<50x128xf32, #tpu.memory_space<vmem>>) dst(%dma_wait3A_338 : memref<10240x128xf32, #tpu.memory_space<vmem_shared>>)
        tpu.yield
      }) : () -> ()
      %add3A_318 = arith.constant 5 : i32
      %add3A_319 = arith.addi %mul3A_276, %add3A_318 : i32
      %dma_start3A_320 = arith.constant 0 : i32
      %dma_start3A_321 = tpu.memref_slice %arg6[%add3A_319, %dma_start3A_320] : memref<100x50xi32, #tpu.memory_space<vmem>> -> memref<1x50xi32, #tpu.memory_space<vmem>>
      %dma_start3A_322 = tpu.memref_squeeze %dma_start3A_321 : memref<1x50xi32, #tpu.memory_space<vmem>> -> memref<50xi32, #tpu.memory_space<vmem>>
      %dma_start3A_323 = arith.constant 0 : i32
      %dma_start3A_324 = arith.constant 0 : i32
      %dma_start3A_325 = tpu.memref_slice %arg2[%dma_start3A_323, %dma_start3A_324] : memref<10000x128xf32, #tpu.memory_space<hbm>> -> memref<10000x128xf32, #tpu.memory_space<hbm>>
      tpu.enqueue_indirect_dma source(%dma_start3A_325 : memref<10000x128xf32, #tpu.memory_space<hbm>>) target(%arg10 : memref<50x128xf32, #tpu.memory_space<vmem>>) offsets(%dma_start3A_322 : memref<50xi32, #tpu.memory_space<vmem>>) semaphore(%arg14 : memref<!tpu.dma_semaphore, #tpu.memory_space<semaphore_mem>>)
    }
    %scan3A_71 = arith.constant 32 : i32
    %dma_wait3A = arith.constant 0 : i32
    %dma_wait3A_72 = arith.constant 0 : i32
    %dma_wait3A_73 = tpu.memref_slice %arg6[%dma_wait3A, %dma_wait3A_72] : memref<100x50xi32, #tpu.memory_space<vmem>> -> memref<1x50xi32, #tpu.memory_space<vmem>>
    %dma_wait3A_74 = tpu.memref_squeeze %dma_wait3A_73 : memref<1x50xi32, #tpu.memory_space<vmem>> -> memref<50xi32, #tpu.memory_space<vmem>>
    %dma_wait3A_75 = arith.constant 0 : i32
    %dma_wait3A_76 = arith.constant 0 : i32
    %dma_wait3A_77 = tpu.memref_slice %arg2[%dma_wait3A_75, %dma_wait3A_76] : memref<10000x128xf32, #tpu.memory_space<hbm>> -> memref<10000x128xf32, #tpu.memory_space<hbm>>
    tpu.wait_indirect_dma semaphore(%arg12 : memref<!tpu.dma_semaphore, #tpu.memory_space<semaphore_mem>>) src(%dma_wait3A_77 : memref<10000x128xf32, #tpu.memory_space<hbm>>) dst(%arg8 : memref<50x128xf32, #tpu.memory_space<vmem>>)
    %run_scoped3A = arith.constant 96 : i32
    "tpu.region"() ({
      %run_scoped3A_274 = tpu.sem_alloc : memref<!tpu.dma_semaphore, #tpu.memory_space<semaphore_mem>>
      %dma_start3A_275 = arith.constant 0 : i32
      %dma_start3A_276 = tpu.memref_slice %arg7[%run_scoped3A, %dma_start3A_275] : memref<100x50xi32, #tpu.memory_space<vmem>> -> memref<1x50xi32, #tpu.memory_space<vmem>>
      %dma_start3A_277 = tpu.memref_squeeze %dma_start3A_276 : memref<1x50xi32, #tpu.memory_space<vmem>> -> memref<50xi32, #tpu.memory_space<vmem>>
      %dma_start3A_278 = arith.constant 0 : i32
      %dma_start3A_279 = arith.constant 0 : i32
      %dma_start3A_280 = tpu.memref_slice %arg11[%dma_start3A_278, %dma_start3A_279] : memref<10240x128xf32, #tpu.memory_space<vmem_shared>> -> memref<10240x128xf32, #tpu.memory_space<vmem_shared>>
      tpu.enqueue_indirect_dma source(%arg8 : memref<50x128xf32, #tpu.memory_space<vmem>>) target(%dma_start3A_280 : memref<10240x128xf32, #tpu.memory_space<vmem_shared>>) offsets(%dma_start3A_277 : memref<50xi32, #tpu.memory_space<vmem>>) semaphore(%run_scoped3A_274 : memref<!tpu.dma_semaphore, #tpu.memory_space<semaphore_mem>>) {add = true}
      %dma_wait3A_281 = arith.constant 0 : i32
      %dma_wait3A_282 = tpu.memref_slice %arg7[%run_scoped3A, %dma_wait3A_281] : memref<100x50xi32, #tpu.memory_space<vmem>> -> memref<1x50xi32, #tpu.memory_space<vmem>>
      %dma_wait3A_283 = tpu.memref_squeeze %dma_wait3A_282 : memref<1x50xi32, #tpu.memory_space<vmem>> -> memref<50xi32, #tpu.memory_space<vmem>>
      %dma_wait3A_284 = arith.constant 0 : i32
      %dma_wait3A_285 = arith.constant 0 : i32
      %dma_wait3A_286 = tpu.memref_slice %arg11[%dma_wait3A_284, %dma_wait3A_285] : memref<10240x128xf32, #tpu.memory_space<vmem_shared>> -> memref<10240x128xf32, #tpu.memory_space<vmem_shared>>
      tpu.wait_indirect_dma semaphore(%run_scoped3A_274 : memref<!tpu.dma_semaphore, #tpu.memory_space<semaphore_mem>>) src(%arg8 : memref<50x128xf32, #tpu.memory_space<vmem>>) dst(%dma_wait3A_286 : memref<10240x128xf32, #tpu.memory_space<vmem_shared>>)
      tpu.yield
    }) : () -> ()
    %dma_start3A_78 = arith.constant 99 : i32
    %dma_start3A_79 = arith.constant 0 : i32
    %dma_start3A_80 = tpu.memref_slice %arg6[%dma_start3A_78, %dma_start3A_79] : memref<100x50xi32, #tpu.memory_space<vmem>> -> memref<1x50xi32, #tpu.memory_space<vmem>>
    %dma_start3A_81 = tpu.memref_squeeze %dma_start3A_80 : memref<1x50xi32, #tpu.memory_space<vmem>> -> memref<50xi32, #tpu.memory_space<vmem>>
    %dma_start3A_82 = arith.constant 0 : i32
    %dma_start3A_83 = arith.constant 0 : i32
    %dma_start3A_84 = tpu.memref_slice %arg2[%dma_start3A_82, %dma_start3A_83] : memref<10000x128xf32, #tpu.memory_space<hbm>> -> memref<10000x128xf32, #tpu.memory_space<hbm>>
    tpu.enqueue_indirect_dma source(%dma_start3A_84 : memref<10000x128xf32, #tpu.memory_space<hbm>>) target(%arg8 : memref<50x128xf32, #tpu.memory_space<vmem>>) offsets(%dma_start3A_81 : memref<50xi32, #tpu.memory_space<vmem>>) semaphore(%arg12 : memref<!tpu.dma_semaphore, #tpu.memory_space<semaphore_mem>>)
    %dma_wait3A_85 = arith.constant 0 : i32
    %dma_wait3A_86 = arith.constant 0 : i32
    %dma_wait3A_87 = tpu.memref_slice %arg6[%dma_wait3A_85, %dma_wait3A_86] : memref<100x50xi32, #tpu.memory_space<vmem>> -> memref<1x50xi32, #tpu.memory_space<vmem>>
    %dma_wait3A_88 = tpu.memref_squeeze %dma_wait3A_87 : memref<1x50xi32, #tpu.memory_space<vmem>> -> memref<50xi32, #tpu.memory_space<vmem>>
    %dma_wait3A_89 = arith.constant 0 : i32
    %dma_wait3A_90 = arith.constant 0 : i32
    %dma_wait3A_91 = tpu.memref_slice %arg2[%dma_wait3A_89, %dma_wait3A_90] : memref<10000x128xf32, #tpu.memory_space<hbm>> -> memref<10000x128xf32, #tpu.memory_space<hbm>>
    tpu.wait_indirect_dma semaphore(%arg13 : memref<!tpu.dma_semaphore, #tpu.memory_space<semaphore_mem>>) src(%dma_wait3A_91 : memref<10000x128xf32, #tpu.memory_space<hbm>>) dst(%arg9 : memref<50x128xf32, #tpu.memory_space<vmem>>)
    %run_scoped3A_92 = arith.constant 97 : i32
    "tpu.region"() ({
      %run_scoped3A_274 = tpu.sem_alloc : memref<!tpu.dma_semaphore, #tpu.memory_space<semaphore_mem>>
      %dma_start3A_275 = arith.constant 0 : i32
      %dma_start3A_276 = tpu.memref_slice %arg7[%run_scoped3A_92, %dma_start3A_275] : memref<100x50xi32, #tpu.memory_space<vmem>> -> memref<1x50xi32, #tpu.memory_space<vmem>>
      %dma_start3A_277 = tpu.memref_squeeze %dma_start3A_276 : memref<1x50xi32, #tpu.memory_space<vmem>> -> memref<50xi32, #tpu.memory_space<vmem>>
      %dma_start3A_278 = arith.constant 0 : i32
      %dma_start3A_279 = arith.constant 0 : i32
      %dma_start3A_280 = tpu.memref_slice %arg11[%dma_start3A_278, %dma_start3A_279] : memref<10240x128xf32, #tpu.memory_space<vmem_shared>> -> memref<10240x128xf32, #tpu.memory_space<vmem_shared>>
      tpu.enqueue_indirect_dma source(%arg9 : memref<50x128xf32, #tpu.memory_space<vmem>>) target(%dma_start3A_280 : memref<10240x128xf32, #tpu.memory_space<vmem_shared>>) offsets(%dma_start3A_277 : memref<50xi32, #tpu.memory_space<vmem>>) semaphore(%run_scoped3A_274 : memref<!tpu.dma_semaphore, #tpu.memory_space<semaphore_mem>>) {add = true}
      %dma_wait3A_281 = arith.constant 0 : i32
      %dma_wait3A_282 = tpu.memref_slice %arg7[%run_scoped3A_92, %dma_wait3A_281] : memref<100x50xi32, #tpu.memory_space<vmem>> -> memref<1x50xi32, #tpu.memory_space<vmem>>
      %dma_wait3A_283 = tpu.memref_squeeze %dma_wait3A_282 : memref<1x50xi32, #tpu.memory_space<vmem>> -> memref<50xi32, #tpu.memory_space<vmem>>
      %dma_wait3A_284 = arith.constant 0 : i32
      %dma_wait3A_285 = arith.constant 0 : i32
      %dma_wait3A_286 = tpu.memref_slice %arg11[%dma_wait3A_284, %dma_wait3A_285] : memref<10240x128xf32, #tpu.memory_space<vmem_shared>> -> memref<10240x128xf32, #tpu.memory_space<vmem_shared>>
      tpu.wait_indirect_dma semaphore(%run_scoped3A_274 : memref<!tpu.dma_semaphore, #tpu.memory_space<semaphore_mem>>) src(%arg9 : memref<50x128xf32, #tpu.memory_space<vmem>>) dst(%dma_wait3A_286 : memref<10240x128xf32, #tpu.memory_space<vmem_shared>>)
      tpu.yield
    }) : () -> ()
    %dma_wait3A_93 = arith.constant 0 : i32
    %dma_wait3A_94 = arith.constant 0 : i32
    %dma_wait3A_95 = tpu.memref_slice %arg6[%dma_wait3A_93, %dma_wait3A_94] : memref<100x50xi32, #tpu.memory_space<vmem>> -> memref<1x50xi32, #tpu.memory_space<vmem>>
    %dma_wait3A_96 = tpu.memref_squeeze %dma_wait3A_95 : memref<1x50xi32, #tpu.memory_space<vmem>> -> memref<50xi32, #tpu.memory_space<vmem>>
    %dma_wait3A_97 = arith.constant 0 : i32
    %dma_wait3A_98 = arith.constant 0 : i32
    %dma_wait3A_99 = tpu.memref_slice %arg2[%dma_wait3A_97, %dma_wait3A_98] : memref<10000x128xf32, #tpu.memory_space<hbm>> -> memref<10000x128xf32, #tpu.memory_space<hbm>>
    tpu.wait_indirect_dma semaphore(%arg14 : memref<!tpu.dma_semaphore, #tpu.memory_space<semaphore_mem>>) src(%dma_wait3A_99 : memref<10000x128xf32, #tpu.memory_space<hbm>>) dst(%arg10 : memref<50x128xf32, #tpu.memory_space<vmem>>)
    %run_scoped3A_100 = arith.constant 98 : i32
    "tpu.region"() ({
      %run_scoped3A_274 = tpu.sem_alloc : memref<!tpu.dma_semaphore, #tpu.memory_space<semaphore_mem>>
      %dma_start3A_275 = arith.constant 0 : i32
      %dma_start3A_276 = tpu.memref_slice %arg7[%run_scoped3A_100, %dma_start3A_275] : memref<100x50xi32, #tpu.memory_space<vmem>> -> memref<1x50xi32, #tpu.memory_space<vmem>>
      %dma_start3A_277 = tpu.memref_squeeze %dma_start3A_276 : memref<1x50xi32, #tpu.memory_space<vmem>> -> memref<50xi32, #tpu.memory_space<vmem>>
      %dma_start3A_278 = arith.constant 0 : i32
      %dma_start3A_279 = arith.constant 0 : i32
      %dma_start3A_280 = tpu.memref_slice %arg11[%dma_start3A_278, %dma_start3A_279] : memref<10240x128xf32, #tpu.memory_space<vmem_shared>> -> memref<10240x128xf32, #tpu.memory_space<vmem_shared>>
      tpu.enqueue_indirect_dma source(%arg10 : memref<50x128xf32, #tpu.memory_space<vmem>>) target(%dma_start3A_280 : memref<10240x128xf32, #tpu.memory_space<vmem_shared>>) offsets(%dma_start3A_277 : memref<50xi32, #tpu.memory_space<vmem>>) semaphore(%run_scoped3A_274 : memref<!tpu.dma_semaphore, #tpu.memory_space<semaphore_mem>>) {add = true}
      %dma_wait3A_281 = arith.constant 0 : i32
      %dma_wait3A_282 = tpu.memref_slice %arg7[%run_scoped3A_100, %dma_wait3A_281] : memref<100x50xi32, #tpu.memory_space<vmem>> -> memref<1x50xi32, #tpu.memory_space<vmem>>
      %dma_wait3A_283 = tpu.memref_squeeze %dma_wait3A_282 : memref<1x50xi32, #tpu.memory_space<vmem>> -> memref<50xi32, #tpu.memory_space<vmem>>
      %dma_wait3A_284 = arith.constant 0 : i32
      %dma_wait3A_285 = arith.constant 0 : i32
      %dma_wait3A_286 = tpu.memref_slice %arg11[%dma_wait3A_284, %dma_wait3A_285] : memref<10240x128xf32, #tpu.memory_space<vmem_shared>> -> memref<10240x128xf32, #tpu.memory_space<vmem_shared>>
      tpu.wait_indirect_dma semaphore(%run_scoped3A_274 : memref<!tpu.dma_semaphore, #tpu.memory_space<semaphore_mem>>) src(%arg10 : memref<50x128xf32, #tpu.memory_space<vmem>>) dst(%dma_wait3A_286 : memref<10240x128xf32, #tpu.memory_space<vmem_shared>>)
      tpu.yield
    }) : () -> ()
    %dma_wait3A_101 = arith.constant 0 : i32
    %dma_wait3A_102 = arith.constant 0 : i32
    %dma_wait3A_103 = tpu.memref_slice %arg6[%dma_wait3A_101, %dma_wait3A_102] : memref<100x50xi32, #tpu.memory_space<vmem>> -> memref<1x50xi32, #tpu.memory_space<vmem>>
    %dma_wait3A_104 = tpu.memref_squeeze %dma_wait3A_103 : memref<1x50xi32, #tpu.memory_space<vmem>> -> memref<50xi32, #tpu.memory_space<vmem>>
    %dma_wait3A_105 = arith.constant 0 : i32
    %dma_wait3A_106 = arith.constant 0 : i32
    %dma_wait3A_107 = tpu.memref_slice %arg2[%dma_wait3A_105, %dma_wait3A_106] : memref<10000x128xf32, #tpu.memory_space<hbm>> -> memref<10000x128xf32, #tpu.memory_space<hbm>>
    tpu.wait_indirect_dma semaphore(%arg12 : memref<!tpu.dma_semaphore, #tpu.memory_space<semaphore_mem>>) src(%dma_wait3A_107 : memref<10000x128xf32, #tpu.memory_space<hbm>>) dst(%arg8 : memref<50x128xf32, #tpu.memory_space<vmem>>)
    %run_scoped3A_108 = arith.constant 99 : i32
    "tpu.region"() ({
      %run_scoped3A_274 = tpu.sem_alloc : memref<!tpu.dma_semaphore, #tpu.memory_space<semaphore_mem>>
      %dma_start3A_275 = arith.constant 0 : i32
      %dma_start3A_276 = tpu.memref_slice %arg7[%run_scoped3A_108, %dma_start3A_275] : memref<100x50xi32, #tpu.memory_space<vmem>> -> memref<1x50xi32, #tpu.memory_space<vmem>>
      %dma_start3A_277 = tpu.memref_squeeze %dma_start3A_276 : memref<1x50xi32, #tpu.memory_space<vmem>> -> memref<50xi32, #tpu.memory_space<vmem>>
      %dma_start3A_278 = arith.constant 0 : i32
      %dma_start3A_279 = arith.constant 0 : i32
      %dma_start3A_280 = tpu.memref_slice %arg11[%dma_start3A_278, %dma_start3A_279] : memref<10240x128xf32, #tpu.memory_space<vmem_shared>> -> memref<10240x128xf32, #tpu.memory_space<vmem_shared>>
      tpu.enqueue_indirect_dma source(%arg8 : memref<50x128xf32, #tpu.memory_space<vmem>>) target(%dma_start3A_280 : memref<10240x128xf32, #tpu.memory_space<vmem_shared>>) offsets(%dma_start3A_277 : memref<50xi32, #tpu.memory_space<vmem>>) semaphore(%run_scoped3A_274 : memref<!tpu.dma_semaphore, #tpu.memory_space<semaphore_mem>>) {add = true}
      %dma_wait3A_281 = arith.constant 0 : i32
      %dma_wait3A_282 = tpu.memref_slice %arg7[%run_scoped3A_108, %dma_wait3A_281] : memref<100x50xi32, #tpu.memory_space<vmem>> -> memref<1x50xi32, #tpu.memory_space<vmem>>
      %dma_wait3A_283 = tpu.memref_squeeze %dma_wait3A_282 : memref<1x50xi32, #tpu.memory_space<vmem>> -> memref<50xi32, #tpu.memory_space<vmem>>
      %dma_wait3A_284 = arith.constant 0 : i32
      %dma_wait3A_285 = arith.constant 0 : i32
      %dma_wait3A_286 = tpu.memref_slice %arg11[%dma_wait3A_284, %dma_wait3A_285] : memref<10240x128xf32, #tpu.memory_space<vmem_shared>> -> memref<10240x128xf32, #tpu.memory_space<vmem_shared>>
      tpu.wait_indirect_dma semaphore(%run_scoped3A_274 : memref<!tpu.dma_semaphore, #tpu.memory_space<semaphore_mem>>) src(%arg8 : memref<50x128xf32, #tpu.memory_space<vmem>>) dst(%dma_wait3A_286 : memref<10240x128xf32, #tpu.memory_space<vmem_shared>>)
      tpu.yield
    }) : () -> ()
    %mul3A_109 = arith.constant 2 : i32
    %mul3A_110 = arith.muli %mul3A_109, %add3A : i32
    %add3A_111 = arith.constant 1 : i32
    %add3A_112 = arith.addi %mul3A_110, %add3A_111 : i32
    "tpu.region"() ({
      %run_scoped3A_274 = tpu.sem_alloc : memref<!tpu.dma_semaphore, #tpu.memory_space<semaphore_mem>>
      %dma_start3A_275 = arith.constant 0 : i32
      %dma_start3A_276 = arith.constant 0 : i32
      %dma_start3A_277 = tpu.memref_slice %arg3[%add3A_112, %dma_start3A_275, %dma_start3A_276] : memref<64x100x50xi32, #tpu.memory_space<hbm>> -> memref<1x100x50xi32, #tpu.memory_space<hbm>>
      %dma_start3A_278 = tpu.memref_squeeze %dma_start3A_277 : memref<1x100x50xi32, #tpu.memory_space<hbm>> -> memref<100x50xi32, #tpu.memory_space<hbm>>
      %dma_start3A_279 = arith.constant 0 : i32
      %dma_start3A_280 = arith.constant 0 : i32
      %dma_start3A_281 = tpu.memref_slice %arg3[%add3A_112, %dma_start3A_279, %dma_start3A_280] : memref<64x100x50xi32, #tpu.memory_space<hbm>> -> memref<1x100x50xi32, #tpu.memory_space<hbm>>
      %dma_start3A_282 = tpu.memref_squeeze %dma_start3A_281 : memref<1x100x50xi32, #tpu.memory_space<hbm>> -> memref<100x50xi32, #tpu.memory_space<hbm>>
      tpu.enqueue_dma source(%dma_start3A_282 : memref<100x50xi32, #tpu.memory_space<hbm>>) target(%arg6 : memref<100x50xi32, #tpu.memory_space<vmem>>) target_semaphore(%run_scoped3A_274 : memref<!tpu.dma_semaphore, #tpu.memory_space<semaphore_mem>>)
      %dma_wait3A_283 = arith.constant 0 : i32
      %dma_wait3A_284 = arith.constant 0 : i32
      %dma_wait3A_285 = tpu.memref_slice %arg3[%add3A_112, %dma_wait3A_283, %dma_wait3A_284] : memref<64x100x50xi32, #tpu.memory_space<hbm>> -> memref<1x100x50xi32, #tpu.memory_space<hbm>>
      %dma_wait3A_286 = tpu.memref_squeeze %dma_wait3A_285 : memref<1x100x50xi32, #tpu.memory_space<hbm>> -> memref<100x50xi32, #tpu.memory_space<hbm>>
      %dma_wait3A_287 = arith.constant 0 : i32
      %dma_wait3A_288 = arith.constant 0 : i32
      %dma_wait3A_289 = tpu.memref_slice %arg3[%add3A_112, %dma_wait3A_287, %dma_wait3A_288] : memref<64x100x50xi32, #tpu.memory_space<hbm>> -> memref<1x100x50xi32, #tpu.memory_space<hbm>>
      %dma_wait3A_290 = tpu.memref_squeeze %dma_wait3A_289 : memref<1x100x50xi32, #tpu.memory_space<hbm>> -> memref<100x50xi32, #tpu.memory_space<hbm>>
      tpu.wait_dma2 semaphore(%run_scoped3A_274 : memref<!tpu.dma_semaphore, #tpu.memory_space<semaphore_mem>>) src(%dma_wait3A_290 : memref<100x50xi32, #tpu.memory_space<hbm>>) dst(%arg6 : memref<100x50xi32, #tpu.memory_space<vmem>>)
      tpu.yield
    }) : () -> ()
    %mul3A_113 = arith.constant 2 : i32
    %mul3A_114 = arith.muli %mul3A_113, %add3A : i32
    %add3A_115 = arith.constant 1 : i32
    %add3A_116 = arith.addi %mul3A_114, %add3A_115 : i32
    "tpu.region"() ({
      %run_scoped3A_274 = tpu.sem_alloc : memref<!tpu.dma_semaphore, #tpu.memory_space<semaphore_mem>>
      %dma_start3A_275 = arith.constant 0 : i32
      %dma_start3A_276 = arith.constant 0 : i32
      %dma_start3A_277 = tpu.memref_slice %arg4[%add3A_116, %dma_start3A_275, %dma_start3A_276] : memref<64x100x50xi32, #tpu.memory_space<hbm>> -> memref<1x100x50xi32, #tpu.memory_space<hbm>>
      %dma_start3A_278 = tpu.memref_squeeze %dma_start3A_277 : memref<1x100x50xi32, #tpu.memory_space<hbm>> -> memref<100x50xi32, #tpu.memory_space<hbm>>
      %dma_start3A_279 = arith.constant 0 : i32
      %dma_start3A_280 = arith.constant 0 : i32
      %dma_start3A_281 = tpu.memref_slice %arg4[%add3A_116, %dma_start3A_279, %dma_start3A_280] : memref<64x100x50xi32, #tpu.memory_space<hbm>> -> memref<1x100x50xi32, #tpu.memory_space<hbm>>
      %dma_start3A_282 = tpu.memref_squeeze %dma_start3A_281 : memref<1x100x50xi32, #tpu.memory_space<hbm>> -> memref<100x50xi32, #tpu.memory_space<hbm>>
      tpu.enqueue_dma source(%dma_start3A_282 : memref<100x50xi32, #tpu.memory_space<hbm>>) target(%arg7 : memref<100x50xi32, #tpu.memory_space<vmem>>) target_semaphore(%run_scoped3A_274 : memref<!tpu.dma_semaphore, #tpu.memory_space<semaphore_mem>>)
      %dma_wait3A_283 = arith.constant 0 : i32
      %dma_wait3A_284 = arith.constant 0 : i32
      %dma_wait3A_285 = tpu.memref_slice %arg4[%add3A_116, %dma_wait3A_283, %dma_wait3A_284] : memref<64x100x50xi32, #tpu.memory_space<hbm>> -> memref<1x100x50xi32, #tpu.memory_space<hbm>>
      %dma_wait3A_286 = tpu.memref_squeeze %dma_wait3A_285 : memref<1x100x50xi32, #tpu.memory_space<hbm>> -> memref<100x50xi32, #tpu.memory_space<hbm>>
      %dma_wait3A_287 = arith.constant 0 : i32
      %dma_wait3A_288 = arith.constant 0 : i32
      %dma_wait3A_289 = tpu.memref_slice %arg4[%add3A_116, %dma_wait3A_287, %dma_wait3A_288] : memref<64x100x50xi32, #tpu.memory_space<hbm>> -> memref<1x100x50xi32, #tpu.memory_space<hbm>>
      %dma_wait3A_290 = tpu.memref_squeeze %dma_wait3A_289 : memref<1x100x50xi32, #tpu.memory_space<hbm>> -> memref<100x50xi32, #tpu.memory_space<hbm>>
      tpu.wait_dma2 semaphore(%run_scoped3A_274 : memref<!tpu.dma_semaphore, #tpu.memory_space<semaphore_mem>>) src(%dma_wait3A_290 : memref<100x50xi32, #tpu.memory_space<hbm>>) dst(%arg7 : memref<100x50xi32, #tpu.memory_space<vmem>>)
      tpu.yield
    }) : () -> ()
    %dma_start3A_117 = arith.constant 0 : i32
    %dma_start3A_118 = arith.constant 0 : i32
    %dma_start3A_119 = tpu.memref_slice %arg6[%dma_start3A_117, %dma_start3A_118] : memref<100x50xi32, #tpu.memory_space<vmem>> -> memref<1x50xi32, #tpu.memory_space<vmem>>
    %dma_start3A_120 = tpu.memref_squeeze %dma_start3A_119 : memref<1x50xi32, #tpu.memory_space<vmem>> -> memref<50xi32, #tpu.memory_space<vmem>>
    %dma_start3A_121 = arith.constant 0 : i32
    %dma_start3A_122 = arith.constant 0 : i32
    %dma_start3A_123 = tpu.memref_slice %arg2[%dma_start3A_121, %dma_start3A_122] : memref<10000x128xf32, #tpu.memory_space<hbm>> -> memref<10000x128xf32, #tpu.memory_space<hbm>>
    tpu.enqueue_indirect_dma source(%dma_start3A_123 : memref<10000x128xf32, #tpu.memory_space<hbm>>) target(%arg8 : memref<50x128xf32, #tpu.memory_space<vmem>>) offsets(%dma_start3A_120 : memref<50xi32, #tpu.memory_space<vmem>>) semaphore(%arg12 : memref<!tpu.dma_semaphore, #tpu.memory_space<semaphore_mem>>)
    %dma_start3A_124 = arith.constant 1 : i32
    %dma_start3A_125 = arith.constant 0 : i32
    %dma_start3A_126 = tpu.memref_slice %arg6[%dma_start3A_124, %dma_start3A_125] : memref<100x50xi32, #tpu.memory_space<vmem>> -> memref<1x50xi32, #tpu.memory_space<vmem>>
    %dma_start3A_127 = tpu.memref_squeeze %dma_start3A_126 : memref<1x50xi32, #tpu.memory_space<vmem>> -> memref<50xi32, #tpu.memory_space<vmem>>
    %dma_start3A_128 = arith.constant 0 : i32
    %dma_start3A_129 = arith.constant 0 : i32
    %dma_start3A_130 = tpu.memref_slice %arg2[%dma_start3A_128, %dma_start3A_129] : memref<10000x128xf32, #tpu.memory_space<hbm>> -> memref<10000x128xf32, #tpu.memory_space<hbm>>
    tpu.enqueue_indirect_dma source(%dma_start3A_130 : memref<10000x128xf32, #tpu.memory_space<hbm>>) target(%arg9 : memref<50x128xf32, #tpu.memory_space<vmem>>) offsets(%dma_start3A_127 : memref<50xi32, #tpu.memory_space<vmem>>) semaphore(%arg13 : memref<!tpu.dma_semaphore, #tpu.memory_space<semaphore_mem>>)
    %dma_start3A_131 = arith.constant 2 : i32
    %dma_start3A_132 = arith.constant 0 : i32
    %dma_start3A_133 = tpu.memref_slice %arg6[%dma_start3A_131, %dma_start3A_132] : memref<100x50xi32, #tpu.memory_space<vmem>> -> memref<1x50xi32, #tpu.memory_space<vmem>>
    %dma_start3A_134 = tpu.memref_squeeze %dma_start3A_133 : memref<1x50xi32, #tpu.memory_space<vmem>> -> memref<50xi32, #tpu.memory_space<vmem>>
    %dma_start3A_135 = arith.constant 0 : i32
    %dma_start3A_136 = arith.constant 0 : i32
    %dma_start3A_137 = tpu.memref_slice %arg2[%dma_start3A_135, %dma_start3A_136] : memref<10000x128xf32, #tpu.memory_space<hbm>> -> memref<10000x128xf32, #tpu.memory_space<hbm>>
    tpu.enqueue_indirect_dma source(%dma_start3A_137 : memref<10000x128xf32, #tpu.memory_space<hbm>>) target(%arg10 : memref<50x128xf32, #tpu.memory_space<vmem>>) offsets(%dma_start3A_134 : memref<50xi32, #tpu.memory_space<vmem>>) semaphore(%arg14 : memref<!tpu.dma_semaphore, #tpu.memory_space<semaphore_mem>>)
    %scan3A_138 = arith.constant 0 : i32
    %scan3A_139 = arith.constant 0 : i32
    %scan3A_140 = arith.constant 32 : i32
    %scan3A_141 = arith.addi %scan3A_139, %scan3A_140 : i32
    %scan3A_142 = arith.constant 1 : i32
    scf.for %scan3A_274 = %scan3A_139 to %scan3A_141 step %scan3A_142  : i32 {
      %mul3A_275 = arith.constant 3 : i32
      %mul3A_276 = arith.muli %mul3A_275, %scan3A_274 : i32
      %dma_wait3A_277 = arith.constant 0 : i32
      %dma_wait3A_278 = arith.constant 0 : i32
      %dma_wait3A_279 = tpu.memref_slice %arg6[%dma_wait3A_277, %dma_wait3A_278] : memref<100x50xi32, #tpu.memory_space<vmem>> -> memref<1x50xi32, #tpu.memory_space<vmem>>
      %dma_wait3A_280 = tpu.memref_squeeze %dma_wait3A_279 : memref<1x50xi32, #tpu.memory_space<vmem>> -> memref<50xi32, #tpu.memory_space<vmem>>
      %dma_wait3A_281 = arith.constant 0 : i32
      %dma_wait3A_282 = arith.constant 0 : i32
      %dma_wait3A_283 = tpu.memref_slice %arg2[%dma_wait3A_281, %dma_wait3A_282] : memref<10000x128xf32, #tpu.memory_space<hbm>> -> memref<10000x128xf32, #tpu.memory_space<hbm>>
      tpu.wait_indirect_dma semaphore(%arg12 : memref<!tpu.dma_semaphore, #tpu.memory_space<semaphore_mem>>) src(%dma_wait3A_283 : memref<10000x128xf32, #tpu.memory_space<hbm>>) dst(%arg8 : memref<50x128xf32, #tpu.memory_space<vmem>>)
      "tpu.region"() ({
        %run_scoped3A_326 = tpu.sem_alloc : memref<!tpu.dma_semaphore, #tpu.memory_space<semaphore_mem>>
        %dma_start3A_327 = arith.constant 0 : i32
        %dma_start3A_328 = tpu.memref_slice %arg7[%mul3A_276, %dma_start3A_327] : memref<100x50xi32, #tpu.memory_space<vmem>> -> memref<1x50xi32, #tpu.memory_space<vmem>>
        %dma_start3A_329 = tpu.memref_squeeze %dma_start3A_328 : memref<1x50xi32, #tpu.memory_space<vmem>> -> memref<50xi32, #tpu.memory_space<vmem>>
        %dma_start3A_330 = arith.constant 0 : i32
        %dma_start3A_331 = arith.constant 0 : i32
        %dma_start3A_332 = tpu.memref_slice %arg11[%dma_start3A_330, %dma_start3A_331] : memref<10240x128xf32, #tpu.memory_space<vmem_shared>> -> memref<10240x128xf32, #tpu.memory_space<vmem_shared>>
        tpu.enqueue_indirect_dma source(%arg8 : memref<50x128xf32, #tpu.memory_space<vmem>>) target(%dma_start3A_332 : memref<10240x128xf32, #tpu.memory_space<vmem_shared>>) offsets(%dma_start3A_329 : memref<50xi32, #tpu.memory_space<vmem>>) semaphore(%run_scoped3A_326 : memref<!tpu.dma_semaphore, #tpu.memory_space<semaphore_mem>>) {add = true}
        %dma_wait3A_333 = arith.constant 0 : i32
        %dma_wait3A_334 = tpu.memref_slice %arg7[%mul3A_276, %dma_wait3A_333] : memref<100x50xi32, #tpu.memory_space<vmem>> -> memref<1x50xi32, #tpu.memory_space<vmem>>
        %dma_wait3A_335 = tpu.memref_squeeze %dma_wait3A_334 : memref<1x50xi32, #tpu.memory_space<vmem>> -> memref<50xi32, #tpu.memory_space<vmem>>
        %dma_wait3A_336 = arith.constant 0 : i32
        %dma_wait3A_337 = arith.constant 0 : i32
        %dma_wait3A_338 = tpu.memref_slice %arg11[%dma_wait3A_336, %dma_wait3A_337] : memref<10240x128xf32, #tpu.memory_space<vmem_shared>> -> memref<10240x128xf32, #tpu.memory_space<vmem_shared>>
        tpu.wait_indirect_dma semaphore(%run_scoped3A_326 : memref<!tpu.dma_semaphore, #tpu.memory_space<semaphore_mem>>) src(%arg8 : memref<50x128xf32, #tpu.memory_space<vmem>>) dst(%dma_wait3A_338 : memref<10240x128xf32, #tpu.memory_space<vmem_shared>>)
        tpu.yield
      }) : () -> ()
      %add3A_284 = arith.constant 3 : i32
      %add3A_285 = arith.addi %mul3A_276, %add3A_284 : i32
      %dma_start3A_286 = arith.constant 0 : i32
      %dma_start3A_287 = tpu.memref_slice %arg6[%add3A_285, %dma_start3A_286] : memref<100x50xi32, #tpu.memory_space<vmem>> -> memref<1x50xi32, #tpu.memory_space<vmem>>
      %dma_start3A_288 = tpu.memref_squeeze %dma_start3A_287 : memref<1x50xi32, #tpu.memory_space<vmem>> -> memref<50xi32, #tpu.memory_space<vmem>>
      %dma_start3A_289 = arith.constant 0 : i32
      %dma_start3A_290 = arith.constant 0 : i32
      %dma_start3A_291 = tpu.memref_slice %arg2[%dma_start3A_289, %dma_start3A_290] : memref<10000x128xf32, #tpu.memory_space<hbm>> -> memref<10000x128xf32, #tpu.memory_space<hbm>>
      tpu.enqueue_indirect_dma source(%dma_start3A_291 : memref<10000x128xf32, #tpu.memory_space<hbm>>) target(%arg8 : memref<50x128xf32, #tpu.memory_space<vmem>>) offsets(%dma_start3A_288 : memref<50xi32, #tpu.memory_space<vmem>>) semaphore(%arg12 : memref<!tpu.dma_semaphore, #tpu.memory_space<semaphore_mem>>)
      %dma_wait3A_292 = arith.constant 0 : i32
      %dma_wait3A_293 = arith.constant 0 : i32
      %dma_wait3A_294 = tpu.memref_slice %arg6[%dma_wait3A_292, %dma_wait3A_293] : memref<100x50xi32, #tpu.memory_space<vmem>> -> memref<1x50xi32, #tpu.memory_space<vmem>>
      %dma_wait3A_295 = tpu.memref_squeeze %dma_wait3A_294 : memref<1x50xi32, #tpu.memory_space<vmem>> -> memref<50xi32, #tpu.memory_space<vmem>>
      %dma_wait3A_296 = arith.constant 0 : i32
      %dma_wait3A_297 = arith.constant 0 : i32
      %dma_wait3A_298 = tpu.memref_slice %arg2[%dma_wait3A_296, %dma_wait3A_297] : memref<10000x128xf32, #tpu.memory_space<hbm>> -> memref<10000x128xf32, #tpu.memory_space<hbm>>
      tpu.wait_indirect_dma semaphore(%arg13 : memref<!tpu.dma_semaphore, #tpu.memory_space<semaphore_mem>>) src(%dma_wait3A_298 : memref<10000x128xf32, #tpu.memory_space<hbm>>) dst(%arg9 : memref<50x128xf32, #tpu.memory_space<vmem>>)
      %add3A_299 = arith.constant 1 : i32
      %add3A_300 = arith.addi %mul3A_276, %add3A_299 : i32
      "tpu.region"() ({
        %run_scoped3A_326 = tpu.sem_alloc : memref<!tpu.dma_semaphore, #tpu.memory_space<semaphore_mem>>
        %dma_start3A_327 = arith.constant 0 : i32
        %dma_start3A_328 = tpu.memref_slice %arg7[%add3A_300, %dma_start3A_327] : memref<100x50xi32, #tpu.memory_space<vmem>> -> memref<1x50xi32, #tpu.memory_space<vmem>>
        %dma_start3A_329 = tpu.memref_squeeze %dma_start3A_328 : memref<1x50xi32, #tpu.memory_space<vmem>> -> memref<50xi32, #tpu.memory_space<vmem>>
        %dma_start3A_330 = arith.constant 0 : i32
        %dma_start3A_331 = arith.constant 0 : i32
        %dma_start3A_332 = tpu.memref_slice %arg11[%dma_start3A_330, %dma_start3A_331] : memref<10240x128xf32, #tpu.memory_space<vmem_shared>> -> memref<10240x128xf32, #tpu.memory_space<vmem_shared>>
        tpu.enqueue_indirect_dma source(%arg9 : memref<50x128xf32, #tpu.memory_space<vmem>>) target(%dma_start3A_332 : memref<10240x128xf32, #tpu.memory_space<vmem_shared>>) offsets(%dma_start3A_329 : memref<50xi32, #tpu.memory_space<vmem>>) semaphore(%run_scoped3A_326 : memref<!tpu.dma_semaphore, #tpu.memory_space<semaphore_mem>>) {add = true}
        %dma_wait3A_333 = arith.constant 0 : i32
        %dma_wait3A_334 = tpu.memref_slice %arg7[%add3A_300, %dma_wait3A_333] : memref<100x50xi32, #tpu.memory_space<vmem>> -> memref<1x50xi32, #tpu.memory_space<vmem>>
        %dma_wait3A_335 = tpu.memref_squeeze %dma_wait3A_334 : memref<1x50xi32, #tpu.memory_space<vmem>> -> memref<50xi32, #tpu.memory_space<vmem>>
        %dma_wait3A_336 = arith.constant 0 : i32
        %dma_wait3A_337 = arith.constant 0 : i32
        %dma_wait3A_338 = tpu.memref_slice %arg11[%dma_wait3A_336, %dma_wait3A_337] : memref<10240x128xf32, #tpu.memory_space<vmem_shared>> -> memref<10240x128xf32, #tpu.memory_space<vmem_shared>>
        tpu.wait_indirect_dma semaphore(%run_scoped3A_326 : memref<!tpu.dma_semaphore, #tpu.memory_space<semaphore_mem>>) src(%arg9 : memref<50x128xf32, #tpu.memory_space<vmem>>) dst(%dma_wait3A_338 : memref<10240x128xf32, #tpu.memory_space<vmem_shared>>)
        tpu.yield
      }) : () -> ()
      %add3A_301 = arith.constant 4 : i32
      %add3A_302 = arith.addi %mul3A_276, %add3A_301 : i32
      %dma_start3A_303 = arith.constant 0 : i32
      %dma_start3A_304 = tpu.memref_slice %arg6[%add3A_302, %dma_start3A_303] : memref<100x50xi32, #tpu.memory_space<vmem>> -> memref<1x50xi32, #tpu.memory_space<vmem>>
      %dma_start3A_305 = tpu.memref_squeeze %dma_start3A_304 : memref<1x50xi32, #tpu.memory_space<vmem>> -> memref<50xi32, #tpu.memory_space<vmem>>
      %dma_start3A_306 = arith.constant 0 : i32
      %dma_start3A_307 = arith.constant 0 : i32
      %dma_start3A_308 = tpu.memref_slice %arg2[%dma_start3A_306, %dma_start3A_307] : memref<10000x128xf32, #tpu.memory_space<hbm>> -> memref<10000x128xf32, #tpu.memory_space<hbm>>
      tpu.enqueue_indirect_dma source(%dma_start3A_308 : memref<10000x128xf32, #tpu.memory_space<hbm>>) target(%arg9 : memref<50x128xf32, #tpu.memory_space<vmem>>) offsets(%dma_start3A_305 : memref<50xi32, #tpu.memory_space<vmem>>) semaphore(%arg13 : memref<!tpu.dma_semaphore, #tpu.memory_space<semaphore_mem>>)
      %dma_wait3A_309 = arith.constant 0 : i32
      %dma_wait3A_310 = arith.constant 0 : i32
      %dma_wait3A_311 = tpu.memref_slice %arg6[%dma_wait3A_309, %dma_wait3A_310] : memref<100x50xi32, #tpu.memory_space<vmem>> -> memref<1x50xi32, #tpu.memory_space<vmem>>
      %dma_wait3A_312 = tpu.memref_squeeze %dma_wait3A_311 : memref<1x50xi32, #tpu.memory_space<vmem>> -> memref<50xi32, #tpu.memory_space<vmem>>
      %dma_wait3A_313 = arith.constant 0 : i32
      %dma_wait3A_314 = arith.constant 0 : i32
      %dma_wait3A_315 = tpu.memref_slice %arg2[%dma_wait3A_313, %dma_wait3A_314] : memref<10000x128xf32, #tpu.memory_space<hbm>> -> memref<10000x128xf32, #tpu.memory_space<hbm>>
      tpu.wait_indirect_dma semaphore(%arg14 : memref<!tpu.dma_semaphore, #tpu.memory_space<semaphore_mem>>) src(%dma_wait3A_315 : memref<10000x128xf32, #tpu.memory_space<hbm>>) dst(%arg10 : memref<50x128xf32, #tpu.memory_space<vmem>>)
      %add3A_316 = arith.constant 2 : i32
      %add3A_317 = arith.addi %mul3A_276, %add3A_316 : i32
      "tpu.region"() ({
        %run_scoped3A_326 = tpu.sem_alloc : memref<!tpu.dma_semaphore, #tpu.memory_space<semaphore_mem>>
        %dma_start3A_327 = arith.constant 0 : i32
        %dma_start3A_328 = tpu.memref_slice %arg7[%add3A_317, %dma_start3A_327] : memref<100x50xi32, #tpu.memory_space<vmem>> -> memref<1x50xi32, #tpu.memory_space<vmem>>
        %dma_start3A_329 = tpu.memref_squeeze %dma_start3A_328 : memref<1x50xi32, #tpu.memory_space<vmem>> -> memref<50xi32, #tpu.memory_space<vmem>>
        %dma_start3A_330 = arith.constant 0 : i32
        %dma_start3A_331 = arith.constant 0 : i32
        %dma_start3A_332 = tpu.memref_slice %arg11[%dma_start3A_330, %dma_start3A_331] : memref<10240x128xf32, #tpu.memory_space<vmem_shared>> -> memref<10240x128xf32, #tpu.memory_space<vmem_shared>>
        tpu.enqueue_indirect_dma source(%arg10 : memref<50x128xf32, #tpu.memory_space<vmem>>) target(%dma_start3A_332 : memref<10240x128xf32, #tpu.memory_space<vmem_shared>>) offsets(%dma_start3A_329 : memref<50xi32, #tpu.memory_space<vmem>>) semaphore(%run_scoped3A_326 : memref<!tpu.dma_semaphore, #tpu.memory_space<semaphore_mem>>) {add = true}
        %dma_wait3A_333 = arith.constant 0 : i32
        %dma_wait3A_334 = tpu.memref_slice %arg7[%add3A_317, %dma_wait3A_333] : memref<100x50xi32, #tpu.memory_space<vmem>> -> memref<1x50xi32, #tpu.memory_space<vmem>>
        %dma_wait3A_335 = tpu.memref_squeeze %dma_wait3A_334 : memref<1x50xi32, #tpu.memory_space<vmem>> -> memref<50xi32, #tpu.memory_space<vmem>>
        %dma_wait3A_336 = arith.constant 0 : i32
        %dma_wait3A_337 = arith.constant 0 : i32
        %dma_wait3A_338 = tpu.memref_slice %arg11[%dma_wait3A_336, %dma_wait3A_337] : memref<10240x128xf32, #tpu.memory_space<vmem_shared>> -> memref<10240x128xf32, #tpu.memory_space<vmem_shared>>
        tpu.wait_indirect_dma semaphore(%run_scoped3A_326 : memref<!tpu.dma_semaphore, #tpu.memory_space<semaphore_mem>>) src(%arg10 : memref<50x128xf32, #tpu.memory_space<vmem>>) dst(%dma_wait3A_338 : memref<10240x128xf32, #tpu.memory_space<vmem_shared>>)
        tpu.yield
      }) : () -> ()
      %add3A_318 = arith.constant 5 : i32
      %add3A_319 = arith.addi %mul3A_276, %add3A_318 : i32
      %dma_start3A_320 = arith.constant 0 : i32
      %dma_start3A_321 = tpu.memref_slice %arg6[%add3A_319, %dma_start3A_320] : memref<100x50xi32, #tpu.memory_space<vmem>> -> memref<1x50xi32, #tpu.memory_space<vmem>>
      %dma_start3A_322 = tpu.memref_squeeze %dma_start3A_321 : memref<1x50xi32, #tpu.memory_space<vmem>> -> memref<50xi32, #tpu.memory_space<vmem>>
      %dma_start3A_323 = arith.constant 0 : i32
      %dma_start3A_324 = arith.constant 0 : i32
      %dma_start3A_325 = tpu.memref_slice %arg2[%dma_start3A_323, %dma_start3A_324] : memref<10000x128xf32, #tpu.memory_space<hbm>> -> memref<10000x128xf32, #tpu.memory_space<hbm>>
      tpu.enqueue_indirect_dma source(%dma_start3A_325 : memref<10000x128xf32, #tpu.memory_space<hbm>>) target(%arg10 : memref<50x128xf32, #tpu.memory_space<vmem>>) offsets(%dma_start3A_322 : memref<50xi32, #tpu.memory_space<vmem>>) semaphore(%arg14 : memref<!tpu.dma_semaphore, #tpu.memory_space<semaphore_mem>>)
    }
    %scan3A_143 = arith.constant 32 : i32
    %dma_wait3A_144 = arith.constant 0 : i32
    %dma_wait3A_145 = arith.constant 0 : i32
    %dma_wait3A_146 = tpu.memref_slice %arg6[%dma_wait3A_144, %dma_wait3A_145] : memref<100x50xi32, #tpu.memory_space<vmem>> -> memref<1x50xi32, #tpu.memory_space<vmem>>
    %dma_wait3A_147 = tpu.memref_squeeze %dma_wait3A_146 : memref<1x50xi32, #tpu.memory_space<vmem>> -> memref<50xi32, #tpu.memory_space<vmem>>
    %dma_wait3A_148 = arith.constant 0 : i32
    %dma_wait3A_149 = arith.constant 0 : i32
    %dma_wait3A_150 = tpu.memref_slice %arg2[%dma_wait3A_148, %dma_wait3A_149] : memref<10000x128xf32, #tpu.memory_space<hbm>> -> memref<10000x128xf32, #tpu.memory_space<hbm>>
    tpu.wait_indirect_dma semaphore(%arg12 : memref<!tpu.dma_semaphore, #tpu.memory_space<semaphore_mem>>) src(%dma_wait3A_150 : memref<10000x128xf32, #tpu.memory_space<hbm>>) dst(%arg8 : memref<50x128xf32, #tpu.memory_space<vmem>>)
    %run_scoped3A_151 = arith.constant 96 : i32
    "tpu.region"() ({
      %run_scoped3A_274 = tpu.sem_alloc : memref<!tpu.dma_semaphore, #tpu.memory_space<semaphore_mem>>
      %dma_start3A_275 = arith.constant 0 : i32
      %dma_start3A_276 = tpu.memref_slice %arg7[%run_scoped3A_151, %dma_start3A_275] : memref<100x50xi32, #tpu.memory_space<vmem>> -> memref<1x50xi32, #tpu.memory_space<vmem>>
      %dma_start3A_277 = tpu.memref_squeeze %dma_start3A_276 : memref<1x50xi32, #tpu.memory_space<vmem>> -> memref<50xi32, #tpu.memory_space<vmem>>
      %dma_start3A_278 = arith.constant 0 : i32
      %dma_start3A_279 = arith.constant 0 : i32
      %dma_start3A_280 = tpu.memref_slice %arg11[%dma_start3A_278, %dma_start3A_279] : memref<10240x128xf32, #tpu.memory_space<vmem_shared>> -> memref<10240x128xf32, #tpu.memory_space<vmem_shared>>
      tpu.enqueue_indirect_dma source(%arg8 : memref<50x128xf32, #tpu.memory_space<vmem>>) target(%dma_start3A_280 : memref<10240x128xf32, #tpu.memory_space<vmem_shared>>) offsets(%dma_start3A_277 : memref<50xi32, #tpu.memory_space<vmem>>) semaphore(%run_scoped3A_274 : memref<!tpu.dma_semaphore, #tpu.memory_space<semaphore_mem>>) {add = true}
      %dma_wait3A_281 = arith.constant 0 : i32
      %dma_wait3A_282 = tpu.memref_slice %arg7[%run_scoped3A_151, %dma_wait3A_281] : memref<100x50xi32, #tpu.memory_space<vmem>> -> memref<1x50xi32, #tpu.memory_space<vmem>>
      %dma_wait3A_283 = tpu.memref_squeeze %dma_wait3A_282 : memref<1x50xi32, #tpu.memory_space<vmem>> -> memref<50xi32, #tpu.memory_space<vmem>>
      %dma_wait3A_284 = arith.constant 0 : i32
      %dma_wait3A_285 = arith.constant 0 : i32
      %dma_wait3A_286 = tpu.memref_slice %arg11[%dma_wait3A_284, %dma_wait3A_285] : memref<10240x128xf32, #tpu.memory_space<vmem_shared>> -> memref<10240x128xf32, #tpu.memory_space<vmem_shared>>
      tpu.wait_indirect_dma semaphore(%run_scoped3A_274 : memref<!tpu.dma_semaphore, #tpu.memory_space<semaphore_mem>>) src(%arg8 : memref<50x128xf32, #tpu.memory_space<vmem>>) dst(%dma_wait3A_286 : memref<10240x128xf32, #tpu.memory_space<vmem_shared>>)
      tpu.yield
    }) : () -> ()
    %dma_start3A_152 = arith.constant 99 : i32
    %dma_start3A_153 = arith.constant 0 : i32
    %dma_start3A_154 = tpu.memref_slice %arg6[%dma_start3A_152, %dma_start3A_153] : memref<100x50xi32, #tpu.memory_space<vmem>> -> memref<1x50xi32, #tpu.memory_space<vmem>>
    %dma_start3A_155 = tpu.memref_squeeze %dma_start3A_154 : memref<1x50xi32, #tpu.memory_space<vmem>> -> memref<50xi32, #tpu.memory_space<vmem>>
    %dma_start3A_156 = arith.constant 0 : i32
    %dma_start3A_157 = arith.constant 0 : i32
    %dma_start3A_158 = tpu.memref_slice %arg2[%dma_start3A_156, %dma_start3A_157] : memref<10000x128xf32, #tpu.memory_space<hbm>> -> memref<10000x128xf32, #tpu.memory_space<hbm>>
    tpu.enqueue_indirect_dma source(%dma_start3A_158 : memref<10000x128xf32, #tpu.memory_space<hbm>>) target(%arg8 : memref<50x128xf32, #tpu.memory_space<vmem>>) offsets(%dma_start3A_155 : memref<50xi32, #tpu.memory_space<vmem>>) semaphore(%arg12 : memref<!tpu.dma_semaphore, #tpu.memory_space<semaphore_mem>>)
    %dma_wait3A_159 = arith.constant 0 : i32
    %dma_wait3A_160 = arith.constant 0 : i32
    %dma_wait3A_161 = tpu.memref_slice %arg6[%dma_wait3A_159, %dma_wait3A_160] : memref<100x50xi32, #tpu.memory_space<vmem>> -> memref<1x50xi32, #tpu.memory_space<vmem>>
    %dma_wait3A_162 = tpu.memref_squeeze %dma_wait3A_161 : memref<1x50xi32, #tpu.memory_space<vmem>> -> memref<50xi32, #tpu.memory_space<vmem>>
    %dma_wait3A_163 = arith.constant 0 : i32
    %dma_wait3A_164 = arith.constant 0 : i32
    %dma_wait3A_165 = tpu.memref_slice %arg2[%dma_wait3A_163, %dma_wait3A_164] : memref<10000x128xf32, #tpu.memory_space<hbm>> -> memref<10000x128xf32, #tpu.memory_space<hbm>>
    tpu.wait_indirect_dma semaphore(%arg13 : memref<!tpu.dma_semaphore, #tpu.memory_space<semaphore_mem>>) src(%dma_wait3A_165 : memref<10000x128xf32, #tpu.memory_space<hbm>>) dst(%arg9 : memref<50x128xf32, #tpu.memory_space<vmem>>)
    %run_scoped3A_166 = arith.constant 97 : i32
    "tpu.region"() ({
      %run_scoped3A_274 = tpu.sem_alloc : memref<!tpu.dma_semaphore, #tpu.memory_space<semaphore_mem>>
      %dma_start3A_275 = arith.constant 0 : i32
      %dma_start3A_276 = tpu.memref_slice %arg7[%run_scoped3A_166, %dma_start3A_275] : memref<100x50xi32, #tpu.memory_space<vmem>> -> memref<1x50xi32, #tpu.memory_space<vmem>>
      %dma_start3A_277 = tpu.memref_squeeze %dma_start3A_276 : memref<1x50xi32, #tpu.memory_space<vmem>> -> memref<50xi32, #tpu.memory_space<vmem>>
      %dma_start3A_278 = arith.constant 0 : i32
      %dma_start3A_279 = arith.constant 0 : i32
      %dma_start3A_280 = tpu.memref_slice %arg11[%dma_start3A_278, %dma_start3A_279] : memref<10240x128xf32, #tpu.memory_space<vmem_shared>> -> memref<10240x128xf32, #tpu.memory_space<vmem_shared>>
      tpu.enqueue_indirect_dma source(%arg9 : memref<50x128xf32, #tpu.memory_space<vmem>>) target(%dma_start3A_280 : memref<10240x128xf32, #tpu.memory_space<vmem_shared>>) offsets(%dma_start3A_277 : memref<50xi32, #tpu.memory_space<vmem>>) semaphore(%run_scoped3A_274 : memref<!tpu.dma_semaphore, #tpu.memory_space<semaphore_mem>>) {add = true}
      %dma_wait3A_281 = arith.constant 0 : i32
      %dma_wait3A_282 = tpu.memref_slice %arg7[%run_scoped3A_166, %dma_wait3A_281] : memref<100x50xi32, #tpu.memory_space<vmem>> -> memref<1x50xi32, #tpu.memory_space<vmem>>
      %dma_wait3A_283 = tpu.memref_squeeze %dma_wait3A_282 : memref<1x50xi32, #tpu.memory_space<vmem>> -> memref<50xi32, #tpu.memory_space<vmem>>
      %dma_wait3A_284 = arith.constant 0 : i32
      %dma_wait3A_285 = arith.constant 0 : i32
      %dma_wait3A_286 = tpu.memref_slice %arg11[%dma_wait3A_284, %dma_wait3A_285] : memref<10240x128xf32, #tpu.memory_space<vmem_shared>> -> memref<10240x128xf32, #tpu.memory_space<vmem_shared>>
      tpu.wait_indirect_dma semaphore(%run_scoped3A_274 : memref<!tpu.dma_semaphore, #tpu.memory_space<semaphore_mem>>) src(%arg9 : memref<50x128xf32, #tpu.memory_space<vmem>>) dst(%dma_wait3A_286 : memref<10240x128xf32, #tpu.memory_space<vmem_shared>>)
      tpu.yield
    }) : () -> ()
    %dma_wait3A_167 = arith.constant 0 : i32
    %dma_wait3A_168 = arith.constant 0 : i32
    %dma_wait3A_169 = tpu.memref_slice %arg6[%dma_wait3A_167, %dma_wait3A_168] : memref<100x50xi32, #tpu.memory_space<vmem>> -> memref<1x50xi32, #tpu.memory_space<vmem>>
    %dma_wait3A_170 = tpu.memref_squeeze %dma_wait3A_169 : memref<1x50xi32, #tpu.memory_space<vmem>> -> memref<50xi32, #tpu.memory_space<vmem>>
    %dma_wait3A_171 = arith.constant 0 : i32
    %dma_wait3A_172 = arith.constant 0 : i32
    %dma_wait3A_173 = tpu.memref_slice %arg2[%dma_wait3A_171, %dma_wait3A_172] : memref<10000x128xf32, #tpu.memory_space<hbm>> -> memref<10000x128xf32, #tpu.memory_space<hbm>>
    tpu.wait_indirect_dma semaphore(%arg14 : memref<!tpu.dma_semaphore, #tpu.memory_space<semaphore_mem>>) src(%dma_wait3A_173 : memref<10000x128xf32, #tpu.memory_space<hbm>>) dst(%arg10 : memref<50x128xf32, #tpu.memory_space<vmem>>)
    %run_scoped3A_174 = arith.constant 98 : i32
    "tpu.region"() ({
      %run_scoped3A_274 = tpu.sem_alloc : memref<!tpu.dma_semaphore, #tpu.memory_space<semaphore_mem>>
      %dma_start3A_275 = arith.constant 0 : i32
      %dma_start3A_276 = tpu.memref_slice %arg7[%run_scoped3A_174, %dma_start3A_275] : memref<100x50xi32, #tpu.memory_space<vmem>> -> memref<1x50xi32, #tpu.memory_space<vmem>>
      %dma_start3A_277 = tpu.memref_squeeze %dma_start3A_276 : memref<1x50xi32, #tpu.memory_space<vmem>> -> memref<50xi32, #tpu.memory_space<vmem>>
      %dma_start3A_278 = arith.constant 0 : i32
      %dma_start3A_279 = arith.constant 0 : i32
      %dma_start3A_280 = tpu.memref_slice %arg11[%dma_start3A_278, %dma_start3A_279] : memref<10240x128xf32, #tpu.memory_space<vmem_shared>> -> memref<10240x128xf32, #tpu.memory_space<vmem_shared>>
      tpu.enqueue_indirect_dma source(%arg10 : memref<50x128xf32, #tpu.memory_space<vmem>>) target(%dma_start3A_280 : memref<10240x128xf32, #tpu.memory_space<vmem_shared>>) offsets(%dma_start3A_277 : memref<50xi32, #tpu.memory_space<vmem>>) semaphore(%run_scoped3A_274 : memref<!tpu.dma_semaphore, #tpu.memory_space<semaphore_mem>>) {add = true}
      %dma_wait3A_281 = arith.constant 0 : i32
      %dma_wait3A_282 = tpu.memref_slice %arg7[%run_scoped3A_174, %dma_wait3A_281] : memref<100x50xi32, #tpu.memory_space<vmem>> -> memref<1x50xi32, #tpu.memory_space<vmem>>
      %dma_wait3A_283 = tpu.memref_squeeze %dma_wait3A_282 : memref<1x50xi32, #tpu.memory_space<vmem>> -> memref<50xi32, #tpu.memory_space<vmem>>
      %dma_wait3A_284 = arith.constant 0 : i32
      %dma_wait3A_285 = arith.constant 0 : i32
      %dma_wait3A_286 = tpu.memref_slice %arg11[%dma_wait3A_284, %dma_wait3A_285] : memref<10240x128xf32, #tpu.memory_space<vmem_shared>> -> memref<10240x128xf32, #tpu.memory_space<vmem_shared>>
      tpu.wait_indirect_dma semaphore(%run_scoped3A_274 : memref<!tpu.dma_semaphore, #tpu.memory_space<semaphore_mem>>) src(%arg10 : memref<50x128xf32, #tpu.memory_space<vmem>>) dst(%dma_wait3A_286 : memref<10240x128xf32, #tpu.memory_space<vmem_shared>>)
      tpu.yield
    }) : () -> ()
    %dma_wait3A_175 = arith.constant 0 : i32
    %dma_wait3A_176 = arith.constant 0 : i32
    %dma_wait3A_177 = tpu.memref_slice %arg6[%dma_wait3A_175, %dma_wait3A_176] : memref<100x50xi32, #tpu.memory_space<vmem>> -> memref<1x50xi32, #tpu.memory_space<vmem>>
    %dma_wait3A_178 = tpu.memref_squeeze %dma_wait3A_177 : memref<1x50xi32, #tpu.memory_space<vmem>> -> memref<50xi32, #tpu.memory_space<vmem>>
    %dma_wait3A_179 = arith.constant 0 : i32
    %dma_wait3A_180 = arith.constant 0 : i32
    %dma_wait3A_181 = tpu.memref_slice %arg2[%dma_wait3A_179, %dma_wait3A_180] : memref<10000x128xf32, #tpu.memory_space<hbm>> -> memref<10000x128xf32, #tpu.memory_space<hbm>>
    tpu.wait_indirect_dma semaphore(%arg12 : memref<!tpu.dma_semaphore, #tpu.memory_space<semaphore_mem>>) src(%dma_wait3A_181 : memref<10000x128xf32, #tpu.memory_space<hbm>>) dst(%arg8 : memref<50x128xf32, #tpu.memory_space<vmem>>)
    %run_scoped3A_182 = arith.constant 99 : i32
    "tpu.region"() ({
      %run_scoped3A_274 = tpu.sem_alloc : memref<!tpu.dma_semaphore, #tpu.memory_space<semaphore_mem>>
      %dma_start3A_275 = arith.constant 0 : i32
      %dma_start3A_276 = tpu.memref_slice %arg7[%run_scoped3A_182, %dma_start3A_275] : memref<100x50xi32, #tpu.memory_space<vmem>> -> memref<1x50xi32, #tpu.memory_space<vmem>>
      %dma_start3A_277 = tpu.memref_squeeze %dma_start3A_276 : memref<1x50xi32, #tpu.memory_space<vmem>> -> memref<50xi32, #tpu.memory_space<vmem>>
      %dma_start3A_278 = arith.constant 0 : i32
      %dma_start3A_279 = arith.constant 0 : i32
      %dma_start3A_280 = tpu.memref_slice %arg11[%dma_start3A_278, %dma_start3A_279] : memref<10240x128xf32, #tpu.memory_space<vmem_shared>> -> memref<10240x128xf32, #tpu.memory_space<vmem_shared>>
      tpu.enqueue_indirect_dma source(%arg8 : memref<50x128xf32, #tpu.memory_space<vmem>>) target(%dma_start3A_280 : memref<10240x128xf32, #tpu.memory_space<vmem_shared>>) offsets(%dma_start3A_277 : memref<50xi32, #tpu.memory_space<vmem>>) semaphore(%run_scoped3A_274 : memref<!tpu.dma_semaphore, #tpu.memory_space<semaphore_mem>>) {add = true}
      %dma_wait3A_281 = arith.constant 0 : i32
      %dma_wait3A_282 = tpu.memref_slice %arg7[%run_scoped3A_182, %dma_wait3A_281] : memref<100x50xi32, #tpu.memory_space<vmem>> -> memref<1x50xi32, #tpu.memory_space<vmem>>
      %dma_wait3A_283 = tpu.memref_squeeze %dma_wait3A_282 : memref<1x50xi32, #tpu.memory_space<vmem>> -> memref<50xi32, #tpu.memory_space<vmem>>
      %dma_wait3A_284 = arith.constant 0 : i32
      %dma_wait3A_285 = arith.constant 0 : i32
      %dma_wait3A_286 = tpu.memref_slice %arg11[%dma_wait3A_284, %dma_wait3A_285] : memref<10240x128xf32, #tpu.memory_space<vmem_shared>> -> memref<10240x128xf32, #tpu.memory_space<vmem_shared>>
      tpu.wait_indirect_dma semaphore(%run_scoped3A_274 : memref<!tpu.dma_semaphore, #tpu.memory_space<semaphore_mem>>) src(%arg8 : memref<50x128xf32, #tpu.memory_space<vmem>>) dst(%dma_wait3A_286 : memref<10240x128xf32, #tpu.memory_space<vmem_shared>>)
      tpu.yield
    }) : () -> ()
    %barrier3A_183 = arith.constant 0 : index
    tpu.barrier barrier_id(%barrier3A_183)
    %mul3A_184 = arith.constant 640 : i32
    %mul3A_185 = arith.muli %arg1, %mul3A_184 : i32
    %add3A_186 = arith.constant 0 : i32
    %add3A_187 = arith.addi %mul3A_185, %add3A_186 : i32
    %dma_start3A_188 = arith.constant 0 : i32
    %dma_start3A_189 = tpu.memref_slice %arg5[%arg0, %add3A_187, %dma_start3A_188] : memref<2x10240x128xf32, #tpu.memory_space<hbm>> -> memref<1x128x128xf32, #tpu.memory_space<hbm>>
    %dma_start3A_190 = tpu.memref_squeeze %dma_start3A_189 : memref<1x128x128xf32, #tpu.memory_space<hbm>> -> memref<128x128xf32, #tpu.memory_space<hbm>>
    %dma_start3A_191 = arith.constant 0 : i32
    %dma_start3A_192 = tpu.memref_slice %arg11[%add3A_187, %dma_start3A_191] : memref<10240x128xf32, #tpu.memory_space<vmem_shared>> -> memref<128x128xf32, #tpu.memory_space<vmem_shared>>
    tpu.enqueue_dma source(%dma_start3A_192 : memref<128x128xf32, #tpu.memory_space<vmem_shared>>) target(%dma_start3A_190 : memref<128x128xf32, #tpu.memory_space<hbm>>) target_semaphore(%arg15 : memref<!tpu.dma_semaphore, #tpu.memory_space<semaphore_mem>>)
    %mul3A_193 = arith.constant 640 : i32
    %mul3A_194 = arith.muli %arg1, %mul3A_193 : i32
    %add3A_195 = arith.constant 128 : i32
    %add3A_196 = arith.addi %mul3A_194, %add3A_195 : i32
    %dma_start3A_197 = arith.constant 0 : i32
    %dma_start3A_198 = tpu.memref_slice %arg5[%arg0, %add3A_196, %dma_start3A_197] : memref<2x10240x128xf32, #tpu.memory_space<hbm>> -> memref<1x128x128xf32, #tpu.memory_space<hbm>>
    %dma_start3A_199 = tpu.memref_squeeze %dma_start3A_198 : memref<1x128x128xf32, #tpu.memory_space<hbm>> -> memref<128x128xf32, #tpu.memory_space<hbm>>
    %dma_start3A_200 = arith.constant 0 : i32
    %dma_start3A_201 = tpu.memref_slice %arg11[%add3A_196, %dma_start3A_200] : memref<10240x128xf32, #tpu.memory_space<vmem_shared>> -> memref<128x128xf32, #tpu.memory_space<vmem_shared>>
    tpu.enqueue_dma source(%dma_start3A_201 : memref<128x128xf32, #tpu.memory_space<vmem_shared>>) target(%dma_start3A_199 : memref<128x128xf32, #tpu.memory_space<hbm>>) target_semaphore(%arg15 : memref<!tpu.dma_semaphore, #tpu.memory_space<semaphore_mem>>)
    %mul3A_202 = arith.constant 640 : i32
    %mul3A_203 = arith.muli %arg1, %mul3A_202 : i32
    %add3A_204 = arith.constant 256 : i32
    %add3A_205 = arith.addi %mul3A_203, %add3A_204 : i32
    %dma_start3A_206 = arith.constant 0 : i32
    %dma_start3A_207 = tpu.memref_slice %arg5[%arg0, %add3A_205, %dma_start3A_206] : memref<2x10240x128xf32, #tpu.memory_space<hbm>> -> memref<1x128x128xf32, #tpu.memory_space<hbm>>
    %dma_start3A_208 = tpu.memref_squeeze %dma_start3A_207 : memref<1x128x128xf32, #tpu.memory_space<hbm>> -> memref<128x128xf32, #tpu.memory_space<hbm>>
    %dma_start3A_209 = arith.constant 0 : i32
    %dma_start3A_210 = tpu.memref_slice %arg11[%add3A_205, %dma_start3A_209] : memref<10240x128xf32, #tpu.memory_space<vmem_shared>> -> memref<128x128xf32, #tpu.memory_space<vmem_shared>>
    tpu.enqueue_dma source(%dma_start3A_210 : memref<128x128xf32, #tpu.memory_space<vmem_shared>>) target(%dma_start3A_208 : memref<128x128xf32, #tpu.memory_space<hbm>>) target_semaphore(%arg15 : memref<!tpu.dma_semaphore, #tpu.memory_space<semaphore_mem>>)
    %mul3A_211 = arith.constant 640 : i32
    %mul3A_212 = arith.muli %arg1, %mul3A_211 : i32
    %add3A_213 = arith.constant 384 : i32
    %add3A_214 = arith.addi %mul3A_212, %add3A_213 : i32
    %dma_start3A_215 = arith.constant 0 : i32
    %dma_start3A_216 = tpu.memref_slice %arg5[%arg0, %add3A_214, %dma_start3A_215] : memref<2x10240x128xf32, #tpu.memory_space<hbm>> -> memref<1x128x128xf32, #tpu.memory_space<hbm>>
    %dma_start3A_217 = tpu.memref_squeeze %dma_start3A_216 : memref<1x128x128xf32, #tpu.memory_space<hbm>> -> memref<128x128xf32, #tpu.memory_space<hbm>>
    %dma_start3A_218 = arith.constant 0 : i32
    %dma_start3A_219 = tpu.memref_slice %arg11[%add3A_214, %dma_start3A_218] : memref<10240x128xf32, #tpu.memory_space<vmem_shared>> -> memref<128x128xf32, #tpu.memory_space<vmem_shared>>
    tpu.enqueue_dma source(%dma_start3A_219 : memref<128x128xf32, #tpu.memory_space<vmem_shared>>) target(%dma_start3A_217 : memref<128x128xf32, #tpu.memory_space<hbm>>) target_semaphore(%arg15 : memref<!tpu.dma_semaphore, #tpu.memory_space<semaphore_mem>>)
    %mul3A_220 = arith.constant 640 : i32
    %mul3A_221 = arith.muli %arg1, %mul3A_220 : i32
    %add3A_222 = arith.constant 512 : i32
    %add3A_223 = arith.addi %mul3A_221, %add3A_222 : i32
    %dma_start3A_224 = arith.constant 0 : i32
    %dma_start3A_225 = tpu.memref_slice %arg5[%arg0, %add3A_223, %dma_start3A_224] : memref<2x10240x128xf32, #tpu.memory_space<hbm>> -> memref<1x128x128xf32, #tpu.memory_space<hbm>>
    %dma_start3A_226 = tpu.memref_squeeze %dma_start3A_225 : memref<1x128x128xf32, #tpu.memory_space<hbm>> -> memref<128x128xf32, #tpu.memory_space<hbm>>
    %dma_start3A_227 = arith.constant 0 : i32
    %dma_start3A_228 = tpu.memref_slice %arg11[%add3A_223, %dma_start3A_227] : memref<10240x128xf32, #tpu.memory_space<vmem_shared>> -> memref<128x128xf32, #tpu.memory_space<vmem_shared>>
    tpu.enqueue_dma source(%dma_start3A_228 : memref<128x128xf32, #tpu.memory_space<vmem_shared>>) target(%dma_start3A_226 : memref<128x128xf32, #tpu.memory_space<hbm>>) target_semaphore(%arg15 : memref<!tpu.dma_semaphore, #tpu.memory_space<semaphore_mem>>)
    %mul3A_229 = arith.constant 640 : i32
    %mul3A_230 = arith.muli %arg1, %mul3A_229 : i32
    %add3A_231 = arith.constant 0 : i32
    %add3A_232 = arith.addi %mul3A_230, %add3A_231 : i32
    %dma_wait3A_233 = arith.constant 0 : i32
    %dma_wait3A_234 = tpu.memref_slice %arg5[%arg0, %add3A_232, %dma_wait3A_233] : memref<2x10240x128xf32, #tpu.memory_space<hbm>> -> memref<1x128x128xf32, #tpu.memory_space<hbm>>
    %dma_wait3A_235 = tpu.memref_squeeze %dma_wait3A_234 : memref<1x128x128xf32, #tpu.memory_space<hbm>> -> memref<128x128xf32, #tpu.memory_space<hbm>>
    %dma_wait3A_236 = arith.constant 0 : i32
    %dma_wait3A_237 = tpu.memref_slice %arg11[%add3A_232, %dma_wait3A_236] : memref<10240x128xf32, #tpu.memory_space<vmem_shared>> -> memref<128x128xf32, #tpu.memory_space<vmem_shared>>
    tpu.wait_dma2 semaphore(%arg15 : memref<!tpu.dma_semaphore, #tpu.memory_space<semaphore_mem>>) src(%dma_wait3A_237 : memref<128x128xf32, #tpu.memory_space<vmem_shared>>) dst(%dma_wait3A_235 : memref<128x128xf32, #tpu.memory_space<hbm>>)
    %mul3A_238 = arith.constant 640 : i32
    %mul3A_239 = arith.muli %arg1, %mul3A_238 : i32
    %add3A_240 = arith.constant 128 : i32
    %add3A_241 = arith.addi %mul3A_239, %add3A_240 : i32
    %dma_wait3A_242 = arith.constant 0 : i32
    %dma_wait3A_243 = tpu.memref_slice %arg5[%arg0, %add3A_241, %dma_wait3A_242] : memref<2x10240x128xf32, #tpu.memory_space<hbm>> -> memref<1x128x128xf32, #tpu.memory_space<hbm>>
    %dma_wait3A_244 = tpu.memref_squeeze %dma_wait3A_243 : memref<1x128x128xf32, #tpu.memory_space<hbm>> -> memref<128x128xf32, #tpu.memory_space<hbm>>
    %dma_wait3A_245 = arith.constant 0 : i32
    %dma_wait3A_246 = tpu.memref_slice %arg11[%add3A_241, %dma_wait3A_245] : memref<10240x128xf32, #tpu.memory_space<vmem_shared>> -> memref<128x128xf32, #tpu.memory_space<vmem_shared>>
    tpu.wait_dma2 semaphore(%arg15 : memref<!tpu.dma_semaphore, #tpu.memory_space<semaphore_mem>>) src(%dma_wait3A_246 : memref<128x128xf32, #tpu.memory_space<vmem_shared>>) dst(%dma_wait3A_244 : memref<128x128xf32, #tpu.memory_space<hbm>>)
    %mul3A_247 = arith.constant 640 : i32
    %mul3A_248 = arith.muli %arg1, %mul3A_247 : i32
    %add3A_249 = arith.constant 256 : i32
    %add3A_250 = arith.addi %mul3A_248, %add3A_249 : i32
    %dma_wait3A_251 = arith.constant 0 : i32
    %dma_wait3A_252 = tpu.memref_slice %arg5[%arg0, %add3A_250, %dma_wait3A_251] : memref<2x10240x128xf32, #tpu.memory_space<hbm>> -> memref<1x128x128xf32, #tpu.memory_space<hbm>>
    %dma_wait3A_253 = tpu.memref_squeeze %dma_wait3A_252 : memref<1x128x128xf32, #tpu.memory_space<hbm>> -> memref<128x128xf32, #tpu.memory_space<hbm>>
    %dma_wait3A_254 = arith.constant 0 : i32
    %dma_wait3A_255 = tpu.memref_slice %arg11[%add3A_250, %dma_wait3A_254] : memref<10240x128xf32, #tpu.memory_space<vmem_shared>> -> memref<128x128xf32, #tpu.memory_space<vmem_shared>>
    tpu.wait_dma2 semaphore(%arg15 : memref<!tpu.dma_semaphore, #tpu.memory_space<semaphore_mem>>) src(%dma_wait3A_255 : memref<128x128xf32, #tpu.memory_space<vmem_shared>>) dst(%dma_wait3A_253 : memref<128x128xf32, #tpu.memory_space<hbm>>)
    %mul3A_256 = arith.constant 640 : i32
    %mul3A_257 = arith.muli %arg1, %mul3A_256 : i32
    %add3A_258 = arith.constant 384 : i32
    %add3A_259 = arith.addi %mul3A_257, %add3A_258 : i32
    %dma_wait3A_260 = arith.constant 0 : i32
    %dma_wait3A_261 = tpu.memref_slice %arg5[%arg0, %add3A_259, %dma_wait3A_260] : memref<2x10240x128xf32, #tpu.memory_space<hbm>> -> memref<1x128x128xf32, #tpu.memory_space<hbm>>
    %dma_wait3A_262 = tpu.memref_squeeze %dma_wait3A_261 : memref<1x128x128xf32, #tpu.memory_space<hbm>> -> memref<128x128xf32, #tpu.memory_space<hbm>>
    %dma_wait3A_263 = arith.constant 0 : i32
    %dma_wait3A_264 = tpu.memref_slice %arg11[%add3A_259, %dma_wait3A_263] : memref<10240x128xf32, #tpu.memory_space<vmem_shared>> -> memref<128x128xf32, #tpu.memory_space<vmem_shared>>
    tpu.wait_dma2 semaphore(%arg15 : memref<!tpu.dma_semaphore, #tpu.memory_space<semaphore_mem>>) src(%dma_wait3A_264 : memref<128x128xf32, #tpu.memory_space<vmem_shared>>) dst(%dma_wait3A_262 : memref<128x128xf32, #tpu.memory_space<hbm>>)
    %mul3A_265 = arith.constant 640 : i32
    %mul3A_266 = arith.muli %arg1, %mul3A_265 : i32
    %add3A_267 = arith.constant 512 : i32
    %add3A_268 = arith.addi %mul3A_266, %add3A_267 : i32
    %dma_wait3A_269 = arith.constant 0 : i32
    %dma_wait3A_270 = tpu.memref_slice %arg5[%arg0, %add3A_268, %dma_wait3A_269] : memref<2x10240x128xf32, #tpu.memory_space<hbm>> -> memref<1x128x128xf32, #tpu.memory_space<hbm>>
    %dma_wait3A_271 = tpu.memref_squeeze %dma_wait3A_270 : memref<1x128x128xf32, #tpu.memory_space<hbm>> -> memref<128x128xf32, #tpu.memory_space<hbm>>
    %dma_wait3A_272 = arith.constant 0 : i32
    %dma_wait3A_273 = tpu.memref_slice %arg11[%add3A_268, %dma_wait3A_272] : memref<10240x128xf32, #tpu.memory_space<vmem_shared>> -> memref<128x128xf32, #tpu.memory_space<vmem_shared>>
    tpu.wait_dma2 semaphore(%arg15 : memref<!tpu.dma_semaphore, #tpu.memory_space<semaphore_mem>>) src(%dma_wait3A_273 : memref<128x128xf32, #tpu.memory_space<vmem_shared>>) dst(%dma_wait3A_271 : memref<128x128xf32, #tpu.memory_space<hbm>>)
    return
  }
}

module attributes {stable_mosaic.version = 14 : i64} {
  func.func @_tc1_body(%arg0: i32, %arg1: memref<2x2000x1xf32, #tpu.memory_space<vmem>>, %arg2: memref<2000x128xf32, #tpu.memory_space<vmem>>, %arg3: memref<128x128xf32, #tpu.memory_space<vmem>>, %arg4: memref<2000x128xf32, #tpu.memory_space<vmem>>) attributes {dimension_semantics = [#tpu.dimension_semantics<arbitrary>], iteration_bounds = array<i64: 5>, scalar_prefetch = 0 : i64, scratch_operands = 0 : i64, tpu.core_type = #tpu.core_type<tc>, window_params = [{transform_indices = @transform_0, window_bounds = array<i64: 2, 2000, 1>}, {transform_indices = @transform_1, window_bounds = array<i64: 2000, 128>}, {pipeline_mode = #tpu.pipeline_mode<synchronous>, transform_indices = @transform_2, window_bounds = array<i64: 128, 128>}, {transform_indices = @transform_3, window_bounds = array<i64: 2000, 128>}]} {
    %get3A = arith.constant 0 : index
    %get3A_0 = arith.constant 0 : index
    %get3A_1 = arith.constant 0 : index
    %get3A_2 = vector.load %arg1[%get3A, %get3A_0, %get3A_1] : memref<2x2000x1xf32, #tpu.memory_space<vmem>>, vector<1x2000x1xf32>
    %get3A_3 = vector.shape_cast %get3A_2 : vector<1x2000x1xf32> to vector<2000x1xf32>
    %get3A_4 = arith.constant 1 : index
    %get3A_5 = arith.constant 0 : index
    %get3A_6 = arith.constant 0 : index
    %get3A_7 = vector.load %arg1[%get3A_4, %get3A_5, %get3A_6] : memref<2x2000x1xf32, #tpu.memory_space<vmem>>, vector<1x2000x1xf32>
    %get3A_8 = vector.shape_cast %get3A_7 : vector<1x2000x1xf32> to vector<2000x1xf32>
    %add3A = arith.addf %get3A_3, %get3A_8 : vector<2000x1xf32>
    %add3A_9 = arith.constant 1.000000e+00 : f32
    %add3A_10 = vector.broadcast %add3A_9 : f32 to vector<2000x1xf32>
    %add3A_11 = arith.addf %add3A, %add3A_10 : vector<2000x1xf32>
    %rsqrt3A = math.rsqrt %add3A_11 : vector<2000x1xf32>
    %get3A_12 = arith.constant 0 : index
    %get3A_13 = arith.constant 0 : index
    %get3A_14 = vector.load %arg2[%get3A_12, %get3A_13] : memref<2000x128xf32, #tpu.memory_space<vmem>>, vector<2000x128xf32>
    %get3A_15 = arith.constant 0 : index
    %get3A_16 = arith.constant 0 : index
    %get3A_17 = vector.load %arg3[%get3A_15, %get3A_16] : memref<128x128xf32, #tpu.memory_space<vmem>>, vector<128x128xf32>
    %dot_general3A = arith.constant dense<0.000000e+00> : vector<2000x128xf32>
    %dot_general3A_18 = tpu.matmul %get3A_14, %get3A_17, %dot_general3A {dimension_numbers = #tpu.dot_dimension_numbers<[1], [0], [0], [1], [0, 0, 1, 1], [], []>, transpose_lhs_hint = false} : vector<2000x128xf32>, vector<128x128xf32>, vector<2000x128xf32> -> vector<2000x128xf32>
    %mul3A = vector.broadcast %rsqrt3A : vector<2000x1xf32> to vector<2000x128xf32>
    %mul3A_19 = arith.mulf %mul3A, %dot_general3A_18 : vector<2000x128xf32>
    %swap3A = arith.constant 0 : index
    %swap3A_20 = arith.constant 0 : index
    %swap3A_21 = vector.load %arg4[%swap3A, %swap3A_20] : memref<2000x128xf32, #tpu.memory_space<vmem>>, vector<2000x128xf32>
    tpu.vector_store %arg4[%swap3A, %swap3A_20], %mul3A_19 {strides = array<i32>} : memref<2000x128xf32, #tpu.memory_space<vmem>>, vector<2000x128xf32>,
    return
  }
  func.func @transform_0(%arg0: i32) -> (i32, i32, i32) {
    %c0_i32 = arith.constant 0 : i32
    %c0_i32_0 = arith.constant 0 : i32
    %c0_i32_1 = arith.constant 0 : i32
    return %c0_i32, %arg0, %c0_i32_0 : i32, i32, i32
  }
  func.func @transform_1(%arg0: i32) -> (i32, i32) {
    %c0_i32 = arith.constant 0 : i32
    %c0_i32_0 = arith.constant 0 : i32
    return %arg0, %c0_i32 : i32, i32
  }
  func.func @transform_2(%arg0: i32) -> (i32, i32) {
    %c0_i32 = arith.constant 0 : i32
    %c0_i32_0 = arith.constant 0 : i32
    %c0_i32_1 = arith.constant 0 : i32
    return %c0_i32, %c0_i32_0 : i32, i32
  }
  func.func @transform_3(%arg0: i32) -> (i32, i32) {
    %c0_i32 = arith.constant 0 : i32
    %c0_i32_0 = arith.constant 0 : i32
    return %arg0, %c0_i32 : i32, i32
  }
}

module attributes {stable_mosaic.version = 14 : i64} {
  func.func @_tc2_body(%arg0: i32, %arg1: memref<2x2000x1xf32, #tpu.memory_space<vmem>>, %arg2: memref<2x2000x128xf32, #tpu.memory_space<vmem>>, %arg3: memref<2000x128xf32, #tpu.memory_space<vmem>>, %arg4: memref<1x128xf32, #tpu.memory_space<vmem>>, %arg5: memref<128x128xf32, #tpu.memory_space<vmem>>, %arg6: memref<2000x128xf32, #tpu.memory_space<vmem>>) attributes {dimension_semantics = [#tpu.dimension_semantics<arbitrary>], iteration_bounds = array<i64: 5>, scalar_prefetch = 0 : i64, scratch_operands = 0 : i64, tpu.core_type = #tpu.core_type<tc>, window_params = [{transform_indices = @transform_0, window_bounds = array<i64: 2, 2000, 1>}, {transform_indices = @transform_1, window_bounds = array<i64: 2, 2000, 128>}, {transform_indices = @transform_2, window_bounds = array<i64: 2000, 128>}, {pipeline_mode = #tpu.pipeline_mode<synchronous>, transform_indices = @transform_3, window_bounds = array<i64: 1, 128>}, {pipeline_mode = #tpu.pipeline_mode<synchronous>, transform_indices = @transform_4, window_bounds = array<i64: 128, 128>}, {transform_indices = @transform_5, window_bounds = array<i64: 2000, 128>}]} {
    %get3A = arith.constant 0 : index
    %get3A_0 = arith.constant 0 : index
    %get3A_1 = arith.constant 0 : index
    %get3A_2 = vector.load %arg1[%get3A, %get3A_0, %get3A_1] : memref<2x2000x1xf32, #tpu.memory_space<vmem>>, vector<1x2000x1xf32>
    %get3A_3 = vector.shape_cast %get3A_2 : vector<1x2000x1xf32> to vector<2000x1xf32>
    %get3A_4 = arith.constant 1 : index
    %get3A_5 = arith.constant 0 : index
    %get3A_6 = arith.constant 0 : index
    %get3A_7 = vector.load %arg1[%get3A_4, %get3A_5, %get3A_6] : memref<2x2000x1xf32, #tpu.memory_space<vmem>>, vector<1x2000x1xf32>
    %get3A_8 = vector.shape_cast %get3A_7 : vector<1x2000x1xf32> to vector<2000x1xf32>
    %add3A = arith.addf %get3A_3, %get3A_8 : vector<2000x1xf32>
    %add3A_9 = arith.constant 1.000000e+00 : f32
    %add3A_10 = vector.broadcast %add3A_9 : f32 to vector<2000x1xf32>
    %add3A_11 = arith.addf %add3A, %add3A_10 : vector<2000x1xf32>
    %rsqrt3A = math.rsqrt %add3A_11 : vector<2000x1xf32>
    %get3A_12 = arith.constant 0 : index
    %get3A_13 = arith.constant 0 : index
    %get3A_14 = arith.constant 0 : index
    %get3A_15 = vector.load %arg2[%get3A_12, %get3A_13, %get3A_14] : memref<2x2000x128xf32, #tpu.memory_space<vmem>>, vector<1x2000x128xf32>
    %get3A_16 = vector.shape_cast %get3A_15 : vector<1x2000x128xf32> to vector<2000x128xf32>
    %get3A_17 = arith.constant 1 : index
    %get3A_18 = arith.constant 0 : index
    %get3A_19 = arith.constant 0 : index
    %get3A_20 = vector.load %arg2[%get3A_17, %get3A_18, %get3A_19] : memref<2x2000x128xf32, #tpu.memory_space<vmem>>, vector<1x2000x128xf32>
    %get3A_21 = vector.shape_cast %get3A_20 : vector<1x2000x128xf32> to vector<2000x128xf32>
    %add3A_22 = arith.addf %get3A_16, %get3A_21 : vector<2000x128xf32>
    %get3A_23 = arith.constant 0 : index
    %get3A_24 = arith.constant 0 : index
    %get3A_25 = vector.load %arg3[%get3A_23, %get3A_24] : memref<2000x128xf32, #tpu.memory_space<vmem>>, vector<2000x128xf32>
    %add3A_26 = arith.addf %add3A_22, %get3A_25 : vector<2000x128xf32>
    %mul3A = vector.broadcast %rsqrt3A : vector<2000x1xf32> to vector<2000x128xf32>
    %mul3A_27 = arith.mulf %mul3A, %add3A_26 : vector<2000x128xf32>
    %get3A_28 = arith.constant 0 : index
    %get3A_29 = arith.constant 0 : index
    %get3A_30 = vector.load %arg4[%get3A_28, %get3A_29] : memref<1x128xf32, #tpu.memory_space<vmem>>, vector<1x128xf32>
    %add3A_31 = vector.broadcast %get3A_30 : vector<1x128xf32> to vector<2000x128xf32>
    %add3A_32 = arith.addf %mul3A_27, %add3A_31 : vector<2000x128xf32>
    %max3A = arith.constant 0.000000e+00 : f32
    %max3A_33 = vector.broadcast %max3A : f32 to vector<2000x128xf32>
    %max3A_34 = arith.maximumf %add3A_32, %max3A_33 : vector<2000x128xf32>
    %get3A_35 = arith.constant 0 : index
    %get3A_36 = arith.constant 0 : index
    %get3A_37 = vector.load %arg5[%get3A_35, %get3A_36] : memref<128x128xf32, #tpu.memory_space<vmem>>, vector<128x128xf32>
    %dot_general3A = arith.constant dense<0.000000e+00> : vector<2000x128xf32>
    %dot_general3A_38 = tpu.matmul %max3A_34, %get3A_37, %dot_general3A {dimension_numbers = #tpu.dot_dimension_numbers<[1], [0], [0], [1], [0, 0, 1, 1], [], []>, transpose_lhs_hint = false} : vector<2000x128xf32>, vector<128x128xf32>, vector<2000x128xf32> -> vector<2000x128xf32>
    %mul3A_39 = vector.broadcast %rsqrt3A : vector<2000x1xf32> to vector<2000x128xf32>
    %mul3A_40 = arith.mulf %mul3A_39, %dot_general3A_38 : vector<2000x128xf32>
    %swap3A = arith.constant 0 : index
    %swap3A_41 = arith.constant 0 : index
    %swap3A_42 = vector.load %arg6[%swap3A, %swap3A_41] : memref<2000x128xf32, #tpu.memory_space<vmem>>, vector<2000x128xf32>
    tpu.vector_store %arg6[%swap3A, %swap3A_41], %mul3A_40 {strides = array<i32>} : memref<2000x128xf32, #tpu.memory_space<vmem>>, vector<2000x128xf32>,
    return
  }
  func.func @transform_0(%arg0: i32) -> (i32, i32, i32) {
    %c0_i32 = arith.constant 0 : i32
    %c0_i32_0 = arith.constant 0 : i32
    %c0_i32_1 = arith.constant 0 : i32
    return %c0_i32, %arg0, %c0_i32_0 : i32, i32, i32
  }
  func.func @transform_1(%arg0: i32) -> (i32, i32, i32) {
    %c0_i32 = arith.constant 0 : i32
    %c0_i32_0 = arith.constant 0 : i32
    %c0_i32_1 = arith.constant 0 : i32
    return %c0_i32, %arg0, %c0_i32_0 : i32, i32, i32
  }
  func.func @transform_2(%arg0: i32) -> (i32, i32) {
    %c0_i32 = arith.constant 0 : i32
    %c0_i32_0 = arith.constant 0 : i32
    return %arg0, %c0_i32 : i32, i32
  }
  func.func @transform_3(%arg0: i32) -> (i32, i32) {
    %c0_i32 = arith.constant 0 : i32
    %c0_i32_0 = arith.constant 0 : i32
    %c0_i32_1 = arith.constant 0 : i32
    return %c0_i32, %c0_i32_0 : i32, i32
  }
  func.func @transform_4(%arg0: i32) -> (i32, i32) {
    %c0_i32 = arith.constant 0 : i32
    %c0_i32_0 = arith.constant 0 : i32
    %c0_i32_1 = arith.constant 0 : i32
    return %c0_i32, %c0_i32_0 : i32, i32
  }
  func.func @transform_5(%arg0: i32) -> (i32, i32) {
    %c0_i32 = arith.constant 0 : i32
    %c0_i32_0 = arith.constant 0 : i32
    return %arg0, %c0_i32 : i32, i32
  }
}

module attributes {stable_mosaic.version = 14 : i64} {
  func.func @_tc3_body(%arg0: i32, %arg1: memref<2x2000x1xf32, #tpu.memory_space<vmem>>, %arg2: memref<2x2000x128xf32, #tpu.memory_space<vmem>>, %arg3: memref<2000x128xf32, #tpu.memory_space<vmem>>, %arg4: memref<1x128xf32, #tpu.memory_space<vmem>>, %arg5: memref<2000x128xf32, #tpu.memory_space<vmem>>) attributes {dimension_semantics = [#tpu.dimension_semantics<arbitrary>], iteration_bounds = array<i64: 5>, scalar_prefetch = 0 : i64, scratch_operands = 0 : i64, tpu.core_type = #tpu.core_type<tc>, window_params = [{transform_indices = @transform_0, window_bounds = array<i64: 2, 2000, 1>}, {transform_indices = @transform_1, window_bounds = array<i64: 2, 2000, 128>}, {transform_indices = @transform_2, window_bounds = array<i64: 2000, 128>}, {pipeline_mode = #tpu.pipeline_mode<synchronous>, transform_indices = @transform_3, window_bounds = array<i64: 1, 128>}, {transform_indices = @transform_4, window_bounds = array<i64: 2000, 128>}]} {
    %get3A = arith.constant 0 : index
    %get3A_0 = arith.constant 0 : index
    %get3A_1 = arith.constant 0 : index
    %get3A_2 = vector.load %arg1[%get3A, %get3A_0, %get3A_1] : memref<2x2000x1xf32, #tpu.memory_space<vmem>>, vector<1x2000x1xf32>
    %get3A_3 = vector.shape_cast %get3A_2 : vector<1x2000x1xf32> to vector<2000x1xf32>
    %get3A_4 = arith.constant 1 : index
    %get3A_5 = arith.constant 0 : index
    %get3A_6 = arith.constant 0 : index
    %get3A_7 = vector.load %arg1[%get3A_4, %get3A_5, %get3A_6] : memref<2x2000x1xf32, #tpu.memory_space<vmem>>, vector<1x2000x1xf32>
    %get3A_8 = vector.shape_cast %get3A_7 : vector<1x2000x1xf32> to vector<2000x1xf32>
    %add3A = arith.addf %get3A_3, %get3A_8 : vector<2000x1xf32>
    %add3A_9 = arith.constant 1.000000e+00 : f32
    %add3A_10 = vector.broadcast %add3A_9 : f32 to vector<2000x1xf32>
    %add3A_11 = arith.addf %add3A, %add3A_10 : vector<2000x1xf32>
    %rsqrt3A = math.rsqrt %add3A_11 : vector<2000x1xf32>
    %get3A_12 = arith.constant 0 : index
    %get3A_13 = arith.constant 0 : index
    %get3A_14 = arith.constant 0 : index
    %get3A_15 = vector.load %arg2[%get3A_12, %get3A_13, %get3A_14] : memref<2x2000x128xf32, #tpu.memory_space<vmem>>, vector<1x2000x128xf32>
    %get3A_16 = vector.shape_cast %get3A_15 : vector<1x2000x128xf32> to vector<2000x128xf32>
    %get3A_17 = arith.constant 1 : index
    %get3A_18 = arith.constant 0 : index
    %get3A_19 = arith.constant 0 : index
    %get3A_20 = vector.load %arg2[%get3A_17, %get3A_18, %get3A_19] : memref<2x2000x128xf32, #tpu.memory_space<vmem>>, vector<1x2000x128xf32>
    %get3A_21 = vector.shape_cast %get3A_20 : vector<1x2000x128xf32> to vector<2000x128xf32>
    %add3A_22 = arith.addf %get3A_16, %get3A_21 : vector<2000x128xf32>
    %get3A_23 = arith.constant 0 : index
    %get3A_24 = arith.constant 0 : index
    %get3A_25 = vector.load %arg3[%get3A_23, %get3A_24] : memref<2000x128xf32, #tpu.memory_space<vmem>>, vector<2000x128xf32>
    %add3A_26 = arith.addf %add3A_22, %get3A_25 : vector<2000x128xf32>
    %mul3A = vector.broadcast %rsqrt3A : vector<2000x1xf32> to vector<2000x128xf32>
    %mul3A_27 = arith.mulf %mul3A, %add3A_26 : vector<2000x128xf32>
    %get3A_28 = arith.constant 0 : index
    %get3A_29 = arith.constant 0 : index
    %get3A_30 = vector.load %arg4[%get3A_28, %get3A_29] : memref<1x128xf32, #tpu.memory_space<vmem>>, vector<1x128xf32>
    %add3A_31 = vector.broadcast %get3A_30 : vector<1x128xf32> to vector<2000x128xf32>
    %add3A_32 = arith.addf %mul3A_27, %add3A_31 : vector<2000x128xf32>
    %swap3A = arith.constant 0 : index
    %swap3A_33 = arith.constant 0 : index
    %swap3A_34 = vector.load %arg5[%swap3A, %swap3A_33] : memref<2000x128xf32, #tpu.memory_space<vmem>>, vector<2000x128xf32>
    tpu.vector_store %arg5[%swap3A, %swap3A_33], %add3A_32 {strides = array<i32>} : memref<2000x128xf32, #tpu.memory_space<vmem>>, vector<2000x128xf32>,
    return
  }
  func.func @transform_0(%arg0: i32) -> (i32, i32, i32) {
    %c0_i32 = arith.constant 0 : i32
    %c0_i32_0 = arith.constant 0 : i32
    %c0_i32_1 = arith.constant 0 : i32
    return %c0_i32, %arg0, %c0_i32_0 : i32, i32, i32
  }
  func.func @transform_1(%arg0: i32) -> (i32, i32, i32) {
    %c0_i32 = arith.constant 0 : i32
    %c0_i32_0 = arith.constant 0 : i32
    %c0_i32_1 = arith.constant 0 : i32
    return %c0_i32, %arg0, %c0_i32_0 : i32, i32, i32
  }
  func.func @transform_2(%arg0: i32) -> (i32, i32) {
    %c0_i32 = arith.constant 0 : i32
    %c0_i32_0 = arith.constant 0 : i32
    return %arg0, %c0_i32 : i32, i32
  }
  func.func @transform_3(%arg0: i32) -> (i32, i32) {
    %c0_i32 = arith.constant 0 : i32
    %c0_i32_0 = arith.constant 0 : i32
    %c0_i32_1 = arith.constant 0 : i32
    return %c0_i32, %c0_i32_0 : i32, i32
  }
  func.func @transform_4(%arg0: i32) -> (i32, i32) {
    %c0_i32 = arith.constant 0 : i32
    %c0_i32_0 = arith.constant 0 : i32
    return %arg0, %c0_i32 : i32, i32
  }
}

</mosaic_0001>

<sc_bundles>
// kernel: _impl.11.cloned.1.call-start
scs
__scs_entry_jumppad:
0x0: {  	(pc) =	sbr.rel $0x88, $3  }
0x1: {  	(tag) =	ssettag $0x0;
	lr =	simm.s32 $0x1  }
0x2: {  	[smem:$0x3F9B] =	sst lr;
	_ =	strace $0xD0000000  }
0x3: {  	_ = 	snop  }
0x4: {  	_ = 	snop  }
0x5: {  	_ = 	snop  }
0x6: {  	_ = 	snop  }
0x7: {  	_ = 	snop  }
__scs_overlays_trampoline_lowered:
0x8: {  	[smem:$0x3FAA] =	sst s0  }
0x9: {  	[smem:$0x3FAB] =	sst s1  }
0xa: {  	[smem:$0x3FAC] =	sst s2  }
0xb: {  	[smem:$0x3FAD] =	sst s3  }
0xc: {  	[smem:$0x3FAE] =	sst s4  }
0xd: {  	[smem:$0x3FAF] =	sst s5  }
0xe: {  	[smem:$0x3FB0] =	sst s6  }
0xf: {  	[smem:$0x3FB1] =	sst s7  }
0x10: {  	[smem:$0x3FB2] =	sst s8  }
0x11: {  	[smem:$0x3FB3] =	sst s9;
	s0 =	simm.s32 @!p0 $0x0  }
0x12: {  	s1 =	sld [smem:$0x3F99];
	s0 =	simm.s32 @p0 $0x1  }
0x13: {  	[smem:$0x3FB4] =	sst s0;
	s0 =	simm.s32 @!p1 $0x0  }
0x14: {  	s2 =	sld [smem:$0x3F98];
	s0 =	simm.s32 @p1 $0x1  }
0x15: {  	[smem:$0x3FB5] =	sst s0;
	s0 =	simm.s32 @!p2 $0x0  }
0x16: {  	s3 =	sld [smem:$0x3FDB];
	s0 =	simm.s32 @p2 $0x1  }
0x17: {  	s4 =	simm.s32 $0x1BF5;
	[smem:$0x3FB7] =	sst s0  }
0x18: {  	s0 =	sld [smem:$0x3F9A];
	_ =	swait.ge [sflag:s4], $0x0  }
0x19: {  	s7 =	sld [smem:$0x3F9B]  }
0x1a: {  	s8 =	sadd.s32 $0xFFFFE003, lr  }
0x1b: {  	s9 =	sadd.s32 $0xFFFFFEF7, lr;
	s5 =	simm.s32 $0xFFFFFFFF;
	p2 =	slt.u32 s8, $0xFFFFF086  }
0x1c: {  	p1 =	slt.u32 s9, $0xF7A;
	s5 =	simm.s32 @!p2 $0x0  }
0x1d: {  	s5 =	simm.s32 @p1 $0x1;
	p0 =	seq.s32 s7, s2  }
0x1e: {  	s7 =	smul.u32 @!p0 $0xF7A, s2;
	p2 =	seq.s32 @!p0 s5, $0x0  }
0x1f: {  	s9 =	smul.u32 $0xF7A, s1;
	s8 =	simm.s32 @!p0 $0x1BF5;
	p2 =	por !p2, p0  }
0x20: {  	[sflag:s8] =	ssyncset.s32 @!p0 $0xFFFFF086;
	s6 =	sadd.s32 @!p0 s3, s7;
	s7 =	simm.s32 @!p0 $0x108  }
0x21: {  	s3 =	sadd.s32 s3, s9;
	s6 =	sadd.s32 @!p0 $0x88, s6;
	s7 =	simm.s32 @p2 $0x1082  }
0x22: {  	[simem:s7], [sflag:s8] =	dma.local @!p0 [hbm:s6], $0xF7A  }
0x23: {  	s9 =	sor.u32 $0xD0000000, s2;
	s6 =	simm.s32 $0x108;
	_ =	swait.ge @!p0 [sflag:s8], $0x0  }
0x24: {  	s3 =	sadd.s32 $0x88, s3;
	s6 =	simm.s32 @!p1 $0x1082;
	[sflag:s4] =	ssyncset.s32 $0xFFFFF086  }
0x25: {  	[simem:s6], [sflag:s4] =	dma.local [hbm:s3], $0xF7A  }
0x26: {  	[smem:$0x3F9B] =	sst s1;
	(tag) =	ssettag s2;
	_ =	strace s9  }
0x27: {  	s1 =	sld [smem:$0x3FAB]  }
0x28: {  	s2 =	sld [smem:$0x3FAC]  }
0x29: {  	s4 =	sld [smem:$0x3FAE]  }
0x2a: {  	p0 =	seq.s32 s5, $0x0;
	s5 =	sld [smem:$0x3FAF]  }
0x2b: {  	s6 =	sld [smem:$0x3FB0]  }
0x2c: {  	s7 =	sld [smem:$0x3FB1]  }
0x2d: {  	s3 =	simm.s32 $0x108;
	s8 =	sld [smem:$0x3FB2]  }
0x2e: {  	s3 =	simm.s32 @!p0 $0x1082;
	s9 =	sld [smem:$0x3FB3]  }
0x2f: {  	lr =	sadd.s32 s0, s3;
	s0 =	sld [smem:$0x3FAA]  }
0x30: {  	s3 =	sld [smem:$0x3FAD]  }
0x31: {  	[smem:$0x3FB6] =	sst s10  }
0x32: {  	s10 =	sld [smem:$0x3FB4];
	_ =	sdelay $0x3  }
0x33: {  	p0 =	seq.s32 s10, $0x1;
	s10 =	sld [smem:$0x3FB6];
	_ =	sdelay $0x3  }
0x34: {  	[smem:$0x3FB6] =	sst s10  }
0x35: {  	s10 =	sld [smem:$0x3FB5];
	_ =	sdelay $0x3  }
0x36: {  	p1 =	seq.s32 s10, $0x1;
	s10 =	sld [smem:$0x3FB6];
	_ =	sdelay $0x3  }
0x37: {  	[smem:$0x3FB6] =	sst s10  }
0x38: {  	s10 =	sld [smem:$0x3FB7]  }
0x39: {  	_ = 	snop;
	(pc) =	sbr.ind lr, $3  }
0x3a: {  	_ = 	snop  }
0x3b: {  	_ = 	snop  }
0x3c: {  	p2 =	seq.s32 s10, $0x1;
	s10 =	sld [smem:$0x3FB6]  }
0x3d: {  	_ =	shalt  }
0x3e: {  	_ =	shalt  }
0x3f: {  	_ =	shalt  }
0x40: {  	_ =	shalt  }
0x41: {  	_ =	shalt  }
0x42: {  	_ =	shalt  }
0x43: {  	_ =	shalt  }
0x44: {  	_ =	shalt  }
0x45: {  	_ =	shalt  }
0x46: {  	_ =	shalt  }
0x47: {  	_ =	shalt  }
0x48: {  	_ =	shalt  }
0x49: {  	_ =	shalt  }
0x4a: {  	_ =	shalt  }
0x4b: {  	_ =	shalt  }
0x4c: {  	_ =	shalt  }
0x4d: {  	_ =	shalt  }
0x4e: {  	_ =	shalt  }
0x4f: {  	_ =	shalt  }
0x50: {  	_ =	shalt  }
0x51: {  	_ =	shalt  }
0x52: {  	_ =	shalt  }
0x53: {  	_ =	shalt  }
0x54: {  	_ =	shalt  }
0x55: {  	_ =	shalt  }
0x56: {  	_ =	shalt  }
0x57: {  	_ =	shalt  }
0x58: {  	_ =	shalt  }
0x59: {  	_ =	shalt  }
0x5a: {  	_ =	shalt  }
0x5b: {  	_ =	shalt  }
0x5c: {  	_ =	shalt  }
0x5d: {  	_ =	shalt  }
0x5e: {  	_ =	shalt  }
0x5f: {  	_ =	shalt  }
0x60: {  	_ =	shalt  }
0x61: {  	_ =	shalt  }
0x62: {  	_ =	shalt  }
0x63: {  	_ =	shalt  }
0x64: {  	_ =	shalt  }
0x65: {  	_ =	shalt  }
0x66: {  	_ =	shalt  }
0x67: {  	_ =	shalt  }
0x68: {  	_ =	shalt  }
0x69: {  	_ =	shalt  }
0x6a: {  	_ =	shalt  }
0x6b: {  	_ =	shalt  }
0x6c: {  	_ =	shalt  }
0x6d: {  	_ =	shalt  }
0x6e: {  	_ =	shalt  }
0x6f: {  	_ =	shalt  }
0x70: {  	_ =	shalt  }
0x71: {  	_ =	shalt  }
0x72: {  	_ =	shalt  }
0x73: {  	_ =	shalt  }
0x74: {  	_ =	shalt  }
0x75: {  	_ =	shalt  }
0x76: {  	_ =	shalt  }
0x77: {  	_ =	shalt  }
0x78: {  	_ =	shalt  }
0x79: {  	_ =	shalt  }
0x7a: {  	_ =	shalt  }
0x7b: {  	_ =	shalt  }
0x7c: {  	_ =	shalt  }
0x7d: {  	_ =	shalt  }
0x7e: {  	_ =	shalt  }
0x7f: {  	_ =	shalt  }
0x80: {  	_ =	shalt  }
0x81: {  	_ =	shalt  }
0x82: {  	_ =	shalt  }
0x83: {  	_ =	shalt  }
0x84: {  	_ =	shalt  }
0x85: {  	_ =	shalt  }
0x86: {  	_ =	shalt  }
0x87: {  	_ =	shalt  }
.Lfunc_end0:
.L_simem_size_0:
called_computation.1_lowered:
.L_overlay_start_0:
0x88: {  	s2 =	sld [smem:$0x3FD9]  }
0x89: {  	s3 =	sld [smem:$0x3FFE];
	_ =	sdelay $0x1  }
0x8a: {  	s1 =	srdreg.scid  }
0x8b: {  	s0 =	sand.u32 $0x1, s1  }
0x8c: {  	s17 =	sshll.u32 s0, $0xA;
	s2 =	sadd.s32 s3, s2  }
0x8d: {  	s2 =	sadd.s32 s2, s17  }
0x8e: {  	[smem:$0x3FC2] =	sst s2  }
0x8f: {  	_ = 	snop  }
0x90: {  	s2 =	sld [smem:$0x3FD0];
	(tm) =	ssettm $0x1  }
0x91: {  	s18 =	sld [smem:$0x3FFB];
	_ =	sdelay $0x3  }
0x92: {  	_ =	strace s18  }
0x93: {  	s3 =	sld [smem:$0x3FFC];
	_ =	sdelay $0x3  }
0x94: {  	_ =	strace s3  }
0x95: {  	s3 =	sld [smem:$0x3FFD];
	_ =	sdelay $0x3  }
0x96: {  	_ =	strace s3  }
0x97: {  	_ =	strace $0x8FFFFFFF  }
0x98: {  	s19 =	sld [smem:$0x3FDB];
	_ =	sdelay $0x1  }
0x99: {  	s4 =	simm.s32 $_scs_section_size  }
0x9a: {  	s5 =	simm.s32 $_size__tile_overlayer_lowered;
	s6 =	simm.s32 $_tile_overlayer_lowered  }
0x9b: {  	s22 =	simm.s32 $0x1BFF;
	s21 =	sshll.u32 s6, $0x1;
	s3 =	sadd.s32 s4, s19  }
0x9c: {  	s7 =	simm.s32 $0x0;
	s20 =	sshll.u32 s5, $0x1;
	s5 =	sadd.s32 s21, s3  }
0x9d: {  	[timem:s7], [sflag:s22] =	dma.local [hbm:s5], s20  }
0x9e: {  	_ =	swait.ge [sflag:s22], s20  }
0x9f: {  	s4 =	ssub.s32 $0x0, s20;
	[sflag:s22] =	ssyncset.done $0x0  }
0xa0: {  	[sflag:s22] =	ssyncadd.s32 s4;
	_ =	sdelay $0x1  }
0xa1: {  	s23 =	simm.s32 $0x1B8B  }
0xa2: {  	_ =	swait.ge [sflag:s23], $0x1  }
0xa3: {  	[sflag:s23] =	ssyncset.done $0x0  }
0xa4: {  	s25 =	simm.s32 $0x1B8E;
	s24 =	sld [smem:$0x3FFE];
	[sflag:s23] =	ssyncadd.s32 $0xFFFFFFFF  }
0xa5: {  	s26 =	simm.s32 $execute0_lowered;
	[smem:$0x3FD2] =	sst s25  }
0xa6: {  	s5 =	sshll.u32 s26, $0x1;
	_ =	strace $0x80000049;
	[dreg:$0x1] =	wrdreg $0xFFFFFFFF  }
0xa7: {  	s28 =	simm.s32 $_size_execute0_lowered;
	s3 =	sadd.s32 s3, s5;
	[dreg:$0x0] =	wrdreg $0x0  }
0xa8: {  	s5 =	sshll.u32 s28, $0x1;
	[dreg:$0x2] =	wrdreg s3  }
0xa9: {  	[dreg:$0x3] =	wrdreg s5  }
0xaa: {  	[dreg:$0x4] =	wrdreg $0xC0  }
0xab: {  	_ =	task [dreg:s7], $0x5FFFF  }
0xac: {  	[dreg:$0x1] =	wrdreg $0xFFFFFFFF  }
0xad: {  	[dreg:$0x0] =	wrdreg $0x60  }
0xae: {  	[dreg:$0x2] =	wrdreg s2  }
0xaf: {  	[dreg:$0x3] =	wrdreg s24  }
0xb0: {  	[dreg:$0x4] =	wrdreg $0xBC000  }
0xb1: {  	[dreg:$0x5] =	wrdreg $0x9  }
0xb2: {  	_ =	task.clear_ibuf [dreg:s7], $0x6FFFF;
	_ =	strace $0x90000049  }
0xb3: {  	s29 =	simm.s32 $0x9;
	_ =	strace $0x8000004B  }
0xb4: {  	_ =	swait.ge [sflag:s29], $0x1  }
0xb5: {  	[sflag:s29] =	ssyncadd.s32 $0xFFFFFFFF  }
0xb6: {  	_ =	strace $0x9000004B  }
0xb7: {  	_ =	sfence  }
0xb8: {  	s30 =	sld [smem:$0x0];
	_ =	sdelay $0x2  }
0xb9: {  	s31 =	sshll.u32 s1, $0xD;
	s1 =	sshrl.u32 s1, $0x2  }
0xba: {  	s3 =	sand.u32 $0x4000, s31;
	s1 =	sadd.s32 s1, s30  }
0xbb: {  	s0 =	sor.u32 s3, s0;
	s1 =	sshll.u32 s1, $0x11  }
0xbc: {  	s0 =	sor.u32 s1, s0  }
0xbd: {  	s0 =	sadd.s32 $0x8F2B, s0  }
0xbe: {  	[sflag:s0] =	ssyncadd.remote.s32 $0x1  }
0xbf: {  	_ =	sfence.sel $0xFFFF  }
0xc0: {  	[dreg:$0x0] =	wrdreg $0xFFFFFFFF;
	(pc) =	sbr.abs _section_cstart, $3  }
0xc1: {  	[dreg:$0x1] =	wrdreg $0xFFFFFFFF  }
0xc2: {  	_ =	task.clear_ibuf [dreg:s7], $0x2FFFF;
	_ =	strace $0x9FFFFFFF  }
0xc3: {  	(tm) =	ssettm $0x7FFFFFFF  }
tec
execute0_lowered:
.L_overlay_start_1:
0x0: {  	(tag) =	ssettag $0x1  }
0x1: {  	s1 =	rddreg [dreg:$0x0]  }
0x2: {  	s0 =	rddreg [dreg:$0x1]  }
0x3: {  	s2 =	rddreg [dreg:$0x2];
	s4 =	simm.s32 $0x0  }
0x4: {  	s3 =	srdreg.scid;
	s12 =	stileid.u32;
	s28 =	simm.s32 $0x6800  }
0x5: {  	s29 =	simm.s32 $0x5;
	s30 =	simm.s32 $0x3400;
	s31 =	simm.s32 $0x32  }
0x6: {  	[smem:$0x7FF] =	sst s4;
	s6 =	sadd.s32 $0x1BC00, s0;
	s3 =	sand.u32 $0x1, s3  }
0x7: {  	s5 =	smul.u32 $0x50000, s12;
	s7 =	sadd.s32 $0x1C00, s0;
	s0 =	sadd.s32 $0x35C00, s0  }
0x8: {  	s9 =	sshll.u32 s12, $0x2;
	s24 =	smul.u32 $0x14000, s12;
	s12 =	simm.s32 $0x3180  }
0x9: {  	_ =	strace $0x8000004A;
	s8 =	ssub.s32 $0x2, s3;
	s10 =	sshll.u32 s3, $0x1  }
0xa: {  	s3 =	smul.u32 $0x140000, s3;
	s5 =	sshrl.u32 s5, $0x2;
	s11 =	sshrl.u32 s8, $0x1  }
0xb: {  	s9 =	sor.u32 s10, s9;
	s26 =	sadd.s32 $0x4000, s24;
	s17 =	sadd.s32 $0x8000, s24  }
0xc: {  	s5 =	sadd.s32 s5, s2;
	s8 =	ssub.s32 s8, s11;
	s19 =	smul.u32 $0x680, s9  }
0xd: {  	s9 =	smul.u32 $0x3400, s9;
	s13 =	sadd.s32 s24, s3;
	s18 =	sadd.s32 $0x2800, s5  }
0xe: {  	s14 =	sadd.s32 s3, s26;
	s20 =	sadd.s32 $0x5000, s5;
	[dreg:$0x4] =	wrdreg s18  }
0xf: {  	s11 =	sadd.s32 $0x10000, s24;
	s21 =	sadd.s32 $0x7800, s5;
	[dreg:$0x5] =	wrdreg s20  }
0x10: {  	s22 =	sadd.s32 $0xA000, s5;
	s23 =	sadd.s32 $0xC800, s5;
	[dreg:$0x6] =	wrdreg s21  }
0x11: {  	s15 =	sshrl.u32 s14, $0x3;
	s14 =	simm.s32 $0x6500;
	[dreg:$0x7] =	wrdreg s22  }
0x12: {  	[dreg:$0x8] =	wrdreg s23;
	s25 =	sadd.s32 s6, s19;
	s9 =	sshrl.u32 s9, $0x3  }
0x13: {  	s10 =	sadd.s32 s7, s19;
	s16 =	sadd.s32 s0, s15;
	s18 =	sadd.s32 s3, s17  }
0x14: {  	s19 =	sadd.s32 $0xC000, s24;
	s20 =	sadd.s32 $0xF000, s5;
	s23 =	sadd.s32 s26, s2  }
0x15: {  	s24 =	sadd.s32 s17, s2;
	s26 =	sadd.s32 s11, s2;
	[dreg:$0x9] =	wrdreg s25  }
0x16: {  	s15 =	simm.s32 $0x6580;
	[dreg:$0xa] =	wrdreg s10;
	s9 =	sadd.s32 $0x680, s9  }
0x17: {  	[dreg:$0xe] =	wrdreg s16;
	s21 =	sadd.s32 s3, s19;
	s3 =	sadd.s32 s3, s11  }
0x18: {  	s25 =	sadd.s32 s19, s2;
	s10 =	simm.s32 $0x3;
	s11 =	simm.s32 $0x6400  }
0x19: {  	s16 =	simm.s32 $0x4;
	s6 =	sadd.s32 s6, s9;
	s7 =	sadd.s32 s7, s9  }
0x1a: {  	s22 =	sshrl.u32 s21, $0x3;
	s3 =	sshrl.u32 s3, $0x3;
	s21 =	smax.u32 s8, $0x1  }
0x1b: {  	s8 =	simm.s32 $0x1;
	[dreg:$0xb] =	wrdreg s6;
	s6 =	sshrl.u32 s13, $0x3  }
0x1c: {  	[dreg:$0xc] =	wrdreg s7;
	s7 =	sshrl.u32 s18, $0x3;
	s6 =	sadd.s32 s0, s6  }
0x1d: {  	s9 =	simm.s32 $0x2;
	s7 =	sadd.s32 s0, s7;
	[dreg:$0xd] =	wrdreg s6  }
0x1e: {  	s13 =	simm.s32 $0x6480;
	[dreg:$0xf] =	wrdreg s7;
	s7 =	sadd.s32 s0, s22  }
0x1f: {  	s0 =	sadd.s32 s0, s3;
	s22 =	sshrl.u32 s23, $0x3;
	s23 =	sshrl.u32 s24, $0x3  }
0x20: {  	s24 =	sshrl.u32 s25, $0x3;
	s25 =	sshrl.u32 s26, $0x3;
	s26 =	sadd.s32 $0x11800, s5  }
0x21: {  	s3 =	simm.s32 $0x8400;
	s6 =	simm.s32 $0x100;
	[dreg:$0x10] =	wrdreg s7  }
0x22: {  	v0 =	vimm.f32 $0.0e+00;
	[dreg:$0x11] =	wrdreg s0;
	s0 =	simm.s32 $0x80;
	s7 =	simm.s32 $0xA000  }
.LBB2_1:
0x23: {  	s17 =	simm.s32 $0x0;
	s18 =	simm.s32 $0x200  }
.LBB2_2:
0x24: {  	p0 =	sne.s32 s18, $0x9E00;
	[tilespmem:s17+$0x6870] =	vst v0  }
0x25: {  	[tilespmem:s17+$0x6800] =	vst v0  }
0x26: {  	[tilespmem:s17+$0x6810] =	vst v0  }
.Ltmp0:
0x27: {  	[tilespmem:s17+$0x6820] =	vst v0;
	(pc) =	sbr.rel @p0 .LBB2_2-.Ltmp0, $4  }
0x28: {  	[tilespmem:s17+$0x6830] =	vst v0  }
0x29: {  	[tilespmem:s17+$0x6840] =	vst v0  }
0x2a: {  	[tilespmem:s17+$0x6850] =	vst v0  }
0x2b: {  	[tilespmem:s17+$0x6860] =	vst v0;
	s17 =	sshra.s32 s18, $0x2;
	s18 =	sadd.s32 $0x200, s18  }
0x2c: {  	[tilespmem:s17+$0x6870] =	vst v0  }
0x2d: {  	[tilespmem:s17+$0x6800] =	vst v0  }
0x2e: {  	[tilespmem:s17+$0x6810] =	vst v0  }
0x2f: {  	[tilespmem:s17+$0x6820] =	vst v0  }
0x30: {  	[tilespmem:s17+$0x6830] =	vst v0  }
0x31: {  	[tilespmem:s17+$0x6840] =	vst v0  }
0x32: {  	[tilespmem:s17+$0x6850] =	vst v0  }
0x33: {  	[tilespmem:s17+$0x6860] =	vst v0  }
0x34: {  	[spmem:s5] =	stream.linear.scatter [tilespmem:s28], [sflag:$0x5], $0x2800, $0x38;
	[tilespmem:$0x1FC00] =	vst v63  }
0x35: {  	_ =	swait.ge [sflag:s29], $0x2800  }
0x36: {  	[sflag:s29] =	ssyncset.done $0x0  }
0x37: {  	s18 =	rddreg [dreg:$0x4];
	[sflag:s29] =	ssyncadd.s32 $0xFFFFD800  }
0x38: {  	[spmem:s18] =	stream.linear.scatter [tilespmem:s28], [sflag:$0x5], $0x2800, $0x38;
	[tilespmem:$0x1FC00] =	vst v63  }
0x39: {  	_ =	swait.ge [sflag:s29], $0x2800  }
0x3a: {  	[sflag:s29] =	ssyncset.done $0x0  }
0x3b: {  	s19 =	rddreg [dreg:$0x5];
	[sflag:s29] =	ssyncadd.s32 $0xFFFFD800  }
0x3c: {  	[spmem:s19] =	stream.linear.scatter [tilespmem:s28], [sflag:$0x5], $0x2800, $0x38;
	[tilespmem:$0x1FC00] =	vst v63  }
0x3d: {  	_ =	swait.ge [sflag:s29], $0x2800  }
0x3e: {  	[sflag:s29] =	ssyncset.done $0x0  }
0x3f: {  	s18 =	rddreg [dreg:$0x6];
	[sflag:s29] =	ssyncadd.s32 $0xFFFFD800  }
0x40: {  	[spmem:s18] =	stream.linear.scatter [tilespmem:s28], [sflag:$0x5], $0x2800, $0x38;
	[tilespmem:$0x1FC00] =	vst v63  }
0x41: {  	_ =	swait.ge [sflag:s29], $0x2800  }
0x42: {  	[sflag:s29] =	ssyncset.done $0x0  }
0x43: {  	s19 =	rddreg [dreg:$0x7];
	[sflag:s29] =	ssyncadd.s32 $0xFFFFD800  }
0x44: {  	[spmem:s19] =	stream.linear.scatter [tilespmem:s28], [sflag:$0x5], $0x2800, $0x38;
	[tilespmem:$0x1FC00] =	vst v63  }
0x45: {  	_ =	swait.ge [sflag:s29], $0x2800  }
0x46: {  	[sflag:s29] =	ssyncset.done $0x0  }
0x47: {  	s18 =	rddreg [dreg:$0x8];
	[sflag:s29] =	ssyncadd.s32 $0xFFFFD800  }
0x48: {  	[spmem:s18] =	stream.linear.scatter [tilespmem:s28], [sflag:$0x5], $0x2800, $0x38;
	[tilespmem:$0x1FC00] =	vst v63  }
0x49: {  	_ =	swait.ge [sflag:s29], $0x2800  }
0x4a: {  	[sflag:s29] =	ssyncset.done $0x0  }
0x4b: {  	[sflag:s29] =	ssyncadd.s32 $0xFFFFD800  }
0x4c: {  	[spmem:s20] =	stream.linear.scatter [tilespmem:s28], [sflag:$0x5], $0x2800, $0x38;
	[tilespmem:$0x1FC00] =	vst v63  }
0x4d: {  	_ =	swait.ge [sflag:s29], $0x2800  }
0x4e: {  	[sflag:s29] =	ssyncset.done $0x0  }
0x4f: {  	[sflag:s29] =	ssyncadd.s32 $0xFFFFD800  }
0x50: {  	[spmem:s26] =	stream.linear.scatter [tilespmem:s28], [sflag:$0x5], $0x2800, $0x38;
	[tilespmem:$0x1FC00] =	vst v63  }
0x51: {  	_ =	swait.ge [sflag:s29], $0x2800  }
0x52: {  	[sflag:s29] =	ssyncset.done $0x0  }
0x53: {  	[sflag:s29] =	ssyncadd.s32 $0xFFFFD800  }
0x54: {  	[bflag:$0x0] =	sbarrier.arrive $0xFFFF  }
0x55: {  	s17 =	simm.s32 $0x0;
	s18 =	rddreg [dreg:$0x9]  }
0x56: {  	[tilespmem:s17], [sflag:$0x5] =	stream.linear.gather [hbm4b:s18+s17], $0x3200, $0x38;
	[tilespmem:$0x1FC00] =	vst v63  }
0x57: {  	_ =	swait.ge [sflag:s29], $0x3200  }
0x58: {  	[sflag:s29] =	ssyncset.done $0x0  }
0x59: {  	s19 =	rddreg [dreg:$0xa];
	[sflag:s29] =	ssyncadd.s32 $0xFFFFCE00  }
0x5a: {  	[tilespmem:s30], [sflag:$0x5] =	stream.linear.gather [hbm4b:s19+s17], $0x3200, $0x38;
	[tilespmem:$0x1FC00] =	vst v63  }
0x5b: {  	_ =	swait.ge [sflag:s29], $0x3200  }
0x5c: {  	[sflag:s29] =	ssyncset.done $0x0  }
0x5d: {  	[sflag:s29] =	ssyncadd.s32 $0xFFFFCE00  }
0x5e: {  	[tilespmem:s28], [sflag:$0x1] =	stream.indirect.gather [hbm4b:s1+s31], $0x80, s17, s31, $0xb8;
	[tilespmem:$0x1FC00] =	vst v63  }
0x5f: {  	_ = 	snop  }
0x60: {  	[tilespmem:s3], [sflag:$0x2] =	stream.indirect.gather [hbm4b:s1+s31], $0x80, s0, s31, $0xb8;
	[tilespmem:$0x1FC00] =	vst v63  }
0x61: {  	_ = 	snop  }
0x62: {  	[tilespmem:s7], [sflag:$0x3] =	stream.indirect.gather [hbm4b:s1+s31], $0x80, s6, s31, $0xb8;
	[tilespmem:$0x1FC00] =	vst v63  }
0x63: {  	_ =	swait.ge [sflag:s8], $0x1900  }
0x64: {  	[sflag:s8] =	ssyncset.done $0x0  }
0x65: {  	s19 =	simm.s32 $0x3400;
	[sflag:s8] =	ssyncadd.s32 $0xFFFFE700  }
0x66: {  	[spmem:s2] =	stream.indirect.scatter.add.f32 [tilespmem:s28], [sflag:$0x5], $0x80, s19, s31, $0xb8;
	[tilespmem:$0x1FC00] =	vst v63  }
0x67: {  	_ =	swait.ge [sflag:s29], $0x1900  }
0x68: {  	[sflag:s29] =	ssyncset.done $0x0  }
0x69: {  	s18 =	simm.s32 $0x180;
	[sflag:s29] =	ssyncadd.s32 $0xFFFFE700  }
0x6a: {  	[tilespmem:s28], [sflag:$0x1] =	stream.indirect.gather [hbm4b:s1+s31], $0x80, s18, s31, $0xb8;
	[tilespmem:$0x1FC00] =	vst v63  }
0x6b: {  	_ =	swait.ge [sflag:s9], $0x1900  }
0x6c: {  	[sflag:s9] =	ssyncset.done $0x0  }
0x6d: {  	s19 =	simm.s32 $0x3480;
	[sflag:s9] =	ssyncadd.s32 $0xFFFFE700  }
0x6e: {  	[spmem:s2] =	stream.indirect.scatter.add.f32 [tilespmem:s3], [sflag:$0x5], $0x80, s19, s31, $0xb8;
	[tilespmem:$0x1FC00] =	vst v63  }
0x6f: {  	_ =	swait.ge [sflag:s29], $0x1900  }
0x70: {  	[sflag:s29] =	ssyncset.done $0x0  }
0x71: {  	s18 =	simm.s32 $0x200;
	[sflag:s29] =	ssyncadd.s32 $0xFFFFE700  }
0x72: {  	[tilespmem:s3], [sflag:$0x2] =	stream.indirect.gather [hbm4b:s1+s31], $0x80, s18, s31, $0xb8;
	[tilespmem:$0x1FC00] =	vst v63  }
0x73: {  	_ =	swait.ge [sflag:s10], $0x1900  }
0x74: {  	[sflag:s10] =	ssyncset.done $0x0  }
0x75: {  	s19 =	simm.s32 $0x3500;
	[sflag:s10] =	ssyncadd.s32 $0xFFFFE700  }
0x76: {  	[spmem:s2] =	stream.indirect.scatter.add.f32 [tilespmem:s7], [sflag:$0x5], $0x80, s19, s31, $0xb8;
	[tilespmem:$0x1FC00] =	vst v63  }
0x77: {  	_ =	swait.ge [sflag:s29], $0x1900  }
0x78: {  	[sflag:s29] =	ssyncset.done $0x0  }
0x79: {  	s17 =	simm.s32 $0x600;
	s18 =	simm.s32 $0x280;
	[sflag:s29] =	ssyncadd.s32 $0xFFFFE700  }
.LBB2_4:
0x7a: {  	[tilespmem:s7], [sflag:$0x3] =	stream.indirect.gather [hbm4b:s1+s31], $0x80, s18, s31, $0xb8;
	[tilespmem:$0x1FC00] =	vst v63  }
0x7b: {  	s18 =	smov.u32 s17  }
0x7c: {  	p0 =	sne.s32 s17, $0xBA00;
	s17 =	sadd.s32 $0x600, s17;
	_ =	swait.ge [sflag:s8], $0x1900  }
0x7d: {  	s18 =	sshra.s32 s18, $0x2;
	[sflag:s8] =	ssyncset.done $0x0  }
0x7e: {  	s19 =	sadd.s32 $0x3400, s18;
	[sflag:s8] =	ssyncadd.s32 $0xFFFFE700  }
0x7f: {  	[spmem:s2] =	stream.indirect.scatter.add.f32 [tilespmem:s28], [sflag:$0x5], $0x80, s19, s31, $0xb8;
	[tilespmem:$0x1FC00] =	vst v63  }
0x80: {  	_ =	swait.ge [sflag:s29], $0x1900  }
0x81: {  	[sflag:s29] =	ssyncset.done $0x0  }
0x82: {  	s19 =	sadd.s32 $0x180, s18;
	[sflag:s29] =	ssyncadd.s32 $0xFFFFE700  }
0x83: {  	[tilespmem:s28], [sflag:$0x1] =	stream.indirect.gather [hbm4b:s1+s31], $0x80, s19, s31, $0xb8;
	[tilespmem:$0x1FC00] =	vst v63  }
0x84: {  	_ =	swait.ge [sflag:s9], $0x1900  }
0x85: {  	[sflag:s9] =	ssyncset.done $0x0  }
0x86: {  	s19 =	sadd.s32 $0x3480, s18;
	[sflag:s9] =	ssyncadd.s32 $0xFFFFE700  }
0x87: {  	[spmem:s2] =	stream.indirect.scatter.add.f32 [tilespmem:s3], [sflag:$0x5], $0x80, s19, s31, $0xb8;
	[tilespmem:$0x1FC00] =	vst v63  }
0x88: {  	_ =	swait.ge [sflag:s29], $0x1900  }
0x89: {  	[sflag:s29] =	ssyncset.done $0x0  }
0x8a: {  	s19 =	sadd.s32 $0x200, s18;
	[sflag:s29] =	ssyncadd.s32 $0xFFFFE700  }
0x8b: {  	[tilespmem:s3], [sflag:$0x2] =	stream.indirect.gather [hbm4b:s1+s31], $0x80, s19, s31, $0xb8;
	[tilespmem:$0x1FC00] =	vst v63  }
0x8c: {  	_ =	swait.ge [sflag:s10], $0x1900  }
0x8d: {  	[sflag:s10] =	ssyncset.done $0x0  }
.Ltmp1:
0x8e: {  	s19 =	sadd.s32 $0x3500, s18;
	[sflag:s10] =	ssyncadd.s32 $0xFFFFE700;
	(pc) =	sbr.rel @p0 .LBB2_4-.Ltmp1, $4  }
0x8f: {  	[spmem:s2] =	stream.indirect.scatter.add.f32 [tilespmem:s7], [sflag:$0x5], $0x80, s19, s31, $0xb8;
	[tilespmem:$0x1FC00] =	vst v63  }
0x90: {  	_ =	swait.ge [sflag:s29], $0x1900  }
0x91: {  	[sflag:s29] =	ssyncset.done $0x0  }
0x92: {  	s18 =	sadd.s32 $0x280, s18;
	[sflag:s29] =	ssyncadd.s32 $0xFFFFE700  }
0x93: {  	[tilespmem:s7], [sflag:$0x3] =	stream.indirect.gather [hbm4b:s1+s31], $0x80, s18, s31, $0xb8;
	[tilespmem:$0x1FC00] =	vst v63  }
0x94: {  	_ =	swait.ge [sflag:s8], $0x1900  }
0x95: {  	[sflag:s8] =	ssyncset.done $0x0  }
0x96: {  	[sflag:s8] =	ssyncadd.s32 $0xFFFFE700  }
0x97: {  	[spmem:s2] =	stream.indirect.scatter.add.f32 [tilespmem:s28], [sflag:$0x5], $0x80, s11, s31, $0xb8;
	[tilespmem:$0x1FC00] =	vst v63  }
0x98: {  	_ =	swait.ge [sflag:s29], $0x1900  }
0x99: {  	[sflag:s29] =	ssyncset.done $0x0  }
0x9a: {  	[sflag:s29] =	ssyncadd.s32 $0xFFFFE700  }
0x9b: {  	[tilespmem:s28], [sflag:$0x1] =	stream.indirect.gather [hbm4b:s1+s31], $0x80, s12, s31, $0xb8;
	[tilespmem:$0x1FC00] =	vst v63  }
0x9c: {  	_ =	swait.ge [sflag:s9], $0x1900  }
0x9d: {  	[sflag:s9] =	ssyncset.done $0x0  }
0x9e: {  	[sflag:s9] =	ssyncadd.s32 $0xFFFFE700  }
0x9f: {  	[spmem:s2] =	stream.indirect.scatter.add.f32 [tilespmem:s3], [sflag:$0x5], $0x80, s13, s31, $0xb8;
	[tilespmem:$0x1FC00] =	vst v63  }
0xa0: {  	_ =	swait.ge [sflag:s29], $0x1900  }
0xa1: {  	[sflag:s29] =	ssyncset.done $0x0  }
0xa2: {  	[sflag:s29] =	ssyncadd.s32 $0xFFFFE700  }
0xa3: {  	_ =	swait.ge [sflag:s10], $0x1900  }
0xa4: {  	[sflag:s10] =	ssyncset.done $0x0  }
0xa5: {  	[sflag:s10] =	ssyncadd.s32 $0xFFFFE700  }
0xa6: {  	[spmem:s2] =	stream.indirect.scatter.add.f32 [tilespmem:s7], [sflag:$0x5], $0x80, s14, s31, $0xb8;
	[tilespmem:$0x1FC00] =	vst v63  }
0xa7: {  	_ =	swait.ge [sflag:s29], $0x1900  }
0xa8: {  	[sflag:s29] =	ssyncset.done $0x0  }
0xa9: {  	[sflag:s29] =	ssyncadd.s32 $0xFFFFE700  }
0xaa: {  	_ =	swait.ge [sflag:s8], $0x1900  }
0xab: {  	[sflag:s8] =	ssyncset.done $0x0  }
0xac: {  	[sflag:s8] =	ssyncadd.s32 $0xFFFFE700  }
0xad: {  	[spmem:s2] =	stream.indirect.scatter.add.f32 [tilespmem:s28], [sflag:$0x5], $0x80, s15, s31, $0xb8;
	[tilespmem:$0x1FC00] =	vst v63  }
0xae: {  	_ =	swait.ge [sflag:s29], $0x1900  }
0xaf: {  	[sflag:s29] =	ssyncset.done $0x0  }
0xb0: {  	s17 =	simm.s32 $0x0;
	s19 =	rddreg [dreg:$0xb];
	[sflag:s29] =	ssyncadd.s32 $0xFFFFE700  }
0xb1: {  	[tilespmem:s17], [sflag:$0x5] =	stream.linear.gather [hbm4b:s19+s17], $0x3200, $0x38;
	[tilespmem:$0x1FC00] =	vst v63  }
0xb2: {  	_ =	swait.ge [sflag:s29], $0x3200  }
0xb3: {  	[sflag:s29] =	ssyncset.done $0x0  }
0xb4: {  	s19 =	rddreg [dreg:$0xc];
	[sflag:s29] =	ssyncadd.s32 $0xFFFFCE00  }
0xb5: {  	[tilespmem:s30], [sflag:$0x5] =	stream.linear.gather [hbm4b:s19+s17], $0x3200, $0x38;
	[tilespmem:$0x1FC00] =	vst v63  }
0xb6: {  	_ =	swait.ge [sflag:s29], $0x3200  }
0xb7: {  	[sflag:s29] =	ssyncset.done $0x0  }
0xb8: {  	[sflag:s29] =	ssyncadd.s32 $0xFFFFCE00  }
0xb9: {  	[tilespmem:s28], [sflag:$0x1] =	stream.indirect.gather [hbm4b:s1+s31], $0x80, s17, s31, $0xb8;
	[tilespmem:$0x1FC00] =	vst v63  }
0xba: {  	_ = 	snop  }
0xbb: {  	[tilespmem:s3], [sflag:$0x2] =	stream.indirect.gather [hbm4b:s1+s31], $0x80, s0, s31, $0xb8;
	[tilespmem:$0x1FC00] =	vst v63  }
0xbc: {  	_ = 	snop  }
0xbd: {  	[tilespmem:s7], [sflag:$0x3] =	stream.indirect.gather [hbm4b:s1+s31], $0x80, s6, s31, $0xb8;
	[tilespmem:$0x1FC00] =	vst v63  }
0xbe: {  	_ =	swait.ge [sflag:s8], $0x1900  }
0xbf: {  	[sflag:s8] =	ssyncset.done $0x0  }
0xc0: {  	s19 =	simm.s32 $0x3400;
	[sflag:s8] =	ssyncadd.s32 $0xFFFFE700  }
0xc1: {  	[spmem:s2] =	stream.indirect.scatter.add.f32 [tilespmem:s28], [sflag:$0x5], $0x80, s19, s31, $0xb8;
	[tilespmem:$0x1FC00] =	vst v63  }
0xc2: {  	_ =	swait.ge [sflag:s29], $0x1900  }
0xc3: {  	[sflag:s29] =	ssyncset.done $0x0  }
0xc4: {  	s18 =	simm.s32 $0x180;
	[sflag:s29] =	ssyncadd.s32 $0xFFFFE700  }
0xc5: {  	[tilespmem:s28], [sflag:$0x1] =	stream.indirect.gather [hbm4b:s1+s31], $0x80, s18, s31, $0xb8;
	[tilespmem:$0x1FC00] =	vst v63  }
0xc6: {  	_ =	swait.ge [sflag:s9], $0x1900  }
0xc7: {  	[sflag:s9] =	ssyncset.done $0x0  }
0xc8: {  	s19 =	simm.s32 $0x3480;
	[sflag:s9] =	ssyncadd.s32 $0xFFFFE700  }
0xc9: {  	[spmem:s2] =	stream.indirect.scatter.add.f32 [tilespmem:s3], [sflag:$0x5], $0x80, s19, s31, $0xb8;
	[tilespmem:$0x1FC00] =	vst v63  }
0xca: {  	_ =	swait.ge [sflag:s29], $0x1900  }
0xcb: {  	[sflag:s29] =	ssyncset.done $0x0  }
0xcc: {  	s18 =	simm.s32 $0x200;
	[sflag:s29] =	ssyncadd.s32 $0xFFFFE700  }
0xcd: {  	[tilespmem:s3], [sflag:$0x2] =	stream.indirect.gather [hbm4b:s1+s31], $0x80, s18, s31, $0xb8;
	[tilespmem:$0x1FC00] =	vst v63  }
0xce: {  	_ =	swait.ge [sflag:s10], $0x1900  }
0xcf: {  	[sflag:s10] =	ssyncset.done $0x0  }
0xd0: {  	s19 =	simm.s32 $0x3500;
	[sflag:s10] =	ssyncadd.s32 $0xFFFFE700  }
0xd1: {  	[spmem:s2] =	stream.indirect.scatter.add.f32 [tilespmem:s7], [sflag:$0x5], $0x80, s19, s31, $0xb8;
	[tilespmem:$0x1FC00] =	vst v63  }
0xd2: {  	_ =	swait.ge [sflag:s29], $0x1900  }
0xd3: {  	[sflag:s29] =	ssyncset.done $0x0  }
0xd4: {  	s17 =	simm.s32 $0x600;
	s18 =	simm.s32 $0x280;
	[sflag:s29] =	ssyncadd.s32 $0xFFFFE700  }
.LBB2_6:
0xd5: {  	[tilespmem:s7], [sflag:$0x3] =	stream.indirect.gather [hbm4b:s1+s31], $0x80, s18, s31, $0xb8;
	[tilespmem:$0x1FC00] =	vst v63  }
0xd6: {  	s18 =	smov.u32 s17  }
0xd7: {  	p0 =	sne.s32 s17, $0xBA00;
	s17 =	sadd.s32 $0x600, s17;
	_ =	swait.ge [sflag:s8], $0x1900  }
0xd8: {  	s18 =	sshra.s32 s18, $0x2;
	[sflag:s8] =	ssyncset.done $0x0  }
0xd9: {  	s19 =	sadd.s32 $0x3400, s18;
	[sflag:s8] =	ssyncadd.s32 $0xFFFFE700  }
0xda: {  	[spmem:s2] =	stream.indirect.scatter.add.f32 [tilespmem:s28], [sflag:$0x5], $0x80, s19, s31, $0xb8;
	[tilespmem:$0x1FC00] =	vst v63  }
0xdb: {  	_ =	swait.ge [sflag:s29], $0x1900  }
0xdc: {  	[sflag:s29] =	ssyncset.done $0x0  }
0xdd: {  	s19 =	sadd.s32 $0x180, s18;
	[sflag:s29] =	ssyncadd.s32 $0xFFFFE700  }
0xde: {  	[tilespmem:s28], [sflag:$0x1] =	stream.indirect.gather [hbm4b:s1+s31], $0x80, s19, s31, $0xb8;
	[tilespmem:$0x1FC00] =	vst v63  }
0xdf: {  	_ =	swait.ge [sflag:s9], $0x1900  }
0xe0: {  	[sflag:s9] =	ssyncset.done $0x0  }
0xe1: {  	s19 =	sadd.s32 $0x3480, s18;
	[sflag:s9] =	ssyncadd.s32 $0xFFFFE700  }
0xe2: {  	[spmem:s2] =	stream.indirect.scatter.add.f32 [tilespmem:s3], [sflag:$0x5], $0x80, s19, s31, $0xb8;
	[tilespmem:$0x1FC00] =	vst v63  }
0xe3: {  	_ =	swait.ge [sflag:s29], $0x1900  }
0xe4: {  	[sflag:s29] =	ssyncset.done $0x0  }
0xe5: {  	s19 =	sadd.s32 $0x200, s18;
	[sflag:s29] =	ssyncadd.s32 $0xFFFFE700  }
0xe6: {  	[tilespmem:s3], [sflag:$0x2] =	stream.indirect.gather [hbm4b:s1+s31], $0x80, s19, s31, $0xb8;
	[tilespmem:$0x1FC00] =	vst v63  }
0xe7: {  	_ =	swait.ge [sflag:s10], $0x1900  }
0xe8: {  	[sflag:s10] =	ssyncset.done $0x0  }
.Ltmp2:
0xe9: {  	s19 =	sadd.s32 $0x3500, s18;
	[sflag:s10] =	ssyncadd.s32 $0xFFFFE700;
	(pc) =	sbr.rel @p0 .LBB2_6-.Ltmp2, $4  }
0xea: {  	[spmem:s2] =	stream.indirect.scatter.add.f32 [tilespmem:s7], [sflag:$0x5], $0x80, s19, s31, $0xb8;
	[tilespmem:$0x1FC00] =	vst v63  }
0xeb: {  	_ =	swait.ge [sflag:s29], $0x1900  }
0xec: {  	[sflag:s29] =	ssyncset.done $0x0  }
0xed: {  	s18 =	sadd.s32 $0x280, s18;
	[sflag:s29] =	ssyncadd.s32 $0xFFFFE700  }
0xee: {  	[tilespmem:s7], [sflag:$0x3] =	stream.indirect.gather [hbm4b:s1+s31], $0x80, s18, s31, $0xb8;
	[tilespmem:$0x1FC00] =	vst v63  }
0xef: {  	_ =	swait.ge [sflag:s8], $0x1900  }
0xf0: {  	[sflag:s8] =	ssyncset.done $0x0  }
0xf1: {  	[sflag:s8] =	ssyncadd.s32 $0xFFFFE700  }
0xf2: {  	[spmem:s2] =	stream.indirect.scatter.add.f32 [tilespmem:s28], [sflag:$0x5], $0x80, s11, s31, $0xb8;
	[tilespmem:$0x1FC00] =	vst v63  }
0xf3: {  	_ =	swait.ge [sflag:s29], $0x1900  }
0xf4: {  	[sflag:s29] =	ssyncset.done $0x0  }
0xf5: {  	[sflag:s29] =	ssyncadd.s32 $0xFFFFE700  }
0xf6: {  	[tilespmem:s28], [sflag:$0x1] =	stream.indirect.gather [hbm4b:s1+s31], $0x80, s12, s31, $0xb8;
	[tilespmem:$0x1FC00] =	vst v63  }
0xf7: {  	_ =	swait.ge [sflag:s9], $0x1900  }
0xf8: {  	[sflag:s9] =	ssyncset.done $0x0  }
0xf9: {  	[sflag:s9] =	ssyncadd.s32 $0xFFFFE700  }
0xfa: {  	[spmem:s2] =	stream.indirect.scatter.add.f32 [tilespmem:s3], [sflag:$0x5], $0x80, s13, s31, $0xb8;
	[tilespmem:$0x1FC00] =	vst v63  }
0xfb: {  	_ =	swait.ge [sflag:s29], $0x1900  }
0xfc: {  	[sflag:s29] =	ssyncset.done $0x0  }
0xfd: {  	[sflag:s29] =	ssyncadd.s32 $0xFFFFE700  }
0xfe: {  	_ =	swait.ge [sflag:s10], $0x1900  }
0xff: {  	[sflag:s10] =	ssyncset.done $0x0  }
0x100: {  	[sflag:s10] =	ssyncadd.s32 $0xFFFFE700  }
0x101: {  	[spmem:s2] =	stream.indirect.scatter.add.f32 [tilespmem:s7], [sflag:$0x5], $0x80, s14, s31, $0xb8;
	[tilespmem:$0x1FC00] =	vst v63  }
0x102: {  	_ =	swait.ge [sflag:s29], $0x1900  }
0x103: {  	[sflag:s29] =	ssyncset.done $0x0  }
0x104: {  	[sflag:s29] =	ssyncadd.s32 $0xFFFFE700  }
0x105: {  	_ =	swait.ge [sflag:s8], $0x1900  }
0x106: {  	[sflag:s8] =	ssyncset.done $0x0  }
0x107: {  	[sflag:s8] =	ssyncadd.s32 $0xFFFFE700  }
0x108: {  	[spmem:s2] =	stream.indirect.scatter.add.f32 [tilespmem:s28], [sflag:$0x5], $0x80, s15, s31, $0xb8;
	[tilespmem:$0x1FC00] =	vst v63  }
0x109: {  	_ =	swait.ge [sflag:s29], $0x1900  }
0x10a: {  	[sflag:s29] =	ssyncset.done $0x0  }
0x10b: {  	s17 =	stileid.u32;
	[sflag:s29] =	ssyncadd.s32 $0xFFFFE700  }
0x10c: {  	s17 =	sshll.u32 s17, $0x6;
	[bflag:$0x0] =	sbarrier.arrive $0xFFFF  }
0x10d: {  	s18 =	sshrl.u32 s5, $0x3;
	s17 =	sor.u32 $0x1C04, s17;
	s19 =	rddreg [dreg:$0xd]  }
0x10e: {  	[hbm:s19], [sflag:s17] =	dma.local [spmem:s18], $0x800  }
0x10f: {  	s18 =	rddreg [dreg:$0xe]  }
0x110: {  	[hbm:s18], [sflag:s17] =	dma.local [spmem:s22], $0x800  }
0x111: {  	s18 =	rddreg [dreg:$0xf]  }
0x112: {  	[hbm:s18], [sflag:s17] =	dma.local [spmem:s23], $0x800  }
0x113: {  	s18 =	rddreg [dreg:$0x10]  }
0x114: {  	[hbm:s18], [sflag:s17] =	dma.local [spmem:s24], $0x800  }
0x115: {  	s18 =	rddreg [dreg:$0x11]  }
0x116: {  	[hbm:s18], [sflag:s17] =	dma.local [spmem:s25], $0x800  }
0x117: {  	_ =	swait.ge [sflag:s16], $0x800  }
0x118: {  	[sflag:s16] =	ssyncset.done $0x0  }
0x119: {  	[sflag:s16] =	ssyncadd.s32 $0xFFFFF800  }
0x11a: {  	_ =	swait.ge [sflag:s16], $0x800  }
0x11b: {  	[sflag:s16] =	ssyncset.done $0x0  }
0x11c: {  	[sflag:s16] =	ssyncadd.s32 $0xFFFFF800  }
0x11d: {  	_ =	swait.ge [sflag:s16], $0x800  }
0x11e: {  	[sflag:s16] =	ssyncset.done $0x0  }
0x11f: {  	s4 =	sadd.s32 $0x1, s4;
	[sflag:s16] =	ssyncadd.s32 $0xFFFFF800  }
0x120: {  	p0 =	sne.s32 s4, s21;
	_ =	swait.ge [sflag:s16], $0x800  }
.Ltmp3:
0x121: {  	[sflag:s16] =	ssyncset.done $0x0;
	(pc) =	sbr.rel @p0 .LBB2_1-.Ltmp3, $4  }
0x122: {  	[sflag:s16] =	ssyncadd.s32 $0xFFFFF800  }
0x123: {  	_ =	swait.ge [sflag:s16], $0x800  }
0x124: {  	[sflag:s16] =	ssyncset.done $0x0  }
0x125: {  	[sflag:s16] =	ssyncadd.s32 $0xFFFFF800  }
0x126: {  	_ =	sfence.sel $0x180000  }
0x127: {  	[bflag:$0x0] =	sbarrier.arrive $0xFFFF  }
0x128: {  	_ =	strace $0x9000004A  }
0x129: {  	s0 =	stileid.u32;
	[bflag:$0x2] =	sbarrier.arrive $0xFFFF  }
0x12a: {  	p0 =	sne.s32 s0, $0x0;
	s0 =	rddreg [dreg:$0x3]  }
0x12b: {  	s0 =	sadd.s32 @!p0 $0x100000, s0  }
0x12c: {  	[sflag:s0] =	ssyncadd.tile.s32 @!p0 $0x1;
	_ =	shalt  }
.Lfunc_end2:
_tile_overlayer_lowered:
.L_overlay_start_2:
0x12d: {  	(tag) =	ssettag $0x2  }
0x12e: {  	s0 =	rddreg [dreg:$0x0];
	s2 =	stileid.u32  }
0x12f: {  	s1 =	rddreg [dreg:$0x1];
	p0 =	sne.s32 s2, $0x0  }
0x130: {  	s3 =	rddreg [dreg:$0x2];
	[bflag:$0x3] =	sbarrier.arrive $0xFFFF;
	s2 =	simm.s32 @!p0 $0x1C05  }
0x131: {  	[timem:s3], [sflag:s2] =	dma.local @!p0 [hbm:s0], s1  }
0x132: {  	s0 =	simm.s32 @!p0 $0x5  }
0x133: {  	_ =	swait.ge @!p0 [sflag:s0], s1  }
0x134: {  	s1 =	ssub.s32 @!p0 $0x0, s1;
	[sflag:s0] =	ssyncset.done @!p0 $0x0  }
0x135: {  	[sflag:s0] =	ssyncadd.s32 @!p0 s1  }
0x136: {  	[bflag:$0x3] =	sbarrier.arrive $0xFFFF  }
0x137: {  	_ =	shalt  }

// kernel: _impl.14.cloned.1.call-start
scs
__scs_entry_jumppad:
0x0: {  	(pc) =	sbr.rel $0x88, $3  }
0x1: {  	(tag) =	ssettag $0x0;
	lr =	simm.s32 $0x1  }
0x2: {  	[smem:$0x3F9B] =	sst lr;
	_ =	strace $0xD0000000  }
0x3: {  	_ = 	snop  }
0x4: {  	_ = 	snop  }
0x5: {  	_ = 	snop  }
0x6: {  	_ = 	snop  }
0x7: {  	_ = 	snop  }
__scs_overlays_trampoline_lowered:
0x8: {  	[smem:$0x3FAA] =	sst s0  }
0x9: {  	[smem:$0x3FAB] =	sst s1  }
0xa: {  	[smem:$0x3FAC] =	sst s2  }
0xb: {  	[smem:$0x3FAD] =	sst s3  }
0xc: {  	[smem:$0x3FAE] =	sst s4  }
0xd: {  	[smem:$0x3FAF] =	sst s5  }
0xe: {  	[smem:$0x3FB0] =	sst s6  }
0xf: {  	[smem:$0x3FB1] =	sst s7  }
0x10: {  	[smem:$0x3FB2] =	sst s8  }
0x11: {  	[smem:$0x3FB3] =	sst s9;
	s0 =	simm.s32 @!p0 $0x0  }
0x12: {  	s1 =	sld [smem:$0x3F99];
	s0 =	simm.s32 @p0 $0x1  }
0x13: {  	[smem:$0x3FB4] =	sst s0;
	s0 =	simm.s32 @!p1 $0x0  }
0x14: {  	s2 =	sld [smem:$0x3F98];
	s0 =	simm.s32 @p1 $0x1  }
0x15: {  	[smem:$0x3FB5] =	sst s0;
	s0 =	simm.s32 @!p2 $0x0  }
0x16: {  	s3 =	sld [smem:$0x3FDB];
	s0 =	simm.s32 @p2 $0x1  }
0x17: {  	s4 =	simm.s32 $0x1BF5;
	[smem:$0x3FB7] =	sst s0  }
0x18: {  	s0 =	sld [smem:$0x3F9A];
	_ =	swait.ge [sflag:s4], $0x0  }
0x19: {  	s7 =	sld [smem:$0x3F9B]  }
0x1a: {  	s8 =	sadd.s32 $0xFFFFE003, lr  }
0x1b: {  	s9 =	sadd.s32 $0xFFFFFEF7, lr;
	s5 =	simm.s32 $0xFFFFFFFF;
	p2 =	slt.u32 s8, $0xFFFFF086  }
0x1c: {  	p1 =	slt.u32 s9, $0xF7A;
	s5 =	simm.s32 @!p2 $0x0  }
0x1d: {  	s5 =	simm.s32 @p1 $0x1;
	p0 =	seq.s32 s7, s2  }
0x1e: {  	s7 =	smul.u32 @!p0 $0xF7A, s2;
	p2 =	seq.s32 @!p0 s5, $0x0  }
0x1f: {  	s9 =	smul.u32 $0xF7A, s1;
	s8 =	simm.s32 @!p0 $0x1BF5;
	p2 =	por !p2, p0  }
0x20: {  	[sflag:s8] =	ssyncset.s32 @!p0 $0xFFFFF086;
	s6 =	sadd.s32 @!p0 s3, s7;
	s7 =	simm.s32 @!p0 $0x108  }
0x21: {  	s3 =	sadd.s32 s3, s9;
	s6 =	sadd.s32 @!p0 $0x88, s6;
	s7 =	simm.s32 @p2 $0x1082  }
0x22: {  	[simem:s7], [sflag:s8] =	dma.local @!p0 [hbm:s6], $0xF7A  }
0x23: {  	s9 =	sor.u32 $0xD0000000, s2;
	s6 =	simm.s32 $0x108;
	_ =	swait.ge @!p0 [sflag:s8], $0x0  }
0x24: {  	s3 =	sadd.s32 $0x88, s3;
	s6 =	simm.s32 @!p1 $0x1082;
	[sflag:s4] =	ssyncset.s32 $0xFFFFF086  }
0x25: {  	[simem:s6], [sflag:s4] =	dma.local [hbm:s3], $0xF7A  }
0x26: {  	[smem:$0x3F9B] =	sst s1;
	(tag) =	ssettag s2;
	_ =	strace s9  }
0x27: {  	s1 =	sld [smem:$0x3FAB]  }
0x28: {  	s2 =	sld [smem:$0x3FAC]  }
0x29: {  	s4 =	sld [smem:$0x3FAE]  }
0x2a: {  	p0 =	seq.s32 s5, $0x0;
	s5 =	sld [smem:$0x3FAF]  }
0x2b: {  	s6 =	sld [smem:$0x3FB0]  }
0x2c: {  	s7 =	sld [smem:$0x3FB1]  }
0x2d: {  	s3 =	simm.s32 $0x108;
	s8 =	sld [smem:$0x3FB2]  }
0x2e: {  	s3 =	simm.s32 @!p0 $0x1082;
	s9 =	sld [smem:$0x3FB3]  }
0x2f: {  	lr =	sadd.s32 s0, s3;
	s0 =	sld [smem:$0x3FAA]  }
0x30: {  	s3 =	sld [smem:$0x3FAD]  }
0x31: {  	[smem:$0x3FB6] =	sst s10  }
0x32: {  	s10 =	sld [smem:$0x3FB4];
	_ =	sdelay $0x3  }
0x33: {  	p0 =	seq.s32 s10, $0x1;
	s10 =	sld [smem:$0x3FB6];
	_ =	sdelay $0x3  }
0x34: {  	[smem:$0x3FB6] =	sst s10  }
0x35: {  	s10 =	sld [smem:$0x3FB5];
	_ =	sdelay $0x3  }
0x36: {  	p1 =	seq.s32 s10, $0x1;
	s10 =	sld [smem:$0x3FB6];
	_ =	sdelay $0x3  }
0x37: {  	[smem:$0x3FB6] =	sst s10  }
0x38: {  	s10 =	sld [smem:$0x3FB7]  }
0x39: {  	_ = 	snop;
	(pc) =	sbr.ind lr, $3  }
0x3a: {  	_ = 	snop  }
0x3b: {  	_ = 	snop  }
0x3c: {  	p2 =	seq.s32 s10, $0x1;
	s10 =	sld [smem:$0x3FB6]  }
0x3d: {  	_ =	shalt  }
0x3e: {  	_ =	shalt  }
0x3f: {  	_ =	shalt  }
0x40: {  	_ =	shalt  }
0x41: {  	_ =	shalt  }
0x42: {  	_ =	shalt  }
0x43: {  	_ =	shalt  }
0x44: {  	_ =	shalt  }
0x45: {  	_ =	shalt  }
0x46: {  	_ =	shalt  }
0x47: {  	_ =	shalt  }
0x48: {  	_ =	shalt  }
0x49: {  	_ =	shalt  }
0x4a: {  	_ =	shalt  }
0x4b: {  	_ =	shalt  }
0x4c: {  	_ =	shalt  }
0x4d: {  	_ =	shalt  }
0x4e: {  	_ =	shalt  }
0x4f: {  	_ =	shalt  }
0x50: {  	_ =	shalt  }
0x51: {  	_ =	shalt  }
0x52: {  	_ =	shalt  }
0x53: {  	_ =	shalt  }
0x54: {  	_ =	shalt  }
0x55: {  	_ =	shalt  }
0x56: {  	_ =	shalt  }
0x57: {  	_ =	shalt  }
0x58: {  	_ =	shalt  }
0x59: {  	_ =	shalt  }
0x5a: {  	_ =	shalt  }
0x5b: {  	_ =	shalt  }
0x5c: {  	_ =	shalt  }
0x5d: {  	_ =	shalt  }
0x5e: {  	_ =	shalt  }
0x5f: {  	_ =	shalt  }
0x60: {  	_ =	shalt  }
0x61: {  	_ =	shalt  }
0x62: {  	_ =	shalt  }
0x63: {  	_ =	shalt  }
0x64: {  	_ =	shalt  }
0x65: {  	_ =	shalt  }
0x66: {  	_ =	shalt  }
0x67: {  	_ =	shalt  }
0x68: {  	_ =	shalt  }
0x69: {  	_ =	shalt  }
0x6a: {  	_ =	shalt  }
0x6b: {  	_ =	shalt  }
0x6c: {  	_ =	shalt  }
0x6d: {  	_ =	shalt  }
0x6e: {  	_ =	shalt  }
0x6f: {  	_ =	shalt  }
0x70: {  	_ =	shalt  }
0x71: {  	_ =	shalt  }
0x72: {  	_ =	shalt  }
0x73: {  	_ =	shalt  }
0x74: {  	_ =	shalt  }
0x75: {  	_ =	shalt  }
0x76: {  	_ =	shalt  }
0x77: {  	_ =	shalt  }
0x78: {  	_ =	shalt  }
0x79: {  	_ =	shalt  }
0x7a: {  	_ =	shalt  }
0x7b: {  	_ =	shalt  }
0x7c: {  	_ =	shalt  }
0x7d: {  	_ =	shalt  }
0x7e: {  	_ =	shalt  }
0x7f: {  	_ =	shalt  }
0x80: {  	_ =	shalt  }
0x81: {  	_ =	shalt  }
0x82: {  	_ =	shalt  }
0x83: {  	_ =	shalt  }
0x84: {  	_ =	shalt  }
0x85: {  	_ =	shalt  }
0x86: {  	_ =	shalt  }
0x87: {  	_ =	shalt  }
.Lfunc_end0:
.L_simem_size_0:
called_computation.2_lowered:
.L_overlay_start_0:
0x88: {  	s2 =	sld [smem:$0x3FD9]  }
0x89: {  	s3 =	sld [smem:$0x3FFE];
	_ =	sdelay $0x1  }
0x8a: {  	s1 =	srdreg.scid  }
0x8b: {  	s0 =	sand.u32 $0x1, s1  }
0x8c: {  	s17 =	sshll.u32 s0, $0xA;
	s2 =	sadd.s32 s3, s2  }
0x8d: {  	s2 =	sadd.s32 s2, s17  }
0x8e: {  	[smem:$0x3FC2] =	sst s2  }
0x8f: {  	_ = 	snop  }
0x90: {  	s2 =	sld [smem:$0x3FD0];
	(tm) =	ssettm $0x1  }
0x91: {  	s18 =	sld [smem:$0x3FFB];
	_ =	sdelay $0x3  }
0x92: {  	_ =	strace s18  }
0x93: {  	s3 =	sld [smem:$0x3FFC];
	_ =	sdelay $0x3  }
0x94: {  	_ =	strace s3  }
0x95: {  	s3 =	sld [smem:$0x3FFD];
	_ =	sdelay $0x3  }
0x96: {  	_ =	strace s3  }
0x97: {  	_ =	strace $0x8FFFFFFF  }
0x98: {  	s19 =	sld [smem:$0x3FDB];
	_ =	sdelay $0x1  }
0x99: {  	s4 =	simm.s32 $_scs_section_size  }
0x9a: {  	s5 =	simm.s32 $_size__tile_overlayer_lowered;
	s6 =	simm.s32 $_tile_overlayer_lowered  }
0x9b: {  	s22 =	simm.s32 $0x1BFF;
	s21 =	sshll.u32 s6, $0x1;
	s3 =	sadd.s32 s4, s19  }
0x9c: {  	s7 =	simm.s32 $0x0;
	s20 =	sshll.u32 s5, $0x1;
	s5 =	sadd.s32 s21, s3  }
0x9d: {  	[timem:s7], [sflag:s22] =	dma.local [hbm:s5], s20  }
0x9e: {  	_ =	swait.ge [sflag:s22], s20  }
0x9f: {  	s4 =	ssub.s32 $0x0, s20;
	[sflag:s22] =	ssyncset.done $0x0  }
0xa0: {  	[sflag:s22] =	ssyncadd.s32 s4;
	_ =	sdelay $0x1  }
0xa1: {  	s23 =	simm.s32 $0x1B8B  }
0xa2: {  	_ =	swait.ge [sflag:s23], $0x1  }
0xa3: {  	[sflag:s23] =	ssyncset.done $0x0  }
0xa4: {  	s25 =	simm.s32 $0x1B8E;
	s24 =	sld [smem:$0x3FFE];
	[sflag:s23] =	ssyncadd.s32 $0xFFFFFFFF  }
0xa5: {  	s26 =	simm.s32 $execute0_lowered;
	[smem:$0x3FD2] =	sst s25  }
0xa6: {  	s5 =	sshll.u32 s26, $0x1;
	_ =	strace $0x8000004C;
	[dreg:$0x1] =	wrdreg $0xFFFFFFFF  }
0xa7: {  	s28 =	simm.s32 $_size_execute0_lowered;
	s3 =	sadd.s32 s3, s5;
	[dreg:$0x0] =	wrdreg $0x0  }
0xa8: {  	s5 =	sshll.u32 s28, $0x1;
	[dreg:$0x2] =	wrdreg s3  }
0xa9: {  	[dreg:$0x3] =	wrdreg s5  }
0xaa: {  	[dreg:$0x4] =	wrdreg $0xC0  }
0xab: {  	_ =	task [dreg:s7], $0x5FFFF  }
0xac: {  	[dreg:$0x1] =	wrdreg $0xFFFFFFFF  }
0xad: {  	[dreg:$0x0] =	wrdreg $0x60  }
0xae: {  	[dreg:$0x2] =	wrdreg s2  }
0xaf: {  	[dreg:$0x3] =	wrdreg s24  }
0xb0: {  	[dreg:$0x4] =	wrdreg $0xBC000  }
0xb1: {  	[dreg:$0x5] =	wrdreg $0x9  }
0xb2: {  	_ =	task.clear_ibuf [dreg:s7], $0x6FFFF;
	_ =	strace $0x9000004C  }
0xb3: {  	s29 =	simm.s32 $0x9;
	_ =	strace $0x8000004E  }
0xb4: {  	_ =	swait.ge [sflag:s29], $0x1  }
0xb5: {  	[sflag:s29] =	ssyncadd.s32 $0xFFFFFFFF  }
0xb6: {  	_ =	strace $0x9000004E  }
0xb7: {  	_ =	sfence  }
0xb8: {  	s30 =	sld [smem:$0x0];
	_ =	sdelay $0x2  }
0xb9: {  	s31 =	sshll.u32 s1, $0xD;
	s1 =	sshrl.u32 s1, $0x2  }
0xba: {  	s3 =	sand.u32 $0x4000, s31;
	s1 =	sadd.s32 s1, s30  }
0xbb: {  	s0 =	sor.u32 s3, s0;
	s1 =	sshll.u32 s1, $0x11  }
0xbc: {  	s0 =	sor.u32 s1, s0  }
0xbd: {  	s0 =	sadd.s32 $0x8F2B, s0  }
0xbe: {  	[sflag:s0] =	ssyncadd.remote.s32 $0x1  }
0xbf: {  	_ =	sfence.sel $0xFFFF  }
0xc0: {  	[dreg:$0x0] =	wrdreg $0xFFFFFFFF;
	(pc) =	sbr.abs _section_cstart, $3  }
0xc1: {  	[dreg:$0x1] =	wrdreg $0xFFFFFFFF  }
0xc2: {  	_ =	task.clear_ibuf [dreg:s7], $0x2FFFF;
	_ =	strace $0x9FFFFFFF  }
0xc3: {  	(tm) =	ssettm $0x7FFFFFFF  }
tec
execute0_lowered:
.L_overlay_start_1:
0x0: {  	(tag) =	ssettag $0x1  }
0x1: {  	s1 =	rddreg [dreg:$0x0]  }
0x2: {  	s0 =	rddreg [dreg:$0x1]  }
0x3: {  	s2 =	rddreg [dreg:$0x2];
	s4 =	simm.s32 $0x0  }
0x4: {  	s3 =	srdreg.scid;
	s12 =	stileid.u32;
	s28 =	simm.s32 $0x6800  }
0x5: {  	s29 =	simm.s32 $0x5;
	s30 =	simm.s32 $0x3400;
	s31 =	simm.s32 $0x32  }
0x6: {  	[smem:$0x7FF] =	sst s4;
	s6 =	sadd.s32 $0x1BC00, s0;
	s3 =	sand.u32 $0x1, s3  }
0x7: {  	s5 =	smul.u32 $0x50000, s12;
	s7 =	sadd.s32 $0x1C00, s0;
	s0 =	sadd.s32 $0x35C00, s0  }
0x8: {  	s9 =	sshll.u32 s12, $0x2;
	s24 =	smul.u32 $0x14000, s12;
	s12 =	simm.s32 $0x3180  }
0x9: {  	_ =	strace $0x8000004D;
	s8 =	ssub.s32 $0x2, s3;
	s10 =	sshll.u32 s3, $0x1  }
0xa: {  	s3 =	smul.u32 $0x140000, s3;
	s5 =	sshrl.u32 s5, $0x2;
	s11 =	sshrl.u32 s8, $0x1  }
0xb: {  	s9 =	sor.u32 s10, s9;
	s26 =	sadd.s32 $0x4000, s24;
	s17 =	sadd.s32 $0x8000, s24  }
0xc: {  	s5 =	sadd.s32 s5, s2;
	s8 =	ssub.s32 s8, s11;
	s19 =	smul.u32 $0x680, s9  }
0xd: {  	s9 =	smul.u32 $0x3400, s9;
	s13 =	sadd.s32 s24, s3;
	s18 =	sadd.s32 $0x2800, s5  }
0xe: {  	s14 =	sadd.s32 s3, s26;
	s20 =	sadd.s32 $0x5000, s5;
	[dreg:$0x4] =	wrdreg s18  }
0xf: {  	s11 =	sadd.s32 $0x10000, s24;
	s21 =	sadd.s32 $0x7800, s5;
	[dreg:$0x5] =	wrdreg s20  }
0x10: {  	s22 =	sadd.s32 $0xA000, s5;
	s23 =	sadd.s32 $0xC800, s5;
	[dreg:$0x6] =	wrdreg s21  }
0x11: {  	s15 =	sshrl.u32 s14, $0x3;
	s14 =	simm.s32 $0x6500;
	[dreg:$0x7] =	wrdreg s22  }
0x12: {  	[dreg:$0x8] =	wrdreg s23;
	s25 =	sadd.s32 s6, s19;
	s9 =	sshrl.u32 s9, $0x3  }
0x13: {  	s10 =	sadd.s32 s7, s19;
	s16 =	sadd.s32 s0, s15;
	s18 =	sadd.s32 s3, s17  }
0x14: {  	s19 =	sadd.s32 $0xC000, s24;
	s20 =	sadd.s32 $0xF000, s5;
	s23 =	sadd.s32 s26, s2  }
0x15: {  	s24 =	sadd.s32 s17, s2;
	s26 =	sadd.s32 s11, s2;
	[dreg:$0x9] =	wrdreg s25  }
0x16: {  	s15 =	simm.s32 $0x6580;
	[dreg:$0xa] =	wrdreg s10;
	s9 =	sadd.s32 $0x680, s9  }
0x17: {  	[dreg:$0xe] =	wrdreg s16;
	s21 =	sadd.s32 s3, s19;
	s3 =	sadd.s32 s3, s11  }
0x18: {  	s25 =	sadd.s32 s19, s2;
	s10 =	simm.s32 $0x3;
	s11 =	simm.s32 $0x6400  }
0x19: {  	s16 =	simm.s32 $0x4;
	s6 =	sadd.s32 s6, s9;
	s7 =	sadd.s32 s7, s9  }
0x1a: {  	s22 =	sshrl.u32 s21, $0x3;
	s3 =	sshrl.u32 s3, $0x3;
	s21 =	smax.u32 s8, $0x1  }
0x1b: {  	s8 =	simm.s32 $0x1;
	[dreg:$0xb] =	wrdreg s6;
	s6 =	sshrl.u32 s13, $0x3  }
0x1c: {  	[dreg:$0xc] =	wrdreg s7;
	s7 =	sshrl.u32 s18, $0x3;
	s6 =	sadd.s32 s0, s6  }
0x1d: {  	s9 =	simm.s32 $0x2;
	s7 =	sadd.s32 s0, s7;
	[dreg:$0xd] =	wrdreg s6  }
0x1e: {  	s13 =	simm.s32 $0x6480;
	[dreg:$0xf] =	wrdreg s7;
	s7 =	sadd.s32 s0, s22  }
0x1f: {  	s0 =	sadd.s32 s0, s3;
	s22 =	sshrl.u32 s23, $0x3;
	s23 =	sshrl.u32 s24, $0x3  }
0x20: {  	s24 =	sshrl.u32 s25, $0x3;
	s25 =	sshrl.u32 s26, $0x3;
	s26 =	sadd.s32 $0x11800, s5  }
0x21: {  	s3 =	simm.s32 $0x8400;
	s6 =	simm.s32 $0x100;
	[dreg:$0x10] =	wrdreg s7  }
0x22: {  	v0 =	vimm.f32 $0.0e+00;
	[dreg:$0x11] =	wrdreg s0;
	s0 =	simm.s32 $0x80;
	s7 =	simm.s32 $0xA000  }
.LBB2_1:
0x23: {  	s17 =	simm.s32 $0x0;
	s18 =	simm.s32 $0x200  }
.LBB2_2:
0x24: {  	p0 =	sne.s32 s18, $0x9E00;
	[tilespmem:s17+$0x6870] =	vst v0  }
0x25: {  	[tilespmem:s17+$0x6800] =	vst v0  }
0x26: {  	[tilespmem:s17+$0x6810] =	vst v0  }
.Ltmp0:
0x27: {  	[tilespmem:s17+$0x6820] =	vst v0;
	(pc) =	sbr.rel @p0 .LBB2_2-.Ltmp0, $4  }
0x28: {  	[tilespmem:s17+$0x6830] =	vst v0  }
0x29: {  	[tilespmem:s17+$0x6840] =	vst v0  }
0x2a: {  	[tilespmem:s17+$0x6850] =	vst v0  }
0x2b: {  	[tilespmem:s17+$0x6860] =	vst v0;
	s17 =	sshra.s32 s18, $0x2;
	s18 =	sadd.s32 $0x200, s18  }
0x2c: {  	[tilespmem:s17+$0x6870] =	vst v0  }
0x2d: {  	[tilespmem:s17+$0x6800] =	vst v0  }
0x2e: {  	[tilespmem:s17+$0x6810] =	vst v0  }
0x2f: {  	[tilespmem:s17+$0x6820] =	vst v0  }
0x30: {  	[tilespmem:s17+$0x6830] =	vst v0  }
0x31: {  	[tilespmem:s17+$0x6840] =	vst v0  }
0x32: {  	[tilespmem:s17+$0x6850] =	vst v0  }
0x33: {  	[tilespmem:s17+$0x6860] =	vst v0  }
0x34: {  	[spmem:s5] =	stream.linear.scatter [tilespmem:s28], [sflag:$0x5], $0x2800, $0x38;
	[tilespmem:$0x1FC00] =	vst v63  }
0x35: {  	_ =	swait.ge [sflag:s29], $0x2800  }
0x36: {  	[sflag:s29] =	ssyncset.done $0x0  }
0x37: {  	s18 =	rddreg [dreg:$0x4];
	[sflag:s29] =	ssyncadd.s32 $0xFFFFD800  }
0x38: {  	[spmem:s18] =	stream.linear.scatter [tilespmem:s28], [sflag:$0x5], $0x2800, $0x38;
	[tilespmem:$0x1FC00] =	vst v63  }
0x39: {  	_ =	swait.ge [sflag:s29], $0x2800  }
0x3a: {  	[sflag:s29] =	ssyncset.done $0x0  }
0x3b: {  	s19 =	rddreg [dreg:$0x5];
	[sflag:s29] =	ssyncadd.s32 $0xFFFFD800  }
0x3c: {  	[spmem:s19] =	stream.linear.scatter [tilespmem:s28], [sflag:$0x5], $0x2800, $0x38;
	[tilespmem:$0x1FC00] =	vst v63  }
0x3d: {  	_ =	swait.ge [sflag:s29], $0x2800  }
0x3e: {  	[sflag:s29] =	ssyncset.done $0x0  }
0x3f: {  	s18 =	rddreg [dreg:$0x6];
	[sflag:s29] =	ssyncadd.s32 $0xFFFFD800  }
0x40: {  	[spmem:s18] =	stream.linear.scatter [tilespmem:s28], [sflag:$0x5], $0x2800, $0x38;
	[tilespmem:$0x1FC00] =	vst v63  }
0x41: {  	_ =	swait.ge [sflag:s29], $0x2800  }
0x42: {  	[sflag:s29] =	ssyncset.done $0x0  }
0x43: {  	s19 =	rddreg [dreg:$0x7];
	[sflag:s29] =	ssyncadd.s32 $0xFFFFD800  }
0x44: {  	[spmem:s19] =	stream.linear.scatter [tilespmem:s28], [sflag:$0x5], $0x2800, $0x38;
	[tilespmem:$0x1FC00] =	vst v63  }
0x45: {  	_ =	swait.ge [sflag:s29], $0x2800  }
0x46: {  	[sflag:s29] =	ssyncset.done $0x0  }
0x47: {  	s18 =	rddreg [dreg:$0x8];
	[sflag:s29] =	ssyncadd.s32 $0xFFFFD800  }
0x48: {  	[spmem:s18] =	stream.linear.scatter [tilespmem:s28], [sflag:$0x5], $0x2800, $0x38;
	[tilespmem:$0x1FC00] =	vst v63  }
0x49: {  	_ =	swait.ge [sflag:s29], $0x2800  }
0x4a: {  	[sflag:s29] =	ssyncset.done $0x0  }
0x4b: {  	[sflag:s29] =	ssyncadd.s32 $0xFFFFD800  }
0x4c: {  	[spmem:s20] =	stream.linear.scatter [tilespmem:s28], [sflag:$0x5], $0x2800, $0x38;
	[tilespmem:$0x1FC00] =	vst v63  }
0x4d: {  	_ =	swait.ge [sflag:s29], $0x2800  }
0x4e: {  	[sflag:s29] =	ssyncset.done $0x0  }
0x4f: {  	[sflag:s29] =	ssyncadd.s32 $0xFFFFD800  }
0x50: {  	[spmem:s26] =	stream.linear.scatter [tilespmem:s28], [sflag:$0x5], $0x2800, $0x38;
	[tilespmem:$0x1FC00] =	vst v63  }
0x51: {  	_ =	swait.ge [sflag:s29], $0x2800  }
0x52: {  	[sflag:s29] =	ssyncset.done $0x0  }
0x53: {  	[sflag:s29] =	ssyncadd.s32 $0xFFFFD800  }
0x54: {  	[bflag:$0x0] =	sbarrier.arrive $0xFFFF  }
0x55: {  	s17 =	simm.s32 $0x0;
	s18 =	rddreg [dreg:$0x9]  }
0x56: {  	[tilespmem:s17], [sflag:$0x5] =	stream.linear.gather [hbm4b:s18+s17], $0x3200, $0x38;
	[tilespmem:$0x1FC00] =	vst v63  }
0x57: {  	_ =	swait.ge [sflag:s29], $0x3200  }
0x58: {  	[sflag:s29] =	ssyncset.done $0x0  }
0x59: {  	s19 =	rddreg [dreg:$0xa];
	[sflag:s29] =	ssyncadd.s32 $0xFFFFCE00  }
0x5a: {  	[tilespmem:s30], [sflag:$0x5] =	stream.linear.gather [hbm4b:s19+s17], $0x3200, $0x38;
	[tilespmem:$0x1FC00] =	vst v63  }
0x5b: {  	_ =	swait.ge [sflag:s29], $0x3200  }
0x5c: {  	[sflag:s29] =	ssyncset.done $0x0  }
0x5d: {  	[sflag:s29] =	ssyncadd.s32 $0xFFFFCE00  }
0x5e: {  	[tilespmem:s28], [sflag:$0x1] =	stream.indirect.gather [hbm4b:s1+s31], $0x80, s17, s31, $0xb8;
	[tilespmem:$0x1FC00] =	vst v63  }
0x5f: {  	_ = 	snop  }
0x60: {  	[tilespmem:s3], [sflag:$0x2] =	stream.indirect.gather [hbm4b:s1+s31], $0x80, s0, s31, $0xb8;
	[tilespmem:$0x1FC00] =	vst v63  }
0x61: {  	_ = 	snop  }
0x62: {  	[tilespmem:s7], [sflag:$0x3] =	stream.indirect.gather [hbm4b:s1+s31], $0x80, s6, s31, $0xb8;
	[tilespmem:$0x1FC00] =	vst v63  }
0x63: {  	_ =	swait.ge [sflag:s8], $0x1900  }
0x64: {  	[sflag:s8] =	ssyncset.done $0x0  }
0x65: {  	s19 =	simm.s32 $0x3400;
	[sflag:s8] =	ssyncadd.s32 $0xFFFFE700  }
0x66: {  	[spmem:s2] =	stream.indirect.scatter.add.f32 [tilespmem:s28], [sflag:$0x5], $0x80, s19, s31, $0xb8;
	[tilespmem:$0x1FC00] =	vst v63  }
0x67: {  	_ =	swait.ge [sflag:s29], $0x1900  }
0x68: {  	[sflag:s29] =	ssyncset.done $0x0  }
0x69: {  	s18 =	simm.s32 $0x180;
	[sflag:s29] =	ssyncadd.s32 $0xFFFFE700  }
0x6a: {  	[tilespmem:s28], [sflag:$0x1] =	stream.indirect.gather [hbm4b:s1+s31], $0x80, s18, s31, $0xb8;
	[tilespmem:$0x1FC00] =	vst v63  }
0x6b: {  	_ =	swait.ge [sflag:s9], $0x1900  }
0x6c: {  	[sflag:s9] =	ssyncset.done $0x0  }
0x6d: {  	s19 =	simm.s32 $0x3480;
	[sflag:s9] =	ssyncadd.s32 $0xFFFFE700  }
0x6e: {  	[spmem:s2] =	stream.indirect.scatter.add.f32 [tilespmem:s3], [sflag:$0x5], $0x80, s19, s31, $0xb8;
	[tilespmem:$0x1FC00] =	vst v63  }
0x6f: {  	_ =	swait.ge [sflag:s29], $0x1900  }
0x70: {  	[sflag:s29] =	ssyncset.done $0x0  }
0x71: {  	s18 =	simm.s32 $0x200;
	[sflag:s29] =	ssyncadd.s32 $0xFFFFE700  }
0x72: {  	[tilespmem:s3], [sflag:$0x2] =	stream.indirect.gather [hbm4b:s1+s31], $0x80, s18, s31, $0xb8;
	[tilespmem:$0x1FC00] =	vst v63  }
0x73: {  	_ =	swait.ge [sflag:s10], $0x1900  }
0x74: {  	[sflag:s10] =	ssyncset.done $0x0  }
0x75: {  	s19 =	simm.s32 $0x3500;
	[sflag:s10] =	ssyncadd.s32 $0xFFFFE700  }
0x76: {  	[spmem:s2] =	stream.indirect.scatter.add.f32 [tilespmem:s7], [sflag:$0x5], $0x80, s19, s31, $0xb8;
	[tilespmem:$0x1FC00] =	vst v63  }
0x77: {  	_ =	swait.ge [sflag:s29], $0x1900  }
0x78: {  	[sflag:s29] =	ssyncset.done $0x0  }
0x79: {  	s17 =	simm.s32 $0x600;
	s18 =	simm.s32 $0x280;
	[sflag:s29] =	ssyncadd.s32 $0xFFFFE700  }
.LBB2_4:
0x7a: {  	[tilespmem:s7], [sflag:$0x3] =	stream.indirect.gather [hbm4b:s1+s31], $0x80, s18, s31, $0xb8;
	[tilespmem:$0x1FC00] =	vst v63  }
0x7b: {  	s18 =	smov.u32 s17  }
0x7c: {  	p0 =	sne.s32 s17, $0xBA00;
	s17 =	sadd.s32 $0x600, s17;
	_ =	swait.ge [sflag:s8], $0x1900  }
0x7d: {  	s18 =	sshra.s32 s18, $0x2;
	[sflag:s8] =	ssyncset.done $0x0  }
0x7e: {  	s19 =	sadd.s32 $0x3400, s18;
	[sflag:s8] =	ssyncadd.s32 $0xFFFFE700  }
0x7f: {  	[spmem:s2] =	stream.indirect.scatter.add.f32 [tilespmem:s28], [sflag:$0x5], $0x80, s19, s31, $0xb8;
	[tilespmem:$0x1FC00] =	vst v63  }
0x80: {  	_ =	swait.ge [sflag:s29], $0x1900  }
0x81: {  	[sflag:s29] =	ssyncset.done $0x0  }
0x82: {  	s19 =	sadd.s32 $0x180, s18;
	[sflag:s29] =	ssyncadd.s32 $0xFFFFE700  }
0x83: {  	[tilespmem:s28], [sflag:$0x1] =	stream.indirect.gather [hbm4b:s1+s31], $0x80, s19, s31, $0xb8;
	[tilespmem:$0x1FC00] =	vst v63  }
0x84: {  	_ =	swait.ge [sflag:s9], $0x1900  }
0x85: {  	[sflag:s9] =	ssyncset.done $0x0  }
0x86: {  	s19 =	sadd.s32 $0x3480, s18;
	[sflag:s9] =	ssyncadd.s32 $0xFFFFE700  }
0x87: {  	[spmem:s2] =	stream.indirect.scatter.add.f32 [tilespmem:s3], [sflag:$0x5], $0x80, s19, s31, $0xb8;
	[tilespmem:$0x1FC00] =	vst v63  }
0x88: {  	_ =	swait.ge [sflag:s29], $0x1900  }
0x89: {  	[sflag:s29] =	ssyncset.done $0x0  }
0x8a: {  	s19 =	sadd.s32 $0x200, s18;
	[sflag:s29] =	ssyncadd.s32 $0xFFFFE700  }
0x8b: {  	[tilespmem:s3], [sflag:$0x2] =	stream.indirect.gather [hbm4b:s1+s31], $0x80, s19, s31, $0xb8;
	[tilespmem:$0x1FC00] =	vst v63  }
0x8c: {  	_ =	swait.ge [sflag:s10], $0x1900  }
0x8d: {  	[sflag:s10] =	ssyncset.done $0x0  }
.Ltmp1:
0x8e: {  	s19 =	sadd.s32 $0x3500, s18;
	[sflag:s10] =	ssyncadd.s32 $0xFFFFE700;
	(pc) =	sbr.rel @p0 .LBB2_4-.Ltmp1, $4  }
0x8f: {  	[spmem:s2] =	stream.indirect.scatter.add.f32 [tilespmem:s7], [sflag:$0x5], $0x80, s19, s31, $0xb8;
	[tilespmem:$0x1FC00] =	vst v63  }
0x90: {  	_ =	swait.ge [sflag:s29], $0x1900  }
0x91: {  	[sflag:s29] =	ssyncset.done $0x0  }
0x92: {  	s18 =	sadd.s32 $0x280, s18;
	[sflag:s29] =	ssyncadd.s32 $0xFFFFE700  }
0x93: {  	[tilespmem:s7], [sflag:$0x3] =	stream.indirect.gather [hbm4b:s1+s31], $0x80, s18, s31, $0xb8;
	[tilespmem:$0x1FC00] =	vst v63  }
0x94: {  	_ =	swait.ge [sflag:s8], $0x1900  }
0x95: {  	[sflag:s8] =	ssyncset.done $0x0  }
0x96: {  	[sflag:s8] =	ssyncadd.s32 $0xFFFFE700  }
0x97: {  	[spmem:s2] =	stream.indirect.scatter.add.f32 [tilespmem:s28], [sflag:$0x5], $0x80, s11, s31, $0xb8;
	[tilespmem:$0x1FC00] =	vst v63  }
0x98: {  	_ =	swait.ge [sflag:s29], $0x1900  }
0x99: {  	[sflag:s29] =	ssyncset.done $0x0  }
0x9a: {  	[sflag:s29] =	ssyncadd.s32 $0xFFFFE700  }
0x9b: {  	[tilespmem:s28], [sflag:$0x1] =	stream.indirect.gather [hbm4b:s1+s31], $0x80, s12, s31, $0xb8;
	[tilespmem:$0x1FC00] =	vst v63  }
0x9c: {  	_ =	swait.ge [sflag:s9], $0x1900  }
0x9d: {  	[sflag:s9] =	ssyncset.done $0x0  }
0x9e: {  	[sflag:s9] =	ssyncadd.s32 $0xFFFFE700  }
0x9f: {  	[spmem:s2] =	stream.indirect.scatter.add.f32 [tilespmem:s3], [sflag:$0x5], $0x80, s13, s31, $0xb8;
	[tilespmem:$0x1FC00] =	vst v63  }
0xa0: {  	_ =	swait.ge [sflag:s29], $0x1900  }
0xa1: {  	[sflag:s29] =	ssyncset.done $0x0  }
0xa2: {  	[sflag:s29] =	ssyncadd.s32 $0xFFFFE700  }
0xa3: {  	_ =	swait.ge [sflag:s10], $0x1900  }
0xa4: {  	[sflag:s10] =	ssyncset.done $0x0  }
0xa5: {  	[sflag:s10] =	ssyncadd.s32 $0xFFFFE700  }
0xa6: {  	[spmem:s2] =	stream.indirect.scatter.add.f32 [tilespmem:s7], [sflag:$0x5], $0x80, s14, s31, $0xb8;
	[tilespmem:$0x1FC00] =	vst v63  }
0xa7: {  	_ =	swait.ge [sflag:s29], $0x1900  }
0xa8: {  	[sflag:s29] =	ssyncset.done $0x0  }
0xa9: {  	[sflag:s29] =	ssyncadd.s32 $0xFFFFE700  }
0xaa: {  	_ =	swait.ge [sflag:s8], $0x1900  }
0xab: {  	[sflag:s8] =	ssyncset.done $0x0  }
0xac: {  	[sflag:s8] =	ssyncadd.s32 $0xFFFFE700  }
0xad: {  	[spmem:s2] =	stream.indirect.scatter.add.f32 [tilespmem:s28], [sflag:$0x5], $0x80, s15, s31, $0xb8;
	[tilespmem:$0x1FC00] =	vst v63  }
0xae: {  	_ =	swait.ge [sflag:s29], $0x1900  }
0xaf: {  	[sflag:s29] =	ssyncset.done $0x0  }
0xb0: {  	s17 =	simm.s32 $0x0;
	s19 =	rddreg [dreg:$0xb];
	[sflag:s29] =	ssyncadd.s32 $0xFFFFE700  }
0xb1: {  	[tilespmem:s17], [sflag:$0x5] =	stream.linear.gather [hbm4b:s19+s17], $0x3200, $0x38;
	[tilespmem:$0x1FC00] =	vst v63  }
0xb2: {  	_ =	swait.ge [sflag:s29], $0x3200  }
0xb3: {  	[sflag:s29] =	ssyncset.done $0x0  }
0xb4: {  	s19 =	rddreg [dreg:$0xc];
	[sflag:s29] =	ssyncadd.s32 $0xFFFFCE00  }
0xb5: {  	[tilespmem:s30], [sflag:$0x5] =	stream.linear.gather [hbm4b:s19+s17], $0x3200, $0x38;
	[tilespmem:$0x1FC00] =	vst v63  }
0xb6: {  	_ =	swait.ge [sflag:s29], $0x3200  }
0xb7: {  	[sflag:s29] =	ssyncset.done $0x0  }
0xb8: {  	[sflag:s29] =	ssyncadd.s32 $0xFFFFCE00  }
0xb9: {  	[tilespmem:s28], [sflag:$0x1] =	stream.indirect.gather [hbm4b:s1+s31], $0x80, s17, s31, $0xb8;
	[tilespmem:$0x1FC00] =	vst v63  }
0xba: {  	_ = 	snop  }
0xbb: {  	[tilespmem:s3], [sflag:$0x2] =	stream.indirect.gather [hbm4b:s1+s31], $0x80, s0, s31, $0xb8;
	[tilespmem:$0x1FC00] =	vst v63  }
0xbc: {  	_ = 	snop  }
0xbd: {  	[tilespmem:s7], [sflag:$0x3] =	stream.indirect.gather [hbm4b:s1+s31], $0x80, s6, s31, $0xb8;
	[tilespmem:$0x1FC00] =	vst v63  }
0xbe: {  	_ =	swait.ge [sflag:s8], $0x1900  }
0xbf: {  	[sflag:s8] =	ssyncset.done $0x0  }
0xc0: {  	s19 =	simm.s32 $0x3400;
	[sflag:s8] =	ssyncadd.s32 $0xFFFFE700  }
0xc1: {  	[spmem:s2] =	stream.indirect.scatter.add.f32 [tilespmem:s28], [sflag:$0x5], $0x80, s19, s31, $0xb8;
	[tilespmem:$0x1FC00] =	vst v63  }
0xc2: {  	_ =	swait.ge [sflag:s29], $0x1900  }
0xc3: {  	[sflag:s29] =	ssyncset.done $0x0  }
0xc4: {  	s18 =	simm.s32 $0x180;
	[sflag:s29] =	ssyncadd.s32 $0xFFFFE700  }
0xc5: {  	[tilespmem:s28], [sflag:$0x1] =	stream.indirect.gather [hbm4b:s1+s31], $0x80, s18, s31, $0xb8;
	[tilespmem:$0x1FC00] =	vst v63  }
0xc6: {  	_ =	swait.ge [sflag:s9], $0x1900  }
0xc7: {  	[sflag:s9] =	ssyncset.done $0x0  }
0xc8: {  	s19 =	simm.s32 $0x3480;
	[sflag:s9] =	ssyncadd.s32 $0xFFFFE700  }
0xc9: {  	[spmem:s2] =	stream.indirect.scatter.add.f32 [tilespmem:s3], [sflag:$0x5], $0x80, s19, s31, $0xb8;
	[tilespmem:$0x1FC00] =	vst v63  }
0xca: {  	_ =	swait.ge [sflag:s29], $0x1900  }
0xcb: {  	[sflag:s29] =	ssyncset.done $0x0  }
0xcc: {  	s18 =	simm.s32 $0x200;
	[sflag:s29] =	ssyncadd.s32 $0xFFFFE700  }
0xcd: {  	[tilespmem:s3], [sflag:$0x2] =	stream.indirect.gather [hbm4b:s1+s31], $0x80, s18, s31, $0xb8;
	[tilespmem:$0x1FC00] =	vst v63  }
0xce: {  	_ =	swait.ge [sflag:s10], $0x1900  }
0xcf: {  	[sflag:s10] =	ssyncset.done $0x0  }
0xd0: {  	s19 =	simm.s32 $0x3500;
	[sflag:s10] =	ssyncadd.s32 $0xFFFFE700  }
0xd1: {  	[spmem:s2] =	stream.indirect.scatter.add.f32 [tilespmem:s7], [sflag:$0x5], $0x80, s19, s31, $0xb8;
	[tilespmem:$0x1FC00] =	vst v63  }
0xd2: {  	_ =	swait.ge [sflag:s29], $0x1900  }
0xd3: {  	[sflag:s29] =	ssyncset.done $0x0  }
0xd4: {  	s17 =	simm.s32 $0x600;
	s18 =	simm.s32 $0x280;
	[sflag:s29] =	ssyncadd.s32 $0xFFFFE700  }
.LBB2_6:
0xd5: {  	[tilespmem:s7], [sflag:$0x3] =	stream.indirect.gather [hbm4b:s1+s31], $0x80, s18, s31, $0xb8;
	[tilespmem:$0x1FC00] =	vst v63  }
0xd6: {  	s18 =	smov.u32 s17  }
0xd7: {  	p0 =	sne.s32 s17, $0xBA00;
	s17 =	sadd.s32 $0x600, s17;
	_ =	swait.ge [sflag:s8], $0x1900  }
0xd8: {  	s18 =	sshra.s32 s18, $0x2;
	[sflag:s8] =	ssyncset.done $0x0  }
0xd9: {  	s19 =	sadd.s32 $0x3400, s18;
	[sflag:s8] =	ssyncadd.s32 $0xFFFFE700  }
0xda: {  	[spmem:s2] =	stream.indirect.scatter.add.f32 [tilespmem:s28], [sflag:$0x5], $0x80, s19, s31, $0xb8;
	[tilespmem:$0x1FC00] =	vst v63  }
0xdb: {  	_ =	swait.ge [sflag:s29], $0x1900  }
0xdc: {  	[sflag:s29] =	ssyncset.done $0x0  }
0xdd: {  	s19 =	sadd.s32 $0x180, s18;
	[sflag:s29] =	ssyncadd.s32 $0xFFFFE700  }
0xde: {  	[tilespmem:s28], [sflag:$0x1] =	stream.indirect.gather [hbm4b:s1+s31], $0x80, s19, s31, $0xb8;
	[tilespmem:$0x1FC00] =	vst v63  }
0xdf: {  	_ =	swait.ge [sflag:s9], $0x1900  }
0xe0: {  	[sflag:s9] =	ssyncset.done $0x0  }
0xe1: {  	s19 =	sadd.s32 $0x3480, s18;
	[sflag:s9] =	ssyncadd.s32 $0xFFFFE700  }
0xe2: {  	[spmem:s2] =	stream.indirect.scatter.add.f32 [tilespmem:s3], [sflag:$0x5], $0x80, s19, s31, $0xb8;
	[tilespmem:$0x1FC00] =	vst v63  }
0xe3: {  	_ =	swait.ge [sflag:s29], $0x1900  }
0xe4: {  	[sflag:s29] =	ssyncset.done $0x0  }
0xe5: {  	s19 =	sadd.s32 $0x200, s18;
	[sflag:s29] =	ssyncadd.s32 $0xFFFFE700  }
0xe6: {  	[tilespmem:s3], [sflag:$0x2] =	stream.indirect.gather [hbm4b:s1+s31], $0x80, s19, s31, $0xb8;
	[tilespmem:$0x1FC00] =	vst v63  }
0xe7: {  	_ =	swait.ge [sflag:s10], $0x1900  }
0xe8: {  	[sflag:s10] =	ssyncset.done $0x0  }
.Ltmp2:
0xe9: {  	s19 =	sadd.s32 $0x3500, s18;
	[sflag:s10] =	ssyncadd.s32 $0xFFFFE700;
	(pc) =	sbr.rel @p0 .LBB2_6-.Ltmp2, $4  }
0xea: {  	[spmem:s2] =	stream.indirect.scatter.add.f32 [tilespmem:s7], [sflag:$0x5], $0x80, s19, s31, $0xb8;
	[tilespmem:$0x1FC00] =	vst v63  }
0xeb: {  	_ =	swait.ge [sflag:s29], $0x1900  }
0xec: {  	[sflag:s29] =	ssyncset.done $0x0  }
0xed: {  	s18 =	sadd.s32 $0x280, s18;
	[sflag:s29] =	ssyncadd.s32 $0xFFFFE700  }
0xee: {  	[tilespmem:s7], [sflag:$0x3] =	stream.indirect.gather [hbm4b:s1+s31], $0x80, s18, s31, $0xb8;
	[tilespmem:$0x1FC00] =	vst v63  }
0xef: {  	_ =	swait.ge [sflag:s8], $0x1900  }
0xf0: {  	[sflag:s8] =	ssyncset.done $0x0  }
0xf1: {  	[sflag:s8] =	ssyncadd.s32 $0xFFFFE700  }
0xf2: {  	[spmem:s2] =	stream.indirect.scatter.add.f32 [tilespmem:s28], [sflag:$0x5], $0x80, s11, s31, $0xb8;
	[tilespmem:$0x1FC00] =	vst v63  }
0xf3: {  	_ =	swait.ge [sflag:s29], $0x1900  }
0xf4: {  	[sflag:s29] =	ssyncset.done $0x0  }
0xf5: {  	[sflag:s29] =	ssyncadd.s32 $0xFFFFE700  }
0xf6: {  	[tilespmem:s28], [sflag:$0x1] =	stream.indirect.gather [hbm4b:s1+s31], $0x80, s12, s31, $0xb8;
	[tilespmem:$0x1FC00] =	vst v63  }
0xf7: {  	_ =	swait.ge [sflag:s9], $0x1900  }
0xf8: {  	[sflag:s9] =	ssyncset.done $0x0  }
0xf9: {  	[sflag:s9] =	ssyncadd.s32 $0xFFFFE700  }
0xfa: {  	[spmem:s2] =	stream.indirect.scatter.add.f32 [tilespmem:s3], [sflag:$0x5], $0x80, s13, s31, $0xb8;
	[tilespmem:$0x1FC00] =	vst v63  }
0xfb: {  	_ =	swait.ge [sflag:s29], $0x1900  }
0xfc: {  	[sflag:s29] =	ssyncset.done $0x0  }
0xfd: {  	[sflag:s29] =	ssyncadd.s32 $0xFFFFE700  }
0xfe: {  	_ =	swait.ge [sflag:s10], $0x1900  }
0xff: {  	[sflag:s10] =	ssyncset.done $0x0  }
0x100: {  	[sflag:s10] =	ssyncadd.s32 $0xFFFFE700  }
0x101: {  	[spmem:s2] =	stream.indirect.scatter.add.f32 [tilespmem:s7], [sflag:$0x5], $0x80, s14, s31, $0xb8;
	[tilespmem:$0x1FC00] =	vst v63  }
0x102: {  	_ =	swait.ge [sflag:s29], $0x1900  }
0x103: {  	[sflag:s29] =	ssyncset.done $0x0  }
0x104: {  	[sflag:s29] =	ssyncadd.s32 $0xFFFFE700  }
0x105: {  	_ =	swait.ge [sflag:s8], $0x1900  }
0x106: {  	[sflag:s8] =	ssyncset.done $0x0  }
0x107: {  	[sflag:s8] =	ssyncadd.s32 $0xFFFFE700  }
0x108: {  	[spmem:s2] =	stream.indirect.scatter.add.f32 [tilespmem:s28], [sflag:$0x5], $0x80, s15, s31, $0xb8;
	[tilespmem:$0x1FC00] =	vst v63  }
0x109: {  	_ =	swait.ge [sflag:s29], $0x1900  }
0x10a: {  	[sflag:s29] =	ssyncset.done $0x0  }
0x10b: {  	s17 =	stileid.u32;
	[sflag:s29] =	ssyncadd.s32 $0xFFFFE700  }
0x10c: {  	s17 =	sshll.u32 s17, $0x6;
	[bflag:$0x0] =	sbarrier.arrive $0xFFFF  }
0x10d: {  	s18 =	sshrl.u32 s5, $0x3;
	s17 =	sor.u32 $0x1C04, s17;
	s19 =	rddreg [dreg:$0xd]  }
0x10e: {  	[hbm:s19], [sflag:s17] =	dma.local [spmem:s18], $0x800  }
0x10f: {  	s18 =	rddreg [dreg:$0xe]  }
0x110: {  	[hbm:s18], [sflag:s17] =	dma.local [spmem:s22], $0x800  }
0x111: {  	s18 =	rddreg [dreg:$0xf]  }
0x112: {  	[hbm:s18], [sflag:s17] =	dma.local [spmem:s23], $0x800  }
0x113: {  	s18 =	rddreg [dreg:$0x10]  }
0x114: {  	[hbm:s18], [sflag:s17] =	dma.local [spmem:s24], $0x800  }
0x115: {  	s18 =	rddreg [dreg:$0x11]  }
0x116: {  	[hbm:s18], [sflag:s17] =	dma.local [spmem:s25], $0x800  }
0x117: {  	_ =	swait.ge [sflag:s16], $0x800  }
0x118: {  	[sflag:s16] =	ssyncset.done $0x0  }
0x119: {  	[sflag:s16] =	ssyncadd.s32 $0xFFFFF800  }
0x11a: {  	_ =	swait.ge [sflag:s16], $0x800  }
0x11b: {  	[sflag:s16] =	ssyncset.done $0x0  }
0x11c: {  	[sflag:s16] =	ssyncadd.s32 $0xFFFFF800  }
0x11d: {  	_ =	swait.ge [sflag:s16], $0x800  }
0x11e: {  	[sflag:s16] =	ssyncset.done $0x0  }
0x11f: {  	s4 =	sadd.s32 $0x1, s4;
	[sflag:s16] =	ssyncadd.s32 $0xFFFFF800  }
0x120: {  	p0 =	sne.s32 s4, s21;
	_ =	swait.ge [sflag:s16], $0x800  }
.Ltmp3:
0x121: {  	[sflag:s16] =	ssyncset.done $0x0;
	(pc) =	sbr.rel @p0 .LBB2_1-.Ltmp3, $4  }
0x122: {  	[sflag:s16] =	ssyncadd.s32 $0xFFFFF800  }
0x123: {  	_ =	swait.ge [sflag:s16], $0x800  }
0x124: {  	[sflag:s16] =	ssyncset.done $0x0  }
0x125: {  	[sflag:s16] =	ssyncadd.s32 $0xFFFFF800  }
0x126: {  	_ =	sfence.sel $0x180000  }
0x127: {  	[bflag:$0x0] =	sbarrier.arrive $0xFFFF  }
0x128: {  	_ =	strace $0x9000004D  }
0x129: {  	s0 =	stileid.u32;
	[bflag:$0x2] =	sbarrier.arrive $0xFFFF  }
0x12a: {  	p0 =	sne.s32 s0, $0x0;
	s0 =	rddreg [dreg:$0x3]  }
0x12b: {  	s0 =	sadd.s32 @!p0 $0x100000, s0  }
0x12c: {  	[sflag:s0] =	ssyncadd.tile.s32 @!p0 $0x1;
	_ =	shalt  }
.Lfunc_end2:
_tile_overlayer_lowered:
.L_overlay_start_2:
0x12d: {  	(tag) =	ssettag $0x2  }
0x12e: {  	s0 =	rddreg [dreg:$0x0];
	s2 =	stileid.u32  }
0x12f: {  	s1 =	rddreg [dreg:$0x1];
	p0 =	sne.s32 s2, $0x0  }
0x130: {  	s3 =	rddreg [dreg:$0x2];
	[bflag:$0x3] =	sbarrier.arrive $0xFFFF;
	s2 =	simm.s32 @!p0 $0x1C05  }
0x131: {  	[timem:s3], [sflag:s2] =	dma.local @!p0 [hbm:s0], s1  }
0x132: {  	s0 =	simm.s32 @!p0 $0x5  }
0x133: {  	_ =	swait.ge @!p0 [sflag:s0], s1  }
0x134: {  	s1 =	ssub.s32 @!p0 $0x0, s1;
	[sflag:s0] =	ssyncset.done @!p0 $0x0  }
0x135: {  	[sflag:s0] =	ssyncadd.s32 @!p0 s1  }
0x136: {  	[bflag:$0x3] =	sbarrier.arrive $0xFFFF  }
0x137: {  	_ =	shalt  }

// kernel: _impl.8.cloned.1.call-start
scs
__scs_entry_jumppad:
0x0: {  	(pc) =	sbr.rel $0x88, $3  }
0x1: {  	(tag) =	ssettag $0x0;
	lr =	simm.s32 $0x1  }
0x2: {  	[smem:$0x3F9B] =	sst lr;
	_ =	strace $0xD0000000  }
0x3: {  	_ = 	snop  }
0x4: {  	_ = 	snop  }
0x5: {  	_ = 	snop  }
0x6: {  	_ = 	snop  }
0x7: {  	_ = 	snop  }
__scs_overlays_trampoline_lowered:
0x8: {  	[smem:$0x3FAA] =	sst s0  }
0x9: {  	[smem:$0x3FAB] =	sst s1  }
0xa: {  	[smem:$0x3FAC] =	sst s2  }
0xb: {  	[smem:$0x3FAD] =	sst s3  }
0xc: {  	[smem:$0x3FAE] =	sst s4  }
0xd: {  	[smem:$0x3FAF] =	sst s5  }
0xe: {  	[smem:$0x3FB0] =	sst s6  }
0xf: {  	[smem:$0x3FB1] =	sst s7  }
0x10: {  	[smem:$0x3FB2] =	sst s8  }
0x11: {  	[smem:$0x3FB3] =	sst s9;
	s0 =	simm.s32 @!p0 $0x0  }
0x12: {  	s1 =	sld [smem:$0x3F99];
	s0 =	simm.s32 @p0 $0x1  }
0x13: {  	[smem:$0x3FB4] =	sst s0;
	s0 =	simm.s32 @!p1 $0x0  }
0x14: {  	s2 =	sld [smem:$0x3F98];
	s0 =	simm.s32 @p1 $0x1  }
0x15: {  	[smem:$0x3FB5] =	sst s0;
	s0 =	simm.s32 @!p2 $0x0  }
0x16: {  	s3 =	sld [smem:$0x3FDB];
	s0 =	simm.s32 @p2 $0x1  }
0x17: {  	s4 =	simm.s32 $0x1BF5;
	[smem:$0x3FB7] =	sst s0  }
0x18: {  	s0 =	sld [smem:$0x3F9A];
	_ =	swait.ge [sflag:s4], $0x0  }
0x19: {  	s7 =	sld [smem:$0x3F9B]  }
0x1a: {  	s8 =	sadd.s32 $0xFFFFE003, lr  }
0x1b: {  	s9 =	sadd.s32 $0xFFFFFEF7, lr;
	s5 =	simm.s32 $0xFFFFFFFF;
	p2 =	slt.u32 s8, $0xFFFFF086  }
0x1c: {  	p1 =	slt.u32 s9, $0xF7A;
	s5 =	simm.s32 @!p2 $0x0  }
0x1d: {  	s5 =	simm.s32 @p1 $0x1;
	p0 =	seq.s32 s7, s2  }
0x1e: {  	s7 =	smul.u32 @!p0 $0xF7A, s2;
	p2 =	seq.s32 @!p0 s5, $0x0  }
0x1f: {  	s9 =	smul.u32 $0xF7A, s1;
	s8 =	simm.s32 @!p0 $0x1BF5;
	p2 =	por !p2, p0  }
0x20: {  	[sflag:s8] =	ssyncset.s32 @!p0 $0xFFFFF086;
	s6 =	sadd.s32 @!p0 s3, s7;
	s7 =	simm.s32 @!p0 $0x108  }
0x21: {  	s3 =	sadd.s32 s3, s9;
	s6 =	sadd.s32 @!p0 $0x88, s6;
	s7 =	simm.s32 @p2 $0x1082  }
0x22: {  	[simem:s7], [sflag:s8] =	dma.local @!p0 [hbm:s6], $0xF7A  }
0x23: {  	s9 =	sor.u32 $0xD0000000, s2;
	s6 =	simm.s32 $0x108;
	_ =	swait.ge @!p0 [sflag:s8], $0x0  }
0x24: {  	s3 =	sadd.s32 $0x88, s3;
	s6 =	simm.s32 @!p1 $0x1082;
	[sflag:s4] =	ssyncset.s32 $0xFFFFF086  }
0x25: {  	[simem:s6], [sflag:s4] =	dma.local [hbm:s3], $0xF7A  }
0x26: {  	[smem:$0x3F9B] =	sst s1;
	(tag) =	ssettag s2;
	_ =	strace s9  }
0x27: {  	s1 =	sld [smem:$0x3FAB]  }
0x28: {  	s2 =	sld [smem:$0x3FAC]  }
0x29: {  	s4 =	sld [smem:$0x3FAE]  }
0x2a: {  	p0 =	seq.s32 s5, $0x0;
	s5 =	sld [smem:$0x3FAF]  }
0x2b: {  	s6 =	sld [smem:$0x3FB0]  }
0x2c: {  	s7 =	sld [smem:$0x3FB1]  }
0x2d: {  	s3 =	simm.s32 $0x108;
	s8 =	sld [smem:$0x3FB2]  }
0x2e: {  	s3 =	simm.s32 @!p0 $0x1082;
	s9 =	sld [smem:$0x3FB3]  }
0x2f: {  	lr =	sadd.s32 s0, s3;
	s0 =	sld [smem:$0x3FAA]  }
0x30: {  	s3 =	sld [smem:$0x3FAD]  }
0x31: {  	[smem:$0x3FB6] =	sst s10  }
0x32: {  	s10 =	sld [smem:$0x3FB4];
	_ =	sdelay $0x3  }
0x33: {  	p0 =	seq.s32 s10, $0x1;
	s10 =	sld [smem:$0x3FB6];
	_ =	sdelay $0x3  }
0x34: {  	[smem:$0x3FB6] =	sst s10  }
0x35: {  	s10 =	sld [smem:$0x3FB5];
	_ =	sdelay $0x3  }
0x36: {  	p1 =	seq.s32 s10, $0x1;
	s10 =	sld [smem:$0x3FB6];
	_ =	sdelay $0x3  }
0x37: {  	[smem:$0x3FB6] =	sst s10  }
0x38: {  	s10 =	sld [smem:$0x3FB7]  }
0x39: {  	_ = 	snop;
	(pc) =	sbr.ind lr, $3  }
0x3a: {  	_ = 	snop  }
0x3b: {  	_ = 	snop  }
0x3c: {  	p2 =	seq.s32 s10, $0x1;
	s10 =	sld [smem:$0x3FB6]  }
0x3d: {  	_ =	shalt  }
0x3e: {  	_ =	shalt  }
0x3f: {  	_ =	shalt  }
0x40: {  	_ =	shalt  }
0x41: {  	_ =	shalt  }
0x42: {  	_ =	shalt  }
0x43: {  	_ =	shalt  }
0x44: {  	_ =	shalt  }
0x45: {  	_ =	shalt  }
0x46: {  	_ =	shalt  }
0x47: {  	_ =	shalt  }
0x48: {  	_ =	shalt  }
0x49: {  	_ =	shalt  }
0x4a: {  	_ =	shalt  }
0x4b: {  	_ =	shalt  }
0x4c: {  	_ =	shalt  }
0x4d: {  	_ =	shalt  }
0x4e: {  	_ =	shalt  }
0x4f: {  	_ =	shalt  }
0x50: {  	_ =	shalt  }
0x51: {  	_ =	shalt  }
0x52: {  	_ =	shalt  }
0x53: {  	_ =	shalt  }
0x54: {  	_ =	shalt  }
0x55: {  	_ =	shalt  }
0x56: {  	_ =	shalt  }
0x57: {  	_ =	shalt  }
0x58: {  	_ =	shalt  }
0x59: {  	_ =	shalt  }
0x5a: {  	_ =	shalt  }
0x5b: {  	_ =	shalt  }
0x5c: {  	_ =	shalt  }
0x5d: {  	_ =	shalt  }
0x5e: {  	_ =	shalt  }
0x5f: {  	_ =	shalt  }
0x60: {  	_ =	shalt  }
0x61: {  	_ =	shalt  }
0x62: {  	_ =	shalt  }
0x63: {  	_ =	shalt  }
0x64: {  	_ =	shalt  }
0x65: {  	_ =	shalt  }
0x66: {  	_ =	shalt  }
0x67: {  	_ =	shalt  }
0x68: {  	_ =	shalt  }
0x69: {  	_ =	shalt  }
0x6a: {  	_ =	shalt  }
0x6b: {  	_ =	shalt  }
0x6c: {  	_ =	shalt  }
0x6d: {  	_ =	shalt  }
0x6e: {  	_ =	shalt  }
0x6f: {  	_ =	shalt  }
0x70: {  	_ =	shalt  }
0x71: {  	_ =	shalt  }
0x72: {  	_ =	shalt  }
0x73: {  	_ =	shalt  }
0x74: {  	_ =	shalt  }
0x75: {  	_ =	shalt  }
0x76: {  	_ =	shalt  }
0x77: {  	_ =	shalt  }
0x78: {  	_ =	shalt  }
0x79: {  	_ =	shalt  }
0x7a: {  	_ =	shalt  }
0x7b: {  	_ =	shalt  }
0x7c: {  	_ =	shalt  }
0x7d: {  	_ =	shalt  }
0x7e: {  	_ =	shalt  }
0x7f: {  	_ =	shalt  }
0x80: {  	_ =	shalt  }
0x81: {  	_ =	shalt  }
0x82: {  	_ =	shalt  }
0x83: {  	_ =	shalt  }
0x84: {  	_ =	shalt  }
0x85: {  	_ =	shalt  }
0x86: {  	_ =	shalt  }
0x87: {  	_ =	shalt  }
.Lfunc_end0:
.L_simem_size_0:
called_computation_lowered:
.L_overlay_start_0:
0x88: {  	s2 =	sld [smem:$0x3FD9]  }
0x89: {  	s3 =	sld [smem:$0x3FFE];
	_ =	sdelay $0x1  }
0x8a: {  	s1 =	srdreg.scid  }
0x8b: {  	s0 =	sand.u32 $0x1, s1  }
0x8c: {  	s17 =	sshll.u32 s0, $0xA;
	s2 =	sadd.s32 s3, s2  }
0x8d: {  	s2 =	sadd.s32 s2, s17  }
0x8e: {  	[smem:$0x3FC2] =	sst s2  }
0x8f: {  	_ = 	snop  }
0x90: {  	s2 =	sld [smem:$0x3FD0];
	(tm) =	ssettm $0x1  }
0x91: {  	s18 =	sld [smem:$0x3FFB];
	_ =	sdelay $0x3  }
0x92: {  	_ =	strace s18  }
0x93: {  	s3 =	sld [smem:$0x3FFC];
	_ =	sdelay $0x3  }
0x94: {  	_ =	strace s3  }
0x95: {  	s3 =	sld [smem:$0x3FFD];
	_ =	sdelay $0x3  }
0x96: {  	_ =	strace s3  }
0x97: {  	_ =	strace $0x8FFFFFFF  }
0x98: {  	s19 =	sld [smem:$0x3FDB];
	_ =	sdelay $0x1  }
0x99: {  	s4 =	simm.s32 $_scs_section_size  }
0x9a: {  	s5 =	simm.s32 $_size__tile_overlayer_lowered;
	s6 =	simm.s32 $_tile_overlayer_lowered  }
0x9b: {  	s22 =	simm.s32 $0x1BFF;
	s21 =	sshll.u32 s6, $0x1;
	s3 =	sadd.s32 s4, s19  }
0x9c: {  	s7 =	simm.s32 $0x0;
	s20 =	sshll.u32 s5, $0x1;
	s5 =	sadd.s32 s21, s3  }
0x9d: {  	[timem:s7], [sflag:s22] =	dma.local [hbm:s5], s20  }
0x9e: {  	_ =	swait.ge [sflag:s22], s20  }
0x9f: {  	s4 =	ssub.s32 $0x0, s20;
	[sflag:s22] =	ssyncset.done $0x0  }
0xa0: {  	[sflag:s22] =	ssyncadd.s32 s4;
	_ =	sdelay $0x1  }
0xa1: {  	s23 =	simm.s32 $0x1B8B  }
0xa2: {  	_ =	swait.ge [sflag:s23], $0x1  }
0xa3: {  	[sflag:s23] =	ssyncset.done $0x0  }
0xa4: {  	s25 =	simm.s32 $0x1B8E;
	s24 =	sld [smem:$0x3FFE];
	[sflag:s23] =	ssyncadd.s32 $0xFFFFFFFF  }
0xa5: {  	s26 =	simm.s32 $execute0_lowered;
	[smem:$0x3FD2] =	sst s25  }
0xa6: {  	s5 =	sshll.u32 s26, $0x1;
	_ =	strace $0x80000046;
	[dreg:$0x1] =	wrdreg $0xFFFFFFFF  }
0xa7: {  	s28 =	simm.s32 $_size_execute0_lowered;
	s3 =	sadd.s32 s3, s5;
	[dreg:$0x0] =	wrdreg $0x0  }
0xa8: {  	s5 =	sshll.u32 s28, $0x1;
	[dreg:$0x2] =	wrdreg s3  }
0xa9: {  	[dreg:$0x3] =	wrdreg s5  }
0xaa: {  	[dreg:$0x4] =	wrdreg $0xC0  }
0xab: {  	_ =	task [dreg:s7], $0x5FFFF  }
0xac: {  	[dreg:$0x1] =	wrdreg $0xFFFFFFFF  }
0xad: {  	[dreg:$0x0] =	wrdreg $0x60  }
0xae: {  	[dreg:$0x2] =	wrdreg s24  }
0xaf: {  	[dreg:$0x3] =	wrdreg s2  }
0xb0: {  	[dreg:$0x4] =	wrdreg $0x37000  }
0xb1: {  	[dreg:$0x5] =	wrdreg $0x9  }
0xb2: {  	_ =	task.clear_ibuf [dreg:s7], $0x6FFFF;
	_ =	strace $0x90000046  }
0xb3: {  	s29 =	simm.s32 $0x9;
	_ =	strace $0x80000048  }
0xb4: {  	_ =	swait.ge [sflag:s29], $0x1  }
0xb5: {  	[sflag:s29] =	ssyncadd.s32 $0xFFFFFFFF  }
0xb6: {  	_ =	strace $0x90000048  }
0xb7: {  	_ =	sfence  }
0xb8: {  	s30 =	sld [smem:$0x0];
	_ =	sdelay $0x2  }
0xb9: {  	s31 =	sshll.u32 s1, $0xD;
	s1 =	sshrl.u32 s1, $0x2  }
0xba: {  	s3 =	sand.u32 $0x4000, s31;
	s1 =	sadd.s32 s1, s30  }
0xbb: {  	s0 =	sor.u32 s3, s0;
	s1 =	sshll.u32 s1, $0x11  }
0xbc: {  	s0 =	sor.u32 s1, s0  }
0xbd: {  	s0 =	sadd.s32 $0x8F2B, s0  }
0xbe: {  	[sflag:s0] =	ssyncadd.remote.s32 $0x1  }
0xbf: {  	_ =	sfence.sel $0xFFFF  }
0xc0: {  	[dreg:$0x0] =	wrdreg $0xFFFFFFFF;
	(pc) =	sbr.abs _section_cstart, $3  }
0xc1: {  	[dreg:$0x1] =	wrdreg $0xFFFFFFFF  }
0xc2: {  	_ =	task.clear_ibuf [dreg:s7], $0x2FFFF;
	_ =	strace $0x9FFFFFFF  }
0xc3: {  	(tm) =	ssettm $0x7FFFFFFF  }
tec
execute0_lowered:
.L_overlay_start_1:
0x0: {  	(tag) =	ssettag $0x1  }
0x1: {  	s4 =	rddreg [dreg:$0x0]  }
0x2: {  	s7 =	rddreg [dreg:$0x1];
	s0 =	srdreg.scid  }
0x3: {  	s2 =	rddreg [dreg:$0x2];
	s1 =	stileid.u32;
	s3 =	simm.s32 $0x0  }
0x4: {  	s13 =	simm.s32 $0x1;
	s16 =	simm.s32 $0x0;
	s5 =	sand.u32 $0x1, s0  }
0x5: {  	s0 =	rddreg [dreg:$0x3];
	s6 =	sshll.u32 s1, $0x2;
	s9 =	smul.u32 $0x280, s1  }
0x6: {  	[smem:$0x7FF] =	sst s3;
	s12 =	sadd.s32 $0x1C00, s4;
	s14 =	sshll.u32 s1, $0x6  }
0x7: {  	s8 =	sshll.u32 s5, $0x1;
	s30 =	ssub.s32 $0x2, s5;
	_ =	strace $0x80000047  }
0x8: {  	s5 =	smul.u32 $0x2800, s5;
	s14 =	sor.u32 $0x1C02, s14;
	s6 =	sor.u32 s8, s6  }
0x9: {  	s11 =	sshrl.u32 s30, $0x1;
	s4 =	sadd.s32 s9, s2;
	s10 =	smul.u32 $0x3400, s6  }
0xa: {  	s8 =	ssub.s32 s30, s11;
	s6 =	smul.u32 $0x680, s6;
	s9 =	sadd.s32 s9, s5  }
0xb: {  	s11 =	simm.s32 $0x32;
	s15 =	sshrl.u32 s4, $0x3;
	s9 =	sshrl.u32 s9, $0x3  }
0xc: {  	s8 =	smax.u32 s8, $0x1;
	s10 =	sshrl.u32 s10, $0x3;
	s5 =	sadd.s32 s12, s6  }
0xd: {  	s7 =	sadd.s32 s7, s9;
	s9 =	simm.s32 $0x3480;
	s31 =	sadd.s32 s12, s10  }
0xe: {  	v0 =	vimm.f32 $1.000000000e+00;
	v1 =	vimm.f32 $0.0e+00;
	s10 =	simm.s32 $0x2;
	s12 =	simm.s32 $0x3400;
	s6 =	sadd.s32 $0x680, s31  }
.LBB2_1:
0xf: {  	[tilespmem:$0x3400] =	vst v0  }
0x10: {  	[tilespmem:$0x3410] =	vst v0  }
0x11: {  	[tilespmem:$0x3420] =	vst v0  }
0x12: {  	[tilespmem:$0x3430] =	vst v0  }
0x13: {  	[tilespmem:$0x3440] =	vst v0  }
0x14: {  	[tilespmem:$0x3450] =	vst v0  }
0x15: {  	[tilespmem:$0x3460] =	vst v0  }
0x16: {  	[tilespmem:$0x3470] =	vst v0  }
0x17: {  	[tilespmem:$0x3480] =	vst v1  }
0x18: {  	[tilespmem:$0x3490] =	vst v1  }
0x19: {  	[tilespmem:$0x34A0] =	vst v1  }
0x1a: {  	[tilespmem:$0x34B0] =	vst v1  }
0x1b: {  	[tilespmem:$0x34C0] =	vst v1  }
0x1c: {  	[tilespmem:$0x34D0] =	vst v1  }
0x1d: {  	[tilespmem:$0x34E0] =	vst v1  }
0x1e: {  	[tilespmem:$0x34F0] =	vst v1  }
0x1f: {  	[tilespmem:$0x3500] =	vst v1  }
0x20: {  	[tilespmem:$0x3510] =	vst v1  }
0x21: {  	[tilespmem:$0x3520] =	vst v1  }
0x22: {  	[tilespmem:$0x3530] =	vst v1  }
0x23: {  	[tilespmem:$0x3540] =	vst v1  }
0x24: {  	[tilespmem:$0x3550] =	vst v1  }
0x25: {  	[tilespmem:$0x3560] =	vst v1  }
0x26: {  	[tilespmem:$0x3570] =	vst v1  }
0x27: {  	[tilespmem:$0x3580] =	vst v1  }
0x28: {  	[tilespmem:$0x3590] =	vst v1  }
0x29: {  	[tilespmem:$0x35A0] =	vst v1  }
0x2a: {  	[tilespmem:$0x35B0] =	vst v1  }
0x2b: {  	[tilespmem:$0x35C0] =	vst v1  }
0x2c: {  	[tilespmem:$0x35D0] =	vst v1  }
0x2d: {  	[tilespmem:$0x35E0] =	vst v1  }
0x2e: {  	[tilespmem:$0x35F0] =	vst v1  }
0x2f: {  	[tilespmem:$0x3600] =	vst v1  }
0x30: {  	[tilespmem:$0x3610] =	vst v1  }
0x31: {  	[tilespmem:$0x3620] =	vst v1  }
0x32: {  	[tilespmem:$0x3630] =	vst v1  }
0x33: {  	[tilespmem:$0x3640] =	vst v1  }
0x34: {  	[tilespmem:$0x3650] =	vst v1  }
0x35: {  	[tilespmem:$0x3660] =	vst v1  }
0x36: {  	[tilespmem:$0x3670] =	vst v1  }
0x37: {  	[tilespmem:$0x3680] =	vst v1  }
0x38: {  	[tilespmem:$0x3690] =	vst v1  }
0x39: {  	[tilespmem:$0x36A0] =	vst v1  }
0x3a: {  	[tilespmem:$0x36B0] =	vst v1  }
0x3b: {  	[tilespmem:$0x36C0] =	vst v1  }
0x3c: {  	[tilespmem:$0x36D0] =	vst v1  }
0x3d: {  	[tilespmem:$0x36E0] =	vst v1  }
0x3e: {  	[tilespmem:$0x36F0] =	vst v1  }
0x3f: {  	[spmem:s4] =	stream.linear.scatter [tilespmem:s9], [sflag:$0x2], $0x280, $0x38;
	[tilespmem:$0x3980] =	vst v63  }
0x40: {  	_ =	swait.ge [sflag:s10], $0x280  }
0x41: {  	[sflag:s10] =	ssyncset.done $0x0  }
0x42: {  	[sflag:s10] =	ssyncadd.s32 $0xFFFFFD80  }
0x43: {  	[bflag:$0x0] =	sbarrier.arrive $0xFFFF  }
0x44: {  	[tilespmem:s3], [sflag:$0x2] =	stream.linear.gather [hbm4b:s5+s3], $0x3200, $0x38;
	[tilespmem:$0x3980] =	vst v63  }
0x45: {  	_ =	swait.ge [sflag:s10], $0x3200  }
0x46: {  	[sflag:s10] =	ssyncset.done $0x0  }
0x47: {  	s17 =	simm.s32 $0x0;
	[sflag:s10] =	ssyncadd.s32 $0xFFFFCE00  }
0x48: {  	[spmem:s2] =	stream.indirect.scatter.add.f32 [tilespmem:s12], [sflag:$0x1], $0x1, s17, s11, $0xb8;
	[tilespmem:$0x3980] =	vst v63  }
0x49: {  	s28 =	simm.s32 $0x80  }
0x4a: {  	[spmem:s2] =	stream.indirect.scatter.add.f32 [tilespmem:s12], [sflag:$0x1], $0x1, s28, s11, $0xb8;
	[tilespmem:$0x3980] =	vst v63  }
0x4b: {  	s29 =	simm.s32 $0x100  }
0x4c: {  	[spmem:s2] =	stream.indirect.scatter.add.f32 [tilespmem:s12], [sflag:$0x1], $0x1, s29, s11, $0xb8;
	[tilespmem:$0x3980] =	vst v63  }
0x4d: {  	s30 =	simm.s32 $0x180  }
0x4e: {  	[spmem:s2] =	stream.indirect.scatter.add.f32 [tilespmem:s12], [sflag:$0x1], $0x1, s30, s11, $0xb8;
	[tilespmem:$0x3980] =	vst v63  }
0x4f: {  	s31 =	simm.s32 $0x200  }
0x50: {  	[spmem:s2] =	stream.indirect.scatter.add.f32 [tilespmem:s12], [sflag:$0x1], $0x1, s31, s11, $0xb8;
	[tilespmem:$0x3980] =	vst v63  }
0x51: {  	_ =	swait.ge [sflag:s13], $0x32  }
0x52: {  	[sflag:s13] =	ssyncset.done $0x0  }
0x53: {  	[sflag:s13] =	ssyncadd.s32 $0xFFFFFFCE  }
0x54: {  	_ =	swait.ge [sflag:s13], $0x32  }
0x55: {  	[sflag:s13] =	ssyncset.done $0x0  }
0x56: {  	[sflag:s13] =	ssyncadd.s32 $0xFFFFFFCE  }
0x57: {  	_ =	swait.ge [sflag:s13], $0x32  }
0x58: {  	[sflag:s13] =	ssyncset.done $0x0  }
0x59: {  	[sflag:s13] =	ssyncadd.s32 $0xFFFFFFCE  }
0x5a: {  	_ =	swait.ge [sflag:s13], $0x32  }
0x5b: {  	[sflag:s13] =	ssyncset.done $0x0  }
0x5c: {  	[sflag:s13] =	ssyncadd.s32 $0xFFFFFFCE  }
0x5d: {  	_ =	swait.ge [sflag:s13], $0x32  }
0x5e: {  	s18 =	simm.s32 $0x1400;
	s17 =	simm.s32 $0xA00;
	[sflag:s13] =	ssyncset.done $0x0  }
.LBB2_2:
0x5f: {  	s19 =	sshra.s32 s17, $0x2  }
0x60: {  	[sflag:s13] =	ssyncadd.s32 $0xFFFFFFCE;
	s17 =	smov.u32 s18;
	s20 =	sadd.s32 $0xA00, s18  }
0x61: {  	[spmem:s2] =	stream.indirect.scatter.add.f32 [tilespmem:s12], [sflag:$0x1], $0x1, s19, s11, $0xb8;
	[tilespmem:$0x3980] =	vst v63  }
0x62: {  	p0 =	sne.s32 s18, $0xBE00;
	s18 =	sadd.s32 $0x80, s19  }
0x63: {  	[spmem:s2] =	stream.indirect.scatter.add.f32 [tilespmem:s12], [sflag:$0x1], $0x1, s18, s11, $0xb8;
	[tilespmem:$0x3980] =	vst v63  }
0x64: {  	s18 =	sadd.s32 $0x100, s19  }
0x65: {  	[spmem:s2] =	stream.indirect.scatter.add.f32 [tilespmem:s12], [sflag:$0x1], $0x1, s18, s11, $0xb8;
	[tilespmem:$0x3980] =	vst v63  }
0x66: {  	s18 =	sadd.s32 $0x180, s19  }
0x67: {  	[spmem:s2] =	stream.indirect.scatter.add.f32 [tilespmem:s12], [sflag:$0x1], $0x1, s18, s11, $0xb8;
	[tilespmem:$0x3980] =	vst v63  }
0x68: {  	s18 =	sadd.s32 $0x200, s19  }
0x69: {  	[spmem:s2] =	stream.indirect.scatter.add.f32 [tilespmem:s12], [sflag:$0x1], $0x1, s18, s11, $0xb8;
	[tilespmem:$0x3980] =	vst v63  }
0x6a: {  	_ =	swait.ge [sflag:s13], $0x32  }
0x6b: {  	[sflag:s13] =	ssyncset.done $0x0  }
0x6c: {  	[sflag:s13] =	ssyncadd.s32 $0xFFFFFFCE  }
0x6d: {  	_ =	swait.ge [sflag:s13], $0x32  }
0x6e: {  	[sflag:s13] =	ssyncset.done $0x0  }
0x6f: {  	[sflag:s13] =	ssyncadd.s32 $0xFFFFFFCE  }
0x70: {  	_ =	swait.ge [sflag:s13], $0x32  }
0x71: {  	[sflag:s13] =	ssyncset.done $0x0  }
0x72: {  	[sflag:s13] =	ssyncadd.s32 $0xFFFFFFCE  }
.Ltmp0:
0x73: {  	_ =	swait.ge [sflag:s13], $0x32;
	(pc) =	sbr.rel @p0 .LBB2_2-.Ltmp0, $4  }
0x74: {  	[sflag:s13] =	ssyncset.done $0x0  }
0x75: {  	[sflag:s13] =	ssyncadd.s32 $0xFFFFFFCE  }
0x76: {  	_ =	swait.ge [sflag:s13], $0x32  }
0x77: {  	s18 =	smov.u32 s20;
	[sflag:s13] =	ssyncset.done $0x0  }
0x78: {  	s17 =	sshra.s32 s17, $0x2;
	[sflag:s13] =	ssyncadd.s32 $0xFFFFFFCE  }
0x79: {  	[spmem:s2] =	stream.indirect.scatter.add.f32 [tilespmem:s12], [sflag:$0x1], $0x1, s17, s11, $0xb8;
	[tilespmem:$0x3980] =	vst v63  }
0x7a: {  	s18 =	sadd.s32 $0x80, s17  }
0x7b: {  	[spmem:s2] =	stream.indirect.scatter.add.f32 [tilespmem:s12], [sflag:$0x1], $0x1, s18, s11, $0xb8;
	[tilespmem:$0x3980] =	vst v63  }
0x7c: {  	s23 =	sadd.s32 $0x100, s17  }
0x7d: {  	[spmem:s2] =	stream.indirect.scatter.add.f32 [tilespmem:s12], [sflag:$0x1], $0x1, s23, s11, $0xb8;
	[tilespmem:$0x3980] =	vst v63  }
0x7e: {  	s24 =	sadd.s32 $0x180, s17  }
0x7f: {  	[spmem:s2] =	stream.indirect.scatter.add.f32 [tilespmem:s12], [sflag:$0x1], $0x1, s24, s11, $0xb8;
	[tilespmem:$0x3980] =	vst v63  }
0x80: {  	s17 =	sadd.s32 $0x200, s17  }
0x81: {  	[spmem:s2] =	stream.indirect.scatter.add.f32 [tilespmem:s12], [sflag:$0x1], $0x1, s17, s11, $0xb8;
	[tilespmem:$0x3980] =	vst v63  }
0x82: {  	_ =	swait.ge [sflag:s13], $0x32  }
0x83: {  	[sflag:s13] =	ssyncset.done $0x0  }
0x84: {  	[sflag:s13] =	ssyncadd.s32 $0xFFFFFFCE  }
0x85: {  	_ =	swait.ge [sflag:s13], $0x32  }
0x86: {  	[sflag:s13] =	ssyncset.done $0x0  }
0x87: {  	[sflag:s13] =	ssyncadd.s32 $0xFFFFFFCE  }
0x88: {  	_ =	swait.ge [sflag:s13], $0x32  }
0x89: {  	[sflag:s13] =	ssyncset.done $0x0  }
0x8a: {  	[sflag:s13] =	ssyncadd.s32 $0xFFFFFFCE  }
0x8b: {  	_ =	swait.ge [sflag:s13], $0x32  }
0x8c: {  	[sflag:s13] =	ssyncset.done $0x0  }
0x8d: {  	[sflag:s13] =	ssyncadd.s32 $0xFFFFFFCE  }
0x8e: {  	_ =	swait.ge [sflag:s13], $0x32  }
0x8f: {  	[sflag:s13] =	ssyncset.done $0x0  }
0x90: {  	s25 =	simm.s32 $0x0;
	[sflag:s13] =	ssyncadd.s32 $0xFFFFFFCE  }
0x91: {  	[tilespmem:s25], [sflag:$0x2] =	stream.linear.gather [hbm4b:s6+s25], $0x3200, $0x38;
	[tilespmem:$0x3980] =	vst v63  }
0x92: {  	_ =	swait.ge [sflag:s10], $0x3200  }
0x93: {  	[sflag:s10] =	ssyncset.done $0x0  }
0x94: {  	s26 =	simm.s32 $0x0;
	[sflag:s10] =	ssyncadd.s32 $0xFFFFCE00  }
0x95: {  	[spmem:s2] =	stream.indirect.scatter.add.f32 [tilespmem:s12], [sflag:$0x1], $0x1, s26, s11, $0xb8;
	[tilespmem:$0x3980] =	vst v63  }
0x96: {  	s28 =	simm.s32 $0x80  }
0x97: {  	[spmem:s2] =	stream.indirect.scatter.add.f32 [tilespmem:s12], [sflag:$0x1], $0x1, s28, s11, $0xb8;
	[tilespmem:$0x3980] =	vst v63  }
0x98: {  	s29 =	simm.s32 $0x100  }
0x99: {  	[spmem:s2] =	stream.indirect.scatter.add.f32 [tilespmem:s12], [sflag:$0x1], $0x1, s29, s11, $0xb8;
	[tilespmem:$0x3980] =	vst v63  }
0x9a: {  	s30 =	simm.s32 $0x180  }
0x9b: {  	[spmem:s2] =	stream.indirect.scatter.add.f32 [tilespmem:s12], [sflag:$0x1], $0x1, s30, s11, $0xb8;
	[tilespmem:$0x3980] =	vst v63  }
0x9c: {  	s31 =	simm.s32 $0x200  }
0x9d: {  	[spmem:s2] =	stream.indirect.scatter.add.f32 [tilespmem:s12], [sflag:$0x1], $0x1, s31, s11, $0xb8;
	[tilespmem:$0x3980] =	vst v63  }
0x9e: {  	_ =	swait.ge [sflag:s13], $0x32  }
0x9f: {  	[sflag:s13] =	ssyncset.done $0x0  }
0xa0: {  	[sflag:s13] =	ssyncadd.s32 $0xFFFFFFCE  }
0xa1: {  	_ =	swait.ge [sflag:s13], $0x32  }
0xa2: {  	[sflag:s13] =	ssyncset.done $0x0  }
0xa3: {  	[sflag:s13] =	ssyncadd.s32 $0xFFFFFFCE  }
0xa4: {  	_ =	swait.ge [sflag:s13], $0x32  }
0xa5: {  	[sflag:s13] =	ssyncset.done $0x0  }
0xa6: {  	[sflag:s13] =	ssyncadd.s32 $0xFFFFFFCE  }
0xa7: {  	_ =	swait.ge [sflag:s13], $0x32  }
0xa8: {  	[sflag:s13] =	ssyncset.done $0x0  }
0xa9: {  	[sflag:s13] =	ssyncadd.s32 $0xFFFFFFCE  }
0xaa: {  	_ =	swait.ge [sflag:s13], $0x32  }
0xab: {  	s18 =	simm.s32 $0x1400;
	s17 =	simm.s32 $0xA00;
	[sflag:s13] =	ssyncset.done $0x0  }
.LBB2_4:
0xac: {  	s19 =	sshra.s32 s17, $0x2  }
0xad: {  	[sflag:s13] =	ssyncadd.s32 $0xFFFFFFCE;
	s17 =	smov.u32 s18;
	s20 =	sadd.s32 $0xA00, s18  }
0xae: {  	[spmem:s2] =	stream.indirect.scatter.add.f32 [tilespmem:s12], [sflag:$0x1], $0x1, s19, s11, $0xb8;
	[tilespmem:$0x3980] =	vst v63  }
0xaf: {  	p0 =	sne.s32 s18, $0xBE00;
	s18 =	sadd.s32 $0x80, s19  }
0xb0: {  	[spmem:s2] =	stream.indirect.scatter.add.f32 [tilespmem:s12], [sflag:$0x1], $0x1, s18, s11, $0xb8;
	[tilespmem:$0x3980] =	vst v63  }
0xb1: {  	s18 =	sadd.s32 $0x100, s19  }
0xb2: {  	[spmem:s2] =	stream.indirect.scatter.add.f32 [tilespmem:s12], [sflag:$0x1], $0x1, s18, s11, $0xb8;
	[tilespmem:$0x3980] =	vst v63  }
0xb3: {  	s18 =	sadd.s32 $0x180, s19  }
0xb4: {  	[spmem:s2] =	stream.indirect.scatter.add.f32 [tilespmem:s12], [sflag:$0x1], $0x1, s18, s11, $0xb8;
	[tilespmem:$0x3980] =	vst v63  }
0xb5: {  	s18 =	sadd.s32 $0x200, s19  }
0xb6: {  	[spmem:s2] =	stream.indirect.scatter.add.f32 [tilespmem:s12], [sflag:$0x1], $0x1, s18, s11, $0xb8;
	[tilespmem:$0x3980] =	vst v63  }
0xb7: {  	_ =	swait.ge [sflag:s13], $0x32  }
0xb8: {  	[sflag:s13] =	ssyncset.done $0x0  }
0xb9: {  	[sflag:s13] =	ssyncadd.s32 $0xFFFFFFCE  }
0xba: {  	_ =	swait.ge [sflag:s13], $0x32  }
0xbb: {  	[sflag:s13] =	ssyncset.done $0x0  }
0xbc: {  	[sflag:s13] =	ssyncadd.s32 $0xFFFFFFCE  }
0xbd: {  	_ =	swait.ge [sflag:s13], $0x32  }
0xbe: {  	[sflag:s13] =	ssyncset.done $0x0  }
0xbf: {  	[sflag:s13] =	ssyncadd.s32 $0xFFFFFFCE  }
.Ltmp1:
0xc0: {  	_ =	swait.ge [sflag:s13], $0x32;
	(pc) =	sbr.rel @p0 .LBB2_4-.Ltmp1, $4  }
0xc1: {  	[sflag:s13] =	ssyncset.done $0x0  }
0xc2: {  	[sflag:s13] =	ssyncadd.s32 $0xFFFFFFCE  }
0xc3: {  	_ =	swait.ge [sflag:s13], $0x32  }
0xc4: {  	s18 =	smov.u32 s20;
	[sflag:s13] =	ssyncset.done $0x0  }
0xc5: {  	s17 =	sshra.s32 s17, $0x2;
	[sflag:s13] =	ssyncadd.s32 $0xFFFFFFCE  }
0xc6: {  	[spmem:s2] =	stream.indirect.scatter.add.f32 [tilespmem:s12], [sflag:$0x1], $0x1, s17, s11, $0xb8;
	[tilespmem:$0x3980] =	vst v63  }
0xc7: {  	s18 =	sadd.s32 $0x80, s17  }
0xc8: {  	[spmem:s2] =	stream.indirect.scatter.add.f32 [tilespmem:s12], [sflag:$0x1], $0x1, s18, s11, $0xb8;
	[tilespmem:$0x3980] =	vst v63  }
0xc9: {  	s30 =	sadd.s32 $0x100, s17  }
0xca: {  	[spmem:s2] =	stream.indirect.scatter.add.f32 [tilespmem:s12], [sflag:$0x1], $0x1, s30, s11, $0xb8;
	[tilespmem:$0x3980] =	vst v63  }
0xcb: {  	s31 =	sadd.s32 $0x180, s17  }
0xcc: {  	[spmem:s2] =	stream.indirect.scatter.add.f32 [tilespmem:s12], [sflag:$0x1], $0x1, s31, s11, $0xb8;
	[tilespmem:$0x3980] =	vst v63  }
0xcd: {  	s17 =	sadd.s32 $0x200, s17  }
0xce: {  	[spmem:s2] =	stream.indirect.scatter.add.f32 [tilespmem:s12], [sflag:$0x1], $0x1, s17, s11, $0xb8;
	[tilespmem:$0x3980] =	vst v63  }
0xcf: {  	_ =	swait.ge [sflag:s13], $0x32  }
0xd0: {  	[sflag:s13] =	ssyncset.done $0x0  }
0xd1: {  	[sflag:s13] =	ssyncadd.s32 $0xFFFFFFCE  }
0xd2: {  	_ =	swait.ge [sflag:s13], $0x32  }
0xd3: {  	[sflag:s13] =	ssyncset.done $0x0  }
0xd4: {  	[sflag:s13] =	ssyncadd.s32 $0xFFFFFFCE  }
0xd5: {  	_ =	swait.ge [sflag:s13], $0x32  }
0xd6: {  	[sflag:s13] =	ssyncset.done $0x0  }
0xd7: {  	[sflag:s13] =	ssyncadd.s32 $0xFFFFFFCE  }
0xd8: {  	_ =	swait.ge [sflag:s13], $0x32  }
0xd9: {  	[sflag:s13] =	ssyncset.done $0x0  }
0xda: {  	[sflag:s13] =	ssyncadd.s32 $0xFFFFFFCE  }
0xdb: {  	_ =	swait.ge [sflag:s13], $0x32  }
0xdc: {  	s16 =	sadd.s32 $0x1, s16;
	[sflag:s13] =	ssyncset.done $0x0  }
0xdd: {  	p0 =	sne.s32 s16, s8;
	[sflag:s13] =	ssyncadd.s32 $0xFFFFFFCE  }
.Ltmp2:
0xde: {  	[bflag:$0x0] =	sbarrier.arrive $0xFFFF;
	(pc) =	sbr.rel @p0 .LBB2_1-.Ltmp2, $4  }
0xdf: {  	[hbm:s7], [sflag:s14] =	dma.local [spmem:s15], $0x50  }
0xe0: {  	_ =	swait.ge [sflag:s10], $0x50  }
0xe1: {  	[sflag:s10] =	ssyncset.done $0x0  }
0xe2: {  	[sflag:s10] =	ssyncadd.s32 $0xFFFFFFB0  }
0xe3: {  	_ =	sfence.sel $0x180000  }
0xe4: {  	[bflag:$0x0] =	sbarrier.arrive $0xFFFF  }
0xe5: {  	p0 =	sne.s32 s1, $0x0;
	_ =	strace $0x90000047  }
0xe6: {  	s0 =	sadd.s32 @!p0 $0x100000, s0;
	[bflag:$0x2] =	sbarrier.arrive $0xFFFF  }
0xe7: {  	[sflag:s0] =	ssyncadd.tile.s32 @!p0 $0x1;
	_ =	shalt  }
.Lfunc_end2:
_tile_overlayer_lowered:
.L_overlay_start_2:
0xe8: {  	(tag) =	ssettag $0x2  }
0xe9: {  	s0 =	rddreg [dreg:$0x0];
	s2 =	stileid.u32  }
0xea: {  	s1 =	rddreg [dreg:$0x1];
	p0 =	sne.s32 s2, $0x0  }
0xeb: {  	s3 =	rddreg [dreg:$0x2];
	[bflag:$0x3] =	sbarrier.arrive $0xFFFF;
	s2 =	simm.s32 @!p0 $0x1C02  }
0xec: {  	[timem:s3], [sflag:s2] =	dma.local @!p0 [hbm:s0], s1  }
0xed: {  	s0 =	simm.s32 @!p0 $0x2  }
0xee: {  	_ =	swait.ge @!p0 [sflag:s0], s1  }
0xef: {  	s1 =	ssub.s32 @!p0 $0x0, s1;
	[sflag:s0] =	ssyncset.done @!p0 $0x0  }
0xf0: {  	[sflag:s0] =	ssyncadd.s32 @!p0 s1  }
0xf1: {  	[bflag:$0x3] =	sbarrier.arrive $0xFFFF  }
0xf2: {  	_ =	shalt  }

</sc_bundles>
